<compile_context>
chip_gen: v7x
topology: tpu7x:2x2x1
jax: 0.10.2.dev20260603
libtpu: 0.0.44.dev20260713+nightly
codegen_flags: <defaults>
</compile_context>

<pallas_src>
import jax
import jax.numpy as jnp
import numpy as np
from jax import lax
from jax.experimental import pallas as pl
from jax.experimental.pallas import tpu as pltpu
from jax.experimental.pallas import tpu_sc as plsc

NUM_USERS = 100000
NUM_ITEMS = 1000000
K = 16
H = 20
B = 4096

NC = 2
NS = 16
NW = NC * NS
CH = B // NW
E = CH * H



_CK = 16384
_CS = _CK // 8
_SB = _CS.bit_length() - 1


def _detile_body(xt_ref, p_ref, out_ref):
  x = xt_ref[...]
  p = p_ref[...]
  acc = jax.lax.dot_general(
      x[:, 0:_CS], p[:, 0:128],
      (((0,), (0,)), ((), ())), preferred_element_type=jnp.float32)
  for s in range(1, 8):
    acc += jax.lax.dot_general(
        x[:, s * _CS:(s + 1) * _CS], p[:, s * 128:(s + 1) * 128],
        (((0,), (0,)), ((), ())), preferred_element_type=jnp.float32)
  out_ref[...] = acc


def _detile(xt, n, p):
  grid = (n + _CK - 1) // _CK
  return pl.pallas_call(
      _detile_body,
      grid=(grid,),
      in_specs=[pl.BlockSpec((K, _CK), lambda i: (0, i)),
                pl.BlockSpec((K, 1024), lambda i: (0, 0))],
      out_specs=pl.BlockSpec((_CS, 128), lambda i: (i, 0)),
      out_shape=jax.ShapeDtypeStruct((grid * _CS, 128), jnp.float32),
      compiler_params=pltpu.CompilerParams(fuse_transposed_lhs_in_matmul=True),
  )(xt, p)


def _selector():
  p = np.zeros((K, 1024), np.float32)
  for s in range(8):
    for c in range(K):
      p[c, s * 128 + s * 16 + c] = 1.0
  return jnp.asarray(p)



def _sc_body(users_h, items_h, uiflat_h, gu_t, gi_t,
             gu_o, gih_o, gmi_o,
             users_v, items_v, uif, histids, guv, gmiv, ghv,
             sem_u, sem_g, sem_m, sem_h, sem_s):
  wid = lax.axis_index("s") * NC + lax.axis_index("c")
  base = wid * CH

  pltpu.sync_copy(users_h.at[pl.ds(base, CH)], users_v)
  pltpu.sync_copy(items_h.at[pl.ds(base, CH)], items_v)

  def jblk(j, c0):
    def tblk(t, c1):
      u16 = users_v[pl.ds(t * 16, 16)]
      uif[pl.ds(j * CH + t * 16, 16)] = u16 * H + j
      return c1
    return lax.fori_loop(0, CH // 16, tblk, c0, unroll=True)
  lax.fori_loop(0, H, jblk, 0)

  def remap(buf, nwords):
    def tblk(t, c1):
      sl = pl.ds(t * 16, 16)
      v = buf[sl]
      buf[sl] = (jnp.bitwise_and(v, -_CK)
                 + lax.shift_left(jnp.bitwise_and(v, _CS - 1), 3)
                 + jnp.bitwise_and(lax.shift_right_logical(v, _SB), 7))
      return c1
    lax.fori_loop(0, nwords // 16, tblk, 0, unroll=True)

  remap(users_v, CH)
  remap(items_v, CH)
  gu_cp = pltpu.async_copy(gu_t.at[users_v], guv, sem_g)
  gmi_cp = pltpu.async_copy(gi_t.at[items_v], gmiv, sem_m)

  pltpu.async_copy(uiflat_h.at[1].at[uif], histids, sem_u).wait()
  remap(histids, E)
  gh_cp = pltpu.async_copy(gi_t.at[histids], ghv, sem_h)

  gu_cp.wait()
  st1 = pltpu.async_copy(guv, gu_o.at[pl.ds(base, CH)], sem_s)
  gmi_cp.wait()
  st2 = pltpu.async_copy(gmiv, gmi_o.at[pl.ds(base, CH)], sem_s)
  gh_cp.wait()
  st3 = pltpu.async_copy(ghv, gih_o.at[pl.ds(wid * E, E)], sem_s)
  st1.wait()
  st2.wait()
  st3.wait()


NUP = ((NUM_USERS + _CK - 1) // _CK) * _CK
NIP = ((NUM_ITEMS + _CK - 1) // _CK) * _CK


def _sc_gather(users, items, gu_rm, gi_rm, uiflat):
  mesh = plsc.VectorSubcoreMesh(core_axis_name="c", subcore_axis_name="s")
  f = pl.kernel(
      _sc_body,
      out_type=[
          jax.ShapeDtypeStruct((B, K), jnp.float32),
          jax.ShapeDtypeStruct((B * H, K), jnp.float32),
          jax.ShapeDtypeStruct((B, K), jnp.float32),
      ],
      mesh=mesh,
      scratch_types=[
          pltpu.VMEM((CH,), jnp.int32),
          pltpu.VMEM((CH,), jnp.int32),
          pltpu.VMEM((E,), jnp.int32),
          pltpu.VMEM((E,), jnp.int32),
          pltpu.VMEM((CH, K), jnp.float32),
          pltpu.VMEM((CH, K), jnp.float32),
          pltpu.VMEM((E, K), jnp.float32),
          pltpu.SemaphoreType.DMA,
          pltpu.SemaphoreType.DMA,
          pltpu.SemaphoreType.DMA,
          pltpu.SemaphoreType.DMA,
          pltpu.SemaphoreType.DMA,
      ],
      compiler_params=pltpu.CompilerParams(use_tc_tiling_on_sc=False),
  )
  return f(users, items, uiflat, gu_rm, gi_rm)



G = 8
R8 = 8
CR = CH // R8
L = 128


def _leaky(x):
  return jnp.where(x >= 0, x, 0.01 * x)


def _tc_body(gu_ref, gh_ref, gmi_ref, wa_ref, wb_ref, w2_ref, b1_ref, b2_ref,
             ones_ref, xui_ref, gs_ref):
  wa = wa_ref[...]
  wb = wb_ref[...]
  w2 = w2_ref[...]
  b1 = b1_ref[...]
  b2 = b2_ref[...]

  gu = gu_ref[...].reshape(G * CR, L)
  au = jnp.dot(gu, wa, preferred_element_type=jnp.float32)

  gh = gh_ref[...].reshape(G * H * CR, L)
  hi = jnp.dot(gh, wb, preferred_element_type=jnp.float32)
  h1 = (hi.reshape(G, H, CR, L)
        + (au + b1).reshape(G, 1, CR, L))
  hbar = jnp.mean(_leaky(h1), axis=1).reshape(G * CR, L)
  gs = jnp.dot(hbar, w2, preferred_element_type=jnp.float32) + b2

  gmi = gmi_ref[...].reshape(G * CR, L)
  ai = jnp.dot(gmi, wb, preferred_element_type=jnp.float32)
  gl = _leaky(au + ai + b1)
  gui = jnp.dot(gl, w2, preferred_element_type=jnp.float32) + b2

  gs_ref[...] = gs
  xui_ref[...] = jnp.dot(gs * gui, ones_ref[...],
                         preferred_element_type=jnp.float32)


def _tc_mlp(gu_f, gih_f, gmi_f, wa8, wb8, w28, b1t, b2t, ones8):
  grid = NW // G
  wspec = pl.BlockSpec((L, L), lambda i: (0, 0))
  bspec = pl.BlockSpec((1, L), lambda i: (0, 0))
  return pl.pallas_call(
      _tc_body,
      grid=(grid,),
      in_specs=[
          pl.BlockSpec((G, CR, L), lambda i: (i, 0, 0)),
          pl.BlockSpec((G, H, CR, L), lambda i: (i, 0, 0, 0)),
          pl.BlockSpec((G, CR, L), lambda i: (i, 0, 0)),
          wspec, wspec, wspec, bspec, bspec,
          pl.BlockSpec((L, R8), lambda i: (0, 0)),
      ],
      out_specs=[
          pl.BlockSpec((G * CR, R8), lambda i: (i, 0)),
          pl.BlockSpec((G * CR, L), lambda i: (i, 0)),
      ],
      out_shape=[
          jax.ShapeDtypeStruct((B // R8, R8), jnp.float32),
          jax.ShapeDtypeStruct((B // R8, L), jnp.float32),
      ],
  )(gu_f, gih_f, gmi_f, wa8, wb8, w28, b1t, b2t, ones8)



def kernel(users, items, Gu, Gi, W1, b1, W2, b2, ui):
  uiflat = ui

  p = _selector()
  gu_rm = _detile(Gu.T, NUM_USERS, p).reshape(NUP, K)
  gi_rm = _detile(Gi.T, NUM_ITEMS, p).reshape(NIP, K)

  w1t = W1.T
  eye8 = jnp.eye(R8, dtype=jnp.float32)
  wa8 = jnp.kron(eye8, w1t[:K])
  wb8 = jnp.kron(eye8, w1t[K:])
  w28 = jnp.kron(eye8, W2.T)
  b1t = jnp.tile(b1, R8).reshape(1, L)
  b2t = jnp.tile(b2, R8).reshape(1, L)
  ones8 = jnp.kron(eye8, jnp.ones((K, 1), jnp.float32))

  gu_g, gih, gmi = _sc_gather(users, items, gu_rm, gi_rm, uiflat)
  gu_f = gu_g.reshape(NW, CR, L)
  gih_f = gih.reshape(NW, H, CR, L)
  gmi_f = gmi.reshape(NW, CR, L)
  xui8, gs = _tc_mlp(gu_f, gih_f, gmi_f, wa8, wb8, w28, b1t, b2t, ones8)
  return (xui8.reshape(B), gs.reshape(B, K), gmi)

# --- scband reference (transcript-rebuilt; emitter-appended) ---
"""Pipeline reference for scband-rslogic2-model-16595753632538 (READ-ONLY COPY).

The authoritative reference and input builder live on the scoring server;
editing this copy changes nothing except your own understanding.
"""

import jax, jax.numpy as jnp
import numpy as np

NUM_USERS = 100000
NUM_ITEMS = 1000000
EMBED_K = 16
HIST_LEN = 20
BATCH = 4096


def setup_inputs(seed: int = 0) -> dict:
    key = jax.random.key(seed)
    ks = jax.random.split(key, 9)
    users = jax.random.randint(ks[0], (BATCH,), 0, NUM_USERS, dtype=jnp.int32)
    items = jax.random.randint(ks[1], (BATCH,), 0, NUM_ITEMS, dtype=jnp.int32)
    lim_u = float(np.sqrt(6.0 / (NUM_USERS + EMBED_K)))
    lim_i = float(np.sqrt(6.0 / (NUM_ITEMS + EMBED_K)))
    Gu = jax.random.uniform(ks[2], (NUM_USERS, EMBED_K), minval=-lim_u, maxval=lim_u, dtype=jnp.float32)
    Gi = jax.random.uniform(ks[3], (NUM_ITEMS, EMBED_K), minval=-lim_i, maxval=lim_i, dtype=jnp.float32)
    lim1 = float(np.sqrt(1.0 / (2 * EMBED_K)))
    W1 = jax.random.uniform(ks[4], (EMBED_K, 2 * EMBED_K), minval=-lim1, maxval=lim1, dtype=jnp.float32)
    b1 = jax.random.uniform(ks[5], (EMBED_K,), minval=-lim1, maxval=lim1, dtype=jnp.float32)
    lim2 = float(np.sqrt(1.0 / EMBED_K))
    W2 = jax.random.uniform(ks[6], (EMBED_K, EMBED_K), minval=-lim2, maxval=lim2, dtype=jnp.float32)
    b2 = jax.random.uniform(ks[7], (EMBED_K,), minval=-lim2, maxval=lim2, dtype=jnp.float32)
    # interaction log ui: [2, NUM_USERS*HIST_LEN]; row 0 = user ids (each user has HIST_LEN interactions), row 1 = item ids
    ui_row0 = jnp.repeat(jnp.arange(NUM_USERS, dtype=jnp.int32), HIST_LEN)
    ui_row1 = jax.random.randint(ks[8], (NUM_USERS * HIST_LEN,), 0, NUM_ITEMS, dtype=jnp.int32)
    ui = jnp.stack([ui_row0, ui_row1], axis=0)
    return {"users": users, "items": items, "Gu": Gu, "Gi": Gi, "W1": W1, "b1": b1, "W2": W2, "b2": b2, "ui": ui}


def _mlp(x, W1, b1, W2, b2):
    # torch: int_layer2(leaky_relu(int_layer1(cat(u, i))))
    h = jax.nn.leaky_relu(x @ W1.T + b1, 0.01)
    return h @ W2.T + b2


def reference(users, items, Gu, Gi, W1, b1, W2, b2, ui):
    # extract_int_from_user_history: for each user in the batch, gather its history
    # items from ui (each user owns a contiguous block of HIST_LEN columns by
    # construction: ui[:, ui[0,:]==u] == columns [u*HIST_LEN, (u+1)*HIST_LEN)),
    # run interaction_repr_history over (user_embed, item_embeds), mean over history.
    hist_items = ui[1].reshape(NUM_USERS, HIST_LEN)[users]            # [B, H]
    gu = Gu[users]                                                     # [B, K]
    gi_hist = Gi[hist_items]                                           # [B, H, K]
    gu_exp = jnp.broadcast_to(gu[:, None, :], gi_hist.shape)           # [B, H, K]
    hv = jnp.concatenate([gu_exp, gi_hist], axis=-1).reshape(-1, 2 * EMBED_K)
    reprs = _mlp(hv, W1, b1, W2, b2).reshape(users.shape[0], HIST_LEN, EMBED_K)
    gu_star = jnp.mean(reprs, axis=1)                                  # [B, K]
    # main forward
    gamma_u = Gu[users]
    gamma_i = Gi[items]
    gui = _mlp(jnp.concatenate([gamma_u, gamma_i], axis=1), W1, b1, W2, b2)
    xui = jnp.sum(gu_star * gui, axis=1)
    return (xui, gu_star, gamma_i)

if __name__ == "__main__":
    import jax
    _d = setup_inputs()
    print(jax.jit(kernel)(*tuple(_d.values())))

</pallas_src>

<mosaic_0001>
#map = affine_map<(d0, d1) -> (0)>
#map1 = affine_map<(d0, d1) -> (0, 0)>
module attributes {stable_mosaic.version = 14 : i64} {
  func.func @_sc_body(%arg0: i32, %arg1: i32, %arg2: memref<4096xi32, #tpu.memory_space<hbm>>, %arg3: memref<4096xi32, #tpu.memory_space<hbm>>, %arg4: memref<2x2000000xi32, #tpu.memory_space<hbm>>, %arg5: memref<114688x16xf32, #tpu.memory_space<hbm>>, %arg6: memref<1015808x16xf32, #tpu.memory_space<hbm>>, %arg7: memref<4096x16xf32, #tpu.memory_space<hbm>>, %arg8: memref<81920x16xf32, #tpu.memory_space<hbm>>, %arg9: memref<4096x16xf32, #tpu.memory_space<hbm>>, %arg10: memref<128xi32, #tpu.memory_space<vmem>>, %arg11: memref<128xi32, #tpu.memory_space<vmem>>, %arg12: memref<2560xi32, #tpu.memory_space<vmem>>, %arg13: memref<2560xi32, #tpu.memory_space<vmem>>, %arg14: memref<128x16xf32, #tpu.memory_space<vmem>>, %arg15: memref<128x16xf32, #tpu.memory_space<vmem>>, %arg16: memref<2560x16xf32, #tpu.memory_space<vmem>>, %arg17: memref<!tpu.dma_semaphore, #tpu.memory_space<semaphore_mem>>, %arg18: memref<!tpu.dma_semaphore, #tpu.memory_space<semaphore_mem>>, %arg19: memref<!tpu.dma_semaphore, #tpu.memory_space<semaphore_mem>>, %arg20: memref<!tpu.dma_semaphore, #tpu.memory_space<semaphore_mem>>, %arg21: memref<!tpu.dma_semaphore, #tpu.memory_space<semaphore_mem>>) attributes {dimension_semantics = [#tpu.dimension_semantics<core_parallel>, #tpu.dimension_semantics<subcore_parallel>], iteration_bounds = array<i64: 2, 16>, scalar_prefetch = 0 : i64, scratch_operands = 12 : i64, tpu.core_type = #tpu.core_type<sc_vector_subcore>, window_params = [{transform_indices = #map}, {transform_indices = #map}, {transform_indices = #map1}, {transform_indices = #map1}, {transform_indices = #map1}, {transform_indices = #map1}, {transform_indices = #map1}, {transform_indices = #map1}]} {
    %mul3A = arith.constant 2 : i32
    %mul3A_0 = arith.muli %arg1, %mul3A : i32
    %add3A = arith.addi %mul3A_0, %arg0 : i32
    %mul3A_1 = arith.constant 128 : i32
    %mul3A_2 = arith.muli %add3A, %mul3A_1 : i32
    "tpu.region"() ({
      %run_scoped3A = tpu.sem_alloc : memref<!tpu.dma_semaphore, #tpu.memory_space<semaphore_mem>>
      %dma_start3A_4815 = tpu.memref_slice %arg2[%mul3A_2] : memref<4096xi32, #tpu.memory_space<hbm>> -> memref<128xi32, #tpu.memory_space<hbm>>
      %dma_start3A_4816 = tpu.memref_slice %arg2[%mul3A_2] : memref<4096xi32, #tpu.memory_space<hbm>> -> memref<128xi32, #tpu.memory_space<hbm>>
      tpu.enqueue_dma source(%dma_start3A_4816 : memref<128xi32, #tpu.memory_space<hbm>>) target(%arg10 : memref<128xi32, #tpu.memory_space<vmem>>) target_semaphore(%run_scoped3A : memref<!tpu.dma_semaphore, #tpu.memory_space<semaphore_mem>>)
      %dma_wait3A_4817 = tpu.memref_slice %arg2[%mul3A_2] : memref<4096xi32, #tpu.memory_space<hbm>> -> memref<128xi32, #tpu.memory_space<hbm>>
      %dma_wait3A_4818 = tpu.memref_slice %arg2[%mul3A_2] : memref<4096xi32, #tpu.memory_space<hbm>> -> memref<128xi32, #tpu.memory_space<hbm>>
      tpu.wait_dma2 semaphore(%run_scoped3A : memref<!tpu.dma_semaphore, #tpu.memory_space<semaphore_mem>>) src(%dma_wait3A_4818 : memref<128xi32, #tpu.memory_space<hbm>>) dst(%arg10 : memref<128xi32, #tpu.memory_space<vmem>>)
      tpu.yield
    }) : () -> ()
    "tpu.region"() ({
      %run_scoped3A = tpu.sem_alloc : memref<!tpu.dma_semaphore, #tpu.memory_space<semaphore_mem>>
      %dma_start3A_4815 = tpu.memref_slice %arg3[%mul3A_2] : memref<4096xi32, #tpu.memory_space<hbm>> -> memref<128xi32, #tpu.memory_space<hbm>>
      %dma_start3A_4816 = tpu.memref_slice %arg3[%mul3A_2] : memref<4096xi32, #tpu.memory_space<hbm>> -> memref<128xi32, #tpu.memory_space<hbm>>
      tpu.enqueue_dma source(%dma_start3A_4816 : memref<128xi32, #tpu.memory_space<hbm>>) target(%arg11 : memref<128xi32, #tpu.memory_space<vmem>>) target_semaphore(%run_scoped3A : memref<!tpu.dma_semaphore, #tpu.memory_space<semaphore_mem>>)
      %dma_wait3A_4817 = tpu.memref_slice %arg3[%mul3A_2] : memref<4096xi32, #tpu.memory_space<hbm>> -> memref<128xi32, #tpu.memory_space<hbm>>
      %dma_wait3A_4818 = tpu.memref_slice %arg3[%mul3A_2] : memref<4096xi32, #tpu.memory_space<hbm>> -> memref<128xi32, #tpu.memory_space<hbm>>
      tpu.wait_dma2 semaphore(%run_scoped3A : memref<!tpu.dma_semaphore, #tpu.memory_space<semaphore_mem>>) src(%dma_wait3A_4818 : memref<128xi32, #tpu.memory_space<hbm>>) dst(%arg11 : memref<128xi32, #tpu.memory_space<vmem>>)
      tpu.yield
    }) : () -> ()
    %scan3A = arith.constant 0 : i32
    %scan3A_3 = arith.constant 0 : i32
    %scan3A_4 = arith.constant 20 : i32
    %scan3A_5 = arith.addi %scan3A_3, %scan3A_4 : i32
    %scan3A_6 = arith.constant 1 : i32
    scf.for %scan3A_4815 = %scan3A_3 to %scan3A_5 step %scan3A_6  : i32 {
      %scan3A_4816 = arith.constant 0 : i32
      %mul3A_4817 = arith.constant 16 : i32
      %mul3A_4818 = arith.muli %scan3A_4816, %mul3A_4817 : i32
      %get3A_4819 = arith.index_cast %mul3A_4818 : i32 to index
      %get3A_4820 = tpu.vector_load %arg10[%get3A_4819] {strides = array<i32>} : memref<128xi32, #tpu.memory_space<vmem>>, vector<16xi32>,
      %get3A_4821 = vector.shape_cast %get3A_4820 : vector<16xi32> to vector<16xi32>
      %mul3A_4822 = arith.constant 20 : i32
      %mul3A_4823 = vector.broadcast %mul3A_4822 : i32 to vector<16xi32>
      %mul3A_4824 = arith.muli %get3A_4821, %mul3A_4823 : vector<16xi32>
      %add3A_4825 = vector.broadcast %scan3A_4815 : i32 to vector<16xi32>
      %add3A_4826 = arith.addi %mul3A_4824, %add3A_4825 : vector<16xi32>
      %mul3A_4827 = arith.constant 128 : i32
      %mul3A_4828 = arith.muli %scan3A_4815, %mul3A_4827 : i32
      %mul3A_4829 = arith.constant 16 : i32
      %mul3A_4830 = arith.muli %scan3A_4816, %mul3A_4829 : i32
      %add3A_4831 = arith.addi %mul3A_4828, %mul3A_4830 : i32
      %swap3A_4832 = arith.index_cast %add3A_4831 : i32 to index
      %swap3A_4833 = tpu.vector_load %arg12[%swap3A_4832] {strides = array<i32>} : memref<2560xi32, #tpu.memory_space<vmem>>, vector<16xi32>,
      %swap3A_4834 = vector.shape_cast %swap3A_4833 : vector<16xi32> to vector<16xi32>
      %swap3A_4835 = vector.shape_cast %add3A_4826 : vector<16xi32> to vector<16xi32>
      tpu.vector_store %arg12[%swap3A_4832], %swap3A_4835 {strides = array<i32>} : memref<2560xi32, #tpu.memory_space<vmem>>, vector<16xi32>,
      %scan3A_4836 = arith.constant 1 : i32
      %mul3A_4837 = arith.constant 16 : i32
      %mul3A_4838 = arith.muli %scan3A_4836, %mul3A_4837 : i32
      %get3A_4839 = arith.index_cast %mul3A_4838 : i32 to index
      %get3A_4840 = tpu.vector_load %arg10[%get3A_4839] {strides = array<i32>} : memref<128xi32, #tpu.memory_space<vmem>>, vector<16xi32>,
      %get3A_4841 = vector.shape_cast %get3A_4840 : vector<16xi32> to vector<16xi32>
      %mul3A_4842 = arith.constant 20 : i32
      %mul3A_4843 = vector.broadcast %mul3A_4842 : i32 to vector<16xi32>
      %mul3A_4844 = arith.muli %get3A_4841, %mul3A_4843 : vector<16xi32>
      %add3A_4845 = vector.broadcast %scan3A_4815 : i32 to vector<16xi32>
      %add3A_4846 = arith.addi %mul3A_4844, %add3A_4845 : vector<16xi32>
      %mul3A_4847 = arith.constant 128 : i32
      %mul3A_4848 = arith.muli %scan3A_4815, %mul3A_4847 : i32
      %mul3A_4849 = arith.constant 16 : i32
      %mul3A_4850 = arith.muli %scan3A_4836, %mul3A_4849 : i32
      %add3A_4851 = arith.addi %mul3A_4848, %mul3A_4850 : i32
      %swap3A_4852 = arith.index_cast %add3A_4851 : i32 to index
      %swap3A_4853 = tpu.vector_load %arg12[%swap3A_4852] {strides = array<i32>} : memref<2560xi32, #tpu.memory_space<vmem>>, vector<16xi32>,
      %swap3A_4854 = vector.shape_cast %swap3A_4853 : vector<16xi32> to vector<16xi32>
      %swap3A_4855 = vector.shape_cast %add3A_4846 : vector<16xi32> to vector<16xi32>
      tpu.vector_store %arg12[%swap3A_4852], %swap3A_4855 {strides = array<i32>} : memref<2560xi32, #tpu.memory_space<vmem>>, vector<16xi32>,
      %scan3A_4856 = arith.constant 2 : i32
      %mul3A_4857 = arith.constant 16 : i32
      %mul3A_4858 = arith.muli %scan3A_4856, %mul3A_4857 : i32
      %get3A_4859 = arith.index_cast %mul3A_4858 : i32 to index
      %get3A_4860 = tpu.vector_load %arg10[%get3A_4859] {strides = array<i32>} : memref<128xi32, #tpu.memory_space<vmem>>, vector<16xi32>,
      %get3A_4861 = vector.shape_cast %get3A_4860 : vector<16xi32> to vector<16xi32>
      %mul3A_4862 = arith.constant 20 : i32
      %mul3A_4863 = vector.broadcast %mul3A_4862 : i32 to vector<16xi32>
      %mul3A_4864 = arith.muli %get3A_4861, %mul3A_4863 : vector<16xi32>
      %add3A_4865 = vector.broadcast %scan3A_4815 : i32 to vector<16xi32>
      %add3A_4866 = arith.addi %mul3A_4864, %add3A_4865 : vector<16xi32>
      %mul3A_4867 = arith.constant 128 : i32
      %mul3A_4868 = arith.muli %scan3A_4815, %mul3A_4867 : i32
      %mul3A_4869 = arith.constant 16 : i32
      %mul3A_4870 = arith.muli %scan3A_4856, %mul3A_4869 : i32
      %add3A_4871 = arith.addi %mul3A_4868, %mul3A_4870 : i32
      %swap3A_4872 = arith.index_cast %add3A_4871 : i32 to index
      %swap3A_4873 = tpu.vector_load %arg12[%swap3A_4872] {strides = array<i32>} : memref<2560xi32, #tpu.memory_space<vmem>>, vector<16xi32>,
      %swap3A_4874 = vector.shape_cast %swap3A_4873 : vector<16xi32> to vector<16xi32>
      %swap3A_4875 = vector.shape_cast %add3A_4866 : vector<16xi32> to vector<16xi32>
      tpu.vector_store %arg12[%swap3A_4872], %swap3A_4875 {strides = array<i32>} : memref<2560xi32, #tpu.memory_space<vmem>>, vector<16xi32>,
      %scan3A_4876 = arith.constant 3 : i32
      %mul3A_4877 = arith.constant 16 : i32
      %mul3A_4878 = arith.muli %scan3A_4876, %mul3A_4877 : i32
      %get3A_4879 = arith.index_cast %mul3A_4878 : i32 to index
      %get3A_4880 = tpu.vector_load %arg10[%get3A_4879] {strides = array<i32>} : memref<128xi32, #tpu.memory_space<vmem>>, vector<16xi32>,
      %get3A_4881 = vector.shape_cast %get3A_4880 : vector<16xi32> to vector<16xi32>
      %mul3A_4882 = arith.constant 20 : i32
      %mul3A_4883 = vector.broadcast %mul3A_4882 : i32 to vector<16xi32>
      %mul3A_4884 = arith.muli %get3A_4881, %mul3A_4883 : vector<16xi32>
      %add3A_4885 = vector.broadcast %scan3A_4815 : i32 to vector<16xi32>
      %add3A_4886 = arith.addi %mul3A_4884, %add3A_4885 : vector<16xi32>
      %mul3A_4887 = arith.constant 128 : i32
      %mul3A_4888 = arith.muli %scan3A_4815, %mul3A_4887 : i32
      %mul3A_4889 = arith.constant 16 : i32
      %mul3A_4890 = arith.muli %scan3A_4876, %mul3A_4889 : i32
      %add3A_4891 = arith.addi %mul3A_4888, %mul3A_4890 : i32
      %swap3A_4892 = arith.index_cast %add3A_4891 : i32 to index
      %swap3A_4893 = tpu.vector_load %arg12[%swap3A_4892] {strides = array<i32>} : memref<2560xi32, #tpu.memory_space<vmem>>, vector<16xi32>,
      %swap3A_4894 = vector.shape_cast %swap3A_4893 : vector<16xi32> to vector<16xi32>
      %swap3A_4895 = vector.shape_cast %add3A_4886 : vector<16xi32> to vector<16xi32>
      tpu.vector_store %arg12[%swap3A_4892], %swap3A_4895 {strides = array<i32>} : memref<2560xi32, #tpu.memory_space<vmem>>, vector<16xi32>,
      %scan3A_4896 = arith.constant 4 : i32
      %mul3A_4897 = arith.constant 16 : i32
      %mul3A_4898 = arith.muli %scan3A_4896, %mul3A_4897 : i32
      %get3A_4899 = arith.index_cast %mul3A_4898 : i32 to index
      %get3A_4900 = tpu.vector_load %arg10[%get3A_4899] {strides = array<i32>} : memref<128xi32, #tpu.memory_space<vmem>>, vector<16xi32>,
      %get3A_4901 = vector.shape_cast %get3A_4900 : vector<16xi32> to vector<16xi32>
      %mul3A_4902 = arith.constant 20 : i32
      %mul3A_4903 = vector.broadcast %mul3A_4902 : i32 to vector<16xi32>
      %mul3A_4904 = arith.muli %get3A_4901, %mul3A_4903 : vector<16xi32>
      %add3A_4905 = vector.broadcast %scan3A_4815 : i32 to vector<16xi32>
      %add3A_4906 = arith.addi %mul3A_4904, %add3A_4905 : vector<16xi32>
      %mul3A_4907 = arith.constant 128 : i32
      %mul3A_4908 = arith.muli %scan3A_4815, %mul3A_4907 : i32
      %mul3A_4909 = arith.constant 16 : i32
      %mul3A_4910 = arith.muli %scan3A_4896, %mul3A_4909 : i32
      %add3A_4911 = arith.addi %mul3A_4908, %mul3A_4910 : i32
      %swap3A_4912 = arith.index_cast %add3A_4911 : i32 to index
      %swap3A_4913 = tpu.vector_load %arg12[%swap3A_4912] {strides = array<i32>} : memref<2560xi32, #tpu.memory_space<vmem>>, vector<16xi32>,
      %swap3A_4914 = vector.shape_cast %swap3A_4913 : vector<16xi32> to vector<16xi32>
      %swap3A_4915 = vector.shape_cast %add3A_4906 : vector<16xi32> to vector<16xi32>
      tpu.vector_store %arg12[%swap3A_4912], %swap3A_4915 {strides = array<i32>} : memref<2560xi32, #tpu.memory_space<vmem>>, vector<16xi32>,
      %scan3A_4916 = arith.constant 5 : i32
      %mul3A_4917 = arith.constant 16 : i32
      %mul3A_4918 = arith.muli %scan3A_4916, %mul3A_4917 : i32
      %get3A_4919 = arith.index_cast %mul3A_4918 : i32 to index
      %get3A_4920 = tpu.vector_load %arg10[%get3A_4919] {strides = array<i32>} : memref<128xi32, #tpu.memory_space<vmem>>, vector<16xi32>,
      %get3A_4921 = vector.shape_cast %get3A_4920 : vector<16xi32> to vector<16xi32>
      %mul3A_4922 = arith.constant 20 : i32
      %mul3A_4923 = vector.broadcast %mul3A_4922 : i32 to vector<16xi32>
      %mul3A_4924 = arith.muli %get3A_4921, %mul3A_4923 : vector<16xi32>
      %add3A_4925 = vector.broadcast %scan3A_4815 : i32 to vector<16xi32>
      %add3A_4926 = arith.addi %mul3A_4924, %add3A_4925 : vector<16xi32>
      %mul3A_4927 = arith.constant 128 : i32
      %mul3A_4928 = arith.muli %scan3A_4815, %mul3A_4927 : i32
      %mul3A_4929 = arith.constant 16 : i32
      %mul3A_4930 = arith.muli %scan3A_4916, %mul3A_4929 : i32
      %add3A_4931 = arith.addi %mul3A_4928, %mul3A_4930 : i32
      %swap3A_4932 = arith.index_cast %add3A_4931 : i32 to index
      %swap3A_4933 = tpu.vector_load %arg12[%swap3A_4932] {strides = array<i32>} : memref<2560xi32, #tpu.memory_space<vmem>>, vector<16xi32>,
      %swap3A_4934 = vector.shape_cast %swap3A_4933 : vector<16xi32> to vector<16xi32>
      %swap3A_4935 = vector.shape_cast %add3A_4926 : vector<16xi32> to vector<16xi32>
      tpu.vector_store %arg12[%swap3A_4932], %swap3A_4935 {strides = array<i32>} : memref<2560xi32, #tpu.memory_space<vmem>>, vector<16xi32>,
      %scan3A_4936 = arith.constant 6 : i32
      %mul3A_4937 = arith.constant 16 : i32
      %mul3A_4938 = arith.muli %scan3A_4936, %mul3A_4937 : i32
      %get3A_4939 = arith.index_cast %mul3A_4938 : i32 to index
      %get3A_4940 = tpu.vector_load %arg10[%get3A_4939] {strides = array<i32>} : memref<128xi32, #tpu.memory_space<vmem>>, vector<16xi32>,
      %get3A_4941 = vector.shape_cast %get3A_4940 : vector<16xi32> to vector<16xi32>
      %mul3A_4942 = arith.constant 20 : i32
      %mul3A_4943 = vector.broadcast %mul3A_4942 : i32 to vector<16xi32>
      %mul3A_4944 = arith.muli %get3A_4941, %mul3A_4943 : vector<16xi32>
      %add3A_4945 = vector.broadcast %scan3A_4815 : i32 to vector<16xi32>
      %add3A_4946 = arith.addi %mul3A_4944, %add3A_4945 : vector<16xi32>
      %mul3A_4947 = arith.constant 128 : i32
      %mul3A_4948 = arith.muli %scan3A_4815, %mul3A_4947 : i32
      %mul3A_4949 = arith.constant 16 : i32
      %mul3A_4950 = arith.muli %scan3A_4936, %mul3A_4949 : i32
      %add3A_4951 = arith.addi %mul3A_4948, %mul3A_4950 : i32
      %swap3A_4952 = arith.index_cast %add3A_4951 : i32 to index
      %swap3A_4953 = tpu.vector_load %arg12[%swap3A_4952] {strides = array<i32>} : memref<2560xi32, #tpu.memory_space<vmem>>, vector<16xi32>,
      %swap3A_4954 = vector.shape_cast %swap3A_4953 : vector<16xi32> to vector<16xi32>
      %swap3A_4955 = vector.shape_cast %add3A_4946 : vector<16xi32> to vector<16xi32>
      tpu.vector_store %arg12[%swap3A_4952], %swap3A_4955 {strides = array<i32>} : memref<2560xi32, #tpu.memory_space<vmem>>, vector<16xi32>,
      %scan3A_4956 = arith.constant 7 : i32
      %mul3A_4957 = arith.constant 16 : i32
      %mul3A_4958 = arith.muli %scan3A_4956, %mul3A_4957 : i32
      %get3A_4959 = arith.index_cast %mul3A_4958 : i32 to index
      %get3A_4960 = tpu.vector_load %arg10[%get3A_4959] {strides = array<i32>} : memref<128xi32, #tpu.memory_space<vmem>>, vector<16xi32>,
      %get3A_4961 = vector.shape_cast %get3A_4960 : vector<16xi32> to vector<16xi32>
      %mul3A_4962 = arith.constant 20 : i32
      %mul3A_4963 = vector.broadcast %mul3A_4962 : i32 to vector<16xi32>
      %mul3A_4964 = arith.muli %get3A_4961, %mul3A_4963 : vector<16xi32>
      %add3A_4965 = vector.broadcast %scan3A_4815 : i32 to vector<16xi32>
      %add3A_4966 = arith.addi %mul3A_4964, %add3A_4965 : vector<16xi32>
      %mul3A_4967 = arith.constant 128 : i32
      %mul3A_4968 = arith.muli %scan3A_4815, %mul3A_4967 : i32
      %mul3A_4969 = arith.constant 16 : i32
      %mul3A_4970 = arith.muli %scan3A_4956, %mul3A_4969 : i32
      %add3A_4971 = arith.addi %mul3A_4968, %mul3A_4970 : i32
      %swap3A_4972 = arith.index_cast %add3A_4971 : i32 to index
      %swap3A_4973 = tpu.vector_load %arg12[%swap3A_4972] {strides = array<i32>} : memref<2560xi32, #tpu.memory_space<vmem>>, vector<16xi32>,
      %swap3A_4974 = vector.shape_cast %swap3A_4973 : vector<16xi32> to vector<16xi32>
      %swap3A_4975 = vector.shape_cast %add3A_4966 : vector<16xi32> to vector<16xi32>
      tpu.vector_store %arg12[%swap3A_4972], %swap3A_4975 {strides = array<i32>} : memref<2560xi32, #tpu.memory_space<vmem>>, vector<16xi32>,
      %scan3A_4976 = arith.constant 8 : i32
    }
    %scan3A_7 = arith.constant 20 : i32
    %scan3A_8 = arith.constant 0 : i32
    %scan3A_9 = arith.constant 0 : i32
    %mul3A_10 = arith.constant 16 : i32
    %mul3A_11 = arith.muli %scan3A_9, %mul3A_10 : i32
    %get3A = arith.index_cast %mul3A_11 : i32 to index
    %get3A_12 = tpu.vector_load %arg10[%get3A] {strides = array<i32>} : memref<128xi32, #tpu.memory_space<vmem>>, vector<16xi32>,
    %get3A_13 = vector.shape_cast %get3A_12 : vector<16xi32> to vector<16xi32>
    %and3A = arith.constant -16384 : i32
    %and3A_14 = vector.broadcast %and3A : i32 to vector<16xi32>
    %and3A_15 = arith.andi %get3A_13, %and3A_14 : vector<16xi32>
    %and3A_16 = arith.constant 2047 : i32
    %and3A_17 = vector.broadcast %and3A_16 : i32 to vector<16xi32>
    %and3A_18 = arith.andi %get3A_13, %and3A_17 : vector<16xi32>
    %shift_left3A = arith.constant 3 : i32
    %shift_left3A_19 = vector.broadcast %shift_left3A : i32 to vector<16xi32>
    %shift_left3A_20 = arith.shli %and3A_18, %shift_left3A_19 : vector<16xi32>
    %add3A_21 = arith.addi %and3A_15, %shift_left3A_20 : vector<16xi32>
    %shift_right_logical3A = arith.constant 11 : i32
    %shift_right_logical3A_22 = vector.broadcast %shift_right_logical3A : i32 to vector<16xi32>
    %shift_right_logical3A_23 = arith.shrui %get3A_13, %shift_right_logical3A_22 : vector<16xi32>
    %and3A_24 = arith.constant 7 : i32
    %and3A_25 = vector.broadcast %and3A_24 : i32 to vector<16xi32>
    %and3A_26 = arith.andi %shift_right_logical3A_23, %and3A_25 : vector<16xi32>
    %add3A_27 = arith.addi %add3A_21, %and3A_26 : vector<16xi32>
    %swap3A = arith.index_cast %mul3A_11 : i32 to index
    %swap3A_28 = tpu.vector_load %arg10[%swap3A] {strides = array<i32>} : memref<128xi32, #tpu.memory_space<vmem>>, vector<16xi32>,
    %swap3A_29 = vector.shape_cast %swap3A_28 : vector<16xi32> to vector<16xi32>
    %swap3A_30 = vector.shape_cast %add3A_27 : vector<16xi32> to vector<16xi32>
    tpu.vector_store %arg10[%swap3A], %swap3A_30 {strides = array<i32>} : memref<128xi32, #tpu.memory_space<vmem>>, vector<16xi32>,
    %scan3A_31 = arith.constant 1 : i32
    %mul3A_32 = arith.constant 16 : i32
    %mul3A_33 = arith.muli %scan3A_31, %mul3A_32 : i32
    %get3A_34 = arith.index_cast %mul3A_33 : i32 to index
    %get3A_35 = tpu.vector_load %arg10[%get3A_34] {strides = array<i32>} : memref<128xi32, #tpu.memory_space<vmem>>, vector<16xi32>,
    %get3A_36 = vector.shape_cast %get3A_35 : vector<16xi32> to vector<16xi32>
    %and3A_37 = arith.constant -16384 : i32
    %and3A_38 = vector.broadcast %and3A_37 : i32 to vector<16xi32>
    %and3A_39 = arith.andi %get3A_36, %and3A_38 : vector<16xi32>
    %and3A_40 = arith.constant 2047 : i32
    %and3A_41 = vector.broadcast %and3A_40 : i32 to vector<16xi32>
    %and3A_42 = arith.andi %get3A_36, %and3A_41 : vector<16xi32>
    %shift_left3A_43 = arith.constant 3 : i32
    %shift_left3A_44 = vector.broadcast %shift_left3A_43 : i32 to vector<16xi32>
    %shift_left3A_45 = arith.shli %and3A_42, %shift_left3A_44 : vector<16xi32>
    %add3A_46 = arith.addi %and3A_39, %shift_left3A_45 : vector<16xi32>
    %shift_right_logical3A_47 = arith.constant 11 : i32
    %shift_right_logical3A_48 = vector.broadcast %shift_right_logical3A_47 : i32 to vector<16xi32>
    %shift_right_logical3A_49 = arith.shrui %get3A_36, %shift_right_logical3A_48 : vector<16xi32>
    %and3A_50 = arith.constant 7 : i32
    %and3A_51 = vector.broadcast %and3A_50 : i32 to vector<16xi32>
    %and3A_52 = arith.andi %shift_right_logical3A_49, %and3A_51 : vector<16xi32>
    %add3A_53 = arith.addi %add3A_46, %and3A_52 : vector<16xi32>
    %swap3A_54 = arith.index_cast %mul3A_33 : i32 to index
    %swap3A_55 = tpu.vector_load %arg10[%swap3A_54] {strides = array<i32>} : memref<128xi32, #tpu.memory_space<vmem>>, vector<16xi32>,
    %swap3A_56 = vector.shape_cast %swap3A_55 : vector<16xi32> to vector<16xi32>
    %swap3A_57 = vector.shape_cast %add3A_53 : vector<16xi32> to vector<16xi32>
    tpu.vector_store %arg10[%swap3A_54], %swap3A_57 {strides = array<i32>} : memref<128xi32, #tpu.memory_space<vmem>>, vector<16xi32>,
    %scan3A_58 = arith.constant 2 : i32
    %mul3A_59 = arith.constant 16 : i32
    %mul3A_60 = arith.muli %scan3A_58, %mul3A_59 : i32
    %get3A_61 = arith.index_cast %mul3A_60 : i32 to index
    %get3A_62 = tpu.vector_load %arg10[%get3A_61] {strides = array<i32>} : memref<128xi32, #tpu.memory_space<vmem>>, vector<16xi32>,
    %get3A_63 = vector.shape_cast %get3A_62 : vector<16xi32> to vector<16xi32>
    %and3A_64 = arith.constant -16384 : i32
    %and3A_65 = vector.broadcast %and3A_64 : i32 to vector<16xi32>
    %and3A_66 = arith.andi %get3A_63, %and3A_65 : vector<16xi32>
    %and3A_67 = arith.constant 2047 : i32
    %and3A_68 = vector.broadcast %and3A_67 : i32 to vector<16xi32>
    %and3A_69 = arith.andi %get3A_63, %and3A_68 : vector<16xi32>
    %shift_left3A_70 = arith.constant 3 : i32
    %shift_left3A_71 = vector.broadcast %shift_left3A_70 : i32 to vector<16xi32>
    %shift_left3A_72 = arith.shli %and3A_69, %shift_left3A_71 : vector<16xi32>
    %add3A_73 = arith.addi %and3A_66, %shift_left3A_72 : vector<16xi32>
    %shift_right_logical3A_74 = arith.constant 11 : i32
    %shift_right_logical3A_75 = vector.broadcast %shift_right_logical3A_74 : i32 to vector<16xi32>
    %shift_right_logical3A_76 = arith.shrui %get3A_63, %shift_right_logical3A_75 : vector<16xi32>
    %and3A_77 = arith.constant 7 : i32
    %and3A_78 = vector.broadcast %and3A_77 : i32 to vector<16xi32>
    %and3A_79 = arith.andi %shift_right_logical3A_76, %and3A_78 : vector<16xi32>
    %add3A_80 = arith.addi %add3A_73, %and3A_79 : vector<16xi32>
    %swap3A_81 = arith.index_cast %mul3A_60 : i32 to index
    %swap3A_82 = tpu.vector_load %arg10[%swap3A_81] {strides = array<i32>} : memref<128xi32, #tpu.memory_space<vmem>>, vector<16xi32>,
    %swap3A_83 = vector.shape_cast %swap3A_82 : vector<16xi32> to vector<16xi32>
    %swap3A_84 = vector.shape_cast %add3A_80 : vector<16xi32> to vector<16xi32>
    tpu.vector_store %arg10[%swap3A_81], %swap3A_84 {strides = array<i32>} : memref<128xi32, #tpu.memory_space<vmem>>, vector<16xi32>,
    %scan3A_85 = arith.constant 3 : i32
    %mul3A_86 = arith.constant 16 : i32
    %mul3A_87 = arith.muli %scan3A_85, %mul3A_86 : i32
    %get3A_88 = arith.index_cast %mul3A_87 : i32 to index
    %get3A_89 = tpu.vector_load %arg10[%get3A_88] {strides = array<i32>} : memref<128xi32, #tpu.memory_space<vmem>>, vector<16xi32>,
    %get3A_90 = vector.shape_cast %get3A_89 : vector<16xi32> to vector<16xi32>
    %and3A_91 = arith.constant -16384 : i32
    %and3A_92 = vector.broadcast %and3A_91 : i32 to vector<16xi32>
    %and3A_93 = arith.andi %get3A_90, %and3A_92 : vector<16xi32>
    %and3A_94 = arith.constant 2047 : i32
    %and3A_95 = vector.broadcast %and3A_94 : i32 to vector<16xi32>
    %and3A_96 = arith.andi %get3A_90, %and3A_95 : vector<16xi32>
    %shift_left3A_97 = arith.constant 3 : i32
    %shift_left3A_98 = vector.broadcast %shift_left3A_97 : i32 to vector<16xi32>
    %shift_left3A_99 = arith.shli %and3A_96, %shift_left3A_98 : vector<16xi32>
    %add3A_100 = arith.addi %and3A_93, %shift_left3A_99 : vector<16xi32>
    %shift_right_logical3A_101 = arith.constant 11 : i32
    %shift_right_logical3A_102 = vector.broadcast %shift_right_logical3A_101 : i32 to vector<16xi32>
    %shift_right_logical3A_103 = arith.shrui %get3A_90, %shift_right_logical3A_102 : vector<16xi32>
    %and3A_104 = arith.constant 7 : i32
    %and3A_105 = vector.broadcast %and3A_104 : i32 to vector<16xi32>
    %and3A_106 = arith.andi %shift_right_logical3A_103, %and3A_105 : vector<16xi32>
    %add3A_107 = arith.addi %add3A_100, %and3A_106 : vector<16xi32>
    %swap3A_108 = arith.index_cast %mul3A_87 : i32 to index
    %swap3A_109 = tpu.vector_load %arg10[%swap3A_108] {strides = array<i32>} : memref<128xi32, #tpu.memory_space<vmem>>, vector<16xi32>,
    %swap3A_110 = vector.shape_cast %swap3A_109 : vector<16xi32> to vector<16xi32>
    %swap3A_111 = vector.shape_cast %add3A_107 : vector<16xi32> to vector<16xi32>
    tpu.vector_store %arg10[%swap3A_108], %swap3A_111 {strides = array<i32>} : memref<128xi32, #tpu.memory_space<vmem>>, vector<16xi32>,
    %scan3A_112 = arith.constant 4 : i32
    %mul3A_113 = arith.constant 16 : i32
    %mul3A_114 = arith.muli %scan3A_112, %mul3A_113 : i32
    %get3A_115 = arith.index_cast %mul3A_114 : i32 to index
    %get3A_116 = tpu.vector_load %arg10[%get3A_115] {strides = array<i32>} : memref<128xi32, #tpu.memory_space<vmem>>, vector<16xi32>,
    %get3A_117 = vector.shape_cast %get3A_116 : vector<16xi32> to vector<16xi32>
    %and3A_118 = arith.constant -16384 : i32
    %and3A_119 = vector.broadcast %and3A_118 : i32 to vector<16xi32>
    %and3A_120 = arith.andi %get3A_117, %and3A_119 : vector<16xi32>
    %and3A_121 = arith.constant 2047 : i32
    %and3A_122 = vector.broadcast %and3A_121 : i32 to vector<16xi32>
    %and3A_123 = arith.andi %get3A_117, %and3A_122 : vector<16xi32>
    %shift_left3A_124 = arith.constant 3 : i32
    %shift_left3A_125 = vector.broadcast %shift_left3A_124 : i32 to vector<16xi32>
    %shift_left3A_126 = arith.shli %and3A_123, %shift_left3A_125 : vector<16xi32>
    %add3A_127 = arith.addi %and3A_120, %shift_left3A_126 : vector<16xi32>
    %shift_right_logical3A_128 = arith.constant 11 : i32
    %shift_right_logical3A_129 = vector.broadcast %shift_right_logical3A_128 : i32 to vector<16xi32>
    %shift_right_logical3A_130 = arith.shrui %get3A_117, %shift_right_logical3A_129 : vector<16xi32>
    %and3A_131 = arith.constant 7 : i32
    %and3A_132 = vector.broadcast %and3A_131 : i32 to vector<16xi32>
    %and3A_133 = arith.andi %shift_right_logical3A_130, %and3A_132 : vector<16xi32>
    %add3A_134 = arith.addi %add3A_127, %and3A_133 : vector<16xi32>
    %swap3A_135 = arith.index_cast %mul3A_114 : i32 to index
    %swap3A_136 = tpu.vector_load %arg10[%swap3A_135] {strides = array<i32>} : memref<128xi32, #tpu.memory_space<vmem>>, vector<16xi32>,
    %swap3A_137 = vector.shape_cast %swap3A_136 : vector<16xi32> to vector<16xi32>
    %swap3A_138 = vector.shape_cast %add3A_134 : vector<16xi32> to vector<16xi32>
    tpu.vector_store %arg10[%swap3A_135], %swap3A_138 {strides = array<i32>} : memref<128xi32, #tpu.memory_space<vmem>>, vector<16xi32>,
    %scan3A_139 = arith.constant 5 : i32
    %mul3A_140 = arith.constant 16 : i32
    %mul3A_141 = arith.muli %scan3A_139, %mul3A_140 : i32
    %get3A_142 = arith.index_cast %mul3A_141 : i32 to index
    %get3A_143 = tpu.vector_load %arg10[%get3A_142] {strides = array<i32>} : memref<128xi32, #tpu.memory_space<vmem>>, vector<16xi32>,
    %get3A_144 = vector.shape_cast %get3A_143 : vector<16xi32> to vector<16xi32>
    %and3A_145 = arith.constant -16384 : i32
    %and3A_146 = vector.broadcast %and3A_145 : i32 to vector<16xi32>
    %and3A_147 = arith.andi %get3A_144, %and3A_146 : vector<16xi32>
    %and3A_148 = arith.constant 2047 : i32
    %and3A_149 = vector.broadcast %and3A_148 : i32 to vector<16xi32>
    %and3A_150 = arith.andi %get3A_144, %and3A_149 : vector<16xi32>
    %shift_left3A_151 = arith.constant 3 : i32
    %shift_left3A_152 = vector.broadcast %shift_left3A_151 : i32 to vector<16xi32>
    %shift_left3A_153 = arith.shli %and3A_150, %shift_left3A_152 : vector<16xi32>
    %add3A_154 = arith.addi %and3A_147, %shift_left3A_153 : vector<16xi32>
    %shift_right_logical3A_155 = arith.constant 11 : i32
    %shift_right_logical3A_156 = vector.broadcast %shift_right_logical3A_155 : i32 to vector<16xi32>
    %shift_right_logical3A_157 = arith.shrui %get3A_144, %shift_right_logical3A_156 : vector<16xi32>
    %and3A_158 = arith.constant 7 : i32
    %and3A_159 = vector.broadcast %and3A_158 : i32 to vector<16xi32>
    %and3A_160 = arith.andi %shift_right_logical3A_157, %and3A_159 : vector<16xi32>
    %add3A_161 = arith.addi %add3A_154, %and3A_160 : vector<16xi32>
    %swap3A_162 = arith.index_cast %mul3A_141 : i32 to index
    %swap3A_163 = tpu.vector_load %arg10[%swap3A_162] {strides = array<i32>} : memref<128xi32, #tpu.memory_space<vmem>>, vector<16xi32>,
    %swap3A_164 = vector.shape_cast %swap3A_163 : vector<16xi32> to vector<16xi32>
    %swap3A_165 = vector.shape_cast %add3A_161 : vector<16xi32> to vector<16xi32>
    tpu.vector_store %arg10[%swap3A_162], %swap3A_165 {strides = array<i32>} : memref<128xi32, #tpu.memory_space<vmem>>, vector<16xi32>,
    %scan3A_166 = arith.constant 6 : i32
    %mul3A_167 = arith.constant 16 : i32
    %mul3A_168 = arith.muli %scan3A_166, %mul3A_167 : i32
    %get3A_169 = arith.index_cast %mul3A_168 : i32 to index
    %get3A_170 = tpu.vector_load %arg10[%get3A_169] {strides = array<i32>} : memref<128xi32, #tpu.memory_space<vmem>>, vector<16xi32>,
    %get3A_171 = vector.shape_cast %get3A_170 : vector<16xi32> to vector<16xi32>
    %and3A_172 = arith.constant -16384 : i32
    %and3A_173 = vector.broadcast %and3A_172 : i32 to vector<16xi32>
    %and3A_174 = arith.andi %get3A_171, %and3A_173 : vector<16xi32>
    %and3A_175 = arith.constant 2047 : i32
    %and3A_176 = vector.broadcast %and3A_175 : i32 to vector<16xi32>
    %and3A_177 = arith.andi %get3A_171, %and3A_176 : vector<16xi32>
    %shift_left3A_178 = arith.constant 3 : i32
    %shift_left3A_179 = vector.broadcast %shift_left3A_178 : i32 to vector<16xi32>
    %shift_left3A_180 = arith.shli %and3A_177, %shift_left3A_179 : vector<16xi32>
    %add3A_181 = arith.addi %and3A_174, %shift_left3A_180 : vector<16xi32>
    %shift_right_logical3A_182 = arith.constant 11 : i32
    %shift_right_logical3A_183 = vector.broadcast %shift_right_logical3A_182 : i32 to vector<16xi32>
    %shift_right_logical3A_184 = arith.shrui %get3A_171, %shift_right_logical3A_183 : vector<16xi32>
    %and3A_185 = arith.constant 7 : i32
    %and3A_186 = vector.broadcast %and3A_185 : i32 to vector<16xi32>
    %and3A_187 = arith.andi %shift_right_logical3A_184, %and3A_186 : vector<16xi32>
    %add3A_188 = arith.addi %add3A_181, %and3A_187 : vector<16xi32>
    %swap3A_189 = arith.index_cast %mul3A_168 : i32 to index
    %swap3A_190 = tpu.vector_load %arg10[%swap3A_189] {strides = array<i32>} : memref<128xi32, #tpu.memory_space<vmem>>, vector<16xi32>,
    %swap3A_191 = vector.shape_cast %swap3A_190 : vector<16xi32> to vector<16xi32>
    %swap3A_192 = vector.shape_cast %add3A_188 : vector<16xi32> to vector<16xi32>
    tpu.vector_store %arg10[%swap3A_189], %swap3A_192 {strides = array<i32>} : memref<128xi32, #tpu.memory_space<vmem>>, vector<16xi32>,
    %scan3A_193 = arith.constant 7 : i32
    %mul3A_194 = arith.constant 16 : i32
    %mul3A_195 = arith.muli %scan3A_193, %mul3A_194 : i32
    %get3A_196 = arith.index_cast %mul3A_195 : i32 to index
    %get3A_197 = tpu.vector_load %arg10[%get3A_196] {strides = array<i32>} : memref<128xi32, #tpu.memory_space<vmem>>, vector<16xi32>,
    %get3A_198 = vector.shape_cast %get3A_197 : vector<16xi32> to vector<16xi32>
    %and3A_199 = arith.constant -16384 : i32
    %and3A_200 = vector.broadcast %and3A_199 : i32 to vector<16xi32>
    %and3A_201 = arith.andi %get3A_198, %and3A_200 : vector<16xi32>
    %and3A_202 = arith.constant 2047 : i32
    %and3A_203 = vector.broadcast %and3A_202 : i32 to vector<16xi32>
    %and3A_204 = arith.andi %get3A_198, %and3A_203 : vector<16xi32>
    %shift_left3A_205 = arith.constant 3 : i32
    %shift_left3A_206 = vector.broadcast %shift_left3A_205 : i32 to vector<16xi32>
    %shift_left3A_207 = arith.shli %and3A_204, %shift_left3A_206 : vector<16xi32>
    %add3A_208 = arith.addi %and3A_201, %shift_left3A_207 : vector<16xi32>
    %shift_right_logical3A_209 = arith.constant 11 : i32
    %shift_right_logical3A_210 = vector.broadcast %shift_right_logical3A_209 : i32 to vector<16xi32>
    %shift_right_logical3A_211 = arith.shrui %get3A_198, %shift_right_logical3A_210 : vector<16xi32>
    %and3A_212 = arith.constant 7 : i32
    %and3A_213 = vector.broadcast %and3A_212 : i32 to vector<16xi32>
    %and3A_214 = arith.andi %shift_right_logical3A_211, %and3A_213 : vector<16xi32>
    %add3A_215 = arith.addi %add3A_208, %and3A_214 : vector<16xi32>
    %swap3A_216 = arith.index_cast %mul3A_195 : i32 to index
    %swap3A_217 = tpu.vector_load %arg10[%swap3A_216] {strides = array<i32>} : memref<128xi32, #tpu.memory_space<vmem>>, vector<16xi32>,
    %swap3A_218 = vector.shape_cast %swap3A_217 : vector<16xi32> to vector<16xi32>
    %swap3A_219 = vector.shape_cast %add3A_215 : vector<16xi32> to vector<16xi32>
    tpu.vector_store %arg10[%swap3A_216], %swap3A_219 {strides = array<i32>} : memref<128xi32, #tpu.memory_space<vmem>>, vector<16xi32>,
    %scan3A_220 = arith.constant 8 : i32
    %scan3A_221 = arith.constant 0 : i32
    %scan3A_222 = arith.constant 0 : i32
    %mul3A_223 = arith.constant 16 : i32
    %mul3A_224 = arith.muli %scan3A_222, %mul3A_223 : i32
    %get3A_225 = arith.index_cast %mul3A_224 : i32 to index
    %get3A_226 = tpu.vector_load %arg11[%get3A_225] {strides = array<i32>} : memref<128xi32, #tpu.memory_space<vmem>>, vector<16xi32>,
    %get3A_227 = vector.shape_cast %get3A_226 : vector<16xi32> to vector<16xi32>
    %and3A_228 = arith.constant -16384 : i32
    %and3A_229 = vector.broadcast %and3A_228 : i32 to vector<16xi32>
    %and3A_230 = arith.andi %get3A_227, %and3A_229 : vector<16xi32>
    %and3A_231 = arith.constant 2047 : i32
    %and3A_232 = vector.broadcast %and3A_231 : i32 to vector<16xi32>
    %and3A_233 = arith.andi %get3A_227, %and3A_232 : vector<16xi32>
    %shift_left3A_234 = arith.constant 3 : i32
    %shift_left3A_235 = vector.broadcast %shift_left3A_234 : i32 to vector<16xi32>
    %shift_left3A_236 = arith.shli %and3A_233, %shift_left3A_235 : vector<16xi32>
    %add3A_237 = arith.addi %and3A_230, %shift_left3A_236 : vector<16xi32>
    %shift_right_logical3A_238 = arith.constant 11 : i32
    %shift_right_logical3A_239 = vector.broadcast %shift_right_logical3A_238 : i32 to vector<16xi32>
    %shift_right_logical3A_240 = arith.shrui %get3A_227, %shift_right_logical3A_239 : vector<16xi32>
    %and3A_241 = arith.constant 7 : i32
    %and3A_242 = vector.broadcast %and3A_241 : i32 to vector<16xi32>
    %and3A_243 = arith.andi %shift_right_logical3A_240, %and3A_242 : vector<16xi32>
    %add3A_244 = arith.addi %add3A_237, %and3A_243 : vector<16xi32>
    %swap3A_245 = arith.index_cast %mul3A_224 : i32 to index
    %swap3A_246 = tpu.vector_load %arg11[%swap3A_245] {strides = array<i32>} : memref<128xi32, #tpu.memory_space<vmem>>, vector<16xi32>,
    %swap3A_247 = vector.shape_cast %swap3A_246 : vector<16xi32> to vector<16xi32>
    %swap3A_248 = vector.shape_cast %add3A_244 : vector<16xi32> to vector<16xi32>
    tpu.vector_store %arg11[%swap3A_245], %swap3A_248 {strides = array<i32>} : memref<128xi32, #tpu.memory_space<vmem>>, vector<16xi32>,
    %scan3A_249 = arith.constant 1 : i32
    %mul3A_250 = arith.constant 16 : i32
    %mul3A_251 = arith.muli %scan3A_249, %mul3A_250 : i32
    %get3A_252 = arith.index_cast %mul3A_251 : i32 to index
    %get3A_253 = tpu.vector_load %arg11[%get3A_252] {strides = array<i32>} : memref<128xi32, #tpu.memory_space<vmem>>, vector<16xi32>,
    %get3A_254 = vector.shape_cast %get3A_253 : vector<16xi32> to vector<16xi32>
    %and3A_255 = arith.constant -16384 : i32
    %and3A_256 = vector.broadcast %and3A_255 : i32 to vector<16xi32>
    %and3A_257 = arith.andi %get3A_254, %and3A_256 : vector<16xi32>
    %and3A_258 = arith.constant 2047 : i32
    %and3A_259 = vector.broadcast %and3A_258 : i32 to vector<16xi32>
    %and3A_260 = arith.andi %get3A_254, %and3A_259 : vector<16xi32>
    %shift_left3A_261 = arith.constant 3 : i32
    %shift_left3A_262 = vector.broadcast %shift_left3A_261 : i32 to vector<16xi32>
    %shift_left3A_263 = arith.shli %and3A_260, %shift_left3A_262 : vector<16xi32>
    %add3A_264 = arith.addi %and3A_257, %shift_left3A_263 : vector<16xi32>
    %shift_right_logical3A_265 = arith.constant 11 : i32
    %shift_right_logical3A_266 = vector.broadcast %shift_right_logical3A_265 : i32 to vector<16xi32>
    %shift_right_logical3A_267 = arith.shrui %get3A_254, %shift_right_logical3A_266 : vector<16xi32>
    %and3A_268 = arith.constant 7 : i32
    %and3A_269 = vector.broadcast %and3A_268 : i32 to vector<16xi32>
    %and3A_270 = arith.andi %shift_right_logical3A_267, %and3A_269 : vector<16xi32>
    %add3A_271 = arith.addi %add3A_264, %and3A_270 : vector<16xi32>
    %swap3A_272 = arith.index_cast %mul3A_251 : i32 to index
    %swap3A_273 = tpu.vector_load %arg11[%swap3A_272] {strides = array<i32>} : memref<128xi32, #tpu.memory_space<vmem>>, vector<16xi32>,
    %swap3A_274 = vector.shape_cast %swap3A_273 : vector<16xi32> to vector<16xi32>
    %swap3A_275 = vector.shape_cast %add3A_271 : vector<16xi32> to vector<16xi32>
    tpu.vector_store %arg11[%swap3A_272], %swap3A_275 {strides = array<i32>} : memref<128xi32, #tpu.memory_space<vmem>>, vector<16xi32>,
    %scan3A_276 = arith.constant 2 : i32
    %mul3A_277 = arith.constant 16 : i32
    %mul3A_278 = arith.muli %scan3A_276, %mul3A_277 : i32
    %get3A_279 = arith.index_cast %mul3A_278 : i32 to index
    %get3A_280 = tpu.vector_load %arg11[%get3A_279] {strides = array<i32>} : memref<128xi32, #tpu.memory_space<vmem>>, vector<16xi32>,
    %get3A_281 = vector.shape_cast %get3A_280 : vector<16xi32> to vector<16xi32>
    %and3A_282 = arith.constant -16384 : i32
    %and3A_283 = vector.broadcast %and3A_282 : i32 to vector<16xi32>
    %and3A_284 = arith.andi %get3A_281, %and3A_283 : vector<16xi32>
    %and3A_285 = arith.constant 2047 : i32
    %and3A_286 = vector.broadcast %and3A_285 : i32 to vector<16xi32>
    %and3A_287 = arith.andi %get3A_281, %and3A_286 : vector<16xi32>
    %shift_left3A_288 = arith.constant 3 : i32
    %shift_left3A_289 = vector.broadcast %shift_left3A_288 : i32 to vector<16xi32>
    %shift_left3A_290 = arith.shli %and3A_287, %shift_left3A_289 : vector<16xi32>
    %add3A_291 = arith.addi %and3A_284, %shift_left3A_290 : vector<16xi32>
    %shift_right_logical3A_292 = arith.constant 11 : i32
    %shift_right_logical3A_293 = vector.broadcast %shift_right_logical3A_292 : i32 to vector<16xi32>
    %shift_right_logical3A_294 = arith.shrui %get3A_281, %shift_right_logical3A_293 : vector<16xi32>
    %and3A_295 = arith.constant 7 : i32
    %and3A_296 = vector.broadcast %and3A_295 : i32 to vector<16xi32>
    %and3A_297 = arith.andi %shift_right_logical3A_294, %and3A_296 : vector<16xi32>
    %add3A_298 = arith.addi %add3A_291, %and3A_297 : vector<16xi32>
    %swap3A_299 = arith.index_cast %mul3A_278 : i32 to index
    %swap3A_300 = tpu.vector_load %arg11[%swap3A_299] {strides = array<i32>} : memref<128xi32, #tpu.memory_space<vmem>>, vector<16xi32>,
    %swap3A_301 = vector.shape_cast %swap3A_300 : vector<16xi32> to vector<16xi32>
    %swap3A_302 = vector.shape_cast %add3A_298 : vector<16xi32> to vector<16xi32>
    tpu.vector_store %arg11[%swap3A_299], %swap3A_302 {strides = array<i32>} : memref<128xi32, #tpu.memory_space<vmem>>, vector<16xi32>,
    %scan3A_303 = arith.constant 3 : i32
    %mul3A_304 = arith.constant 16 : i32
    %mul3A_305 = arith.muli %scan3A_303, %mul3A_304 : i32
    %get3A_306 = arith.index_cast %mul3A_305 : i32 to index
    %get3A_307 = tpu.vector_load %arg11[%get3A_306] {strides = array<i32>} : memref<128xi32, #tpu.memory_space<vmem>>, vector<16xi32>,
    %get3A_308 = vector.shape_cast %get3A_307 : vector<16xi32> to vector<16xi32>
    %and3A_309 = arith.constant -16384 : i32
    %and3A_310 = vector.broadcast %and3A_309 : i32 to vector<16xi32>
    %and3A_311 = arith.andi %get3A_308, %and3A_310 : vector<16xi32>
    %and3A_312 = arith.constant 2047 : i32
    %and3A_313 = vector.broadcast %and3A_312 : i32 to vector<16xi32>
    %and3A_314 = arith.andi %get3A_308, %and3A_313 : vector<16xi32>
    %shift_left3A_315 = arith.constant 3 : i32
    %shift_left3A_316 = vector.broadcast %shift_left3A_315 : i32 to vector<16xi32>
    %shift_left3A_317 = arith.shli %and3A_314, %shift_left3A_316 : vector<16xi32>
    %add3A_318 = arith.addi %and3A_311, %shift_left3A_317 : vector<16xi32>
    %shift_right_logical3A_319 = arith.constant 11 : i32
    %shift_right_logical3A_320 = vector.broadcast %shift_right_logical3A_319 : i32 to vector<16xi32>
    %shift_right_logical3A_321 = arith.shrui %get3A_308, %shift_right_logical3A_320 : vector<16xi32>
    %and3A_322 = arith.constant 7 : i32
    %and3A_323 = vector.broadcast %and3A_322 : i32 to vector<16xi32>
    %and3A_324 = arith.andi %shift_right_logical3A_321, %and3A_323 : vector<16xi32>
    %add3A_325 = arith.addi %add3A_318, %and3A_324 : vector<16xi32>
    %swap3A_326 = arith.index_cast %mul3A_305 : i32 to index
    %swap3A_327 = tpu.vector_load %arg11[%swap3A_326] {strides = array<i32>} : memref<128xi32, #tpu.memory_space<vmem>>, vector<16xi32>,
    %swap3A_328 = vector.shape_cast %swap3A_327 : vector<16xi32> to vector<16xi32>
    %swap3A_329 = vector.shape_cast %add3A_325 : vector<16xi32> to vector<16xi32>
    tpu.vector_store %arg11[%swap3A_326], %swap3A_329 {strides = array<i32>} : memref<128xi32, #tpu.memory_space<vmem>>, vector<16xi32>,
    %scan3A_330 = arith.constant 4 : i32
    %mul3A_331 = arith.constant 16 : i32
    %mul3A_332 = arith.muli %scan3A_330, %mul3A_331 : i32
    %get3A_333 = arith.index_cast %mul3A_332 : i32 to index
    %get3A_334 = tpu.vector_load %arg11[%get3A_333] {strides = array<i32>} : memref<128xi32, #tpu.memory_space<vmem>>, vector<16xi32>,
    %get3A_335 = vector.shape_cast %get3A_334 : vector<16xi32> to vector<16xi32>
    %and3A_336 = arith.constant -16384 : i32
    %and3A_337 = vector.broadcast %and3A_336 : i32 to vector<16xi32>
    %and3A_338 = arith.andi %get3A_335, %and3A_337 : vector<16xi32>
    %and3A_339 = arith.constant 2047 : i32
    %and3A_340 = vector.broadcast %and3A_339 : i32 to vector<16xi32>
    %and3A_341 = arith.andi %get3A_335, %and3A_340 : vector<16xi32>
    %shift_left3A_342 = arith.constant 3 : i32
    %shift_left3A_343 = vector.broadcast %shift_left3A_342 : i32 to vector<16xi32>
    %shift_left3A_344 = arith.shli %and3A_341, %shift_left3A_343 : vector<16xi32>
    %add3A_345 = arith.addi %and3A_338, %shift_left3A_344 : vector<16xi32>
    %shift_right_logical3A_346 = arith.constant 11 : i32
    %shift_right_logical3A_347 = vector.broadcast %shift_right_logical3A_346 : i32 to vector<16xi32>
    %shift_right_logical3A_348 = arith.shrui %get3A_335, %shift_right_logical3A_347 : vector<16xi32>
    %and3A_349 = arith.constant 7 : i32
    %and3A_350 = vector.broadcast %and3A_349 : i32 to vector<16xi32>
    %and3A_351 = arith.andi %shift_right_logical3A_348, %and3A_350 : vector<16xi32>
    %add3A_352 = arith.addi %add3A_345, %and3A_351 : vector<16xi32>
    %swap3A_353 = arith.index_cast %mul3A_332 : i32 to index
    %swap3A_354 = tpu.vector_load %arg11[%swap3A_353] {strides = array<i32>} : memref<128xi32, #tpu.memory_space<vmem>>, vector<16xi32>,
    %swap3A_355 = vector.shape_cast %swap3A_354 : vector<16xi32> to vector<16xi32>
    %swap3A_356 = vector.shape_cast %add3A_352 : vector<16xi32> to vector<16xi32>
    tpu.vector_store %arg11[%swap3A_353], %swap3A_356 {strides = array<i32>} : memref<128xi32, #tpu.memory_space<vmem>>, vector<16xi32>,
    %scan3A_357 = arith.constant 5 : i32
    %mul3A_358 = arith.constant 16 : i32
    %mul3A_359 = arith.muli %scan3A_357, %mul3A_358 : i32
    %get3A_360 = arith.index_cast %mul3A_359 : i32 to index
    %get3A_361 = tpu.vector_load %arg11[%get3A_360] {strides = array<i32>} : memref<128xi32, #tpu.memory_space<vmem>>, vector<16xi32>,
    %get3A_362 = vector.shape_cast %get3A_361 : vector<16xi32> to vector<16xi32>
    %and3A_363 = arith.constant -16384 : i32
    %and3A_364 = vector.broadcast %and3A_363 : i32 to vector<16xi32>
    %and3A_365 = arith.andi %get3A_362, %and3A_364 : vector<16xi32>
    %and3A_366 = arith.constant 2047 : i32
    %and3A_367 = vector.broadcast %and3A_366 : i32 to vector<16xi32>
    %and3A_368 = arith.andi %get3A_362, %and3A_367 : vector<16xi32>
    %shift_left3A_369 = arith.constant 3 : i32
    %shift_left3A_370 = vector.broadcast %shift_left3A_369 : i32 to vector<16xi32>
    %shift_left3A_371 = arith.shli %and3A_368, %shift_left3A_370 : vector<16xi32>
    %add3A_372 = arith.addi %and3A_365, %shift_left3A_371 : vector<16xi32>
    %shift_right_logical3A_373 = arith.constant 11 : i32
    %shift_right_logical3A_374 = vector.broadcast %shift_right_logical3A_373 : i32 to vector<16xi32>
    %shift_right_logical3A_375 = arith.shrui %get3A_362, %shift_right_logical3A_374 : vector<16xi32>
    %and3A_376 = arith.constant 7 : i32
    %and3A_377 = vector.broadcast %and3A_376 : i32 to vector<16xi32>
    %and3A_378 = arith.andi %shift_right_logical3A_375, %and3A_377 : vector<16xi32>
    %add3A_379 = arith.addi %add3A_372, %and3A_378 : vector<16xi32>
    %swap3A_380 = arith.index_cast %mul3A_359 : i32 to index
    %swap3A_381 = tpu.vector_load %arg11[%swap3A_380] {strides = array<i32>} : memref<128xi32, #tpu.memory_space<vmem>>, vector<16xi32>,
    %swap3A_382 = vector.shape_cast %swap3A_381 : vector<16xi32> to vector<16xi32>
    %swap3A_383 = vector.shape_cast %add3A_379 : vector<16xi32> to vector<16xi32>
    tpu.vector_store %arg11[%swap3A_380], %swap3A_383 {strides = array<i32>} : memref<128xi32, #tpu.memory_space<vmem>>, vector<16xi32>,
    %scan3A_384 = arith.constant 6 : i32
    %mul3A_385 = arith.constant 16 : i32
    %mul3A_386 = arith.muli %scan3A_384, %mul3A_385 : i32
    %get3A_387 = arith.index_cast %mul3A_386 : i32 to index
    %get3A_388 = tpu.vector_load %arg11[%get3A_387] {strides = array<i32>} : memref<128xi32, #tpu.memory_space<vmem>>, vector<16xi32>,
    %get3A_389 = vector.shape_cast %get3A_388 : vector<16xi32> to vector<16xi32>
    %and3A_390 = arith.constant -16384 : i32
    %and3A_391 = vector.broadcast %and3A_390 : i32 to vector<16xi32>
    %and3A_392 = arith.andi %get3A_389, %and3A_391 : vector<16xi32>
    %and3A_393 = arith.constant 2047 : i32
    %and3A_394 = vector.broadcast %and3A_393 : i32 to vector<16xi32>
    %and3A_395 = arith.andi %get3A_389, %and3A_394 : vector<16xi32>
    %shift_left3A_396 = arith.constant 3 : i32
    %shift_left3A_397 = vector.broadcast %shift_left3A_396 : i32 to vector<16xi32>
    %shift_left3A_398 = arith.shli %and3A_395, %shift_left3A_397 : vector<16xi32>
    %add3A_399 = arith.addi %and3A_392, %shift_left3A_398 : vector<16xi32>
    %shift_right_logical3A_400 = arith.constant 11 : i32
    %shift_right_logical3A_401 = vector.broadcast %shift_right_logical3A_400 : i32 to vector<16xi32>
    %shift_right_logical3A_402 = arith.shrui %get3A_389, %shift_right_logical3A_401 : vector<16xi32>
    %and3A_403 = arith.constant 7 : i32
    %and3A_404 = vector.broadcast %and3A_403 : i32 to vector<16xi32>
    %and3A_405 = arith.andi %shift_right_logical3A_402, %and3A_404 : vector<16xi32>
    %add3A_406 = arith.addi %add3A_399, %and3A_405 : vector<16xi32>
    %swap3A_407 = arith.index_cast %mul3A_386 : i32 to index
    %swap3A_408 = tpu.vector_load %arg11[%swap3A_407] {strides = array<i32>} : memref<128xi32, #tpu.memory_space<vmem>>, vector<16xi32>,
    %swap3A_409 = vector.shape_cast %swap3A_408 : vector<16xi32> to vector<16xi32>
    %swap3A_410 = vector.shape_cast %add3A_406 : vector<16xi32> to vector<16xi32>
    tpu.vector_store %arg11[%swap3A_407], %swap3A_410 {strides = array<i32>} : memref<128xi32, #tpu.memory_space<vmem>>, vector<16xi32>,
    %scan3A_411 = arith.constant 7 : i32
    %mul3A_412 = arith.constant 16 : i32
    %mul3A_413 = arith.muli %scan3A_411, %mul3A_412 : i32
    %get3A_414 = arith.index_cast %mul3A_413 : i32 to index
    %get3A_415 = tpu.vector_load %arg11[%get3A_414] {strides = array<i32>} : memref<128xi32, #tpu.memory_space<vmem>>, vector<16xi32>,
    %get3A_416 = vector.shape_cast %get3A_415 : vector<16xi32> to vector<16xi32>
    %and3A_417 = arith.constant -16384 : i32
    %and3A_418 = vector.broadcast %and3A_417 : i32 to vector<16xi32>
    %and3A_419 = arith.andi %get3A_416, %and3A_418 : vector<16xi32>
    %and3A_420 = arith.constant 2047 : i32
    %and3A_421 = vector.broadcast %and3A_420 : i32 to vector<16xi32>
    %and3A_422 = arith.andi %get3A_416, %and3A_421 : vector<16xi32>
    %shift_left3A_423 = arith.constant 3 : i32
    %shift_left3A_424 = vector.broadcast %shift_left3A_423 : i32 to vector<16xi32>
    %shift_left3A_425 = arith.shli %and3A_422, %shift_left3A_424 : vector<16xi32>
    %add3A_426 = arith.addi %and3A_419, %shift_left3A_425 : vector<16xi32>
    %shift_right_logical3A_427 = arith.constant 11 : i32
    %shift_right_logical3A_428 = vector.broadcast %shift_right_logical3A_427 : i32 to vector<16xi32>
    %shift_right_logical3A_429 = arith.shrui %get3A_416, %shift_right_logical3A_428 : vector<16xi32>
    %and3A_430 = arith.constant 7 : i32
    %and3A_431 = vector.broadcast %and3A_430 : i32 to vector<16xi32>
    %and3A_432 = arith.andi %shift_right_logical3A_429, %and3A_431 : vector<16xi32>
    %add3A_433 = arith.addi %add3A_426, %and3A_432 : vector<16xi32>
    %swap3A_434 = arith.index_cast %mul3A_413 : i32 to index
    %swap3A_435 = tpu.vector_load %arg11[%swap3A_434] {strides = array<i32>} : memref<128xi32, #tpu.memory_space<vmem>>, vector<16xi32>,
    %swap3A_436 = vector.shape_cast %swap3A_435 : vector<16xi32> to vector<16xi32>
    %swap3A_437 = vector.shape_cast %add3A_433 : vector<16xi32> to vector<16xi32>
    tpu.vector_store %arg11[%swap3A_434], %swap3A_437 {strides = array<i32>} : memref<128xi32, #tpu.memory_space<vmem>>, vector<16xi32>,
    %scan3A_438 = arith.constant 8 : i32
    %dma_start3A = arith.constant 0 : i32
    %dma_start3A_439 = arith.constant 0 : i32
    %dma_start3A_440 = tpu.memref_slice %arg5[%dma_start3A, %dma_start3A_439] : memref<114688x16xf32, #tpu.memory_space<hbm>> -> memref<114688x16xf32, #tpu.memory_space<hbm>>
    tpu.enqueue_indirect_dma source(%dma_start3A_440 : memref<114688x16xf32, #tpu.memory_space<hbm>>) target(%arg14 : memref<128x16xf32, #tpu.memory_space<vmem>>) offsets(%arg10 : memref<128xi32, #tpu.memory_space<vmem>>) semaphore(%arg18 : memref<!tpu.dma_semaphore, #tpu.memory_space<semaphore_mem>>)
    %dma_start3A_441 = arith.constant 0 : i32
    %dma_start3A_442 = arith.constant 0 : i32
    %dma_start3A_443 = tpu.memref_slice %arg6[%dma_start3A_441, %dma_start3A_442] : memref<1015808x16xf32, #tpu.memory_space<hbm>> -> memref<1015808x16xf32, #tpu.memory_space<hbm>>
    tpu.enqueue_indirect_dma source(%dma_start3A_443 : memref<1015808x16xf32, #tpu.memory_space<hbm>>) target(%arg15 : memref<128x16xf32, #tpu.memory_space<vmem>>) offsets(%arg11 : memref<128xi32, #tpu.memory_space<vmem>>) semaphore(%arg19 : memref<!tpu.dma_semaphore, #tpu.memory_space<semaphore_mem>>)
    %dma_start3A_444 = arith.constant 1 : i32
    %dma_start3A_445 = arith.constant 0 : i32
    %dma_start3A_446 = tpu.memref_slice %arg4[%dma_start3A_444, %dma_start3A_445] : memref<2x2000000xi32, #tpu.memory_space<hbm>> -> memref<1x2000000xi32, #tpu.memory_space<hbm>>
    %dma_start3A_447 = tpu.memref_squeeze %dma_start3A_446 : memref<1x2000000xi32, #tpu.memory_space<hbm>> -> memref<2000000xi32, #tpu.memory_space<hbm>>
    %dma_start3A_448 = arith.constant 0 : i32
    %dma_start3A_449 = tpu.memref_slice %dma_start3A_447[%dma_start3A_448] : memref<2000000xi32, #tpu.memory_space<hbm>> -> memref<2000000xi32, #tpu.memory_space<hbm>>
    tpu.enqueue_indirect_dma source(%dma_start3A_449 : memref<2000000xi32, #tpu.memory_space<hbm>>) target(%arg13 : memref<2560xi32, #tpu.memory_space<vmem>>) offsets(%arg12 : memref<2560xi32, #tpu.memory_space<vmem>>) semaphore(%arg17 : memref<!tpu.dma_semaphore, #tpu.memory_space<semaphore_mem>>)
    %dma_wait3A = arith.constant 1 : i32
    %dma_wait3A_450 = arith.constant 0 : i32
    %dma_wait3A_451 = tpu.memref_slice %arg4[%dma_wait3A, %dma_wait3A_450] : memref<2x2000000xi32, #tpu.memory_space<hbm>> -> memref<1x2000000xi32, #tpu.memory_space<hbm>>
    %dma_wait3A_452 = tpu.memref_squeeze %dma_wait3A_451 : memref<1x2000000xi32, #tpu.memory_space<hbm>> -> memref<2000000xi32, #tpu.memory_space<hbm>>
    %dma_wait3A_453 = arith.constant 0 : i32
    %dma_wait3A_454 = tpu.memref_slice %dma_wait3A_452[%dma_wait3A_453] : memref<2000000xi32, #tpu.memory_space<hbm>> -> memref<2000000xi32, #tpu.memory_space<hbm>>
    tpu.wait_indirect_dma semaphore(%arg17 : memref<!tpu.dma_semaphore, #tpu.memory_space<semaphore_mem>>) src(%dma_wait3A_454 : memref<2000000xi32, #tpu.memory_space<hbm>>) dst(%arg13 : memref<2560xi32, #tpu.memory_space<vmem>>)
    %scan3A_455 = arith.constant 0 : i32
    %scan3A_456 = arith.constant 0 : i32
    %mul3A_457 = arith.constant 16 : i32
    %mul3A_458 = arith.muli %scan3A_456, %mul3A_457 : i32
    %get3A_459 = arith.index_cast %mul3A_458 : i32 to index
    %get3A_460 = tpu.vector_load %arg13[%get3A_459] {strides = array<i32>} : memref<2560xi32, #tpu.memory_space<vmem>>, vector<16xi32>,
    %get3A_461 = vector.shape_cast %get3A_460 : vector<16xi32> to vector<16xi32>
    %and3A_462 = arith.constant -16384 : i32
    %and3A_463 = vector.broadcast %and3A_462 : i32 to vector<16xi32>
    %and3A_464 = arith.andi %get3A_461, %and3A_463 : vector<16xi32>
    %and3A_465 = arith.constant 2047 : i32
    %and3A_466 = vector.broadcast %and3A_465 : i32 to vector<16xi32>
    %and3A_467 = arith.andi %get3A_461, %and3A_466 : vector<16xi32>
    %shift_left3A_468 = arith.constant 3 : i32
    %shift_left3A_469 = vector.broadcast %shift_left3A_468 : i32 to vector<16xi32>
    %shift_left3A_470 = arith.shli %and3A_467, %shift_left3A_469 : vector<16xi32>
    %add3A_471 = arith.addi %and3A_464, %shift_left3A_470 : vector<16xi32>
    %shift_right_logical3A_472 = arith.constant 11 : i32
    %shift_right_logical3A_473 = vector.broadcast %shift_right_logical3A_472 : i32 to vector<16xi32>
    %shift_right_logical3A_474 = arith.shrui %get3A_461, %shift_right_logical3A_473 : vector<16xi32>
    %and3A_475 = arith.constant 7 : i32
    %and3A_476 = vector.broadcast %and3A_475 : i32 to vector<16xi32>
    %and3A_477 = arith.andi %shift_right_logical3A_474, %and3A_476 : vector<16xi32>
    %add3A_478 = arith.addi %add3A_471, %and3A_477 : vector<16xi32>
    %swap3A_479 = arith.index_cast %mul3A_458 : i32 to index
    %swap3A_480 = tpu.vector_load %arg13[%swap3A_479] {strides = array<i32>} : memref<2560xi32, #tpu.memory_space<vmem>>, vector<16xi32>,
    %swap3A_481 = vector.shape_cast %swap3A_480 : vector<16xi32> to vector<16xi32>
    %swap3A_482 = vector.shape_cast %add3A_478 : vector<16xi32> to vector<16xi32>
    tpu.vector_store %arg13[%swap3A_479], %swap3A_482 {strides = array<i32>} : memref<2560xi32, #tpu.memory_space<vmem>>, vector<16xi32>,
    %scan3A_483 = arith.constant 1 : i32
    %mul3A_484 = arith.constant 16 : i32
    %mul3A_485 = arith.muli %scan3A_483, %mul3A_484 : i32
    %get3A_486 = arith.index_cast %mul3A_485 : i32 to index
    %get3A_487 = tpu.vector_load %arg13[%get3A_486] {strides = array<i32>} : memref<2560xi32, #tpu.memory_space<vmem>>, vector<16xi32>,
    %get3A_488 = vector.shape_cast %get3A_487 : vector<16xi32> to vector<16xi32>
    %and3A_489 = arith.constant -16384 : i32
    %and3A_490 = vector.broadcast %and3A_489 : i32 to vector<16xi32>
    %and3A_491 = arith.andi %get3A_488, %and3A_490 : vector<16xi32>
    %and3A_492 = arith.constant 2047 : i32
    %and3A_493 = vector.broadcast %and3A_492 : i32 to vector<16xi32>
    %and3A_494 = arith.andi %get3A_488, %and3A_493 : vector<16xi32>
    %shift_left3A_495 = arith.constant 3 : i32
    %shift_left3A_496 = vector.broadcast %shift_left3A_495 : i32 to vector<16xi32>
    %shift_left3A_497 = arith.shli %and3A_494, %shift_left3A_496 : vector<16xi32>
    %add3A_498 = arith.addi %and3A_491, %shift_left3A_497 : vector<16xi32>
    %shift_right_logical3A_499 = arith.constant 11 : i32
    %shift_right_logical3A_500 = vector.broadcast %shift_right_logical3A_499 : i32 to vector<16xi32>
    %shift_right_logical3A_501 = arith.shrui %get3A_488, %shift_right_logical3A_500 : vector<16xi32>
    %and3A_502 = arith.constant 7 : i32
    %and3A_503 = vector.broadcast %and3A_502 : i32 to vector<16xi32>
    %and3A_504 = arith.andi %shift_right_logical3A_501, %and3A_503 : vector<16xi32>
    %add3A_505 = arith.addi %add3A_498, %and3A_504 : vector<16xi32>
    %swap3A_506 = arith.index_cast %mul3A_485 : i32 to index
    %swap3A_507 = tpu.vector_load %arg13[%swap3A_506] {strides = array<i32>} : memref<2560xi32, #tpu.memory_space<vmem>>, vector<16xi32>,
    %swap3A_508 = vector.shape_cast %swap3A_507 : vector<16xi32> to vector<16xi32>
    %swap3A_509 = vector.shape_cast %add3A_505 : vector<16xi32> to vector<16xi32>
    tpu.vector_store %arg13[%swap3A_506], %swap3A_509 {strides = array<i32>} : memref<2560xi32, #tpu.memory_space<vmem>>, vector<16xi32>,
    %scan3A_510 = arith.constant 2 : i32
    %mul3A_511 = arith.constant 16 : i32
    %mul3A_512 = arith.muli %scan3A_510, %mul3A_511 : i32
    %get3A_513 = arith.index_cast %mul3A_512 : i32 to index
    %get3A_514 = tpu.vector_load %arg13[%get3A_513] {strides = array<i32>} : memref<2560xi32, #tpu.memory_space<vmem>>, vector<16xi32>,
    %get3A_515 = vector.shape_cast %get3A_514 : vector<16xi32> to vector<16xi32>
    %and3A_516 = arith.constant -16384 : i32
    %and3A_517 = vector.broadcast %and3A_516 : i32 to vector<16xi32>
    %and3A_518 = arith.andi %get3A_515, %and3A_517 : vector<16xi32>
    %and3A_519 = arith.constant 2047 : i32
    %and3A_520 = vector.broadcast %and3A_519 : i32 to vector<16xi32>
    %and3A_521 = arith.andi %get3A_515, %and3A_520 : vector<16xi32>
    %shift_left3A_522 = arith.constant 3 : i32
    %shift_left3A_523 = vector.broadcast %shift_left3A_522 : i32 to vector<16xi32>
    %shift_left3A_524 = arith.shli %and3A_521, %shift_left3A_523 : vector<16xi32>
    %add3A_525 = arith.addi %and3A_518, %shift_left3A_524 : vector<16xi32>
    %shift_right_logical3A_526 = arith.constant 11 : i32
    %shift_right_logical3A_527 = vector.broadcast %shift_right_logical3A_526 : i32 to vector<16xi32>
    %shift_right_logical3A_528 = arith.shrui %get3A_515, %shift_right_logical3A_527 : vector<16xi32>
    %and3A_529 = arith.constant 7 : i32
    %and3A_530 = vector.broadcast %and3A_529 : i32 to vector<16xi32>
    %and3A_531 = arith.andi %shift_right_logical3A_528, %and3A_530 : vector<16xi32>
    %add3A_532 = arith.addi %add3A_525, %and3A_531 : vector<16xi32>
    %swap3A_533 = arith.index_cast %mul3A_512 : i32 to index
    %swap3A_534 = tpu.vector_load %arg13[%swap3A_533] {strides = array<i32>} : memref<2560xi32, #tpu.memory_space<vmem>>, vector<16xi32>,
    %swap3A_535 = vector.shape_cast %swap3A_534 : vector<16xi32> to vector<16xi32>
    %swap3A_536 = vector.shape_cast %add3A_532 : vector<16xi32> to vector<16xi32>
    tpu.vector_store %arg13[%swap3A_533], %swap3A_536 {strides = array<i32>} : memref<2560xi32, #tpu.memory_space<vmem>>, vector<16xi32>,
    %scan3A_537 = arith.constant 3 : i32
    %mul3A_538 = arith.constant 16 : i32
    %mul3A_539 = arith.muli %scan3A_537, %mul3A_538 : i32
    %get3A_540 = arith.index_cast %mul3A_539 : i32 to index
    %get3A_541 = tpu.vector_load %arg13[%get3A_540] {strides = array<i32>} : memref<2560xi32, #tpu.memory_space<vmem>>, vector<16xi32>,
    %get3A_542 = vector.shape_cast %get3A_541 : vector<16xi32> to vector<16xi32>
    %and3A_543 = arith.constant -16384 : i32
    %and3A_544 = vector.broadcast %and3A_543 : i32 to vector<16xi32>
    %and3A_545 = arith.andi %get3A_542, %and3A_544 : vector<16xi32>
    %and3A_546 = arith.constant 2047 : i32
    %and3A_547 = vector.broadcast %and3A_546 : i32 to vector<16xi32>
    %and3A_548 = arith.andi %get3A_542, %and3A_547 : vector<16xi32>
    %shift_left3A_549 = arith.constant 3 : i32
    %shift_left3A_550 = vector.broadcast %shift_left3A_549 : i32 to vector<16xi32>
    %shift_left3A_551 = arith.shli %and3A_548, %shift_left3A_550 : vector<16xi32>
    %add3A_552 = arith.addi %and3A_545, %shift_left3A_551 : vector<16xi32>
    %shift_right_logical3A_553 = arith.constant 11 : i32
    %shift_right_logical3A_554 = vector.broadcast %shift_right_logical3A_553 : i32 to vector<16xi32>
    %shift_right_logical3A_555 = arith.shrui %get3A_542, %shift_right_logical3A_554 : vector<16xi32>
    %and3A_556 = arith.constant 7 : i32
    %and3A_557 = vector.broadcast %and3A_556 : i32 to vector<16xi32>
    %and3A_558 = arith.andi %shift_right_logical3A_555, %and3A_557 : vector<16xi32>
    %add3A_559 = arith.addi %add3A_552, %and3A_558 : vector<16xi32>
    %swap3A_560 = arith.index_cast %mul3A_539 : i32 to index
    %swap3A_561 = tpu.vector_load %arg13[%swap3A_560] {strides = array<i32>} : memref<2560xi32, #tpu.memory_space<vmem>>, vector<16xi32>,
    %swap3A_562 = vector.shape_cast %swap3A_561 : vector<16xi32> to vector<16xi32>
    %swap3A_563 = vector.shape_cast %add3A_559 : vector<16xi32> to vector<16xi32>
    tpu.vector_store %arg13[%swap3A_560], %swap3A_563 {strides = array<i32>} : memref<2560xi32, #tpu.memory_space<vmem>>, vector<16xi32>,
    %scan3A_564 = arith.constant 4 : i32
    %mul3A_565 = arith.constant 16 : i32
    %mul3A_566 = arith.muli %scan3A_564, %mul3A_565 : i32
    %get3A_567 = arith.index_cast %mul3A_566 : i32 to index
    %get3A_568 = tpu.vector_load %arg13[%get3A_567] {strides = array<i32>} : memref<2560xi32, #tpu.memory_space<vmem>>, vector<16xi32>,
    %get3A_569 = vector.shape_cast %get3A_568 : vector<16xi32> to vector<16xi32>
    %and3A_570 = arith.constant -16384 : i32
    %and3A_571 = vector.broadcast %and3A_570 : i32 to vector<16xi32>
    %and3A_572 = arith.andi %get3A_569, %and3A_571 : vector<16xi32>
    %and3A_573 = arith.constant 2047 : i32
    %and3A_574 = vector.broadcast %and3A_573 : i32 to vector<16xi32>
    %and3A_575 = arith.andi %get3A_569, %and3A_574 : vector<16xi32>
    %shift_left3A_576 = arith.constant 3 : i32
    %shift_left3A_577 = vector.broadcast %shift_left3A_576 : i32 to vector<16xi32>
    %shift_left3A_578 = arith.shli %and3A_575, %shift_left3A_577 : vector<16xi32>
    %add3A_579 = arith.addi %and3A_572, %shift_left3A_578 : vector<16xi32>
    %shift_right_logical3A_580 = arith.constant 11 : i32
    %shift_right_logical3A_581 = vector.broadcast %shift_right_logical3A_580 : i32 to vector<16xi32>
    %shift_right_logical3A_582 = arith.shrui %get3A_569, %shift_right_logical3A_581 : vector<16xi32>
    %and3A_583 = arith.constant 7 : i32
    %and3A_584 = vector.broadcast %and3A_583 : i32 to vector<16xi32>
    %and3A_585 = arith.andi %shift_right_logical3A_582, %and3A_584 : vector<16xi32>
    %add3A_586 = arith.addi %add3A_579, %and3A_585 : vector<16xi32>
    %swap3A_587 = arith.index_cast %mul3A_566 : i32 to index
    %swap3A_588 = tpu.vector_load %arg13[%swap3A_587] {strides = array<i32>} : memref<2560xi32, #tpu.memory_space<vmem>>, vector<16xi32>,
    %swap3A_589 = vector.shape_cast %swap3A_588 : vector<16xi32> to vector<16xi32>
    %swap3A_590 = vector.shape_cast %add3A_586 : vector<16xi32> to vector<16xi32>
    tpu.vector_store %arg13[%swap3A_587], %swap3A_590 {strides = array<i32>} : memref<2560xi32, #tpu.memory_space<vmem>>, vector<16xi32>,
    %scan3A_591 = arith.constant 5 : i32
    %mul3A_592 = arith.constant 16 : i32
    %mul3A_593 = arith.muli %scan3A_591, %mul3A_592 : i32
    %get3A_594 = arith.index_cast %mul3A_593 : i32 to index
    %get3A_595 = tpu.vector_load %arg13[%get3A_594] {strides = array<i32>} : memref<2560xi32, #tpu.memory_space<vmem>>, vector<16xi32>,
    %get3A_596 = vector.shape_cast %get3A_595 : vector<16xi32> to vector<16xi32>
    %and3A_597 = arith.constant -16384 : i32
    %and3A_598 = vector.broadcast %and3A_597 : i32 to vector<16xi32>
    %and3A_599 = arith.andi %get3A_596, %and3A_598 : vector<16xi32>
    %and3A_600 = arith.constant 2047 : i32
    %and3A_601 = vector.broadcast %and3A_600 : i32 to vector<16xi32>
    %and3A_602 = arith.andi %get3A_596, %and3A_601 : vector<16xi32>
    %shift_left3A_603 = arith.constant 3 : i32
    %shift_left3A_604 = vector.broadcast %shift_left3A_603 : i32 to vector<16xi32>
    %shift_left3A_605 = arith.shli %and3A_602, %shift_left3A_604 : vector<16xi32>
    %add3A_606 = arith.addi %and3A_599, %shift_left3A_605 : vector<16xi32>
    %shift_right_logical3A_607 = arith.constant 11 : i32
    %shift_right_logical3A_608 = vector.broadcast %shift_right_logical3A_607 : i32 to vector<16xi32>
    %shift_right_logical3A_609 = arith.shrui %get3A_596, %shift_right_logical3A_608 : vector<16xi32>
    %and3A_610 = arith.constant 7 : i32
    %and3A_611 = vector.broadcast %and3A_610 : i32 to vector<16xi32>
    %and3A_612 = arith.andi %shift_right_logical3A_609, %and3A_611 : vector<16xi32>
    %add3A_613 = arith.addi %add3A_606, %and3A_612 : vector<16xi32>
    %swap3A_614 = arith.index_cast %mul3A_593 : i32 to index
    %swap3A_615 = tpu.vector_load %arg13[%swap3A_614] {strides = array<i32>} : memref<2560xi32, #tpu.memory_space<vmem>>, vector<16xi32>,
    %swap3A_616 = vector.shape_cast %swap3A_615 : vector<16xi32> to vector<16xi32>
    %swap3A_617 = vector.shape_cast %add3A_613 : vector<16xi32> to vector<16xi32>
    tpu.vector_store %arg13[%swap3A_614], %swap3A_617 {strides = array<i32>} : memref<2560xi32, #tpu.memory_space<vmem>>, vector<16xi32>,
    %scan3A_618 = arith.constant 6 : i32
    %mul3A_619 = arith.constant 16 : i32
    %mul3A_620 = arith.muli %scan3A_618, %mul3A_619 : i32
    %get3A_621 = arith.index_cast %mul3A_620 : i32 to index
    %get3A_622 = tpu.vector_load %arg13[%get3A_621] {strides = array<i32>} : memref<2560xi32, #tpu.memory_space<vmem>>, vector<16xi32>,
    %get3A_623 = vector.shape_cast %get3A_622 : vector<16xi32> to vector<16xi32>
    %and3A_624 = arith.constant -16384 : i32
    %and3A_625 = vector.broadcast %and3A_624 : i32 to vector<16xi32>
    %and3A_626 = arith.andi %get3A_623, %and3A_625 : vector<16xi32>
    %and3A_627 = arith.constant 2047 : i32
    %and3A_628 = vector.broadcast %and3A_627 : i32 to vector<16xi32>
    %and3A_629 = arith.andi %get3A_623, %and3A_628 : vector<16xi32>
    %shift_left3A_630 = arith.constant 3 : i32
    %shift_left3A_631 = vector.broadcast %shift_left3A_630 : i32 to vector<16xi32>
    %shift_left3A_632 = arith.shli %and3A_629, %shift_left3A_631 : vector<16xi32>
    %add3A_633 = arith.addi %and3A_626, %shift_left3A_632 : vector<16xi32>
    %shift_right_logical3A_634 = arith.constant 11 : i32
    %shift_right_logical3A_635 = vector.broadcast %shift_right_logical3A_634 : i32 to vector<16xi32>
    %shift_right_logical3A_636 = arith.shrui %get3A_623, %shift_right_logical3A_635 : vector<16xi32>
    %and3A_637 = arith.constant 7 : i32
    %and3A_638 = vector.broadcast %and3A_637 : i32 to vector<16xi32>
    %and3A_639 = arith.andi %shift_right_logical3A_636, %and3A_638 : vector<16xi32>
    %add3A_640 = arith.addi %add3A_633, %and3A_639 : vector<16xi32>
    %swap3A_641 = arith.index_cast %mul3A_620 : i32 to index
    %swap3A_642 = tpu.vector_load %arg13[%swap3A_641] {strides = array<i32>} : memref<2560xi32, #tpu.memory_space<vmem>>, vector<16xi32>,
    %swap3A_643 = vector.shape_cast %swap3A_642 : vector<16xi32> to vector<16xi32>
    %swap3A_644 = vector.shape_cast %add3A_640 : vector<16xi32> to vector<16xi32>
    tpu.vector_store %arg13[%swap3A_641], %swap3A_644 {strides = array<i32>} : memref<2560xi32, #tpu.memory_space<vmem>>, vector<16xi32>,
    %scan3A_645 = arith.constant 7 : i32
    %mul3A_646 = arith.constant 16 : i32
    %mul3A_647 = arith.muli %scan3A_645, %mul3A_646 : i32
    %get3A_648 = arith.index_cast %mul3A_647 : i32 to index
    %get3A_649 = tpu.vector_load %arg13[%get3A_648] {strides = array<i32>} : memref<2560xi32, #tpu.memory_space<vmem>>, vector<16xi32>,
    %get3A_650 = vector.shape_cast %get3A_649 : vector<16xi32> to vector<16xi32>
    %and3A_651 = arith.constant -16384 : i32
    %and3A_652 = vector.broadcast %and3A_651 : i32 to vector<16xi32>
    %and3A_653 = arith.andi %get3A_650, %and3A_652 : vector<16xi32>
    %and3A_654 = arith.constant 2047 : i32
    %and3A_655 = vector.broadcast %and3A_654 : i32 to vector<16xi32>
    %and3A_656 = arith.andi %get3A_650, %and3A_655 : vector<16xi32>
    %shift_left3A_657 = arith.constant 3 : i32
    %shift_left3A_658 = vector.broadcast %shift_left3A_657 : i32 to vector<16xi32>
    %shift_left3A_659 = arith.shli %and3A_656, %shift_left3A_658 : vector<16xi32>
    %add3A_660 = arith.addi %and3A_653, %shift_left3A_659 : vector<16xi32>
    %shift_right_logical3A_661 = arith.constant 11 : i32
    %shift_right_logical3A_662 = vector.broadcast %shift_right_logical3A_661 : i32 to vector<16xi32>
    %shift_right_logical3A_663 = arith.shrui %get3A_650, %shift_right_logical3A_662 : vector<16xi32>
    %and3A_664 = arith.constant 7 : i32
    %and3A_665 = vector.broadcast %and3A_664 : i32 to vector<16xi32>
    %and3A_666 = arith.andi %shift_right_logical3A_663, %and3A_665 : vector<16xi32>
    %add3A_667 = arith.addi %add3A_660, %and3A_666 : vector<16xi32>
    %swap3A_668 = arith.index_cast %mul3A_647 : i32 to index
    %swap3A_669 = tpu.vector_load %arg13[%swap3A_668] {strides = array<i32>} : memref<2560xi32, #tpu.memory_space<vmem>>, vector<16xi32>,
    %swap3A_670 = vector.shape_cast %swap3A_669 : vector<16xi32> to vector<16xi32>
    %swap3A_671 = vector.shape_cast %add3A_667 : vector<16xi32> to vector<16xi32>
    tpu.vector_store %arg13[%swap3A_668], %swap3A_671 {strides = array<i32>} : memref<2560xi32, #tpu.memory_space<vmem>>, vector<16xi32>,
    %scan3A_672 = arith.constant 8 : i32
    %mul3A_673 = arith.constant 16 : i32
    %mul3A_674 = arith.muli %scan3A_672, %mul3A_673 : i32
    %get3A_675 = arith.index_cast %mul3A_674 : i32 to index
    %get3A_676 = tpu.vector_load %arg13[%get3A_675] {strides = array<i32>} : memref<2560xi32, #tpu.memory_space<vmem>>, vector<16xi32>,
    %get3A_677 = vector.shape_cast %get3A_676 : vector<16xi32> to vector<16xi32>
    %and3A_678 = arith.constant -16384 : i32
    %and3A_679 = vector.broadcast %and3A_678 : i32 to vector<16xi32>
    %and3A_680 = arith.andi %get3A_677, %and3A_679 : vector<16xi32>
    %and3A_681 = arith.constant 2047 : i32
    %and3A_682 = vector.broadcast %and3A_681 : i32 to vector<16xi32>
    %and3A_683 = arith.andi %get3A_677, %and3A_682 : vector<16xi32>
    %shift_left3A_684 = arith.constant 3 : i32
    %shift_left3A_685 = vector.broadcast %shift_left3A_684 : i32 to vector<16xi32>
    %shift_left3A_686 = arith.shli %and3A_683, %shift_left3A_685 : vector<16xi32>
    %add3A_687 = arith.addi %and3A_680, %shift_left3A_686 : vector<16xi32>
    %shift_right_logical3A_688 = arith.constant 11 : i32
    %shift_right_logical3A_689 = vector.broadcast %shift_right_logical3A_688 : i32 to vector<16xi32>
    %shift_right_logical3A_690 = arith.shrui %get3A_677, %shift_right_logical3A_689 : vector<16xi32>
    %and3A_691 = arith.constant 7 : i32
    %and3A_692 = vector.broadcast %and3A_691 : i32 to vector<16xi32>
    %and3A_693 = arith.andi %shift_right_logical3A_690, %and3A_692 : vector<16xi32>
    %add3A_694 = arith.addi %add3A_687, %and3A_693 : vector<16xi32>
    %swap3A_695 = arith.index_cast %mul3A_674 : i32 to index
    %swap3A_696 = tpu.vector_load %arg13[%swap3A_695] {strides = array<i32>} : memref<2560xi32, #tpu.memory_space<vmem>>, vector<16xi32>,
    %swap3A_697 = vector.shape_cast %swap3A_696 : vector<16xi32> to vector<16xi32>
    %swap3A_698 = vector.shape_cast %add3A_694 : vector<16xi32> to vector<16xi32>
    tpu.vector_store %arg13[%swap3A_695], %swap3A_698 {strides = array<i32>} : memref<2560xi32, #tpu.memory_space<vmem>>, vector<16xi32>,
    %scan3A_699 = arith.constant 9 : i32
    %mul3A_700 = arith.constant 16 : i32
    %mul3A_701 = arith.muli %scan3A_699, %mul3A_700 : i32
    %get3A_702 = arith.index_cast %mul3A_701 : i32 to index
    %get3A_703 = tpu.vector_load %arg13[%get3A_702] {strides = array<i32>} : memref<2560xi32, #tpu.memory_space<vmem>>, vector<16xi32>,
    %get3A_704 = vector.shape_cast %get3A_703 : vector<16xi32> to vector<16xi32>
    %and3A_705 = arith.constant -16384 : i32
    %and3A_706 = vector.broadcast %and3A_705 : i32 to vector<16xi32>
    %and3A_707 = arith.andi %get3A_704, %and3A_706 : vector<16xi32>
    %and3A_708 = arith.constant 2047 : i32
    %and3A_709 = vector.broadcast %and3A_708 : i32 to vector<16xi32>
    %and3A_710 = arith.andi %get3A_704, %and3A_709 : vector<16xi32>
    %shift_left3A_711 = arith.constant 3 : i32
    %shift_left3A_712 = vector.broadcast %shift_left3A_711 : i32 to vector<16xi32>
    %shift_left3A_713 = arith.shli %and3A_710, %shift_left3A_712 : vector<16xi32>
    %add3A_714 = arith.addi %and3A_707, %shift_left3A_713 : vector<16xi32>
    %shift_right_logical3A_715 = arith.constant 11 : i32
    %shift_right_logical3A_716 = vector.broadcast %shift_right_logical3A_715 : i32 to vector<16xi32>
    %shift_right_logical3A_717 = arith.shrui %get3A_704, %shift_right_logical3A_716 : vector<16xi32>
    %and3A_718 = arith.constant 7 : i32
    %and3A_719 = vector.broadcast %and3A_718 : i32 to vector<16xi32>
    %and3A_720 = arith.andi %shift_right_logical3A_717, %and3A_719 : vector<16xi32>
    %add3A_721 = arith.addi %add3A_714, %and3A_720 : vector<16xi32>
    %swap3A_722 = arith.index_cast %mul3A_701 : i32 to index
    %swap3A_723 = tpu.vector_load %arg13[%swap3A_722] {strides = array<i32>} : memref<2560xi32, #tpu.memory_space<vmem>>, vector<16xi32>,
    %swap3A_724 = vector.shape_cast %swap3A_723 : vector<16xi32> to vector<16xi32>
    %swap3A_725 = vector.shape_cast %add3A_721 : vector<16xi32> to vector<16xi32>
    tpu.vector_store %arg13[%swap3A_722], %swap3A_725 {strides = array<i32>} : memref<2560xi32, #tpu.memory_space<vmem>>, vector<16xi32>,
    %scan3A_726 = arith.constant 10 : i32
    %mul3A_727 = arith.constant 16 : i32
    %mul3A_728 = arith.muli %scan3A_726, %mul3A_727 : i32
    %get3A_729 = arith.index_cast %mul3A_728 : i32 to index
    %get3A_730 = tpu.vector_load %arg13[%get3A_729] {strides = array<i32>} : memref<2560xi32, #tpu.memory_space<vmem>>, vector<16xi32>,
    %get3A_731 = vector.shape_cast %get3A_730 : vector<16xi32> to vector<16xi32>
    %and3A_732 = arith.constant -16384 : i32
    %and3A_733 = vector.broadcast %and3A_732 : i32 to vector<16xi32>
    %and3A_734 = arith.andi %get3A_731, %and3A_733 : vector<16xi32>
    %and3A_735 = arith.constant 2047 : i32
    %and3A_736 = vector.broadcast %and3A_735 : i32 to vector<16xi32>
    %and3A_737 = arith.andi %get3A_731, %and3A_736 : vector<16xi32>
    %shift_left3A_738 = arith.constant 3 : i32
    %shift_left3A_739 = vector.broadcast %shift_left3A_738 : i32 to vector<16xi32>
    %shift_left3A_740 = arith.shli %and3A_737, %shift_left3A_739 : vector<16xi32>
    %add3A_741 = arith.addi %and3A_734, %shift_left3A_740 : vector<16xi32>
    %shift_right_logical3A_742 = arith.constant 11 : i32
    %shift_right_logical3A_743 = vector.broadcast %shift_right_logical3A_742 : i32 to vector<16xi32>
    %shift_right_logical3A_744 = arith.shrui %get3A_731, %shift_right_logical3A_743 : vector<16xi32>
    %and3A_745 = arith.constant 7 : i32
    %and3A_746 = vector.broadcast %and3A_745 : i32 to vector<16xi32>
    %and3A_747 = arith.andi %shift_right_logical3A_744, %and3A_746 : vector<16xi32>
    %add3A_748 = arith.addi %add3A_741, %and3A_747 : vector<16xi32>
    %swap3A_749 = arith.index_cast %mul3A_728 : i32 to index
    %swap3A_750 = tpu.vector_load %arg13[%swap3A_749] {strides = array<i32>} : memref<2560xi32, #tpu.memory_space<vmem>>, vector<16xi32>,
    %swap3A_751 = vector.shape_cast %swap3A_750 : vector<16xi32> to vector<16xi32>
    %swap3A_752 = vector.shape_cast %add3A_748 : vector<16xi32> to vector<16xi32>
    tpu.vector_store %arg13[%swap3A_749], %swap3A_752 {strides = array<i32>} : memref<2560xi32, #tpu.memory_space<vmem>>, vector<16xi32>,
    %scan3A_753 = arith.constant 11 : i32
    %mul3A_754 = arith.constant 16 : i32
    %mul3A_755 = arith.muli %scan3A_753, %mul3A_754 : i32
    %get3A_756 = arith.index_cast %mul3A_755 : i32 to index
    %get3A_757 = tpu.vector_load %arg13[%get3A_756] {strides = array<i32>} : memref<2560xi32, #tpu.memory_space<vmem>>, vector<16xi32>,
    %get3A_758 = vector.shape_cast %get3A_757 : vector<16xi32> to vector<16xi32>
    %and3A_759 = arith.constant -16384 : i32
    %and3A_760 = vector.broadcast %and3A_759 : i32 to vector<16xi32>
    %and3A_761 = arith.andi %get3A_758, %and3A_760 : vector<16xi32>
    %and3A_762 = arith.constant 2047 : i32
    %and3A_763 = vector.broadcast %and3A_762 : i32 to vector<16xi32>
    %and3A_764 = arith.andi %get3A_758, %and3A_763 : vector<16xi32>
    %shift_left3A_765 = arith.constant 3 : i32
    %shift_left3A_766 = vector.broadcast %shift_left3A_765 : i32 to vector<16xi32>
    %shift_left3A_767 = arith.shli %and3A_764, %shift_left3A_766 : vector<16xi32>
    %add3A_768 = arith.addi %and3A_761, %shift_left3A_767 : vector<16xi32>
    %shift_right_logical3A_769 = arith.constant 11 : i32
    %shift_right_logical3A_770 = vector.broadcast %shift_right_logical3A_769 : i32 to vector<16xi32>
    %shift_right_logical3A_771 = arith.shrui %get3A_758, %shift_right_logical3A_770 : vector<16xi32>
    %and3A_772 = arith.constant 7 : i32
    %and3A_773 = vector.broadcast %and3A_772 : i32 to vector<16xi32>
    %and3A_774 = arith.andi %shift_right_logical3A_771, %and3A_773 : vector<16xi32>
    %add3A_775 = arith.addi %add3A_768, %and3A_774 : vector<16xi32>
    %swap3A_776 = arith.index_cast %mul3A_755 : i32 to index
    %swap3A_777 = tpu.vector_load %arg13[%swap3A_776] {strides = array<i32>} : memref<2560xi32, #tpu.memory_space<vmem>>, vector<16xi32>,
    %swap3A_778 = vector.shape_cast %swap3A_777 : vector<16xi32> to vector<16xi32>
    %swap3A_779 = vector.shape_cast %add3A_775 : vector<16xi32> to vector<16xi32>
    tpu.vector_store %arg13[%swap3A_776], %swap3A_779 {strides = array<i32>} : memref<2560xi32, #tpu.memory_space<vmem>>, vector<16xi32>,
    %scan3A_780 = arith.constant 12 : i32
    %mul3A_781 = arith.constant 16 : i32
    %mul3A_782 = arith.muli %scan3A_780, %mul3A_781 : i32
    %get3A_783 = arith.index_cast %mul3A_782 : i32 to index
    %get3A_784 = tpu.vector_load %arg13[%get3A_783] {strides = array<i32>} : memref<2560xi32, #tpu.memory_space<vmem>>, vector<16xi32>,
    %get3A_785 = vector.shape_cast %get3A_784 : vector<16xi32> to vector<16xi32>
    %and3A_786 = arith.constant -16384 : i32
    %and3A_787 = vector.broadcast %and3A_786 : i32 to vector<16xi32>
    %and3A_788 = arith.andi %get3A_785, %and3A_787 : vector<16xi32>
    %and3A_789 = arith.constant 2047 : i32
    %and3A_790 = vector.broadcast %and3A_789 : i32 to vector<16xi32>
    %and3A_791 = arith.andi %get3A_785, %and3A_790 : vector<16xi32>
    %shift_left3A_792 = arith.constant 3 : i32
    %shift_left3A_793 = vector.broadcast %shift_left3A_792 : i32 to vector<16xi32>
    %shift_left3A_794 = arith.shli %and3A_791, %shift_left3A_793 : vector<16xi32>
    %add3A_795 = arith.addi %and3A_788, %shift_left3A_794 : vector<16xi32>
    %shift_right_logical3A_796 = arith.constant 11 : i32
    %shift_right_logical3A_797 = vector.broadcast %shift_right_logical3A_796 : i32 to vector<16xi32>
    %shift_right_logical3A_798 = arith.shrui %get3A_785, %shift_right_logical3A_797 : vector<16xi32>
    %and3A_799 = arith.constant 7 : i32
    %and3A_800 = vector.broadcast %and3A_799 : i32 to vector<16xi32>
    %and3A_801 = arith.andi %shift_right_logical3A_798, %and3A_800 : vector<16xi32>
    %add3A_802 = arith.addi %add3A_795, %and3A_801 : vector<16xi32>
    %swap3A_803 = arith.index_cast %mul3A_782 : i32 to index
    %swap3A_804 = tpu.vector_load %arg13[%swap3A_803] {strides = array<i32>} : memref<2560xi32, #tpu.memory_space<vmem>>, vector<16xi32>,
    %swap3A_805 = vector.shape_cast %swap3A_804 : vector<16xi32> to vector<16xi32>
    %swap3A_806 = vector.shape_cast %add3A_802 : vector<16xi32> to vector<16xi32>
    tpu.vector_store %arg13[%swap3A_803], %swap3A_806 {strides = array<i32>} : memref<2560xi32, #tpu.memory_space<vmem>>, vector<16xi32>,
    %scan3A_807 = arith.constant 13 : i32
    %mul3A_808 = arith.constant 16 : i32
    %mul3A_809 = arith.muli %scan3A_807, %mul3A_808 : i32
    %get3A_810 = arith.index_cast %mul3A_809 : i32 to index
    %get3A_811 = tpu.vector_load %arg13[%get3A_810] {strides = array<i32>} : memref<2560xi32, #tpu.memory_space<vmem>>, vector<16xi32>,
    %get3A_812 = vector.shape_cast %get3A_811 : vector<16xi32> to vector<16xi32>
    %and3A_813 = arith.constant -16384 : i32
    %and3A_814 = vector.broadcast %and3A_813 : i32 to vector<16xi32>
    %and3A_815 = arith.andi %get3A_812, %and3A_814 : vector<16xi32>
    %and3A_816 = arith.constant 2047 : i32
    %and3A_817 = vector.broadcast %and3A_816 : i32 to vector<16xi32>
    %and3A_818 = arith.andi %get3A_812, %and3A_817 : vector<16xi32>
    %shift_left3A_819 = arith.constant 3 : i32
    %shift_left3A_820 = vector.broadcast %shift_left3A_819 : i32 to vector<16xi32>
    %shift_left3A_821 = arith.shli %and3A_818, %shift_left3A_820 : vector<16xi32>
    %add3A_822 = arith.addi %and3A_815, %shift_left3A_821 : vector<16xi32>
    %shift_right_logical3A_823 = arith.constant 11 : i32
    %shift_right_logical3A_824 = vector.broadcast %shift_right_logical3A_823 : i32 to vector<16xi32>
    %shift_right_logical3A_825 = arith.shrui %get3A_812, %shift_right_logical3A_824 : vector<16xi32>
    %and3A_826 = arith.constant 7 : i32
    %and3A_827 = vector.broadcast %and3A_826 : i32 to vector<16xi32>
    %and3A_828 = arith.andi %shift_right_logical3A_825, %and3A_827 : vector<16xi32>
    %add3A_829 = arith.addi %add3A_822, %and3A_828 : vector<16xi32>
    %swap3A_830 = arith.index_cast %mul3A_809 : i32 to index
    %swap3A_831 = tpu.vector_load %arg13[%swap3A_830] {strides = array<i32>} : memref<2560xi32, #tpu.memory_space<vmem>>, vector<16xi32>,
    %swap3A_832 = vector.shape_cast %swap3A_831 : vector<16xi32> to vector<16xi32>
    %swap3A_833 = vector.shape_cast %add3A_829 : vector<16xi32> to vector<16xi32>
    tpu.vector_store %arg13[%swap3A_830], %swap3A_833 {strides = array<i32>} : memref<2560xi32, #tpu.memory_space<vmem>>, vector<16xi32>,
    %scan3A_834 = arith.constant 14 : i32
    %mul3A_835 = arith.constant 16 : i32
    %mul3A_836 = arith.muli %scan3A_834, %mul3A_835 : i32
    %get3A_837 = arith.index_cast %mul3A_836 : i32 to index
    %get3A_838 = tpu.vector_load %arg13[%get3A_837] {strides = array<i32>} : memref<2560xi32, #tpu.memory_space<vmem>>, vector<16xi32>,
    %get3A_839 = vector.shape_cast %get3A_838 : vector<16xi32> to vector<16xi32>
    %and3A_840 = arith.constant -16384 : i32
    %and3A_841 = vector.broadcast %and3A_840 : i32 to vector<16xi32>
    %and3A_842 = arith.andi %get3A_839, %and3A_841 : vector<16xi32>
    %and3A_843 = arith.constant 2047 : i32
    %and3A_844 = vector.broadcast %and3A_843 : i32 to vector<16xi32>
    %and3A_845 = arith.andi %get3A_839, %and3A_844 : vector<16xi32>
    %shift_left3A_846 = arith.constant 3 : i32
    %shift_left3A_847 = vector.broadcast %shift_left3A_846 : i32 to vector<16xi32>
    %shift_left3A_848 = arith.shli %and3A_845, %shift_left3A_847 : vector<16xi32>
    %add3A_849 = arith.addi %and3A_842, %shift_left3A_848 : vector<16xi32>
    %shift_right_logical3A_850 = arith.constant 11 : i32
    %shift_right_logical3A_851 = vector.broadcast %shift_right_logical3A_850 : i32 to vector<16xi32>
    %shift_right_logical3A_852 = arith.shrui %get3A_839, %shift_right_logical3A_851 : vector<16xi32>
    %and3A_853 = arith.constant 7 : i32
    %and3A_854 = vector.broadcast %and3A_853 : i32 to vector<16xi32>
    %and3A_855 = arith.andi %shift_right_logical3A_852, %and3A_854 : vector<16xi32>
    %add3A_856 = arith.addi %add3A_849, %and3A_855 : vector<16xi32>
    %swap3A_857 = arith.index_cast %mul3A_836 : i32 to index
    %swap3A_858 = tpu.vector_load %arg13[%swap3A_857] {strides = array<i32>} : memref<2560xi32, #tpu.memory_space<vmem>>, vector<16xi32>,
    %swap3A_859 = vector.shape_cast %swap3A_858 : vector<16xi32> to vector<16xi32>
    %swap3A_860 = vector.shape_cast %add3A_856 : vector<16xi32> to vector<16xi32>
    tpu.vector_store %arg13[%swap3A_857], %swap3A_860 {strides = array<i32>} : memref<2560xi32, #tpu.memory_space<vmem>>, vector<16xi32>,
    %scan3A_861 = arith.constant 15 : i32
    %mul3A_862 = arith.constant 16 : i32
    %mul3A_863 = arith.muli %scan3A_861, %mul3A_862 : i32
    %get3A_864 = arith.index_cast %mul3A_863 : i32 to index
    %get3A_865 = tpu.vector_load %arg13[%get3A_864] {strides = array<i32>} : memref<2560xi32, #tpu.memory_space<vmem>>, vector<16xi32>,
    %get3A_866 = vector.shape_cast %get3A_865 : vector<16xi32> to vector<16xi32>
    %and3A_867 = arith.constant -16384 : i32
    %and3A_868 = vector.broadcast %and3A_867 : i32 to vector<16xi32>
    %and3A_869 = arith.andi %get3A_866, %and3A_868 : vector<16xi32>
    %and3A_870 = arith.constant 2047 : i32
    %and3A_871 = vector.broadcast %and3A_870 : i32 to vector<16xi32>
    %and3A_872 = arith.andi %get3A_866, %and3A_871 : vector<16xi32>
    %shift_left3A_873 = arith.constant 3 : i32
    %shift_left3A_874 = vector.broadcast %shift_left3A_873 : i32 to vector<16xi32>
    %shift_left3A_875 = arith.shli %and3A_872, %shift_left3A_874 : vector<16xi32>
    %add3A_876 = arith.addi %and3A_869, %shift_left3A_875 : vector<16xi32>
    %shift_right_logical3A_877 = arith.constant 11 : i32
    %shift_right_logical3A_878 = vector.broadcast %shift_right_logical3A_877 : i32 to vector<16xi32>
    %shift_right_logical3A_879 = arith.shrui %get3A_866, %shift_right_logical3A_878 : vector<16xi32>
    %and3A_880 = arith.constant 7 : i32
    %and3A_881 = vector.broadcast %and3A_880 : i32 to vector<16xi32>
    %and3A_882 = arith.andi %shift_right_logical3A_879, %and3A_881 : vector<16xi32>
    %add3A_883 = arith.addi %add3A_876, %and3A_882 : vector<16xi32>
    %swap3A_884 = arith.index_cast %mul3A_863 : i32 to index
    %swap3A_885 = tpu.vector_load %arg13[%swap3A_884] {strides = array<i32>} : memref<2560xi32, #tpu.memory_space<vmem>>, vector<16xi32>,
    %swap3A_886 = vector.shape_cast %swap3A_885 : vector<16xi32> to vector<16xi32>
    %swap3A_887 = vector.shape_cast %add3A_883 : vector<16xi32> to vector<16xi32>
    tpu.vector_store %arg13[%swap3A_884], %swap3A_887 {strides = array<i32>} : memref<2560xi32, #tpu.memory_space<vmem>>, vector<16xi32>,
    %scan3A_888 = arith.constant 16 : i32
    %mul3A_889 = arith.constant 16 : i32
    %mul3A_890 = arith.muli %scan3A_888, %mul3A_889 : i32
    %get3A_891 = arith.index_cast %mul3A_890 : i32 to index
    %get3A_892 = tpu.vector_load %arg13[%get3A_891] {strides = array<i32>} : memref<2560xi32, #tpu.memory_space<vmem>>, vector<16xi32>,
    %get3A_893 = vector.shape_cast %get3A_892 : vector<16xi32> to vector<16xi32>
    %and3A_894 = arith.constant -16384 : i32
    %and3A_895 = vector.broadcast %and3A_894 : i32 to vector<16xi32>
    %and3A_896 = arith.andi %get3A_893, %and3A_895 : vector<16xi32>
    %and3A_897 = arith.constant 2047 : i32
    %and3A_898 = vector.broadcast %and3A_897 : i32 to vector<16xi32>
    %and3A_899 = arith.andi %get3A_893, %and3A_898 : vector<16xi32>
    %shift_left3A_900 = arith.constant 3 : i32
    %shift_left3A_901 = vector.broadcast %shift_left3A_900 : i32 to vector<16xi32>
    %shift_left3A_902 = arith.shli %and3A_899, %shift_left3A_901 : vector<16xi32>
    %add3A_903 = arith.addi %and3A_896, %shift_left3A_902 : vector<16xi32>
    %shift_right_logical3A_904 = arith.constant 11 : i32
    %shift_right_logical3A_905 = vector.broadcast %shift_right_logical3A_904 : i32 to vector<16xi32>
    %shift_right_logical3A_906 = arith.shrui %get3A_893, %shift_right_logical3A_905 : vector<16xi32>
    %and3A_907 = arith.constant 7 : i32
    %and3A_908 = vector.broadcast %and3A_907 : i32 to vector<16xi32>
    %and3A_909 = arith.andi %shift_right_logical3A_906, %and3A_908 : vector<16xi32>
    %add3A_910 = arith.addi %add3A_903, %and3A_909 : vector<16xi32>
    %swap3A_911 = arith.index_cast %mul3A_890 : i32 to index
    %swap3A_912 = tpu.vector_load %arg13[%swap3A_911] {strides = array<i32>} : memref<2560xi32, #tpu.memory_space<vmem>>, vector<16xi32>,
    %swap3A_913 = vector.shape_cast %swap3A_912 : vector<16xi32> to vector<16xi32>
    %swap3A_914 = vector.shape_cast %add3A_910 : vector<16xi32> to vector<16xi32>
    tpu.vector_store %arg13[%swap3A_911], %swap3A_914 {strides = array<i32>} : memref<2560xi32, #tpu.memory_space<vmem>>, vector<16xi32>,
    %scan3A_915 = arith.constant 17 : i32
    %mul3A_916 = arith.constant 16 : i32
    %mul3A_917 = arith.muli %scan3A_915, %mul3A_916 : i32
    %get3A_918 = arith.index_cast %mul3A_917 : i32 to index
    %get3A_919 = tpu.vector_load %arg13[%get3A_918] {strides = array<i32>} : memref<2560xi32, #tpu.memory_space<vmem>>, vector<16xi32>,
    %get3A_920 = vector.shape_cast %get3A_919 : vector<16xi32> to vector<16xi32>
    %and3A_921 = arith.constant -16384 : i32
    %and3A_922 = vector.broadcast %and3A_921 : i32 to vector<16xi32>
    %and3A_923 = arith.andi %get3A_920, %and3A_922 : vector<16xi32>
    %and3A_924 = arith.constant 2047 : i32
    %and3A_925 = vector.broadcast %and3A_924 : i32 to vector<16xi32>
    %and3A_926 = arith.andi %get3A_920, %and3A_925 : vector<16xi32>
    %shift_left3A_927 = arith.constant 3 : i32
    %shift_left3A_928 = vector.broadcast %shift_left3A_927 : i32 to vector<16xi32>
    %shift_left3A_929 = arith.shli %and3A_926, %shift_left3A_928 : vector<16xi32>
    %add3A_930 = arith.addi %and3A_923, %shift_left3A_929 : vector<16xi32>
    %shift_right_logical3A_931 = arith.constant 11 : i32
    %shift_right_logical3A_932 = vector.broadcast %shift_right_logical3A_931 : i32 to vector<16xi32>
    %shift_right_logical3A_933 = arith.shrui %get3A_920, %shift_right_logical3A_932 : vector<16xi32>
    %and3A_934 = arith.constant 7 : i32
    %and3A_935 = vector.broadcast %and3A_934 : i32 to vector<16xi32>
    %and3A_936 = arith.andi %shift_right_logical3A_933, %and3A_935 : vector<16xi32>
    %add3A_937 = arith.addi %add3A_930, %and3A_936 : vector<16xi32>
    %swap3A_938 = arith.index_cast %mul3A_917 : i32 to index
    %swap3A_939 = tpu.vector_load %arg13[%swap3A_938] {strides = array<i32>} : memref<2560xi32, #tpu.memory_space<vmem>>, vector<16xi32>,
    %swap3A_940 = vector.shape_cast %swap3A_939 : vector<16xi32> to vector<16xi32>
    %swap3A_941 = vector.shape_cast %add3A_937 : vector<16xi32> to vector<16xi32>
    tpu.vector_store %arg13[%swap3A_938], %swap3A_941 {strides = array<i32>} : memref<2560xi32, #tpu.memory_space<vmem>>, vector<16xi32>,
    %scan3A_942 = arith.constant 18 : i32
    %mul3A_943 = arith.constant 16 : i32
    %mul3A_944 = arith.muli %scan3A_942, %mul3A_943 : i32
    %get3A_945 = arith.index_cast %mul3A_944 : i32 to index
    %get3A_946 = tpu.vector_load %arg13[%get3A_945] {strides = array<i32>} : memref<2560xi32, #tpu.memory_space<vmem>>, vector<16xi32>,
    %get3A_947 = vector.shape_cast %get3A_946 : vector<16xi32> to vector<16xi32>
    %and3A_948 = arith.constant -16384 : i32
    %and3A_949 = vector.broadcast %and3A_948 : i32 to vector<16xi32>
    %and3A_950 = arith.andi %get3A_947, %and3A_949 : vector<16xi32>
    %and3A_951 = arith.constant 2047 : i32
    %and3A_952 = vector.broadcast %and3A_951 : i32 to vector<16xi32>
    %and3A_953 = arith.andi %get3A_947, %and3A_952 : vector<16xi32>
    %shift_left3A_954 = arith.constant 3 : i32
    %shift_left3A_955 = vector.broadcast %shift_left3A_954 : i32 to vector<16xi32>
    %shift_left3A_956 = arith.shli %and3A_953, %shift_left3A_955 : vector<16xi32>
    %add3A_957 = arith.addi %and3A_950, %shift_left3A_956 : vector<16xi32>
    %shift_right_logical3A_958 = arith.constant 11 : i32
    %shift_right_logical3A_959 = vector.broadcast %shift_right_logical3A_958 : i32 to vector<16xi32>
    %shift_right_logical3A_960 = arith.shrui %get3A_947, %shift_right_logical3A_959 : vector<16xi32>
    %and3A_961 = arith.constant 7 : i32
    %and3A_962 = vector.broadcast %and3A_961 : i32 to vector<16xi32>
    %and3A_963 = arith.andi %shift_right_logical3A_960, %and3A_962 : vector<16xi32>
    %add3A_964 = arith.addi %add3A_957, %and3A_963 : vector<16xi32>
    %swap3A_965 = arith.index_cast %mul3A_944 : i32 to index
    %swap3A_966 = tpu.vector_load %arg13[%swap3A_965] {strides = array<i32>} : memref<2560xi32, #tpu.memory_space<vmem>>, vector<16xi32>,
    %swap3A_967 = vector.shape_cast %swap3A_966 : vector<16xi32> to vector<16xi32>
    %swap3A_968 = vector.shape_cast %add3A_964 : vector<16xi32> to vector<16xi32>
    tpu.vector_store %arg13[%swap3A_965], %swap3A_968 {strides = array<i32>} : memref<2560xi32, #tpu.memory_space<vmem>>, vector<16xi32>,
    %scan3A_969 = arith.constant 19 : i32
    %mul3A_970 = arith.constant 16 : i32
    %mul3A_971 = arith.muli %scan3A_969, %mul3A_970 : i32
    %get3A_972 = arith.index_cast %mul3A_971 : i32 to index
    %get3A_973 = tpu.vector_load %arg13[%get3A_972] {strides = array<i32>} : memref<2560xi32, #tpu.memory_space<vmem>>, vector<16xi32>,
    %get3A_974 = vector.shape_cast %get3A_973 : vector<16xi32> to vector<16xi32>
    %and3A_975 = arith.constant -16384 : i32
    %and3A_976 = vector.broadcast %and3A_975 : i32 to vector<16xi32>
    %and3A_977 = arith.andi %get3A_974, %and3A_976 : vector<16xi32>
    %and3A_978 = arith.constant 2047 : i32
    %and3A_979 = vector.broadcast %and3A_978 : i32 to vector<16xi32>
    %and3A_980 = arith.andi %get3A_974, %and3A_979 : vector<16xi32>
    %shift_left3A_981 = arith.constant 3 : i32
    %shift_left3A_982 = vector.broadcast %shift_left3A_981 : i32 to vector<16xi32>
    %shift_left3A_983 = arith.shli %and3A_980, %shift_left3A_982 : vector<16xi32>
    %add3A_984 = arith.addi %and3A_977, %shift_left3A_983 : vector<16xi32>
    %shift_right_logical3A_985 = arith.constant 11 : i32
    %shift_right_logical3A_986 = vector.broadcast %shift_right_logical3A_985 : i32 to vector<16xi32>
    %shift_right_logical3A_987 = arith.shrui %get3A_974, %shift_right_logical3A_986 : vector<16xi32>
    %and3A_988 = arith.constant 7 : i32
    %and3A_989 = vector.broadcast %and3A_988 : i32 to vector<16xi32>
    %and3A_990 = arith.andi %shift_right_logical3A_987, %and3A_989 : vector<16xi32>
    %add3A_991 = arith.addi %add3A_984, %and3A_990 : vector<16xi32>
    %swap3A_992 = arith.index_cast %mul3A_971 : i32 to index
    %swap3A_993 = tpu.vector_load %arg13[%swap3A_992] {strides = array<i32>} : memref<2560xi32, #tpu.memory_space<vmem>>, vector<16xi32>,
    %swap3A_994 = vector.shape_cast %swap3A_993 : vector<16xi32> to vector<16xi32>
    %swap3A_995 = vector.shape_cast %add3A_991 : vector<16xi32> to vector<16xi32>
    tpu.vector_store %arg13[%swap3A_992], %swap3A_995 {strides = array<i32>} : memref<2560xi32, #tpu.memory_space<vmem>>, vector<16xi32>,
    %scan3A_996 = arith.constant 20 : i32
    %mul3A_997 = arith.constant 16 : i32
    %mul3A_998 = arith.muli %scan3A_996, %mul3A_997 : i32
    %get3A_999 = arith.index_cast %mul3A_998 : i32 to index
    %get3A_1000 = tpu.vector_load %arg13[%get3A_999] {strides = array<i32>} : memref<2560xi32, #tpu.memory_space<vmem>>, vector<16xi32>,
    %get3A_1001 = vector.shape_cast %get3A_1000 : vector<16xi32> to vector<16xi32>
    %and3A_1002 = arith.constant -16384 : i32
    %and3A_1003 = vector.broadcast %and3A_1002 : i32 to vector<16xi32>
    %and3A_1004 = arith.andi %get3A_1001, %and3A_1003 : vector<16xi32>
    %and3A_1005 = arith.constant 2047 : i32
    %and3A_1006 = vector.broadcast %and3A_1005 : i32 to vector<16xi32>
    %and3A_1007 = arith.andi %get3A_1001, %and3A_1006 : vector<16xi32>
    %shift_left3A_1008 = arith.constant 3 : i32
    %shift_left3A_1009 = vector.broadcast %shift_left3A_1008 : i32 to vector<16xi32>
    %shift_left3A_1010 = arith.shli %and3A_1007, %shift_left3A_1009 : vector<16xi32>
    %add3A_1011 = arith.addi %and3A_1004, %shift_left3A_1010 : vector<16xi32>
    %shift_right_logical3A_1012 = arith.constant 11 : i32
    %shift_right_logical3A_1013 = vector.broadcast %shift_right_logical3A_1012 : i32 to vector<16xi32>
    %shift_right_logical3A_1014 = arith.shrui %get3A_1001, %shift_right_logical3A_1013 : vector<16xi32>
    %and3A_1015 = arith.constant 7 : i32
    %and3A_1016 = vector.broadcast %and3A_1015 : i32 to vector<16xi32>
    %and3A_1017 = arith.andi %shift_right_logical3A_1014, %and3A_1016 : vector<16xi32>
    %add3A_1018 = arith.addi %add3A_1011, %and3A_1017 : vector<16xi32>
    %swap3A_1019 = arith.index_cast %mul3A_998 : i32 to index
    %swap3A_1020 = tpu.vector_load %arg13[%swap3A_1019] {strides = array<i32>} : memref<2560xi32, #tpu.memory_space<vmem>>, vector<16xi32>,
    %swap3A_1021 = vector.shape_cast %swap3A_1020 : vector<16xi32> to vector<16xi32>
    %swap3A_1022 = vector.shape_cast %add3A_1018 : vector<16xi32> to vector<16xi32>
    tpu.vector_store %arg13[%swap3A_1019], %swap3A_1022 {strides = array<i32>} : memref<2560xi32, #tpu.memory_space<vmem>>, vector<16xi32>,
    %scan3A_1023 = arith.constant 21 : i32
    %mul3A_1024 = arith.constant 16 : i32
    %mul3A_1025 = arith.muli %scan3A_1023, %mul3A_1024 : i32
    %get3A_1026 = arith.index_cast %mul3A_1025 : i32 to index
    %get3A_1027 = tpu.vector_load %arg13[%get3A_1026] {strides = array<i32>} : memref<2560xi32, #tpu.memory_space<vmem>>, vector<16xi32>,
    %get3A_1028 = vector.shape_cast %get3A_1027 : vector<16xi32> to vector<16xi32>
    %and3A_1029 = arith.constant -16384 : i32
    %and3A_1030 = vector.broadcast %and3A_1029 : i32 to vector<16xi32>
    %and3A_1031 = arith.andi %get3A_1028, %and3A_1030 : vector<16xi32>
    %and3A_1032 = arith.constant 2047 : i32
    %and3A_1033 = vector.broadcast %and3A_1032 : i32 to vector<16xi32>
    %and3A_1034 = arith.andi %get3A_1028, %and3A_1033 : vector<16xi32>
    %shift_left3A_1035 = arith.constant 3 : i32
    %shift_left3A_1036 = vector.broadcast %shift_left3A_1035 : i32 to vector<16xi32>
    %shift_left3A_1037 = arith.shli %and3A_1034, %shift_left3A_1036 : vector<16xi32>
    %add3A_1038 = arith.addi %and3A_1031, %shift_left3A_1037 : vector<16xi32>
    %shift_right_logical3A_1039 = arith.constant 11 : i32
    %shift_right_logical3A_1040 = vector.broadcast %shift_right_logical3A_1039 : i32 to vector<16xi32>
    %shift_right_logical3A_1041 = arith.shrui %get3A_1028, %shift_right_logical3A_1040 : vector<16xi32>
    %and3A_1042 = arith.constant 7 : i32
    %and3A_1043 = vector.broadcast %and3A_1042 : i32 to vector<16xi32>
    %and3A_1044 = arith.andi %shift_right_logical3A_1041, %and3A_1043 : vector<16xi32>
    %add3A_1045 = arith.addi %add3A_1038, %and3A_1044 : vector<16xi32>
    %swap3A_1046 = arith.index_cast %mul3A_1025 : i32 to index
    %swap3A_1047 = tpu.vector_load %arg13[%swap3A_1046] {strides = array<i32>} : memref<2560xi32, #tpu.memory_space<vmem>>, vector<16xi32>,
    %swap3A_1048 = vector.shape_cast %swap3A_1047 : vector<16xi32> to vector<16xi32>
    %swap3A_1049 = vector.shape_cast %add3A_1045 : vector<16xi32> to vector<16xi32>
    tpu.vector_store %arg13[%swap3A_1046], %swap3A_1049 {strides = array<i32>} : memref<2560xi32, #tpu.memory_space<vmem>>, vector<16xi32>,
    %scan3A_1050 = arith.constant 22 : i32
    %mul3A_1051 = arith.constant 16 : i32
    %mul3A_1052 = arith.muli %scan3A_1050, %mul3A_1051 : i32
    %get3A_1053 = arith.index_cast %mul3A_1052 : i32 to index
    %get3A_1054 = tpu.vector_load %arg13[%get3A_1053] {strides = array<i32>} : memref<2560xi32, #tpu.memory_space<vmem>>, vector<16xi32>,
    %get3A_1055 = vector.shape_cast %get3A_1054 : vector<16xi32> to vector<16xi32>
    %and3A_1056 = arith.constant -16384 : i32
    %and3A_1057 = vector.broadcast %and3A_1056 : i32 to vector<16xi32>
    %and3A_1058 = arith.andi %get3A_1055, %and3A_1057 : vector<16xi32>
    %and3A_1059 = arith.constant 2047 : i32
    %and3A_1060 = vector.broadcast %and3A_1059 : i32 to vector<16xi32>
    %and3A_1061 = arith.andi %get3A_1055, %and3A_1060 : vector<16xi32>
    %shift_left3A_1062 = arith.constant 3 : i32
    %shift_left3A_1063 = vector.broadcast %shift_left3A_1062 : i32 to vector<16xi32>
    %shift_left3A_1064 = arith.shli %and3A_1061, %shift_left3A_1063 : vector<16xi32>
    %add3A_1065 = arith.addi %and3A_1058, %shift_left3A_1064 : vector<16xi32>
    %shift_right_logical3A_1066 = arith.constant 11 : i32
    %shift_right_logical3A_1067 = vector.broadcast %shift_right_logical3A_1066 : i32 to vector<16xi32>
    %shift_right_logical3A_1068 = arith.shrui %get3A_1055, %shift_right_logical3A_1067 : vector<16xi32>
    %and3A_1069 = arith.constant 7 : i32
    %and3A_1070 = vector.broadcast %and3A_1069 : i32 to vector<16xi32>
    %and3A_1071 = arith.andi %shift_right_logical3A_1068, %and3A_1070 : vector<16xi32>
    %add3A_1072 = arith.addi %add3A_1065, %and3A_1071 : vector<16xi32>
    %swap3A_1073 = arith.index_cast %mul3A_1052 : i32 to index
    %swap3A_1074 = tpu.vector_load %arg13[%swap3A_1073] {strides = array<i32>} : memref<2560xi32, #tpu.memory_space<vmem>>, vector<16xi32>,
    %swap3A_1075 = vector.shape_cast %swap3A_1074 : vector<16xi32> to vector<16xi32>
    %swap3A_1076 = vector.shape_cast %add3A_1072 : vector<16xi32> to vector<16xi32>
    tpu.vector_store %arg13[%swap3A_1073], %swap3A_1076 {strides = array<i32>} : memref<2560xi32, #tpu.memory_space<vmem>>, vector<16xi32>,
    %scan3A_1077 = arith.constant 23 : i32
    %mul3A_1078 = arith.constant 16 : i32
    %mul3A_1079 = arith.muli %scan3A_1077, %mul3A_1078 : i32
    %get3A_1080 = arith.index_cast %mul3A_1079 : i32 to index
    %get3A_1081 = tpu.vector_load %arg13[%get3A_1080] {strides = array<i32>} : memref<2560xi32, #tpu.memory_space<vmem>>, vector<16xi32>,
    %get3A_1082 = vector.shape_cast %get3A_1081 : vector<16xi32> to vector<16xi32>
    %and3A_1083 = arith.constant -16384 : i32
    %and3A_1084 = vector.broadcast %and3A_1083 : i32 to vector<16xi32>
    %and3A_1085 = arith.andi %get3A_1082, %and3A_1084 : vector<16xi32>
    %and3A_1086 = arith.constant 2047 : i32
    %and3A_1087 = vector.broadcast %and3A_1086 : i32 to vector<16xi32>
    %and3A_1088 = arith.andi %get3A_1082, %and3A_1087 : vector<16xi32>
    %shift_left3A_1089 = arith.constant 3 : i32
    %shift_left3A_1090 = vector.broadcast %shift_left3A_1089 : i32 to vector<16xi32>
    %shift_left3A_1091 = arith.shli %and3A_1088, %shift_left3A_1090 : vector<16xi32>
    %add3A_1092 = arith.addi %and3A_1085, %shift_left3A_1091 : vector<16xi32>
    %shift_right_logical3A_1093 = arith.constant 11 : i32
    %shift_right_logical3A_1094 = vector.broadcast %shift_right_logical3A_1093 : i32 to vector<16xi32>
    %shift_right_logical3A_1095 = arith.shrui %get3A_1082, %shift_right_logical3A_1094 : vector<16xi32>
    %and3A_1096 = arith.constant 7 : i32
    %and3A_1097 = vector.broadcast %and3A_1096 : i32 to vector<16xi32>
    %and3A_1098 = arith.andi %shift_right_logical3A_1095, %and3A_1097 : vector<16xi32>
    %add3A_1099 = arith.addi %add3A_1092, %and3A_1098 : vector<16xi32>
    %swap3A_1100 = arith.index_cast %mul3A_1079 : i32 to index
    %swap3A_1101 = tpu.vector_load %arg13[%swap3A_1100] {strides = array<i32>} : memref<2560xi32, #tpu.memory_space<vmem>>, vector<16xi32>,
    %swap3A_1102 = vector.shape_cast %swap3A_1101 : vector<16xi32> to vector<16xi32>
    %swap3A_1103 = vector.shape_cast %add3A_1099 : vector<16xi32> to vector<16xi32>
    tpu.vector_store %arg13[%swap3A_1100], %swap3A_1103 {strides = array<i32>} : memref<2560xi32, #tpu.memory_space<vmem>>, vector<16xi32>,
    %scan3A_1104 = arith.constant 24 : i32
    %mul3A_1105 = arith.constant 16 : i32
    %mul3A_1106 = arith.muli %scan3A_1104, %mul3A_1105 : i32
    %get3A_1107 = arith.index_cast %mul3A_1106 : i32 to index
    %get3A_1108 = tpu.vector_load %arg13[%get3A_1107] {strides = array<i32>} : memref<2560xi32, #tpu.memory_space<vmem>>, vector<16xi32>,
    %get3A_1109 = vector.shape_cast %get3A_1108 : vector<16xi32> to vector<16xi32>
    %and3A_1110 = arith.constant -16384 : i32
    %and3A_1111 = vector.broadcast %and3A_1110 : i32 to vector<16xi32>
    %and3A_1112 = arith.andi %get3A_1109, %and3A_1111 : vector<16xi32>
    %and3A_1113 = arith.constant 2047 : i32
    %and3A_1114 = vector.broadcast %and3A_1113 : i32 to vector<16xi32>
    %and3A_1115 = arith.andi %get3A_1109, %and3A_1114 : vector<16xi32>
    %shift_left3A_1116 = arith.constant 3 : i32
    %shift_left3A_1117 = vector.broadcast %shift_left3A_1116 : i32 to vector<16xi32>
    %shift_left3A_1118 = arith.shli %and3A_1115, %shift_left3A_1117 : vector<16xi32>
    %add3A_1119 = arith.addi %and3A_1112, %shift_left3A_1118 : vector<16xi32>
    %shift_right_logical3A_1120 = arith.constant 11 : i32
    %shift_right_logical3A_1121 = vector.broadcast %shift_right_logical3A_1120 : i32 to vector<16xi32>
    %shift_right_logical3A_1122 = arith.shrui %get3A_1109, %shift_right_logical3A_1121 : vector<16xi32>
    %and3A_1123 = arith.constant 7 : i32
    %and3A_1124 = vector.broadcast %and3A_1123 : i32 to vector<16xi32>
    %and3A_1125 = arith.andi %shift_right_logical3A_1122, %and3A_1124 : vector<16xi32>
    %add3A_1126 = arith.addi %add3A_1119, %and3A_1125 : vector<16xi32>
    %swap3A_1127 = arith.index_cast %mul3A_1106 : i32 to index
    %swap3A_1128 = tpu.vector_load %arg13[%swap3A_1127] {strides = array<i32>} : memref<2560xi32, #tpu.memory_space<vmem>>, vector<16xi32>,
    %swap3A_1129 = vector.shape_cast %swap3A_1128 : vector<16xi32> to vector<16xi32>
    %swap3A_1130 = vector.shape_cast %add3A_1126 : vector<16xi32> to vector<16xi32>
    tpu.vector_store %arg13[%swap3A_1127], %swap3A_1130 {strides = array<i32>} : memref<2560xi32, #tpu.memory_space<vmem>>, vector<16xi32>,
    %scan3A_1131 = arith.constant 25 : i32
    %mul3A_1132 = arith.constant 16 : i32
    %mul3A_1133 = arith.muli %scan3A_1131, %mul3A_1132 : i32
    %get3A_1134 = arith.index_cast %mul3A_1133 : i32 to index
    %get3A_1135 = tpu.vector_load %arg13[%get3A_1134] {strides = array<i32>} : memref<2560xi32, #tpu.memory_space<vmem>>, vector<16xi32>,
    %get3A_1136 = vector.shape_cast %get3A_1135 : vector<16xi32> to vector<16xi32>
    %and3A_1137 = arith.constant -16384 : i32
    %and3A_1138 = vector.broadcast %and3A_1137 : i32 to vector<16xi32>
    %and3A_1139 = arith.andi %get3A_1136, %and3A_1138 : vector<16xi32>
    %and3A_1140 = arith.constant 2047 : i32
    %and3A_1141 = vector.broadcast %and3A_1140 : i32 to vector<16xi32>
    %and3A_1142 = arith.andi %get3A_1136, %and3A_1141 : vector<16xi32>
    %shift_left3A_1143 = arith.constant 3 : i32
    %shift_left3A_1144 = vector.broadcast %shift_left3A_1143 : i32 to vector<16xi32>
    %shift_left3A_1145 = arith.shli %and3A_1142, %shift_left3A_1144 : vector<16xi32>
    %add3A_1146 = arith.addi %and3A_1139, %shift_left3A_1145 : vector<16xi32>
    %shift_right_logical3A_1147 = arith.constant 11 : i32
    %shift_right_logical3A_1148 = vector.broadcast %shift_right_logical3A_1147 : i32 to vector<16xi32>
    %shift_right_logical3A_1149 = arith.shrui %get3A_1136, %shift_right_logical3A_1148 : vector<16xi32>
    %and3A_1150 = arith.constant 7 : i32
    %and3A_1151 = vector.broadcast %and3A_1150 : i32 to vector<16xi32>
    %and3A_1152 = arith.andi %shift_right_logical3A_1149, %and3A_1151 : vector<16xi32>
    %add3A_1153 = arith.addi %add3A_1146, %and3A_1152 : vector<16xi32>
    %swap3A_1154 = arith.index_cast %mul3A_1133 : i32 to index
    %swap3A_1155 = tpu.vector_load %arg13[%swap3A_1154] {strides = array<i32>} : memref<2560xi32, #tpu.memory_space<vmem>>, vector<16xi32>,
    %swap3A_1156 = vector.shape_cast %swap3A_1155 : vector<16xi32> to vector<16xi32>
    %swap3A_1157 = vector.shape_cast %add3A_1153 : vector<16xi32> to vector<16xi32>
    tpu.vector_store %arg13[%swap3A_1154], %swap3A_1157 {strides = array<i32>} : memref<2560xi32, #tpu.memory_space<vmem>>, vector<16xi32>,
    %scan3A_1158 = arith.constant 26 : i32
    %mul3A_1159 = arith.constant 16 : i32
    %mul3A_1160 = arith.muli %scan3A_1158, %mul3A_1159 : i32
    %get3A_1161 = arith.index_cast %mul3A_1160 : i32 to index
    %get3A_1162 = tpu.vector_load %arg13[%get3A_1161] {strides = array<i32>} : memref<2560xi32, #tpu.memory_space<vmem>>, vector<16xi32>,
    %get3A_1163 = vector.shape_cast %get3A_1162 : vector<16xi32> to vector<16xi32>
    %and3A_1164 = arith.constant -16384 : i32
    %and3A_1165 = vector.broadcast %and3A_1164 : i32 to vector<16xi32>
    %and3A_1166 = arith.andi %get3A_1163, %and3A_1165 : vector<16xi32>
    %and3A_1167 = arith.constant 2047 : i32
    %and3A_1168 = vector.broadcast %and3A_1167 : i32 to vector<16xi32>
    %and3A_1169 = arith.andi %get3A_1163, %and3A_1168 : vector<16xi32>
    %shift_left3A_1170 = arith.constant 3 : i32
    %shift_left3A_1171 = vector.broadcast %shift_left3A_1170 : i32 to vector<16xi32>
    %shift_left3A_1172 = arith.shli %and3A_1169, %shift_left3A_1171 : vector<16xi32>
    %add3A_1173 = arith.addi %and3A_1166, %shift_left3A_1172 : vector<16xi32>
    %shift_right_logical3A_1174 = arith.constant 11 : i32
    %shift_right_logical3A_1175 = vector.broadcast %shift_right_logical3A_1174 : i32 to vector<16xi32>
    %shift_right_logical3A_1176 = arith.shrui %get3A_1163, %shift_right_logical3A_1175 : vector<16xi32>
    %and3A_1177 = arith.constant 7 : i32
    %and3A_1178 = vector.broadcast %and3A_1177 : i32 to vector<16xi32>
    %and3A_1179 = arith.andi %shift_right_logical3A_1176, %and3A_1178 : vector<16xi32>
    %add3A_1180 = arith.addi %add3A_1173, %and3A_1179 : vector<16xi32>
    %swap3A_1181 = arith.index_cast %mul3A_1160 : i32 to index
    %swap3A_1182 = tpu.vector_load %arg13[%swap3A_1181] {strides = array<i32>} : memref<2560xi32, #tpu.memory_space<vmem>>, vector<16xi32>,
    %swap3A_1183 = vector.shape_cast %swap3A_1182 : vector<16xi32> to vector<16xi32>
    %swap3A_1184 = vector.shape_cast %add3A_1180 : vector<16xi32> to vector<16xi32>
    tpu.vector_store %arg13[%swap3A_1181], %swap3A_1184 {strides = array<i32>} : memref<2560xi32, #tpu.memory_space<vmem>>, vector<16xi32>,
    %scan3A_1185 = arith.constant 27 : i32
    %mul3A_1186 = arith.constant 16 : i32
    %mul3A_1187 = arith.muli %scan3A_1185, %mul3A_1186 : i32
    %get3A_1188 = arith.index_cast %mul3A_1187 : i32 to index
    %get3A_1189 = tpu.vector_load %arg13[%get3A_1188] {strides = array<i32>} : memref<2560xi32, #tpu.memory_space<vmem>>, vector<16xi32>,
    %get3A_1190 = vector.shape_cast %get3A_1189 : vector<16xi32> to vector<16xi32>
    %and3A_1191 = arith.constant -16384 : i32
    %and3A_1192 = vector.broadcast %and3A_1191 : i32 to vector<16xi32>
    %and3A_1193 = arith.andi %get3A_1190, %and3A_1192 : vector<16xi32>
    %and3A_1194 = arith.constant 2047 : i32
    %and3A_1195 = vector.broadcast %and3A_1194 : i32 to vector<16xi32>
    %and3A_1196 = arith.andi %get3A_1190, %and3A_1195 : vector<16xi32>
    %shift_left3A_1197 = arith.constant 3 : i32
    %shift_left3A_1198 = vector.broadcast %shift_left3A_1197 : i32 to vector<16xi32>
    %shift_left3A_1199 = arith.shli %and3A_1196, %shift_left3A_1198 : vector<16xi32>
    %add3A_1200 = arith.addi %and3A_1193, %shift_left3A_1199 : vector<16xi32>
    %shift_right_logical3A_1201 = arith.constant 11 : i32
    %shift_right_logical3A_1202 = vector.broadcast %shift_right_logical3A_1201 : i32 to vector<16xi32>
    %shift_right_logical3A_1203 = arith.shrui %get3A_1190, %shift_right_logical3A_1202 : vector<16xi32>
    %and3A_1204 = arith.constant 7 : i32
    %and3A_1205 = vector.broadcast %and3A_1204 : i32 to vector<16xi32>
    %and3A_1206 = arith.andi %shift_right_logical3A_1203, %and3A_1205 : vector<16xi32>
    %add3A_1207 = arith.addi %add3A_1200, %and3A_1206 : vector<16xi32>
    %swap3A_1208 = arith.index_cast %mul3A_1187 : i32 to index
    %swap3A_1209 = tpu.vector_load %arg13[%swap3A_1208] {strides = array<i32>} : memref<2560xi32, #tpu.memory_space<vmem>>, vector<16xi32>,
    %swap3A_1210 = vector.shape_cast %swap3A_1209 : vector<16xi32> to vector<16xi32>
    %swap3A_1211 = vector.shape_cast %add3A_1207 : vector<16xi32> to vector<16xi32>
    tpu.vector_store %arg13[%swap3A_1208], %swap3A_1211 {strides = array<i32>} : memref<2560xi32, #tpu.memory_space<vmem>>, vector<16xi32>,
    %scan3A_1212 = arith.constant 28 : i32
    %mul3A_1213 = arith.constant 16 : i32
    %mul3A_1214 = arith.muli %scan3A_1212, %mul3A_1213 : i32
    %get3A_1215 = arith.index_cast %mul3A_1214 : i32 to index
    %get3A_1216 = tpu.vector_load %arg13[%get3A_1215] {strides = array<i32>} : memref<2560xi32, #tpu.memory_space<vmem>>, vector<16xi32>,
    %get3A_1217 = vector.shape_cast %get3A_1216 : vector<16xi32> to vector<16xi32>
    %and3A_1218 = arith.constant -16384 : i32
    %and3A_1219 = vector.broadcast %and3A_1218 : i32 to vector<16xi32>
    %and3A_1220 = arith.andi %get3A_1217, %and3A_1219 : vector<16xi32>
    %and3A_1221 = arith.constant 2047 : i32
    %and3A_1222 = vector.broadcast %and3A_1221 : i32 to vector<16xi32>
    %and3A_1223 = arith.andi %get3A_1217, %and3A_1222 : vector<16xi32>
    %shift_left3A_1224 = arith.constant 3 : i32
    %shift_left3A_1225 = vector.broadcast %shift_left3A_1224 : i32 to vector<16xi32>
    %shift_left3A_1226 = arith.shli %and3A_1223, %shift_left3A_1225 : vector<16xi32>
    %add3A_1227 = arith.addi %and3A_1220, %shift_left3A_1226 : vector<16xi32>
    %shift_right_logical3A_1228 = arith.constant 11 : i32
    %shift_right_logical3A_1229 = vector.broadcast %shift_right_logical3A_1228 : i32 to vector<16xi32>
    %shift_right_logical3A_1230 = arith.shrui %get3A_1217, %shift_right_logical3A_1229 : vector<16xi32>
    %and3A_1231 = arith.constant 7 : i32
    %and3A_1232 = vector.broadcast %and3A_1231 : i32 to vector<16xi32>
    %and3A_1233 = arith.andi %shift_right_logical3A_1230, %and3A_1232 : vector<16xi32>
    %add3A_1234 = arith.addi %add3A_1227, %and3A_1233 : vector<16xi32>
    %swap3A_1235 = arith.index_cast %mul3A_1214 : i32 to index
    %swap3A_1236 = tpu.vector_load %arg13[%swap3A_1235] {strides = array<i32>} : memref<2560xi32, #tpu.memory_space<vmem>>, vector<16xi32>,
    %swap3A_1237 = vector.shape_cast %swap3A_1236 : vector<16xi32> to vector<16xi32>
    %swap3A_1238 = vector.shape_cast %add3A_1234 : vector<16xi32> to vector<16xi32>
    tpu.vector_store %arg13[%swap3A_1235], %swap3A_1238 {strides = array<i32>} : memref<2560xi32, #tpu.memory_space<vmem>>, vector<16xi32>,
    %scan3A_1239 = arith.constant 29 : i32
    %mul3A_1240 = arith.constant 16 : i32
    %mul3A_1241 = arith.muli %scan3A_1239, %mul3A_1240 : i32
    %get3A_1242 = arith.index_cast %mul3A_1241 : i32 to index
    %get3A_1243 = tpu.vector_load %arg13[%get3A_1242] {strides = array<i32>} : memref<2560xi32, #tpu.memory_space<vmem>>, vector<16xi32>,
    %get3A_1244 = vector.shape_cast %get3A_1243 : vector<16xi32> to vector<16xi32>
    %and3A_1245 = arith.constant -16384 : i32
    %and3A_1246 = vector.broadcast %and3A_1245 : i32 to vector<16xi32>
    %and3A_1247 = arith.andi %get3A_1244, %and3A_1246 : vector<16xi32>
    %and3A_1248 = arith.constant 2047 : i32
    %and3A_1249 = vector.broadcast %and3A_1248 : i32 to vector<16xi32>
    %and3A_1250 = arith.andi %get3A_1244, %and3A_1249 : vector<16xi32>
    %shift_left3A_1251 = arith.constant 3 : i32
    %shift_left3A_1252 = vector.broadcast %shift_left3A_1251 : i32 to vector<16xi32>
    %shift_left3A_1253 = arith.shli %and3A_1250, %shift_left3A_1252 : vector<16xi32>
    %add3A_1254 = arith.addi %and3A_1247, %shift_left3A_1253 : vector<16xi32>
    %shift_right_logical3A_1255 = arith.constant 11 : i32
    %shift_right_logical3A_1256 = vector.broadcast %shift_right_logical3A_1255 : i32 to vector<16xi32>
    %shift_right_logical3A_1257 = arith.shrui %get3A_1244, %shift_right_logical3A_1256 : vector<16xi32>
    %and3A_1258 = arith.constant 7 : i32
    %and3A_1259 = vector.broadcast %and3A_1258 : i32 to vector<16xi32>
    %and3A_1260 = arith.andi %shift_right_logical3A_1257, %and3A_1259 : vector<16xi32>
    %add3A_1261 = arith.addi %add3A_1254, %and3A_1260 : vector<16xi32>
    %swap3A_1262 = arith.index_cast %mul3A_1241 : i32 to index
    %swap3A_1263 = tpu.vector_load %arg13[%swap3A_1262] {strides = array<i32>} : memref<2560xi32, #tpu.memory_space<vmem>>, vector<16xi32>,
    %swap3A_1264 = vector.shape_cast %swap3A_1263 : vector<16xi32> to vector<16xi32>
    %swap3A_1265 = vector.shape_cast %add3A_1261 : vector<16xi32> to vector<16xi32>
    tpu.vector_store %arg13[%swap3A_1262], %swap3A_1265 {strides = array<i32>} : memref<2560xi32, #tpu.memory_space<vmem>>, vector<16xi32>,
    %scan3A_1266 = arith.constant 30 : i32
    %mul3A_1267 = arith.constant 16 : i32
    %mul3A_1268 = arith.muli %scan3A_1266, %mul3A_1267 : i32
    %get3A_1269 = arith.index_cast %mul3A_1268 : i32 to index
    %get3A_1270 = tpu.vector_load %arg13[%get3A_1269] {strides = array<i32>} : memref<2560xi32, #tpu.memory_space<vmem>>, vector<16xi32>,
    %get3A_1271 = vector.shape_cast %get3A_1270 : vector<16xi32> to vector<16xi32>
    %and3A_1272 = arith.constant -16384 : i32
    %and3A_1273 = vector.broadcast %and3A_1272 : i32 to vector<16xi32>
    %and3A_1274 = arith.andi %get3A_1271, %and3A_1273 : vector<16xi32>
    %and3A_1275 = arith.constant 2047 : i32
    %and3A_1276 = vector.broadcast %and3A_1275 : i32 to vector<16xi32>
    %and3A_1277 = arith.andi %get3A_1271, %and3A_1276 : vector<16xi32>
    %shift_left3A_1278 = arith.constant 3 : i32
    %shift_left3A_1279 = vector.broadcast %shift_left3A_1278 : i32 to vector<16xi32>
    %shift_left3A_1280 = arith.shli %and3A_1277, %shift_left3A_1279 : vector<16xi32>
    %add3A_1281 = arith.addi %and3A_1274, %shift_left3A_1280 : vector<16xi32>
    %shift_right_logical3A_1282 = arith.constant 11 : i32
    %shift_right_logical3A_1283 = vector.broadcast %shift_right_logical3A_1282 : i32 to vector<16xi32>
    %shift_right_logical3A_1284 = arith.shrui %get3A_1271, %shift_right_logical3A_1283 : vector<16xi32>
    %and3A_1285 = arith.constant 7 : i32
    %and3A_1286 = vector.broadcast %and3A_1285 : i32 to vector<16xi32>
    %and3A_1287 = arith.andi %shift_right_logical3A_1284, %and3A_1286 : vector<16xi32>
    %add3A_1288 = arith.addi %add3A_1281, %and3A_1287 : vector<16xi32>
    %swap3A_1289 = arith.index_cast %mul3A_1268 : i32 to index
    %swap3A_1290 = tpu.vector_load %arg13[%swap3A_1289] {strides = array<i32>} : memref<2560xi32, #tpu.memory_space<vmem>>, vector<16xi32>,
    %swap3A_1291 = vector.shape_cast %swap3A_1290 : vector<16xi32> to vector<16xi32>
    %swap3A_1292 = vector.shape_cast %add3A_1288 : vector<16xi32> to vector<16xi32>
    tpu.vector_store %arg13[%swap3A_1289], %swap3A_1292 {strides = array<i32>} : memref<2560xi32, #tpu.memory_space<vmem>>, vector<16xi32>,
    %scan3A_1293 = arith.constant 31 : i32
    %mul3A_1294 = arith.constant 16 : i32
    %mul3A_1295 = arith.muli %scan3A_1293, %mul3A_1294 : i32
    %get3A_1296 = arith.index_cast %mul3A_1295 : i32 to index
    %get3A_1297 = tpu.vector_load %arg13[%get3A_1296] {strides = array<i32>} : memref<2560xi32, #tpu.memory_space<vmem>>, vector<16xi32>,
    %get3A_1298 = vector.shape_cast %get3A_1297 : vector<16xi32> to vector<16xi32>
    %and3A_1299 = arith.constant -16384 : i32
    %and3A_1300 = vector.broadcast %and3A_1299 : i32 to vector<16xi32>
    %and3A_1301 = arith.andi %get3A_1298, %and3A_1300 : vector<16xi32>
    %and3A_1302 = arith.constant 2047 : i32
    %and3A_1303 = vector.broadcast %and3A_1302 : i32 to vector<16xi32>
    %and3A_1304 = arith.andi %get3A_1298, %and3A_1303 : vector<16xi32>
    %shift_left3A_1305 = arith.constant 3 : i32
    %shift_left3A_1306 = vector.broadcast %shift_left3A_1305 : i32 to vector<16xi32>
    %shift_left3A_1307 = arith.shli %and3A_1304, %shift_left3A_1306 : vector<16xi32>
    %add3A_1308 = arith.addi %and3A_1301, %shift_left3A_1307 : vector<16xi32>
    %shift_right_logical3A_1309 = arith.constant 11 : i32
    %shift_right_logical3A_1310 = vector.broadcast %shift_right_logical3A_1309 : i32 to vector<16xi32>
    %shift_right_logical3A_1311 = arith.shrui %get3A_1298, %shift_right_logical3A_1310 : vector<16xi32>
    %and3A_1312 = arith.constant 7 : i32
    %and3A_1313 = vector.broadcast %and3A_1312 : i32 to vector<16xi32>
    %and3A_1314 = arith.andi %shift_right_logical3A_1311, %and3A_1313 : vector<16xi32>
    %add3A_1315 = arith.addi %add3A_1308, %and3A_1314 : vector<16xi32>
    %swap3A_1316 = arith.index_cast %mul3A_1295 : i32 to index
    %swap3A_1317 = tpu.vector_load %arg13[%swap3A_1316] {strides = array<i32>} : memref<2560xi32, #tpu.memory_space<vmem>>, vector<16xi32>,
    %swap3A_1318 = vector.shape_cast %swap3A_1317 : vector<16xi32> to vector<16xi32>
    %swap3A_1319 = vector.shape_cast %add3A_1315 : vector<16xi32> to vector<16xi32>
    tpu.vector_store %arg13[%swap3A_1316], %swap3A_1319 {strides = array<i32>} : memref<2560xi32, #tpu.memory_space<vmem>>, vector<16xi32>,
    %scan3A_1320 = arith.constant 32 : i32
    %mul3A_1321 = arith.constant 16 : i32
    %mul3A_1322 = arith.muli %scan3A_1320, %mul3A_1321 : i32
    %get3A_1323 = arith.index_cast %mul3A_1322 : i32 to index
    %get3A_1324 = tpu.vector_load %arg13[%get3A_1323] {strides = array<i32>} : memref<2560xi32, #tpu.memory_space<vmem>>, vector<16xi32>,
    %get3A_1325 = vector.shape_cast %get3A_1324 : vector<16xi32> to vector<16xi32>
    %and3A_1326 = arith.constant -16384 : i32
    %and3A_1327 = vector.broadcast %and3A_1326 : i32 to vector<16xi32>
    %and3A_1328 = arith.andi %get3A_1325, %and3A_1327 : vector<16xi32>
    %and3A_1329 = arith.constant 2047 : i32
    %and3A_1330 = vector.broadcast %and3A_1329 : i32 to vector<16xi32>
    %and3A_1331 = arith.andi %get3A_1325, %and3A_1330 : vector<16xi32>
    %shift_left3A_1332 = arith.constant 3 : i32
    %shift_left3A_1333 = vector.broadcast %shift_left3A_1332 : i32 to vector<16xi32>
    %shift_left3A_1334 = arith.shli %and3A_1331, %shift_left3A_1333 : vector<16xi32>
    %add3A_1335 = arith.addi %and3A_1328, %shift_left3A_1334 : vector<16xi32>
    %shift_right_logical3A_1336 = arith.constant 11 : i32
    %shift_right_logical3A_1337 = vector.broadcast %shift_right_logical3A_1336 : i32 to vector<16xi32>
    %shift_right_logical3A_1338 = arith.shrui %get3A_1325, %shift_right_logical3A_1337 : vector<16xi32>
    %and3A_1339 = arith.constant 7 : i32
    %and3A_1340 = vector.broadcast %and3A_1339 : i32 to vector<16xi32>
    %and3A_1341 = arith.andi %shift_right_logical3A_1338, %and3A_1340 : vector<16xi32>
    %add3A_1342 = arith.addi %add3A_1335, %and3A_1341 : vector<16xi32>
    %swap3A_1343 = arith.index_cast %mul3A_1322 : i32 to index
    %swap3A_1344 = tpu.vector_load %arg13[%swap3A_1343] {strides = array<i32>} : memref<2560xi32, #tpu.memory_space<vmem>>, vector<16xi32>,
    %swap3A_1345 = vector.shape_cast %swap3A_1344 : vector<16xi32> to vector<16xi32>
    %swap3A_1346 = vector.shape_cast %add3A_1342 : vector<16xi32> to vector<16xi32>
    tpu.vector_store %arg13[%swap3A_1343], %swap3A_1346 {strides = array<i32>} : memref<2560xi32, #tpu.memory_space<vmem>>, vector<16xi32>,
    %scan3A_1347 = arith.constant 33 : i32
    %mul3A_1348 = arith.constant 16 : i32
    %mul3A_1349 = arith.muli %scan3A_1347, %mul3A_1348 : i32
    %get3A_1350 = arith.index_cast %mul3A_1349 : i32 to index
    %get3A_1351 = tpu.vector_load %arg13[%get3A_1350] {strides = array<i32>} : memref<2560xi32, #tpu.memory_space<vmem>>, vector<16xi32>,
    %get3A_1352 = vector.shape_cast %get3A_1351 : vector<16xi32> to vector<16xi32>
    %and3A_1353 = arith.constant -16384 : i32
    %and3A_1354 = vector.broadcast %and3A_1353 : i32 to vector<16xi32>
    %and3A_1355 = arith.andi %get3A_1352, %and3A_1354 : vector<16xi32>
    %and3A_1356 = arith.constant 2047 : i32
    %and3A_1357 = vector.broadcast %and3A_1356 : i32 to vector<16xi32>
    %and3A_1358 = arith.andi %get3A_1352, %and3A_1357 : vector<16xi32>
    %shift_left3A_1359 = arith.constant 3 : i32
    %shift_left3A_1360 = vector.broadcast %shift_left3A_1359 : i32 to vector<16xi32>
    %shift_left3A_1361 = arith.shli %and3A_1358, %shift_left3A_1360 : vector<16xi32>
    %add3A_1362 = arith.addi %and3A_1355, %shift_left3A_1361 : vector<16xi32>
    %shift_right_logical3A_1363 = arith.constant 11 : i32
    %shift_right_logical3A_1364 = vector.broadcast %shift_right_logical3A_1363 : i32 to vector<16xi32>
    %shift_right_logical3A_1365 = arith.shrui %get3A_1352, %shift_right_logical3A_1364 : vector<16xi32>
    %and3A_1366 = arith.constant 7 : i32
    %and3A_1367 = vector.broadcast %and3A_1366 : i32 to vector<16xi32>
    %and3A_1368 = arith.andi %shift_right_logical3A_1365, %and3A_1367 : vector<16xi32>
    %add3A_1369 = arith.addi %add3A_1362, %and3A_1368 : vector<16xi32>
    %swap3A_1370 = arith.index_cast %mul3A_1349 : i32 to index
    %swap3A_1371 = tpu.vector_load %arg13[%swap3A_1370] {strides = array<i32>} : memref<2560xi32, #tpu.memory_space<vmem>>, vector<16xi32>,
    %swap3A_1372 = vector.shape_cast %swap3A_1371 : vector<16xi32> to vector<16xi32>
    %swap3A_1373 = vector.shape_cast %add3A_1369 : vector<16xi32> to vector<16xi32>
    tpu.vector_store %arg13[%swap3A_1370], %swap3A_1373 {strides = array<i32>} : memref<2560xi32, #tpu.memory_space<vmem>>, vector<16xi32>,
    %scan3A_1374 = arith.constant 34 : i32
    %mul3A_1375 = arith.constant 16 : i32
    %mul3A_1376 = arith.muli %scan3A_1374, %mul3A_1375 : i32
    %get3A_1377 = arith.index_cast %mul3A_1376 : i32 to index
    %get3A_1378 = tpu.vector_load %arg13[%get3A_1377] {strides = array<i32>} : memref<2560xi32, #tpu.memory_space<vmem>>, vector<16xi32>,
    %get3A_1379 = vector.shape_cast %get3A_1378 : vector<16xi32> to vector<16xi32>
    %and3A_1380 = arith.constant -16384 : i32
    %and3A_1381 = vector.broadcast %and3A_1380 : i32 to vector<16xi32>
    %and3A_1382 = arith.andi %get3A_1379, %and3A_1381 : vector<16xi32>
    %and3A_1383 = arith.constant 2047 : i32
    %and3A_1384 = vector.broadcast %and3A_1383 : i32 to vector<16xi32>
    %and3A_1385 = arith.andi %get3A_1379, %and3A_1384 : vector<16xi32>
    %shift_left3A_1386 = arith.constant 3 : i32
    %shift_left3A_1387 = vector.broadcast %shift_left3A_1386 : i32 to vector<16xi32>
    %shift_left3A_1388 = arith.shli %and3A_1385, %shift_left3A_1387 : vector<16xi32>
    %add3A_1389 = arith.addi %and3A_1382, %shift_left3A_1388 : vector<16xi32>
    %shift_right_logical3A_1390 = arith.constant 11 : i32
    %shift_right_logical3A_1391 = vector.broadcast %shift_right_logical3A_1390 : i32 to vector<16xi32>
    %shift_right_logical3A_1392 = arith.shrui %get3A_1379, %shift_right_logical3A_1391 : vector<16xi32>
    %and3A_1393 = arith.constant 7 : i32
    %and3A_1394 = vector.broadcast %and3A_1393 : i32 to vector<16xi32>
    %and3A_1395 = arith.andi %shift_right_logical3A_1392, %and3A_1394 : vector<16xi32>
    %add3A_1396 = arith.addi %add3A_1389, %and3A_1395 : vector<16xi32>
    %swap3A_1397 = arith.index_cast %mul3A_1376 : i32 to index
    %swap3A_1398 = tpu.vector_load %arg13[%swap3A_1397] {strides = array<i32>} : memref<2560xi32, #tpu.memory_space<vmem>>, vector<16xi32>,
    %swap3A_1399 = vector.shape_cast %swap3A_1398 : vector<16xi32> to vector<16xi32>
    %swap3A_1400 = vector.shape_cast %add3A_1396 : vector<16xi32> to vector<16xi32>
    tpu.vector_store %arg13[%swap3A_1397], %swap3A_1400 {strides = array<i32>} : memref<2560xi32, #tpu.memory_space<vmem>>, vector<16xi32>,
    %scan3A_1401 = arith.constant 35 : i32
    %mul3A_1402 = arith.constant 16 : i32
    %mul3A_1403 = arith.muli %scan3A_1401, %mul3A_1402 : i32
    %get3A_1404 = arith.index_cast %mul3A_1403 : i32 to index
    %get3A_1405 = tpu.vector_load %arg13[%get3A_1404] {strides = array<i32>} : memref<2560xi32, #tpu.memory_space<vmem>>, vector<16xi32>,
    %get3A_1406 = vector.shape_cast %get3A_1405 : vector<16xi32> to vector<16xi32>
    %and3A_1407 = arith.constant -16384 : i32
    %and3A_1408 = vector.broadcast %and3A_1407 : i32 to vector<16xi32>
    %and3A_1409 = arith.andi %get3A_1406, %and3A_1408 : vector<16xi32>
    %and3A_1410 = arith.constant 2047 : i32
    %and3A_1411 = vector.broadcast %and3A_1410 : i32 to vector<16xi32>
    %and3A_1412 = arith.andi %get3A_1406, %and3A_1411 : vector<16xi32>
    %shift_left3A_1413 = arith.constant 3 : i32
    %shift_left3A_1414 = vector.broadcast %shift_left3A_1413 : i32 to vector<16xi32>
    %shift_left3A_1415 = arith.shli %and3A_1412, %shift_left3A_1414 : vector<16xi32>
    %add3A_1416 = arith.addi %and3A_1409, %shift_left3A_1415 : vector<16xi32>
    %shift_right_logical3A_1417 = arith.constant 11 : i32
    %shift_right_logical3A_1418 = vector.broadcast %shift_right_logical3A_1417 : i32 to vector<16xi32>
    %shift_right_logical3A_1419 = arith.shrui %get3A_1406, %shift_right_logical3A_1418 : vector<16xi32>
    %and3A_1420 = arith.constant 7 : i32
    %and3A_1421 = vector.broadcast %and3A_1420 : i32 to vector<16xi32>
    %and3A_1422 = arith.andi %shift_right_logical3A_1419, %and3A_1421 : vector<16xi32>
    %add3A_1423 = arith.addi %add3A_1416, %and3A_1422 : vector<16xi32>
    %swap3A_1424 = arith.index_cast %mul3A_1403 : i32 to index
    %swap3A_1425 = tpu.vector_load %arg13[%swap3A_1424] {strides = array<i32>} : memref<2560xi32, #tpu.memory_space<vmem>>, vector<16xi32>,
    %swap3A_1426 = vector.shape_cast %swap3A_1425 : vector<16xi32> to vector<16xi32>
    %swap3A_1427 = vector.shape_cast %add3A_1423 : vector<16xi32> to vector<16xi32>
    tpu.vector_store %arg13[%swap3A_1424], %swap3A_1427 {strides = array<i32>} : memref<2560xi32, #tpu.memory_space<vmem>>, vector<16xi32>,
    %scan3A_1428 = arith.constant 36 : i32
    %mul3A_1429 = arith.constant 16 : i32
    %mul3A_1430 = arith.muli %scan3A_1428, %mul3A_1429 : i32
    %get3A_1431 = arith.index_cast %mul3A_1430 : i32 to index
    %get3A_1432 = tpu.vector_load %arg13[%get3A_1431] {strides = array<i32>} : memref<2560xi32, #tpu.memory_space<vmem>>, vector<16xi32>,
    %get3A_1433 = vector.shape_cast %get3A_1432 : vector<16xi32> to vector<16xi32>
    %and3A_1434 = arith.constant -16384 : i32
    %and3A_1435 = vector.broadcast %and3A_1434 : i32 to vector<16xi32>
    %and3A_1436 = arith.andi %get3A_1433, %and3A_1435 : vector<16xi32>
    %and3A_1437 = arith.constant 2047 : i32
    %and3A_1438 = vector.broadcast %and3A_1437 : i32 to vector<16xi32>
    %and3A_1439 = arith.andi %get3A_1433, %and3A_1438 : vector<16xi32>
    %shift_left3A_1440 = arith.constant 3 : i32
    %shift_left3A_1441 = vector.broadcast %shift_left3A_1440 : i32 to vector<16xi32>
    %shift_left3A_1442 = arith.shli %and3A_1439, %shift_left3A_1441 : vector<16xi32>
    %add3A_1443 = arith.addi %and3A_1436, %shift_left3A_1442 : vector<16xi32>
    %shift_right_logical3A_1444 = arith.constant 11 : i32
    %shift_right_logical3A_1445 = vector.broadcast %shift_right_logical3A_1444 : i32 to vector<16xi32>
    %shift_right_logical3A_1446 = arith.shrui %get3A_1433, %shift_right_logical3A_1445 : vector<16xi32>
    %and3A_1447 = arith.constant 7 : i32
    %and3A_1448 = vector.broadcast %and3A_1447 : i32 to vector<16xi32>
    %and3A_1449 = arith.andi %shift_right_logical3A_1446, %and3A_1448 : vector<16xi32>
    %add3A_1450 = arith.addi %add3A_1443, %and3A_1449 : vector<16xi32>
    %swap3A_1451 = arith.index_cast %mul3A_1430 : i32 to index
    %swap3A_1452 = tpu.vector_load %arg13[%swap3A_1451] {strides = array<i32>} : memref<2560xi32, #tpu.memory_space<vmem>>, vector<16xi32>,
    %swap3A_1453 = vector.shape_cast %swap3A_1452 : vector<16xi32> to vector<16xi32>
    %swap3A_1454 = vector.shape_cast %add3A_1450 : vector<16xi32> to vector<16xi32>
    tpu.vector_store %arg13[%swap3A_1451], %swap3A_1454 {strides = array<i32>} : memref<2560xi32, #tpu.memory_space<vmem>>, vector<16xi32>,
    %scan3A_1455 = arith.constant 37 : i32
    %mul3A_1456 = arith.constant 16 : i32
    %mul3A_1457 = arith.muli %scan3A_1455, %mul3A_1456 : i32
    %get3A_1458 = arith.index_cast %mul3A_1457 : i32 to index
    %get3A_1459 = tpu.vector_load %arg13[%get3A_1458] {strides = array<i32>} : memref<2560xi32, #tpu.memory_space<vmem>>, vector<16xi32>,
    %get3A_1460 = vector.shape_cast %get3A_1459 : vector<16xi32> to vector<16xi32>
    %and3A_1461 = arith.constant -16384 : i32
    %and3A_1462 = vector.broadcast %and3A_1461 : i32 to vector<16xi32>
    %and3A_1463 = arith.andi %get3A_1460, %and3A_1462 : vector<16xi32>
    %and3A_1464 = arith.constant 2047 : i32
    %and3A_1465 = vector.broadcast %and3A_1464 : i32 to vector<16xi32>
    %and3A_1466 = arith.andi %get3A_1460, %and3A_1465 : vector<16xi32>
    %shift_left3A_1467 = arith.constant 3 : i32
    %shift_left3A_1468 = vector.broadcast %shift_left3A_1467 : i32 to vector<16xi32>
    %shift_left3A_1469 = arith.shli %and3A_1466, %shift_left3A_1468 : vector<16xi32>
    %add3A_1470 = arith.addi %and3A_1463, %shift_left3A_1469 : vector<16xi32>
    %shift_right_logical3A_1471 = arith.constant 11 : i32
    %shift_right_logical3A_1472 = vector.broadcast %shift_right_logical3A_1471 : i32 to vector<16xi32>
    %shift_right_logical3A_1473 = arith.shrui %get3A_1460, %shift_right_logical3A_1472 : vector<16xi32>
    %and3A_1474 = arith.constant 7 : i32
    %and3A_1475 = vector.broadcast %and3A_1474 : i32 to vector<16xi32>
    %and3A_1476 = arith.andi %shift_right_logical3A_1473, %and3A_1475 : vector<16xi32>
    %add3A_1477 = arith.addi %add3A_1470, %and3A_1476 : vector<16xi32>
    %swap3A_1478 = arith.index_cast %mul3A_1457 : i32 to index
    %swap3A_1479 = tpu.vector_load %arg13[%swap3A_1478] {strides = array<i32>} : memref<2560xi32, #tpu.memory_space<vmem>>, vector<16xi32>,
    %swap3A_1480 = vector.shape_cast %swap3A_1479 : vector<16xi32> to vector<16xi32>
    %swap3A_1481 = vector.shape_cast %add3A_1477 : vector<16xi32> to vector<16xi32>
    tpu.vector_store %arg13[%swap3A_1478], %swap3A_1481 {strides = array<i32>} : memref<2560xi32, #tpu.memory_space<vmem>>, vector<16xi32>,
    %scan3A_1482 = arith.constant 38 : i32
    %mul3A_1483 = arith.constant 16 : i32
    %mul3A_1484 = arith.muli %scan3A_1482, %mul3A_1483 : i32
    %get3A_1485 = arith.index_cast %mul3A_1484 : i32 to index
    %get3A_1486 = tpu.vector_load %arg13[%get3A_1485] {strides = array<i32>} : memref<2560xi32, #tpu.memory_space<vmem>>, vector<16xi32>,
    %get3A_1487 = vector.shape_cast %get3A_1486 : vector<16xi32> to vector<16xi32>
    %and3A_1488 = arith.constant -16384 : i32
    %and3A_1489 = vector.broadcast %and3A_1488 : i32 to vector<16xi32>
    %and3A_1490 = arith.andi %get3A_1487, %and3A_1489 : vector<16xi32>
    %and3A_1491 = arith.constant 2047 : i32
    %and3A_1492 = vector.broadcast %and3A_1491 : i32 to vector<16xi32>
    %and3A_1493 = arith.andi %get3A_1487, %and3A_1492 : vector<16xi32>
    %shift_left3A_1494 = arith.constant 3 : i32
    %shift_left3A_1495 = vector.broadcast %shift_left3A_1494 : i32 to vector<16xi32>
    %shift_left3A_1496 = arith.shli %and3A_1493, %shift_left3A_1495 : vector<16xi32>
    %add3A_1497 = arith.addi %and3A_1490, %shift_left3A_1496 : vector<16xi32>
    %shift_right_logical3A_1498 = arith.constant 11 : i32
    %shift_right_logical3A_1499 = vector.broadcast %shift_right_logical3A_1498 : i32 to vector<16xi32>
    %shift_right_logical3A_1500 = arith.shrui %get3A_1487, %shift_right_logical3A_1499 : vector<16xi32>
    %and3A_1501 = arith.constant 7 : i32
    %and3A_1502 = vector.broadcast %and3A_1501 : i32 to vector<16xi32>
    %and3A_1503 = arith.andi %shift_right_logical3A_1500, %and3A_1502 : vector<16xi32>
    %add3A_1504 = arith.addi %add3A_1497, %and3A_1503 : vector<16xi32>
    %swap3A_1505 = arith.index_cast %mul3A_1484 : i32 to index
    %swap3A_1506 = tpu.vector_load %arg13[%swap3A_1505] {strides = array<i32>} : memref<2560xi32, #tpu.memory_space<vmem>>, vector<16xi32>,
    %swap3A_1507 = vector.shape_cast %swap3A_1506 : vector<16xi32> to vector<16xi32>
    %swap3A_1508 = vector.shape_cast %add3A_1504 : vector<16xi32> to vector<16xi32>
    tpu.vector_store %arg13[%swap3A_1505], %swap3A_1508 {strides = array<i32>} : memref<2560xi32, #tpu.memory_space<vmem>>, vector<16xi32>,
    %scan3A_1509 = arith.constant 39 : i32
    %mul3A_1510 = arith.constant 16 : i32
    %mul3A_1511 = arith.muli %scan3A_1509, %mul3A_1510 : i32
    %get3A_1512 = arith.index_cast %mul3A_1511 : i32 to index
    %get3A_1513 = tpu.vector_load %arg13[%get3A_1512] {strides = array<i32>} : memref<2560xi32, #tpu.memory_space<vmem>>, vector<16xi32>,
    %get3A_1514 = vector.shape_cast %get3A_1513 : vector<16xi32> to vector<16xi32>
    %and3A_1515 = arith.constant -16384 : i32
    %and3A_1516 = vector.broadcast %and3A_1515 : i32 to vector<16xi32>
    %and3A_1517 = arith.andi %get3A_1514, %and3A_1516 : vector<16xi32>
    %and3A_1518 = arith.constant 2047 : i32
    %and3A_1519 = vector.broadcast %and3A_1518 : i32 to vector<16xi32>
    %and3A_1520 = arith.andi %get3A_1514, %and3A_1519 : vector<16xi32>
    %shift_left3A_1521 = arith.constant 3 : i32
    %shift_left3A_1522 = vector.broadcast %shift_left3A_1521 : i32 to vector<16xi32>
    %shift_left3A_1523 = arith.shli %and3A_1520, %shift_left3A_1522 : vector<16xi32>
    %add3A_1524 = arith.addi %and3A_1517, %shift_left3A_1523 : vector<16xi32>
    %shift_right_logical3A_1525 = arith.constant 11 : i32
    %shift_right_logical3A_1526 = vector.broadcast %shift_right_logical3A_1525 : i32 to vector<16xi32>
    %shift_right_logical3A_1527 = arith.shrui %get3A_1514, %shift_right_logical3A_1526 : vector<16xi32>
    %and3A_1528 = arith.constant 7 : i32
    %and3A_1529 = vector.broadcast %and3A_1528 : i32 to vector<16xi32>
    %and3A_1530 = arith.andi %shift_right_logical3A_1527, %and3A_1529 : vector<16xi32>
    %add3A_1531 = arith.addi %add3A_1524, %and3A_1530 : vector<16xi32>
    %swap3A_1532 = arith.index_cast %mul3A_1511 : i32 to index
    %swap3A_1533 = tpu.vector_load %arg13[%swap3A_1532] {strides = array<i32>} : memref<2560xi32, #tpu.memory_space<vmem>>, vector<16xi32>,
    %swap3A_1534 = vector.shape_cast %swap3A_1533 : vector<16xi32> to vector<16xi32>
    %swap3A_1535 = vector.shape_cast %add3A_1531 : vector<16xi32> to vector<16xi32>
    tpu.vector_store %arg13[%swap3A_1532], %swap3A_1535 {strides = array<i32>} : memref<2560xi32, #tpu.memory_space<vmem>>, vector<16xi32>,
    %scan3A_1536 = arith.constant 40 : i32
    %mul3A_1537 = arith.constant 16 : i32
    %mul3A_1538 = arith.muli %scan3A_1536, %mul3A_1537 : i32
    %get3A_1539 = arith.index_cast %mul3A_1538 : i32 to index
    %get3A_1540 = tpu.vector_load %arg13[%get3A_1539] {strides = array<i32>} : memref<2560xi32, #tpu.memory_space<vmem>>, vector<16xi32>,
    %get3A_1541 = vector.shape_cast %get3A_1540 : vector<16xi32> to vector<16xi32>
    %and3A_1542 = arith.constant -16384 : i32
    %and3A_1543 = vector.broadcast %and3A_1542 : i32 to vector<16xi32>
    %and3A_1544 = arith.andi %get3A_1541, %and3A_1543 : vector<16xi32>
    %and3A_1545 = arith.constant 2047 : i32
    %and3A_1546 = vector.broadcast %and3A_1545 : i32 to vector<16xi32>
    %and3A_1547 = arith.andi %get3A_1541, %and3A_1546 : vector<16xi32>
    %shift_left3A_1548 = arith.constant 3 : i32
    %shift_left3A_1549 = vector.broadcast %shift_left3A_1548 : i32 to vector<16xi32>
    %shift_left3A_1550 = arith.shli %and3A_1547, %shift_left3A_1549 : vector<16xi32>
    %add3A_1551 = arith.addi %and3A_1544, %shift_left3A_1550 : vector<16xi32>
    %shift_right_logical3A_1552 = arith.constant 11 : i32
    %shift_right_logical3A_1553 = vector.broadcast %shift_right_logical3A_1552 : i32 to vector<16xi32>
    %shift_right_logical3A_1554 = arith.shrui %get3A_1541, %shift_right_logical3A_1553 : vector<16xi32>
    %and3A_1555 = arith.constant 7 : i32
    %and3A_1556 = vector.broadcast %and3A_1555 : i32 to vector<16xi32>
    %and3A_1557 = arith.andi %shift_right_logical3A_1554, %and3A_1556 : vector<16xi32>
    %add3A_1558 = arith.addi %add3A_1551, %and3A_1557 : vector<16xi32>
    %swap3A_1559 = arith.index_cast %mul3A_1538 : i32 to index
    %swap3A_1560 = tpu.vector_load %arg13[%swap3A_1559] {strides = array<i32>} : memref<2560xi32, #tpu.memory_space<vmem>>, vector<16xi32>,
    %swap3A_1561 = vector.shape_cast %swap3A_1560 : vector<16xi32> to vector<16xi32>
    %swap3A_1562 = vector.shape_cast %add3A_1558 : vector<16xi32> to vector<16xi32>
    tpu.vector_store %arg13[%swap3A_1559], %swap3A_1562 {strides = array<i32>} : memref<2560xi32, #tpu.memory_space<vmem>>, vector<16xi32>,
    %scan3A_1563 = arith.constant 41 : i32
    %mul3A_1564 = arith.constant 16 : i32
    %mul3A_1565 = arith.muli %scan3A_1563, %mul3A_1564 : i32
    %get3A_1566 = arith.index_cast %mul3A_1565 : i32 to index
    %get3A_1567 = tpu.vector_load %arg13[%get3A_1566] {strides = array<i32>} : memref<2560xi32, #tpu.memory_space<vmem>>, vector<16xi32>,
    %get3A_1568 = vector.shape_cast %get3A_1567 : vector<16xi32> to vector<16xi32>
    %and3A_1569 = arith.constant -16384 : i32
    %and3A_1570 = vector.broadcast %and3A_1569 : i32 to vector<16xi32>
    %and3A_1571 = arith.andi %get3A_1568, %and3A_1570 : vector<16xi32>
    %and3A_1572 = arith.constant 2047 : i32
    %and3A_1573 = vector.broadcast %and3A_1572 : i32 to vector<16xi32>
    %and3A_1574 = arith.andi %get3A_1568, %and3A_1573 : vector<16xi32>
    %shift_left3A_1575 = arith.constant 3 : i32
    %shift_left3A_1576 = vector.broadcast %shift_left3A_1575 : i32 to vector<16xi32>
    %shift_left3A_1577 = arith.shli %and3A_1574, %shift_left3A_1576 : vector<16xi32>
    %add3A_1578 = arith.addi %and3A_1571, %shift_left3A_1577 : vector<16xi32>
    %shift_right_logical3A_1579 = arith.constant 11 : i32
    %shift_right_logical3A_1580 = vector.broadcast %shift_right_logical3A_1579 : i32 to vector<16xi32>
    %shift_right_logical3A_1581 = arith.shrui %get3A_1568, %shift_right_logical3A_1580 : vector<16xi32>
    %and3A_1582 = arith.constant 7 : i32
    %and3A_1583 = vector.broadcast %and3A_1582 : i32 to vector<16xi32>
    %and3A_1584 = arith.andi %shift_right_logical3A_1581, %and3A_1583 : vector<16xi32>
    %add3A_1585 = arith.addi %add3A_1578, %and3A_1584 : vector<16xi32>
    %swap3A_1586 = arith.index_cast %mul3A_1565 : i32 to index
    %swap3A_1587 = tpu.vector_load %arg13[%swap3A_1586] {strides = array<i32>} : memref<2560xi32, #tpu.memory_space<vmem>>, vector<16xi32>,
    %swap3A_1588 = vector.shape_cast %swap3A_1587 : vector<16xi32> to vector<16xi32>
    %swap3A_1589 = vector.shape_cast %add3A_1585 : vector<16xi32> to vector<16xi32>
    tpu.vector_store %arg13[%swap3A_1586], %swap3A_1589 {strides = array<i32>} : memref<2560xi32, #tpu.memory_space<vmem>>, vector<16xi32>,
    %scan3A_1590 = arith.constant 42 : i32
    %mul3A_1591 = arith.constant 16 : i32
    %mul3A_1592 = arith.muli %scan3A_1590, %mul3A_1591 : i32
    %get3A_1593 = arith.index_cast %mul3A_1592 : i32 to index
    %get3A_1594 = tpu.vector_load %arg13[%get3A_1593] {strides = array<i32>} : memref<2560xi32, #tpu.memory_space<vmem>>, vector<16xi32>,
    %get3A_1595 = vector.shape_cast %get3A_1594 : vector<16xi32> to vector<16xi32>
    %and3A_1596 = arith.constant -16384 : i32
    %and3A_1597 = vector.broadcast %and3A_1596 : i32 to vector<16xi32>
    %and3A_1598 = arith.andi %get3A_1595, %and3A_1597 : vector<16xi32>
    %and3A_1599 = arith.constant 2047 : i32
    %and3A_1600 = vector.broadcast %and3A_1599 : i32 to vector<16xi32>
    %and3A_1601 = arith.andi %get3A_1595, %and3A_1600 : vector<16xi32>
    %shift_left3A_1602 = arith.constant 3 : i32
    %shift_left3A_1603 = vector.broadcast %shift_left3A_1602 : i32 to vector<16xi32>
    %shift_left3A_1604 = arith.shli %and3A_1601, %shift_left3A_1603 : vector<16xi32>
    %add3A_1605 = arith.addi %and3A_1598, %shift_left3A_1604 : vector<16xi32>
    %shift_right_logical3A_1606 = arith.constant 11 : i32
    %shift_right_logical3A_1607 = vector.broadcast %shift_right_logical3A_1606 : i32 to vector<16xi32>
    %shift_right_logical3A_1608 = arith.shrui %get3A_1595, %shift_right_logical3A_1607 : vector<16xi32>
    %and3A_1609 = arith.constant 7 : i32
    %and3A_1610 = vector.broadcast %and3A_1609 : i32 to vector<16xi32>
    %and3A_1611 = arith.andi %shift_right_logical3A_1608, %and3A_1610 : vector<16xi32>
    %add3A_1612 = arith.addi %add3A_1605, %and3A_1611 : vector<16xi32>
    %swap3A_1613 = arith.index_cast %mul3A_1592 : i32 to index
    %swap3A_1614 = tpu.vector_load %arg13[%swap3A_1613] {strides = array<i32>} : memref<2560xi32, #tpu.memory_space<vmem>>, vector<16xi32>,
    %swap3A_1615 = vector.shape_cast %swap3A_1614 : vector<16xi32> to vector<16xi32>
    %swap3A_1616 = vector.shape_cast %add3A_1612 : vector<16xi32> to vector<16xi32>
    tpu.vector_store %arg13[%swap3A_1613], %swap3A_1616 {strides = array<i32>} : memref<2560xi32, #tpu.memory_space<vmem>>, vector<16xi32>,
    %scan3A_1617 = arith.constant 43 : i32
    %mul3A_1618 = arith.constant 16 : i32
    %mul3A_1619 = arith.muli %scan3A_1617, %mul3A_1618 : i32
    %get3A_1620 = arith.index_cast %mul3A_1619 : i32 to index
    %get3A_1621 = tpu.vector_load %arg13[%get3A_1620] {strides = array<i32>} : memref<2560xi32, #tpu.memory_space<vmem>>, vector<16xi32>,
    %get3A_1622 = vector.shape_cast %get3A_1621 : vector<16xi32> to vector<16xi32>
    %and3A_1623 = arith.constant -16384 : i32
    %and3A_1624 = vector.broadcast %and3A_1623 : i32 to vector<16xi32>
    %and3A_1625 = arith.andi %get3A_1622, %and3A_1624 : vector<16xi32>
    %and3A_1626 = arith.constant 2047 : i32
    %and3A_1627 = vector.broadcast %and3A_1626 : i32 to vector<16xi32>
    %and3A_1628 = arith.andi %get3A_1622, %and3A_1627 : vector<16xi32>
    %shift_left3A_1629 = arith.constant 3 : i32
    %shift_left3A_1630 = vector.broadcast %shift_left3A_1629 : i32 to vector<16xi32>
    %shift_left3A_1631 = arith.shli %and3A_1628, %shift_left3A_1630 : vector<16xi32>
    %add3A_1632 = arith.addi %and3A_1625, %shift_left3A_1631 : vector<16xi32>
    %shift_right_logical3A_1633 = arith.constant 11 : i32
    %shift_right_logical3A_1634 = vector.broadcast %shift_right_logical3A_1633 : i32 to vector<16xi32>
    %shift_right_logical3A_1635 = arith.shrui %get3A_1622, %shift_right_logical3A_1634 : vector<16xi32>
    %and3A_1636 = arith.constant 7 : i32
    %and3A_1637 = vector.broadcast %and3A_1636 : i32 to vector<16xi32>
    %and3A_1638 = arith.andi %shift_right_logical3A_1635, %and3A_1637 : vector<16xi32>
    %add3A_1639 = arith.addi %add3A_1632, %and3A_1638 : vector<16xi32>
    %swap3A_1640 = arith.index_cast %mul3A_1619 : i32 to index
    %swap3A_1641 = tpu.vector_load %arg13[%swap3A_1640] {strides = array<i32>} : memref<2560xi32, #tpu.memory_space<vmem>>, vector<16xi32>,
    %swap3A_1642 = vector.shape_cast %swap3A_1641 : vector<16xi32> to vector<16xi32>
    %swap3A_1643 = vector.shape_cast %add3A_1639 : vector<16xi32> to vector<16xi32>
    tpu.vector_store %arg13[%swap3A_1640], %swap3A_1643 {strides = array<i32>} : memref<2560xi32, #tpu.memory_space<vmem>>, vector<16xi32>,
    %scan3A_1644 = arith.constant 44 : i32
    %mul3A_1645 = arith.constant 16 : i32
    %mul3A_1646 = arith.muli %scan3A_1644, %mul3A_1645 : i32
    %get3A_1647 = arith.index_cast %mul3A_1646 : i32 to index
    %get3A_1648 = tpu.vector_load %arg13[%get3A_1647] {strides = array<i32>} : memref<2560xi32, #tpu.memory_space<vmem>>, vector<16xi32>,
    %get3A_1649 = vector.shape_cast %get3A_1648 : vector<16xi32> to vector<16xi32>
    %and3A_1650 = arith.constant -16384 : i32
    %and3A_1651 = vector.broadcast %and3A_1650 : i32 to vector<16xi32>
    %and3A_1652 = arith.andi %get3A_1649, %and3A_1651 : vector<16xi32>
    %and3A_1653 = arith.constant 2047 : i32
    %and3A_1654 = vector.broadcast %and3A_1653 : i32 to vector<16xi32>
    %and3A_1655 = arith.andi %get3A_1649, %and3A_1654 : vector<16xi32>
    %shift_left3A_1656 = arith.constant 3 : i32
    %shift_left3A_1657 = vector.broadcast %shift_left3A_1656 : i32 to vector<16xi32>
    %shift_left3A_1658 = arith.shli %and3A_1655, %shift_left3A_1657 : vector<16xi32>
    %add3A_1659 = arith.addi %and3A_1652, %shift_left3A_1658 : vector<16xi32>
    %shift_right_logical3A_1660 = arith.constant 11 : i32
    %shift_right_logical3A_1661 = vector.broadcast %shift_right_logical3A_1660 : i32 to vector<16xi32>
    %shift_right_logical3A_1662 = arith.shrui %get3A_1649, %shift_right_logical3A_1661 : vector<16xi32>
    %and3A_1663 = arith.constant 7 : i32
    %and3A_1664 = vector.broadcast %and3A_1663 : i32 to vector<16xi32>
    %and3A_1665 = arith.andi %shift_right_logical3A_1662, %and3A_1664 : vector<16xi32>
    %add3A_1666 = arith.addi %add3A_1659, %and3A_1665 : vector<16xi32>
    %swap3A_1667 = arith.index_cast %mul3A_1646 : i32 to index
    %swap3A_1668 = tpu.vector_load %arg13[%swap3A_1667] {strides = array<i32>} : memref<2560xi32, #tpu.memory_space<vmem>>, vector<16xi32>,
    %swap3A_1669 = vector.shape_cast %swap3A_1668 : vector<16xi32> to vector<16xi32>
    %swap3A_1670 = vector.shape_cast %add3A_1666 : vector<16xi32> to vector<16xi32>
    tpu.vector_store %arg13[%swap3A_1667], %swap3A_1670 {strides = array<i32>} : memref<2560xi32, #tpu.memory_space<vmem>>, vector<16xi32>,
    %scan3A_1671 = arith.constant 45 : i32
    %mul3A_1672 = arith.constant 16 : i32
    %mul3A_1673 = arith.muli %scan3A_1671, %mul3A_1672 : i32
    %get3A_1674 = arith.index_cast %mul3A_1673 : i32 to index
    %get3A_1675 = tpu.vector_load %arg13[%get3A_1674] {strides = array<i32>} : memref<2560xi32, #tpu.memory_space<vmem>>, vector<16xi32>,
    %get3A_1676 = vector.shape_cast %get3A_1675 : vector<16xi32> to vector<16xi32>
    %and3A_1677 = arith.constant -16384 : i32
    %and3A_1678 = vector.broadcast %and3A_1677 : i32 to vector<16xi32>
    %and3A_1679 = arith.andi %get3A_1676, %and3A_1678 : vector<16xi32>
    %and3A_1680 = arith.constant 2047 : i32
    %and3A_1681 = vector.broadcast %and3A_1680 : i32 to vector<16xi32>
    %and3A_1682 = arith.andi %get3A_1676, %and3A_1681 : vector<16xi32>
    %shift_left3A_1683 = arith.constant 3 : i32
    %shift_left3A_1684 = vector.broadcast %shift_left3A_1683 : i32 to vector<16xi32>
    %shift_left3A_1685 = arith.shli %and3A_1682, %shift_left3A_1684 : vector<16xi32>
    %add3A_1686 = arith.addi %and3A_1679, %shift_left3A_1685 : vector<16xi32>
    %shift_right_logical3A_1687 = arith.constant 11 : i32
    %shift_right_logical3A_1688 = vector.broadcast %shift_right_logical3A_1687 : i32 to vector<16xi32>
    %shift_right_logical3A_1689 = arith.shrui %get3A_1676, %shift_right_logical3A_1688 : vector<16xi32>
    %and3A_1690 = arith.constant 7 : i32
    %and3A_1691 = vector.broadcast %and3A_1690 : i32 to vector<16xi32>
    %and3A_1692 = arith.andi %shift_right_logical3A_1689, %and3A_1691 : vector<16xi32>
    %add3A_1693 = arith.addi %add3A_1686, %and3A_1692 : vector<16xi32>
    %swap3A_1694 = arith.index_cast %mul3A_1673 : i32 to index
    %swap3A_1695 = tpu.vector_load %arg13[%swap3A_1694] {strides = array<i32>} : memref<2560xi32, #tpu.memory_space<vmem>>, vector<16xi32>,
    %swap3A_1696 = vector.shape_cast %swap3A_1695 : vector<16xi32> to vector<16xi32>
    %swap3A_1697 = vector.shape_cast %add3A_1693 : vector<16xi32> to vector<16xi32>
    tpu.vector_store %arg13[%swap3A_1694], %swap3A_1697 {strides = array<i32>} : memref<2560xi32, #tpu.memory_space<vmem>>, vector<16xi32>,
    %scan3A_1698 = arith.constant 46 : i32
    %mul3A_1699 = arith.constant 16 : i32
    %mul3A_1700 = arith.muli %scan3A_1698, %mul3A_1699 : i32
    %get3A_1701 = arith.index_cast %mul3A_1700 : i32 to index
    %get3A_1702 = tpu.vector_load %arg13[%get3A_1701] {strides = array<i32>} : memref<2560xi32, #tpu.memory_space<vmem>>, vector<16xi32>,
    %get3A_1703 = vector.shape_cast %get3A_1702 : vector<16xi32> to vector<16xi32>
    %and3A_1704 = arith.constant -16384 : i32
    %and3A_1705 = vector.broadcast %and3A_1704 : i32 to vector<16xi32>
    %and3A_1706 = arith.andi %get3A_1703, %and3A_1705 : vector<16xi32>
    %and3A_1707 = arith.constant 2047 : i32
    %and3A_1708 = vector.broadcast %and3A_1707 : i32 to vector<16xi32>
    %and3A_1709 = arith.andi %get3A_1703, %and3A_1708 : vector<16xi32>
    %shift_left3A_1710 = arith.constant 3 : i32
    %shift_left3A_1711 = vector.broadcast %shift_left3A_1710 : i32 to vector<16xi32>
    %shift_left3A_1712 = arith.shli %and3A_1709, %shift_left3A_1711 : vector<16xi32>
    %add3A_1713 = arith.addi %and3A_1706, %shift_left3A_1712 : vector<16xi32>
    %shift_right_logical3A_1714 = arith.constant 11 : i32
    %shift_right_logical3A_1715 = vector.broadcast %shift_right_logical3A_1714 : i32 to vector<16xi32>
    %shift_right_logical3A_1716 = arith.shrui %get3A_1703, %shift_right_logical3A_1715 : vector<16xi32>
    %and3A_1717 = arith.constant 7 : i32
    %and3A_1718 = vector.broadcast %and3A_1717 : i32 to vector<16xi32>
    %and3A_1719 = arith.andi %shift_right_logical3A_1716, %and3A_1718 : vector<16xi32>
    %add3A_1720 = arith.addi %add3A_1713, %and3A_1719 : vector<16xi32>
    %swap3A_1721 = arith.index_cast %mul3A_1700 : i32 to index
    %swap3A_1722 = tpu.vector_load %arg13[%swap3A_1721] {strides = array<i32>} : memref<2560xi32, #tpu.memory_space<vmem>>, vector<16xi32>,
    %swap3A_1723 = vector.shape_cast %swap3A_1722 : vector<16xi32> to vector<16xi32>
    %swap3A_1724 = vector.shape_cast %add3A_1720 : vector<16xi32> to vector<16xi32>
    tpu.vector_store %arg13[%swap3A_1721], %swap3A_1724 {strides = array<i32>} : memref<2560xi32, #tpu.memory_space<vmem>>, vector<16xi32>,
    %scan3A_1725 = arith.constant 47 : i32
    %mul3A_1726 = arith.constant 16 : i32
    %mul3A_1727 = arith.muli %scan3A_1725, %mul3A_1726 : i32
    %get3A_1728 = arith.index_cast %mul3A_1727 : i32 to index
    %get3A_1729 = tpu.vector_load %arg13[%get3A_1728] {strides = array<i32>} : memref<2560xi32, #tpu.memory_space<vmem>>, vector<16xi32>,
    %get3A_1730 = vector.shape_cast %get3A_1729 : vector<16xi32> to vector<16xi32>
    %and3A_1731 = arith.constant -16384 : i32
    %and3A_1732 = vector.broadcast %and3A_1731 : i32 to vector<16xi32>
    %and3A_1733 = arith.andi %get3A_1730, %and3A_1732 : vector<16xi32>
    %and3A_1734 = arith.constant 2047 : i32
    %and3A_1735 = vector.broadcast %and3A_1734 : i32 to vector<16xi32>
    %and3A_1736 = arith.andi %get3A_1730, %and3A_1735 : vector<16xi32>
    %shift_left3A_1737 = arith.constant 3 : i32
    %shift_left3A_1738 = vector.broadcast %shift_left3A_1737 : i32 to vector<16xi32>
    %shift_left3A_1739 = arith.shli %and3A_1736, %shift_left3A_1738 : vector<16xi32>
    %add3A_1740 = arith.addi %and3A_1733, %shift_left3A_1739 : vector<16xi32>
    %shift_right_logical3A_1741 = arith.constant 11 : i32
    %shift_right_logical3A_1742 = vector.broadcast %shift_right_logical3A_1741 : i32 to vector<16xi32>
    %shift_right_logical3A_1743 = arith.shrui %get3A_1730, %shift_right_logical3A_1742 : vector<16xi32>
    %and3A_1744 = arith.constant 7 : i32
    %and3A_1745 = vector.broadcast %and3A_1744 : i32 to vector<16xi32>
    %and3A_1746 = arith.andi %shift_right_logical3A_1743, %and3A_1745 : vector<16xi32>
    %add3A_1747 = arith.addi %add3A_1740, %and3A_1746 : vector<16xi32>
    %swap3A_1748 = arith.index_cast %mul3A_1727 : i32 to index
    %swap3A_1749 = tpu.vector_load %arg13[%swap3A_1748] {strides = array<i32>} : memref<2560xi32, #tpu.memory_space<vmem>>, vector<16xi32>,
    %swap3A_1750 = vector.shape_cast %swap3A_1749 : vector<16xi32> to vector<16xi32>
    %swap3A_1751 = vector.shape_cast %add3A_1747 : vector<16xi32> to vector<16xi32>
    tpu.vector_store %arg13[%swap3A_1748], %swap3A_1751 {strides = array<i32>} : memref<2560xi32, #tpu.memory_space<vmem>>, vector<16xi32>,
    %scan3A_1752 = arith.constant 48 : i32
    %mul3A_1753 = arith.constant 16 : i32
    %mul3A_1754 = arith.muli %scan3A_1752, %mul3A_1753 : i32
    %get3A_1755 = arith.index_cast %mul3A_1754 : i32 to index
    %get3A_1756 = tpu.vector_load %arg13[%get3A_1755] {strides = array<i32>} : memref<2560xi32, #tpu.memory_space<vmem>>, vector<16xi32>,
    %get3A_1757 = vector.shape_cast %get3A_1756 : vector<16xi32> to vector<16xi32>
    %and3A_1758 = arith.constant -16384 : i32
    %and3A_1759 = vector.broadcast %and3A_1758 : i32 to vector<16xi32>
    %and3A_1760 = arith.andi %get3A_1757, %and3A_1759 : vector<16xi32>
    %and3A_1761 = arith.constant 2047 : i32
    %and3A_1762 = vector.broadcast %and3A_1761 : i32 to vector<16xi32>
    %and3A_1763 = arith.andi %get3A_1757, %and3A_1762 : vector<16xi32>
    %shift_left3A_1764 = arith.constant 3 : i32
    %shift_left3A_1765 = vector.broadcast %shift_left3A_1764 : i32 to vector<16xi32>
    %shift_left3A_1766 = arith.shli %and3A_1763, %shift_left3A_1765 : vector<16xi32>
    %add3A_1767 = arith.addi %and3A_1760, %shift_left3A_1766 : vector<16xi32>
    %shift_right_logical3A_1768 = arith.constant 11 : i32
    %shift_right_logical3A_1769 = vector.broadcast %shift_right_logical3A_1768 : i32 to vector<16xi32>
    %shift_right_logical3A_1770 = arith.shrui %get3A_1757, %shift_right_logical3A_1769 : vector<16xi32>
    %and3A_1771 = arith.constant 7 : i32
    %and3A_1772 = vector.broadcast %and3A_1771 : i32 to vector<16xi32>
    %and3A_1773 = arith.andi %shift_right_logical3A_1770, %and3A_1772 : vector<16xi32>
    %add3A_1774 = arith.addi %add3A_1767, %and3A_1773 : vector<16xi32>
    %swap3A_1775 = arith.index_cast %mul3A_1754 : i32 to index
    %swap3A_1776 = tpu.vector_load %arg13[%swap3A_1775] {strides = array<i32>} : memref<2560xi32, #tpu.memory_space<vmem>>, vector<16xi32>,
    %swap3A_1777 = vector.shape_cast %swap3A_1776 : vector<16xi32> to vector<16xi32>
    %swap3A_1778 = vector.shape_cast %add3A_1774 : vector<16xi32> to vector<16xi32>
    tpu.vector_store %arg13[%swap3A_1775], %swap3A_1778 {strides = array<i32>} : memref<2560xi32, #tpu.memory_space<vmem>>, vector<16xi32>,
    %scan3A_1779 = arith.constant 49 : i32
    %mul3A_1780 = arith.constant 16 : i32
    %mul3A_1781 = arith.muli %scan3A_1779, %mul3A_1780 : i32
    %get3A_1782 = arith.index_cast %mul3A_1781 : i32 to index
    %get3A_1783 = tpu.vector_load %arg13[%get3A_1782] {strides = array<i32>} : memref<2560xi32, #tpu.memory_space<vmem>>, vector<16xi32>,
    %get3A_1784 = vector.shape_cast %get3A_1783 : vector<16xi32> to vector<16xi32>
    %and3A_1785 = arith.constant -16384 : i32
    %and3A_1786 = vector.broadcast %and3A_1785 : i32 to vector<16xi32>
    %and3A_1787 = arith.andi %get3A_1784, %and3A_1786 : vector<16xi32>
    %and3A_1788 = arith.constant 2047 : i32
    %and3A_1789 = vector.broadcast %and3A_1788 : i32 to vector<16xi32>
    %and3A_1790 = arith.andi %get3A_1784, %and3A_1789 : vector<16xi32>
    %shift_left3A_1791 = arith.constant 3 : i32
    %shift_left3A_1792 = vector.broadcast %shift_left3A_1791 : i32 to vector<16xi32>
    %shift_left3A_1793 = arith.shli %and3A_1790, %shift_left3A_1792 : vector<16xi32>
    %add3A_1794 = arith.addi %and3A_1787, %shift_left3A_1793 : vector<16xi32>
    %shift_right_logical3A_1795 = arith.constant 11 : i32
    %shift_right_logical3A_1796 = vector.broadcast %shift_right_logical3A_1795 : i32 to vector<16xi32>
    %shift_right_logical3A_1797 = arith.shrui %get3A_1784, %shift_right_logical3A_1796 : vector<16xi32>
    %and3A_1798 = arith.constant 7 : i32
    %and3A_1799 = vector.broadcast %and3A_1798 : i32 to vector<16xi32>
    %and3A_1800 = arith.andi %shift_right_logical3A_1797, %and3A_1799 : vector<16xi32>
    %add3A_1801 = arith.addi %add3A_1794, %and3A_1800 : vector<16xi32>
    %swap3A_1802 = arith.index_cast %mul3A_1781 : i32 to index
    %swap3A_1803 = tpu.vector_load %arg13[%swap3A_1802] {strides = array<i32>} : memref<2560xi32, #tpu.memory_space<vmem>>, vector<16xi32>,
    %swap3A_1804 = vector.shape_cast %swap3A_1803 : vector<16xi32> to vector<16xi32>
    %swap3A_1805 = vector.shape_cast %add3A_1801 : vector<16xi32> to vector<16xi32>
    tpu.vector_store %arg13[%swap3A_1802], %swap3A_1805 {strides = array<i32>} : memref<2560xi32, #tpu.memory_space<vmem>>, vector<16xi32>,
    %scan3A_1806 = arith.constant 50 : i32
    %mul3A_1807 = arith.constant 16 : i32
    %mul3A_1808 = arith.muli %scan3A_1806, %mul3A_1807 : i32
    %get3A_1809 = arith.index_cast %mul3A_1808 : i32 to index
    %get3A_1810 = tpu.vector_load %arg13[%get3A_1809] {strides = array<i32>} : memref<2560xi32, #tpu.memory_space<vmem>>, vector<16xi32>,
    %get3A_1811 = vector.shape_cast %get3A_1810 : vector<16xi32> to vector<16xi32>
    %and3A_1812 = arith.constant -16384 : i32
    %and3A_1813 = vector.broadcast %and3A_1812 : i32 to vector<16xi32>
    %and3A_1814 = arith.andi %get3A_1811, %and3A_1813 : vector<16xi32>
    %and3A_1815 = arith.constant 2047 : i32
    %and3A_1816 = vector.broadcast %and3A_1815 : i32 to vector<16xi32>
    %and3A_1817 = arith.andi %get3A_1811, %and3A_1816 : vector<16xi32>
    %shift_left3A_1818 = arith.constant 3 : i32
    %shift_left3A_1819 = vector.broadcast %shift_left3A_1818 : i32 to vector<16xi32>
    %shift_left3A_1820 = arith.shli %and3A_1817, %shift_left3A_1819 : vector<16xi32>
    %add3A_1821 = arith.addi %and3A_1814, %shift_left3A_1820 : vector<16xi32>
    %shift_right_logical3A_1822 = arith.constant 11 : i32
    %shift_right_logical3A_1823 = vector.broadcast %shift_right_logical3A_1822 : i32 to vector<16xi32>
    %shift_right_logical3A_1824 = arith.shrui %get3A_1811, %shift_right_logical3A_1823 : vector<16xi32>
    %and3A_1825 = arith.constant 7 : i32
    %and3A_1826 = vector.broadcast %and3A_1825 : i32 to vector<16xi32>
    %and3A_1827 = arith.andi %shift_right_logical3A_1824, %and3A_1826 : vector<16xi32>
    %add3A_1828 = arith.addi %add3A_1821, %and3A_1827 : vector<16xi32>
    %swap3A_1829 = arith.index_cast %mul3A_1808 : i32 to index
    %swap3A_1830 = tpu.vector_load %arg13[%swap3A_1829] {strides = array<i32>} : memref<2560xi32, #tpu.memory_space<vmem>>, vector<16xi32>,
    %swap3A_1831 = vector.shape_cast %swap3A_1830 : vector<16xi32> to vector<16xi32>
    %swap3A_1832 = vector.shape_cast %add3A_1828 : vector<16xi32> to vector<16xi32>
    tpu.vector_store %arg13[%swap3A_1829], %swap3A_1832 {strides = array<i32>} : memref<2560xi32, #tpu.memory_space<vmem>>, vector<16xi32>,
    %scan3A_1833 = arith.constant 51 : i32
    %mul3A_1834 = arith.constant 16 : i32
    %mul3A_1835 = arith.muli %scan3A_1833, %mul3A_1834 : i32
    %get3A_1836 = arith.index_cast %mul3A_1835 : i32 to index
    %get3A_1837 = tpu.vector_load %arg13[%get3A_1836] {strides = array<i32>} : memref<2560xi32, #tpu.memory_space<vmem>>, vector<16xi32>,
    %get3A_1838 = vector.shape_cast %get3A_1837 : vector<16xi32> to vector<16xi32>
    %and3A_1839 = arith.constant -16384 : i32
    %and3A_1840 = vector.broadcast %and3A_1839 : i32 to vector<16xi32>
    %and3A_1841 = arith.andi %get3A_1838, %and3A_1840 : vector<16xi32>
    %and3A_1842 = arith.constant 2047 : i32
    %and3A_1843 = vector.broadcast %and3A_1842 : i32 to vector<16xi32>
    %and3A_1844 = arith.andi %get3A_1838, %and3A_1843 : vector<16xi32>
    %shift_left3A_1845 = arith.constant 3 : i32
    %shift_left3A_1846 = vector.broadcast %shift_left3A_1845 : i32 to vector<16xi32>
    %shift_left3A_1847 = arith.shli %and3A_1844, %shift_left3A_1846 : vector<16xi32>
    %add3A_1848 = arith.addi %and3A_1841, %shift_left3A_1847 : vector<16xi32>
    %shift_right_logical3A_1849 = arith.constant 11 : i32
    %shift_right_logical3A_1850 = vector.broadcast %shift_right_logical3A_1849 : i32 to vector<16xi32>
    %shift_right_logical3A_1851 = arith.shrui %get3A_1838, %shift_right_logical3A_1850 : vector<16xi32>
    %and3A_1852 = arith.constant 7 : i32
    %and3A_1853 = vector.broadcast %and3A_1852 : i32 to vector<16xi32>
    %and3A_1854 = arith.andi %shift_right_logical3A_1851, %and3A_1853 : vector<16xi32>
    %add3A_1855 = arith.addi %add3A_1848, %and3A_1854 : vector<16xi32>
    %swap3A_1856 = arith.index_cast %mul3A_1835 : i32 to index
    %swap3A_1857 = tpu.vector_load %arg13[%swap3A_1856] {strides = array<i32>} : memref<2560xi32, #tpu.memory_space<vmem>>, vector<16xi32>,
    %swap3A_1858 = vector.shape_cast %swap3A_1857 : vector<16xi32> to vector<16xi32>
    %swap3A_1859 = vector.shape_cast %add3A_1855 : vector<16xi32> to vector<16xi32>
    tpu.vector_store %arg13[%swap3A_1856], %swap3A_1859 {strides = array<i32>} : memref<2560xi32, #tpu.memory_space<vmem>>, vector<16xi32>,
    %scan3A_1860 = arith.constant 52 : i32
    %mul3A_1861 = arith.constant 16 : i32
    %mul3A_1862 = arith.muli %scan3A_1860, %mul3A_1861 : i32
    %get3A_1863 = arith.index_cast %mul3A_1862 : i32 to index
    %get3A_1864 = tpu.vector_load %arg13[%get3A_1863] {strides = array<i32>} : memref<2560xi32, #tpu.memory_space<vmem>>, vector<16xi32>,
    %get3A_1865 = vector.shape_cast %get3A_1864 : vector<16xi32> to vector<16xi32>
    %and3A_1866 = arith.constant -16384 : i32
    %and3A_1867 = vector.broadcast %and3A_1866 : i32 to vector<16xi32>
    %and3A_1868 = arith.andi %get3A_1865, %and3A_1867 : vector<16xi32>
    %and3A_1869 = arith.constant 2047 : i32
    %and3A_1870 = vector.broadcast %and3A_1869 : i32 to vector<16xi32>
    %and3A_1871 = arith.andi %get3A_1865, %and3A_1870 : vector<16xi32>
    %shift_left3A_1872 = arith.constant 3 : i32
    %shift_left3A_1873 = vector.broadcast %shift_left3A_1872 : i32 to vector<16xi32>
    %shift_left3A_1874 = arith.shli %and3A_1871, %shift_left3A_1873 : vector<16xi32>
    %add3A_1875 = arith.addi %and3A_1868, %shift_left3A_1874 : vector<16xi32>
    %shift_right_logical3A_1876 = arith.constant 11 : i32
    %shift_right_logical3A_1877 = vector.broadcast %shift_right_logical3A_1876 : i32 to vector<16xi32>
    %shift_right_logical3A_1878 = arith.shrui %get3A_1865, %shift_right_logical3A_1877 : vector<16xi32>
    %and3A_1879 = arith.constant 7 : i32
    %and3A_1880 = vector.broadcast %and3A_1879 : i32 to vector<16xi32>
    %and3A_1881 = arith.andi %shift_right_logical3A_1878, %and3A_1880 : vector<16xi32>
    %add3A_1882 = arith.addi %add3A_1875, %and3A_1881 : vector<16xi32>
    %swap3A_1883 = arith.index_cast %mul3A_1862 : i32 to index
    %swap3A_1884 = tpu.vector_load %arg13[%swap3A_1883] {strides = array<i32>} : memref<2560xi32, #tpu.memory_space<vmem>>, vector<16xi32>,
    %swap3A_1885 = vector.shape_cast %swap3A_1884 : vector<16xi32> to vector<16xi32>
    %swap3A_1886 = vector.shape_cast %add3A_1882 : vector<16xi32> to vector<16xi32>
    tpu.vector_store %arg13[%swap3A_1883], %swap3A_1886 {strides = array<i32>} : memref<2560xi32, #tpu.memory_space<vmem>>, vector<16xi32>,
    %scan3A_1887 = arith.constant 53 : i32
    %mul3A_1888 = arith.constant 16 : i32
    %mul3A_1889 = arith.muli %scan3A_1887, %mul3A_1888 : i32
    %get3A_1890 = arith.index_cast %mul3A_1889 : i32 to index
    %get3A_1891 = tpu.vector_load %arg13[%get3A_1890] {strides = array<i32>} : memref<2560xi32, #tpu.memory_space<vmem>>, vector<16xi32>,
    %get3A_1892 = vector.shape_cast %get3A_1891 : vector<16xi32> to vector<16xi32>
    %and3A_1893 = arith.constant -16384 : i32
    %and3A_1894 = vector.broadcast %and3A_1893 : i32 to vector<16xi32>
    %and3A_1895 = arith.andi %get3A_1892, %and3A_1894 : vector<16xi32>
    %and3A_1896 = arith.constant 2047 : i32
    %and3A_1897 = vector.broadcast %and3A_1896 : i32 to vector<16xi32>
    %and3A_1898 = arith.andi %get3A_1892, %and3A_1897 : vector<16xi32>
    %shift_left3A_1899 = arith.constant 3 : i32
    %shift_left3A_1900 = vector.broadcast %shift_left3A_1899 : i32 to vector<16xi32>
    %shift_left3A_1901 = arith.shli %and3A_1898, %shift_left3A_1900 : vector<16xi32>
    %add3A_1902 = arith.addi %and3A_1895, %shift_left3A_1901 : vector<16xi32>
    %shift_right_logical3A_1903 = arith.constant 11 : i32
    %shift_right_logical3A_1904 = vector.broadcast %shift_right_logical3A_1903 : i32 to vector<16xi32>
    %shift_right_logical3A_1905 = arith.shrui %get3A_1892, %shift_right_logical3A_1904 : vector<16xi32>
    %and3A_1906 = arith.constant 7 : i32
    %and3A_1907 = vector.broadcast %and3A_1906 : i32 to vector<16xi32>
    %and3A_1908 = arith.andi %shift_right_logical3A_1905, %and3A_1907 : vector<16xi32>
    %add3A_1909 = arith.addi %add3A_1902, %and3A_1908 : vector<16xi32>
    %swap3A_1910 = arith.index_cast %mul3A_1889 : i32 to index
    %swap3A_1911 = tpu.vector_load %arg13[%swap3A_1910] {strides = array<i32>} : memref<2560xi32, #tpu.memory_space<vmem>>, vector<16xi32>,
    %swap3A_1912 = vector.shape_cast %swap3A_1911 : vector<16xi32> to vector<16xi32>
    %swap3A_1913 = vector.shape_cast %add3A_1909 : vector<16xi32> to vector<16xi32>
    tpu.vector_store %arg13[%swap3A_1910], %swap3A_1913 {strides = array<i32>} : memref<2560xi32, #tpu.memory_space<vmem>>, vector<16xi32>,
    %scan3A_1914 = arith.constant 54 : i32
    %mul3A_1915 = arith.constant 16 : i32
    %mul3A_1916 = arith.muli %scan3A_1914, %mul3A_1915 : i32
    %get3A_1917 = arith.index_cast %mul3A_1916 : i32 to index
    %get3A_1918 = tpu.vector_load %arg13[%get3A_1917] {strides = array<i32>} : memref<2560xi32, #tpu.memory_space<vmem>>, vector<16xi32>,
    %get3A_1919 = vector.shape_cast %get3A_1918 : vector<16xi32> to vector<16xi32>
    %and3A_1920 = arith.constant -16384 : i32
    %and3A_1921 = vector.broadcast %and3A_1920 : i32 to vector<16xi32>
    %and3A_1922 = arith.andi %get3A_1919, %and3A_1921 : vector<16xi32>
    %and3A_1923 = arith.constant 2047 : i32
    %and3A_1924 = vector.broadcast %and3A_1923 : i32 to vector<16xi32>
    %and3A_1925 = arith.andi %get3A_1919, %and3A_1924 : vector<16xi32>
    %shift_left3A_1926 = arith.constant 3 : i32
    %shift_left3A_1927 = vector.broadcast %shift_left3A_1926 : i32 to vector<16xi32>
    %shift_left3A_1928 = arith.shli %and3A_1925, %shift_left3A_1927 : vector<16xi32>
    %add3A_1929 = arith.addi %and3A_1922, %shift_left3A_1928 : vector<16xi32>
    %shift_right_logical3A_1930 = arith.constant 11 : i32
    %shift_right_logical3A_1931 = vector.broadcast %shift_right_logical3A_1930 : i32 to vector<16xi32>
    %shift_right_logical3A_1932 = arith.shrui %get3A_1919, %shift_right_logical3A_1931 : vector<16xi32>
    %and3A_1933 = arith.constant 7 : i32
    %and3A_1934 = vector.broadcast %and3A_1933 : i32 to vector<16xi32>
    %and3A_1935 = arith.andi %shift_right_logical3A_1932, %and3A_1934 : vector<16xi32>
    %add3A_1936 = arith.addi %add3A_1929, %and3A_1935 : vector<16xi32>
    %swap3A_1937 = arith.index_cast %mul3A_1916 : i32 to index
    %swap3A_1938 = tpu.vector_load %arg13[%swap3A_1937] {strides = array<i32>} : memref<2560xi32, #tpu.memory_space<vmem>>, vector<16xi32>,
    %swap3A_1939 = vector.shape_cast %swap3A_1938 : vector<16xi32> to vector<16xi32>
    %swap3A_1940 = vector.shape_cast %add3A_1936 : vector<16xi32> to vector<16xi32>
    tpu.vector_store %arg13[%swap3A_1937], %swap3A_1940 {strides = array<i32>} : memref<2560xi32, #tpu.memory_space<vmem>>, vector<16xi32>,
    %scan3A_1941 = arith.constant 55 : i32
    %mul3A_1942 = arith.constant 16 : i32
    %mul3A_1943 = arith.muli %scan3A_1941, %mul3A_1942 : i32
    %get3A_1944 = arith.index_cast %mul3A_1943 : i32 to index
    %get3A_1945 = tpu.vector_load %arg13[%get3A_1944] {strides = array<i32>} : memref<2560xi32, #tpu.memory_space<vmem>>, vector<16xi32>,
    %get3A_1946 = vector.shape_cast %get3A_1945 : vector<16xi32> to vector<16xi32>
    %and3A_1947 = arith.constant -16384 : i32
    %and3A_1948 = vector.broadcast %and3A_1947 : i32 to vector<16xi32>
    %and3A_1949 = arith.andi %get3A_1946, %and3A_1948 : vector<16xi32>
    %and3A_1950 = arith.constant 2047 : i32
    %and3A_1951 = vector.broadcast %and3A_1950 : i32 to vector<16xi32>
    %and3A_1952 = arith.andi %get3A_1946, %and3A_1951 : vector<16xi32>
    %shift_left3A_1953 = arith.constant 3 : i32
    %shift_left3A_1954 = vector.broadcast %shift_left3A_1953 : i32 to vector<16xi32>
    %shift_left3A_1955 = arith.shli %and3A_1952, %shift_left3A_1954 : vector<16xi32>
    %add3A_1956 = arith.addi %and3A_1949, %shift_left3A_1955 : vector<16xi32>
    %shift_right_logical3A_1957 = arith.constant 11 : i32
    %shift_right_logical3A_1958 = vector.broadcast %shift_right_logical3A_1957 : i32 to vector<16xi32>
    %shift_right_logical3A_1959 = arith.shrui %get3A_1946, %shift_right_logical3A_1958 : vector<16xi32>
    %and3A_1960 = arith.constant 7 : i32
    %and3A_1961 = vector.broadcast %and3A_1960 : i32 to vector<16xi32>
    %and3A_1962 = arith.andi %shift_right_logical3A_1959, %and3A_1961 : vector<16xi32>
    %add3A_1963 = arith.addi %add3A_1956, %and3A_1962 : vector<16xi32>
    %swap3A_1964 = arith.index_cast %mul3A_1943 : i32 to index
    %swap3A_1965 = tpu.vector_load %arg13[%swap3A_1964] {strides = array<i32>} : memref<2560xi32, #tpu.memory_space<vmem>>, vector<16xi32>,
    %swap3A_1966 = vector.shape_cast %swap3A_1965 : vector<16xi32> to vector<16xi32>
    %swap3A_1967 = vector.shape_cast %add3A_1963 : vector<16xi32> to vector<16xi32>
    tpu.vector_store %arg13[%swap3A_1964], %swap3A_1967 {strides = array<i32>} : memref<2560xi32, #tpu.memory_space<vmem>>, vector<16xi32>,
    %scan3A_1968 = arith.constant 56 : i32
    %mul3A_1969 = arith.constant 16 : i32
    %mul3A_1970 = arith.muli %scan3A_1968, %mul3A_1969 : i32
    %get3A_1971 = arith.index_cast %mul3A_1970 : i32 to index
    %get3A_1972 = tpu.vector_load %arg13[%get3A_1971] {strides = array<i32>} : memref<2560xi32, #tpu.memory_space<vmem>>, vector<16xi32>,
    %get3A_1973 = vector.shape_cast %get3A_1972 : vector<16xi32> to vector<16xi32>
    %and3A_1974 = arith.constant -16384 : i32
    %and3A_1975 = vector.broadcast %and3A_1974 : i32 to vector<16xi32>
    %and3A_1976 = arith.andi %get3A_1973, %and3A_1975 : vector<16xi32>
    %and3A_1977 = arith.constant 2047 : i32
    %and3A_1978 = vector.broadcast %and3A_1977 : i32 to vector<16xi32>
    %and3A_1979 = arith.andi %get3A_1973, %and3A_1978 : vector<16xi32>
    %shift_left3A_1980 = arith.constant 3 : i32
    %shift_left3A_1981 = vector.broadcast %shift_left3A_1980 : i32 to vector<16xi32>
    %shift_left3A_1982 = arith.shli %and3A_1979, %shift_left3A_1981 : vector<16xi32>
    %add3A_1983 = arith.addi %and3A_1976, %shift_left3A_1982 : vector<16xi32>
    %shift_right_logical3A_1984 = arith.constant 11 : i32
    %shift_right_logical3A_1985 = vector.broadcast %shift_right_logical3A_1984 : i32 to vector<16xi32>
    %shift_right_logical3A_1986 = arith.shrui %get3A_1973, %shift_right_logical3A_1985 : vector<16xi32>
    %and3A_1987 = arith.constant 7 : i32
    %and3A_1988 = vector.broadcast %and3A_1987 : i32 to vector<16xi32>
    %and3A_1989 = arith.andi %shift_right_logical3A_1986, %and3A_1988 : vector<16xi32>
    %add3A_1990 = arith.addi %add3A_1983, %and3A_1989 : vector<16xi32>
    %swap3A_1991 = arith.index_cast %mul3A_1970 : i32 to index
    %swap3A_1992 = tpu.vector_load %arg13[%swap3A_1991] {strides = array<i32>} : memref<2560xi32, #tpu.memory_space<vmem>>, vector<16xi32>,
    %swap3A_1993 = vector.shape_cast %swap3A_1992 : vector<16xi32> to vector<16xi32>
    %swap3A_1994 = vector.shape_cast %add3A_1990 : vector<16xi32> to vector<16xi32>
    tpu.vector_store %arg13[%swap3A_1991], %swap3A_1994 {strides = array<i32>} : memref<2560xi32, #tpu.memory_space<vmem>>, vector<16xi32>,
    %scan3A_1995 = arith.constant 57 : i32
    %mul3A_1996 = arith.constant 16 : i32
    %mul3A_1997 = arith.muli %scan3A_1995, %mul3A_1996 : i32
    %get3A_1998 = arith.index_cast %mul3A_1997 : i32 to index
    %get3A_1999 = tpu.vector_load %arg13[%get3A_1998] {strides = array<i32>} : memref<2560xi32, #tpu.memory_space<vmem>>, vector<16xi32>,
    %get3A_2000 = vector.shape_cast %get3A_1999 : vector<16xi32> to vector<16xi32>
    %and3A_2001 = arith.constant -16384 : i32
    %and3A_2002 = vector.broadcast %and3A_2001 : i32 to vector<16xi32>
    %and3A_2003 = arith.andi %get3A_2000, %and3A_2002 : vector<16xi32>
    %and3A_2004 = arith.constant 2047 : i32
    %and3A_2005 = vector.broadcast %and3A_2004 : i32 to vector<16xi32>
    %and3A_2006 = arith.andi %get3A_2000, %and3A_2005 : vector<16xi32>
    %shift_left3A_2007 = arith.constant 3 : i32
    %shift_left3A_2008 = vector.broadcast %shift_left3A_2007 : i32 to vector<16xi32>
    %shift_left3A_2009 = arith.shli %and3A_2006, %shift_left3A_2008 : vector<16xi32>
    %add3A_2010 = arith.addi %and3A_2003, %shift_left3A_2009 : vector<16xi32>
    %shift_right_logical3A_2011 = arith.constant 11 : i32
    %shift_right_logical3A_2012 = vector.broadcast %shift_right_logical3A_2011 : i32 to vector<16xi32>
    %shift_right_logical3A_2013 = arith.shrui %get3A_2000, %shift_right_logical3A_2012 : vector<16xi32>
    %and3A_2014 = arith.constant 7 : i32
    %and3A_2015 = vector.broadcast %and3A_2014 : i32 to vector<16xi32>
    %and3A_2016 = arith.andi %shift_right_logical3A_2013, %and3A_2015 : vector<16xi32>
    %add3A_2017 = arith.addi %add3A_2010, %and3A_2016 : vector<16xi32>
    %swap3A_2018 = arith.index_cast %mul3A_1997 : i32 to index
    %swap3A_2019 = tpu.vector_load %arg13[%swap3A_2018] {strides = array<i32>} : memref<2560xi32, #tpu.memory_space<vmem>>, vector<16xi32>,
    %swap3A_2020 = vector.shape_cast %swap3A_2019 : vector<16xi32> to vector<16xi32>
    %swap3A_2021 = vector.shape_cast %add3A_2017 : vector<16xi32> to vector<16xi32>
    tpu.vector_store %arg13[%swap3A_2018], %swap3A_2021 {strides = array<i32>} : memref<2560xi32, #tpu.memory_space<vmem>>, vector<16xi32>,
    %scan3A_2022 = arith.constant 58 : i32
    %mul3A_2023 = arith.constant 16 : i32
    %mul3A_2024 = arith.muli %scan3A_2022, %mul3A_2023 : i32
    %get3A_2025 = arith.index_cast %mul3A_2024 : i32 to index
    %get3A_2026 = tpu.vector_load %arg13[%get3A_2025] {strides = array<i32>} : memref<2560xi32, #tpu.memory_space<vmem>>, vector<16xi32>,
    %get3A_2027 = vector.shape_cast %get3A_2026 : vector<16xi32> to vector<16xi32>
    %and3A_2028 = arith.constant -16384 : i32
    %and3A_2029 = vector.broadcast %and3A_2028 : i32 to vector<16xi32>
    %and3A_2030 = arith.andi %get3A_2027, %and3A_2029 : vector<16xi32>
    %and3A_2031 = arith.constant 2047 : i32
    %and3A_2032 = vector.broadcast %and3A_2031 : i32 to vector<16xi32>
    %and3A_2033 = arith.andi %get3A_2027, %and3A_2032 : vector<16xi32>
    %shift_left3A_2034 = arith.constant 3 : i32
    %shift_left3A_2035 = vector.broadcast %shift_left3A_2034 : i32 to vector<16xi32>
    %shift_left3A_2036 = arith.shli %and3A_2033, %shift_left3A_2035 : vector<16xi32>
    %add3A_2037 = arith.addi %and3A_2030, %shift_left3A_2036 : vector<16xi32>
    %shift_right_logical3A_2038 = arith.constant 11 : i32
    %shift_right_logical3A_2039 = vector.broadcast %shift_right_logical3A_2038 : i32 to vector<16xi32>
    %shift_right_logical3A_2040 = arith.shrui %get3A_2027, %shift_right_logical3A_2039 : vector<16xi32>
    %and3A_2041 = arith.constant 7 : i32
    %and3A_2042 = vector.broadcast %and3A_2041 : i32 to vector<16xi32>
    %and3A_2043 = arith.andi %shift_right_logical3A_2040, %and3A_2042 : vector<16xi32>
    %add3A_2044 = arith.addi %add3A_2037, %and3A_2043 : vector<16xi32>
    %swap3A_2045 = arith.index_cast %mul3A_2024 : i32 to index
    %swap3A_2046 = tpu.vector_load %arg13[%swap3A_2045] {strides = array<i32>} : memref<2560xi32, #tpu.memory_space<vmem>>, vector<16xi32>,
    %swap3A_2047 = vector.shape_cast %swap3A_2046 : vector<16xi32> to vector<16xi32>
    %swap3A_2048 = vector.shape_cast %add3A_2044 : vector<16xi32> to vector<16xi32>
    tpu.vector_store %arg13[%swap3A_2045], %swap3A_2048 {strides = array<i32>} : memref<2560xi32, #tpu.memory_space<vmem>>, vector<16xi32>,
    %scan3A_2049 = arith.constant 59 : i32
    %mul3A_2050 = arith.constant 16 : i32
    %mul3A_2051 = arith.muli %scan3A_2049, %mul3A_2050 : i32
    %get3A_2052 = arith.index_cast %mul3A_2051 : i32 to index
    %get3A_2053 = tpu.vector_load %arg13[%get3A_2052] {strides = array<i32>} : memref<2560xi32, #tpu.memory_space<vmem>>, vector<16xi32>,
    %get3A_2054 = vector.shape_cast %get3A_2053 : vector<16xi32> to vector<16xi32>
    %and3A_2055 = arith.constant -16384 : i32
    %and3A_2056 = vector.broadcast %and3A_2055 : i32 to vector<16xi32>
    %and3A_2057 = arith.andi %get3A_2054, %and3A_2056 : vector<16xi32>
    %and3A_2058 = arith.constant 2047 : i32
    %and3A_2059 = vector.broadcast %and3A_2058 : i32 to vector<16xi32>
    %and3A_2060 = arith.andi %get3A_2054, %and3A_2059 : vector<16xi32>
    %shift_left3A_2061 = arith.constant 3 : i32
    %shift_left3A_2062 = vector.broadcast %shift_left3A_2061 : i32 to vector<16xi32>
    %shift_left3A_2063 = arith.shli %and3A_2060, %shift_left3A_2062 : vector<16xi32>
    %add3A_2064 = arith.addi %and3A_2057, %shift_left3A_2063 : vector<16xi32>
    %shift_right_logical3A_2065 = arith.constant 11 : i32
    %shift_right_logical3A_2066 = vector.broadcast %shift_right_logical3A_2065 : i32 to vector<16xi32>
    %shift_right_logical3A_2067 = arith.shrui %get3A_2054, %shift_right_logical3A_2066 : vector<16xi32>
    %and3A_2068 = arith.constant 7 : i32
    %and3A_2069 = vector.broadcast %and3A_2068 : i32 to vector<16xi32>
    %and3A_2070 = arith.andi %shift_right_logical3A_2067, %and3A_2069 : vector<16xi32>
    %add3A_2071 = arith.addi %add3A_2064, %and3A_2070 : vector<16xi32>
    %swap3A_2072 = arith.index_cast %mul3A_2051 : i32 to index
    %swap3A_2073 = tpu.vector_load %arg13[%swap3A_2072] {strides = array<i32>} : memref<2560xi32, #tpu.memory_space<vmem>>, vector<16xi32>,
    %swap3A_2074 = vector.shape_cast %swap3A_2073 : vector<16xi32> to vector<16xi32>
    %swap3A_2075 = vector.shape_cast %add3A_2071 : vector<16xi32> to vector<16xi32>
    tpu.vector_store %arg13[%swap3A_2072], %swap3A_2075 {strides = array<i32>} : memref<2560xi32, #tpu.memory_space<vmem>>, vector<16xi32>,
    %scan3A_2076 = arith.constant 60 : i32
    %mul3A_2077 = arith.constant 16 : i32
    %mul3A_2078 = arith.muli %scan3A_2076, %mul3A_2077 : i32
    %get3A_2079 = arith.index_cast %mul3A_2078 : i32 to index
    %get3A_2080 = tpu.vector_load %arg13[%get3A_2079] {strides = array<i32>} : memref<2560xi32, #tpu.memory_space<vmem>>, vector<16xi32>,
    %get3A_2081 = vector.shape_cast %get3A_2080 : vector<16xi32> to vector<16xi32>
    %and3A_2082 = arith.constant -16384 : i32
    %and3A_2083 = vector.broadcast %and3A_2082 : i32 to vector<16xi32>
    %and3A_2084 = arith.andi %get3A_2081, %and3A_2083 : vector<16xi32>
    %and3A_2085 = arith.constant 2047 : i32
    %and3A_2086 = vector.broadcast %and3A_2085 : i32 to vector<16xi32>
    %and3A_2087 = arith.andi %get3A_2081, %and3A_2086 : vector<16xi32>
    %shift_left3A_2088 = arith.constant 3 : i32
    %shift_left3A_2089 = vector.broadcast %shift_left3A_2088 : i32 to vector<16xi32>
    %shift_left3A_2090 = arith.shli %and3A_2087, %shift_left3A_2089 : vector<16xi32>
    %add3A_2091 = arith.addi %and3A_2084, %shift_left3A_2090 : vector<16xi32>
    %shift_right_logical3A_2092 = arith.constant 11 : i32
    %shift_right_logical3A_2093 = vector.broadcast %shift_right_logical3A_2092 : i32 to vector<16xi32>
    %shift_right_logical3A_2094 = arith.shrui %get3A_2081, %shift_right_logical3A_2093 : vector<16xi32>
    %and3A_2095 = arith.constant 7 : i32
    %and3A_2096 = vector.broadcast %and3A_2095 : i32 to vector<16xi32>
    %and3A_2097 = arith.andi %shift_right_logical3A_2094, %and3A_2096 : vector<16xi32>
    %add3A_2098 = arith.addi %add3A_2091, %and3A_2097 : vector<16xi32>
    %swap3A_2099 = arith.index_cast %mul3A_2078 : i32 to index
    %swap3A_2100 = tpu.vector_load %arg13[%swap3A_2099] {strides = array<i32>} : memref<2560xi32, #tpu.memory_space<vmem>>, vector<16xi32>,
    %swap3A_2101 = vector.shape_cast %swap3A_2100 : vector<16xi32> to vector<16xi32>
    %swap3A_2102 = vector.shape_cast %add3A_2098 : vector<16xi32> to vector<16xi32>
    tpu.vector_store %arg13[%swap3A_2099], %swap3A_2102 {strides = array<i32>} : memref<2560xi32, #tpu.memory_space<vmem>>, vector<16xi32>,
    %scan3A_2103 = arith.constant 61 : i32
    %mul3A_2104 = arith.constant 16 : i32
    %mul3A_2105 = arith.muli %scan3A_2103, %mul3A_2104 : i32
    %get3A_2106 = arith.index_cast %mul3A_2105 : i32 to index
    %get3A_2107 = tpu.vector_load %arg13[%get3A_2106] {strides = array<i32>} : memref<2560xi32, #tpu.memory_space<vmem>>, vector<16xi32>,
    %get3A_2108 = vector.shape_cast %get3A_2107 : vector<16xi32> to vector<16xi32>
    %and3A_2109 = arith.constant -16384 : i32
    %and3A_2110 = vector.broadcast %and3A_2109 : i32 to vector<16xi32>
    %and3A_2111 = arith.andi %get3A_2108, %and3A_2110 : vector<16xi32>
    %and3A_2112 = arith.constant 2047 : i32
    %and3A_2113 = vector.broadcast %and3A_2112 : i32 to vector<16xi32>
    %and3A_2114 = arith.andi %get3A_2108, %and3A_2113 : vector<16xi32>
    %shift_left3A_2115 = arith.constant 3 : i32
    %shift_left3A_2116 = vector.broadcast %shift_left3A_2115 : i32 to vector<16xi32>
    %shift_left3A_2117 = arith.shli %and3A_2114, %shift_left3A_2116 : vector<16xi32>
    %add3A_2118 = arith.addi %and3A_2111, %shift_left3A_2117 : vector<16xi32>
    %shift_right_logical3A_2119 = arith.constant 11 : i32
    %shift_right_logical3A_2120 = vector.broadcast %shift_right_logical3A_2119 : i32 to vector<16xi32>
    %shift_right_logical3A_2121 = arith.shrui %get3A_2108, %shift_right_logical3A_2120 : vector<16xi32>
    %and3A_2122 = arith.constant 7 : i32
    %and3A_2123 = vector.broadcast %and3A_2122 : i32 to vector<16xi32>
    %and3A_2124 = arith.andi %shift_right_logical3A_2121, %and3A_2123 : vector<16xi32>
    %add3A_2125 = arith.addi %add3A_2118, %and3A_2124 : vector<16xi32>
    %swap3A_2126 = arith.index_cast %mul3A_2105 : i32 to index
    %swap3A_2127 = tpu.vector_load %arg13[%swap3A_2126] {strides = array<i32>} : memref<2560xi32, #tpu.memory_space<vmem>>, vector<16xi32>,
    %swap3A_2128 = vector.shape_cast %swap3A_2127 : vector<16xi32> to vector<16xi32>
    %swap3A_2129 = vector.shape_cast %add3A_2125 : vector<16xi32> to vector<16xi32>
    tpu.vector_store %arg13[%swap3A_2126], %swap3A_2129 {strides = array<i32>} : memref<2560xi32, #tpu.memory_space<vmem>>, vector<16xi32>,
    %scan3A_2130 = arith.constant 62 : i32
    %mul3A_2131 = arith.constant 16 : i32
    %mul3A_2132 = arith.muli %scan3A_2130, %mul3A_2131 : i32
    %get3A_2133 = arith.index_cast %mul3A_2132 : i32 to index
    %get3A_2134 = tpu.vector_load %arg13[%get3A_2133] {strides = array<i32>} : memref<2560xi32, #tpu.memory_space<vmem>>, vector<16xi32>,
    %get3A_2135 = vector.shape_cast %get3A_2134 : vector<16xi32> to vector<16xi32>
    %and3A_2136 = arith.constant -16384 : i32
    %and3A_2137 = vector.broadcast %and3A_2136 : i32 to vector<16xi32>
    %and3A_2138 = arith.andi %get3A_2135, %and3A_2137 : vector<16xi32>
    %and3A_2139 = arith.constant 2047 : i32
    %and3A_2140 = vector.broadcast %and3A_2139 : i32 to vector<16xi32>
    %and3A_2141 = arith.andi %get3A_2135, %and3A_2140 : vector<16xi32>
    %shift_left3A_2142 = arith.constant 3 : i32
    %shift_left3A_2143 = vector.broadcast %shift_left3A_2142 : i32 to vector<16xi32>
    %shift_left3A_2144 = arith.shli %and3A_2141, %shift_left3A_2143 : vector<16xi32>
    %add3A_2145 = arith.addi %and3A_2138, %shift_left3A_2144 : vector<16xi32>
    %shift_right_logical3A_2146 = arith.constant 11 : i32
    %shift_right_logical3A_2147 = vector.broadcast %shift_right_logical3A_2146 : i32 to vector<16xi32>
    %shift_right_logical3A_2148 = arith.shrui %get3A_2135, %shift_right_logical3A_2147 : vector<16xi32>
    %and3A_2149 = arith.constant 7 : i32
    %and3A_2150 = vector.broadcast %and3A_2149 : i32 to vector<16xi32>
    %and3A_2151 = arith.andi %shift_right_logical3A_2148, %and3A_2150 : vector<16xi32>
    %add3A_2152 = arith.addi %add3A_2145, %and3A_2151 : vector<16xi32>
    %swap3A_2153 = arith.index_cast %mul3A_2132 : i32 to index
    %swap3A_2154 = tpu.vector_load %arg13[%swap3A_2153] {strides = array<i32>} : memref<2560xi32, #tpu.memory_space<vmem>>, vector<16xi32>,
    %swap3A_2155 = vector.shape_cast %swap3A_2154 : vector<16xi32> to vector<16xi32>
    %swap3A_2156 = vector.shape_cast %add3A_2152 : vector<16xi32> to vector<16xi32>
    tpu.vector_store %arg13[%swap3A_2153], %swap3A_2156 {strides = array<i32>} : memref<2560xi32, #tpu.memory_space<vmem>>, vector<16xi32>,
    %scan3A_2157 = arith.constant 63 : i32
    %mul3A_2158 = arith.constant 16 : i32
    %mul3A_2159 = arith.muli %scan3A_2157, %mul3A_2158 : i32
    %get3A_2160 = arith.index_cast %mul3A_2159 : i32 to index
    %get3A_2161 = tpu.vector_load %arg13[%get3A_2160] {strides = array<i32>} : memref<2560xi32, #tpu.memory_space<vmem>>, vector<16xi32>,
    %get3A_2162 = vector.shape_cast %get3A_2161 : vector<16xi32> to vector<16xi32>
    %and3A_2163 = arith.constant -16384 : i32
    %and3A_2164 = vector.broadcast %and3A_2163 : i32 to vector<16xi32>
    %and3A_2165 = arith.andi %get3A_2162, %and3A_2164 : vector<16xi32>
    %and3A_2166 = arith.constant 2047 : i32
    %and3A_2167 = vector.broadcast %and3A_2166 : i32 to vector<16xi32>
    %and3A_2168 = arith.andi %get3A_2162, %and3A_2167 : vector<16xi32>
    %shift_left3A_2169 = arith.constant 3 : i32
    %shift_left3A_2170 = vector.broadcast %shift_left3A_2169 : i32 to vector<16xi32>
    %shift_left3A_2171 = arith.shli %and3A_2168, %shift_left3A_2170 : vector<16xi32>
    %add3A_2172 = arith.addi %and3A_2165, %shift_left3A_2171 : vector<16xi32>
    %shift_right_logical3A_2173 = arith.constant 11 : i32
    %shift_right_logical3A_2174 = vector.broadcast %shift_right_logical3A_2173 : i32 to vector<16xi32>
    %shift_right_logical3A_2175 = arith.shrui %get3A_2162, %shift_right_logical3A_2174 : vector<16xi32>
    %and3A_2176 = arith.constant 7 : i32
    %and3A_2177 = vector.broadcast %and3A_2176 : i32 to vector<16xi32>
    %and3A_2178 = arith.andi %shift_right_logical3A_2175, %and3A_2177 : vector<16xi32>
    %add3A_2179 = arith.addi %add3A_2172, %and3A_2178 : vector<16xi32>
    %swap3A_2180 = arith.index_cast %mul3A_2159 : i32 to index
    %swap3A_2181 = tpu.vector_load %arg13[%swap3A_2180] {strides = array<i32>} : memref<2560xi32, #tpu.memory_space<vmem>>, vector<16xi32>,
    %swap3A_2182 = vector.shape_cast %swap3A_2181 : vector<16xi32> to vector<16xi32>
    %swap3A_2183 = vector.shape_cast %add3A_2179 : vector<16xi32> to vector<16xi32>
    tpu.vector_store %arg13[%swap3A_2180], %swap3A_2183 {strides = array<i32>} : memref<2560xi32, #tpu.memory_space<vmem>>, vector<16xi32>,
    %scan3A_2184 = arith.constant 64 : i32
    %mul3A_2185 = arith.constant 16 : i32
    %mul3A_2186 = arith.muli %scan3A_2184, %mul3A_2185 : i32
    %get3A_2187 = arith.index_cast %mul3A_2186 : i32 to index
    %get3A_2188 = tpu.vector_load %arg13[%get3A_2187] {strides = array<i32>} : memref<2560xi32, #tpu.memory_space<vmem>>, vector<16xi32>,
    %get3A_2189 = vector.shape_cast %get3A_2188 : vector<16xi32> to vector<16xi32>
    %and3A_2190 = arith.constant -16384 : i32
    %and3A_2191 = vector.broadcast %and3A_2190 : i32 to vector<16xi32>
    %and3A_2192 = arith.andi %get3A_2189, %and3A_2191 : vector<16xi32>
    %and3A_2193 = arith.constant 2047 : i32
    %and3A_2194 = vector.broadcast %and3A_2193 : i32 to vector<16xi32>
    %and3A_2195 = arith.andi %get3A_2189, %and3A_2194 : vector<16xi32>
    %shift_left3A_2196 = arith.constant 3 : i32
    %shift_left3A_2197 = vector.broadcast %shift_left3A_2196 : i32 to vector<16xi32>
    %shift_left3A_2198 = arith.shli %and3A_2195, %shift_left3A_2197 : vector<16xi32>
    %add3A_2199 = arith.addi %and3A_2192, %shift_left3A_2198 : vector<16xi32>
    %shift_right_logical3A_2200 = arith.constant 11 : i32
    %shift_right_logical3A_2201 = vector.broadcast %shift_right_logical3A_2200 : i32 to vector<16xi32>
    %shift_right_logical3A_2202 = arith.shrui %get3A_2189, %shift_right_logical3A_2201 : vector<16xi32>
    %and3A_2203 = arith.constant 7 : i32
    %and3A_2204 = vector.broadcast %and3A_2203 : i32 to vector<16xi32>
    %and3A_2205 = arith.andi %shift_right_logical3A_2202, %and3A_2204 : vector<16xi32>
    %add3A_2206 = arith.addi %add3A_2199, %and3A_2205 : vector<16xi32>
    %swap3A_2207 = arith.index_cast %mul3A_2186 : i32 to index
    %swap3A_2208 = tpu.vector_load %arg13[%swap3A_2207] {strides = array<i32>} : memref<2560xi32, #tpu.memory_space<vmem>>, vector<16xi32>,
    %swap3A_2209 = vector.shape_cast %swap3A_2208 : vector<16xi32> to vector<16xi32>
    %swap3A_2210 = vector.shape_cast %add3A_2206 : vector<16xi32> to vector<16xi32>
    tpu.vector_store %arg13[%swap3A_2207], %swap3A_2210 {strides = array<i32>} : memref<2560xi32, #tpu.memory_space<vmem>>, vector<16xi32>,
    %scan3A_2211 = arith.constant 65 : i32
    %mul3A_2212 = arith.constant 16 : i32
    %mul3A_2213 = arith.muli %scan3A_2211, %mul3A_2212 : i32
    %get3A_2214 = arith.index_cast %mul3A_2213 : i32 to index
    %get3A_2215 = tpu.vector_load %arg13[%get3A_2214] {strides = array<i32>} : memref<2560xi32, #tpu.memory_space<vmem>>, vector<16xi32>,
    %get3A_2216 = vector.shape_cast %get3A_2215 : vector<16xi32> to vector<16xi32>
    %and3A_2217 = arith.constant -16384 : i32
    %and3A_2218 = vector.broadcast %and3A_2217 : i32 to vector<16xi32>
    %and3A_2219 = arith.andi %get3A_2216, %and3A_2218 : vector<16xi32>
    %and3A_2220 = arith.constant 2047 : i32
    %and3A_2221 = vector.broadcast %and3A_2220 : i32 to vector<16xi32>
    %and3A_2222 = arith.andi %get3A_2216, %and3A_2221 : vector<16xi32>
    %shift_left3A_2223 = arith.constant 3 : i32
    %shift_left3A_2224 = vector.broadcast %shift_left3A_2223 : i32 to vector<16xi32>
    %shift_left3A_2225 = arith.shli %and3A_2222, %shift_left3A_2224 : vector<16xi32>
    %add3A_2226 = arith.addi %and3A_2219, %shift_left3A_2225 : vector<16xi32>
    %shift_right_logical3A_2227 = arith.constant 11 : i32
    %shift_right_logical3A_2228 = vector.broadcast %shift_right_logical3A_2227 : i32 to vector<16xi32>
    %shift_right_logical3A_2229 = arith.shrui %get3A_2216, %shift_right_logical3A_2228 : vector<16xi32>
    %and3A_2230 = arith.constant 7 : i32
    %and3A_2231 = vector.broadcast %and3A_2230 : i32 to vector<16xi32>
    %and3A_2232 = arith.andi %shift_right_logical3A_2229, %and3A_2231 : vector<16xi32>
    %add3A_2233 = arith.addi %add3A_2226, %and3A_2232 : vector<16xi32>
    %swap3A_2234 = arith.index_cast %mul3A_2213 : i32 to index
    %swap3A_2235 = tpu.vector_load %arg13[%swap3A_2234] {strides = array<i32>} : memref<2560xi32, #tpu.memory_space<vmem>>, vector<16xi32>,
    %swap3A_2236 = vector.shape_cast %swap3A_2235 : vector<16xi32> to vector<16xi32>
    %swap3A_2237 = vector.shape_cast %add3A_2233 : vector<16xi32> to vector<16xi32>
    tpu.vector_store %arg13[%swap3A_2234], %swap3A_2237 {strides = array<i32>} : memref<2560xi32, #tpu.memory_space<vmem>>, vector<16xi32>,
    %scan3A_2238 = arith.constant 66 : i32
    %mul3A_2239 = arith.constant 16 : i32
    %mul3A_2240 = arith.muli %scan3A_2238, %mul3A_2239 : i32
    %get3A_2241 = arith.index_cast %mul3A_2240 : i32 to index
    %get3A_2242 = tpu.vector_load %arg13[%get3A_2241] {strides = array<i32>} : memref<2560xi32, #tpu.memory_space<vmem>>, vector<16xi32>,
    %get3A_2243 = vector.shape_cast %get3A_2242 : vector<16xi32> to vector<16xi32>
    %and3A_2244 = arith.constant -16384 : i32
    %and3A_2245 = vector.broadcast %and3A_2244 : i32 to vector<16xi32>
    %and3A_2246 = arith.andi %get3A_2243, %and3A_2245 : vector<16xi32>
    %and3A_2247 = arith.constant 2047 : i32
    %and3A_2248 = vector.broadcast %and3A_2247 : i32 to vector<16xi32>
    %and3A_2249 = arith.andi %get3A_2243, %and3A_2248 : vector<16xi32>
    %shift_left3A_2250 = arith.constant 3 : i32
    %shift_left3A_2251 = vector.broadcast %shift_left3A_2250 : i32 to vector<16xi32>
    %shift_left3A_2252 = arith.shli %and3A_2249, %shift_left3A_2251 : vector<16xi32>
    %add3A_2253 = arith.addi %and3A_2246, %shift_left3A_2252 : vector<16xi32>
    %shift_right_logical3A_2254 = arith.constant 11 : i32
    %shift_right_logical3A_2255 = vector.broadcast %shift_right_logical3A_2254 : i32 to vector<16xi32>
    %shift_right_logical3A_2256 = arith.shrui %get3A_2243, %shift_right_logical3A_2255 : vector<16xi32>
    %and3A_2257 = arith.constant 7 : i32
    %and3A_2258 = vector.broadcast %and3A_2257 : i32 to vector<16xi32>
    %and3A_2259 = arith.andi %shift_right_logical3A_2256, %and3A_2258 : vector<16xi32>
    %add3A_2260 = arith.addi %add3A_2253, %and3A_2259 : vector<16xi32>
    %swap3A_2261 = arith.index_cast %mul3A_2240 : i32 to index
    %swap3A_2262 = tpu.vector_load %arg13[%swap3A_2261] {strides = array<i32>} : memref<2560xi32, #tpu.memory_space<vmem>>, vector<16xi32>,
    %swap3A_2263 = vector.shape_cast %swap3A_2262 : vector<16xi32> to vector<16xi32>
    %swap3A_2264 = vector.shape_cast %add3A_2260 : vector<16xi32> to vector<16xi32>
    tpu.vector_store %arg13[%swap3A_2261], %swap3A_2264 {strides = array<i32>} : memref<2560xi32, #tpu.memory_space<vmem>>, vector<16xi32>,
    %scan3A_2265 = arith.constant 67 : i32
    %mul3A_2266 = arith.constant 16 : i32
    %mul3A_2267 = arith.muli %scan3A_2265, %mul3A_2266 : i32
    %get3A_2268 = arith.index_cast %mul3A_2267 : i32 to index
    %get3A_2269 = tpu.vector_load %arg13[%get3A_2268] {strides = array<i32>} : memref<2560xi32, #tpu.memory_space<vmem>>, vector<16xi32>,
    %get3A_2270 = vector.shape_cast %get3A_2269 : vector<16xi32> to vector<16xi32>
    %and3A_2271 = arith.constant -16384 : i32
    %and3A_2272 = vector.broadcast %and3A_2271 : i32 to vector<16xi32>
    %and3A_2273 = arith.andi %get3A_2270, %and3A_2272 : vector<16xi32>
    %and3A_2274 = arith.constant 2047 : i32
    %and3A_2275 = vector.broadcast %and3A_2274 : i32 to vector<16xi32>
    %and3A_2276 = arith.andi %get3A_2270, %and3A_2275 : vector<16xi32>
    %shift_left3A_2277 = arith.constant 3 : i32
    %shift_left3A_2278 = vector.broadcast %shift_left3A_2277 : i32 to vector<16xi32>
    %shift_left3A_2279 = arith.shli %and3A_2276, %shift_left3A_2278 : vector<16xi32>
    %add3A_2280 = arith.addi %and3A_2273, %shift_left3A_2279 : vector<16xi32>
    %shift_right_logical3A_2281 = arith.constant 11 : i32
    %shift_right_logical3A_2282 = vector.broadcast %shift_right_logical3A_2281 : i32 to vector<16xi32>
    %shift_right_logical3A_2283 = arith.shrui %get3A_2270, %shift_right_logical3A_2282 : vector<16xi32>
    %and3A_2284 = arith.constant 7 : i32
    %and3A_2285 = vector.broadcast %and3A_2284 : i32 to vector<16xi32>
    %and3A_2286 = arith.andi %shift_right_logical3A_2283, %and3A_2285 : vector<16xi32>
    %add3A_2287 = arith.addi %add3A_2280, %and3A_2286 : vector<16xi32>
    %swap3A_2288 = arith.index_cast %mul3A_2267 : i32 to index
    %swap3A_2289 = tpu.vector_load %arg13[%swap3A_2288] {strides = array<i32>} : memref<2560xi32, #tpu.memory_space<vmem>>, vector<16xi32>,
    %swap3A_2290 = vector.shape_cast %swap3A_2289 : vector<16xi32> to vector<16xi32>
    %swap3A_2291 = vector.shape_cast %add3A_2287 : vector<16xi32> to vector<16xi32>
    tpu.vector_store %arg13[%swap3A_2288], %swap3A_2291 {strides = array<i32>} : memref<2560xi32, #tpu.memory_space<vmem>>, vector<16xi32>,
    %scan3A_2292 = arith.constant 68 : i32
    %mul3A_2293 = arith.constant 16 : i32
    %mul3A_2294 = arith.muli %scan3A_2292, %mul3A_2293 : i32
    %get3A_2295 = arith.index_cast %mul3A_2294 : i32 to index
    %get3A_2296 = tpu.vector_load %arg13[%get3A_2295] {strides = array<i32>} : memref<2560xi32, #tpu.memory_space<vmem>>, vector<16xi32>,
    %get3A_2297 = vector.shape_cast %get3A_2296 : vector<16xi32> to vector<16xi32>
    %and3A_2298 = arith.constant -16384 : i32
    %and3A_2299 = vector.broadcast %and3A_2298 : i32 to vector<16xi32>
    %and3A_2300 = arith.andi %get3A_2297, %and3A_2299 : vector<16xi32>
    %and3A_2301 = arith.constant 2047 : i32
    %and3A_2302 = vector.broadcast %and3A_2301 : i32 to vector<16xi32>
    %and3A_2303 = arith.andi %get3A_2297, %and3A_2302 : vector<16xi32>
    %shift_left3A_2304 = arith.constant 3 : i32
    %shift_left3A_2305 = vector.broadcast %shift_left3A_2304 : i32 to vector<16xi32>
    %shift_left3A_2306 = arith.shli %and3A_2303, %shift_left3A_2305 : vector<16xi32>
    %add3A_2307 = arith.addi %and3A_2300, %shift_left3A_2306 : vector<16xi32>
    %shift_right_logical3A_2308 = arith.constant 11 : i32
    %shift_right_logical3A_2309 = vector.broadcast %shift_right_logical3A_2308 : i32 to vector<16xi32>
    %shift_right_logical3A_2310 = arith.shrui %get3A_2297, %shift_right_logical3A_2309 : vector<16xi32>
    %and3A_2311 = arith.constant 7 : i32
    %and3A_2312 = vector.broadcast %and3A_2311 : i32 to vector<16xi32>
    %and3A_2313 = arith.andi %shift_right_logical3A_2310, %and3A_2312 : vector<16xi32>
    %add3A_2314 = arith.addi %add3A_2307, %and3A_2313 : vector<16xi32>
    %swap3A_2315 = arith.index_cast %mul3A_2294 : i32 to index
    %swap3A_2316 = tpu.vector_load %arg13[%swap3A_2315] {strides = array<i32>} : memref<2560xi32, #tpu.memory_space<vmem>>, vector<16xi32>,
    %swap3A_2317 = vector.shape_cast %swap3A_2316 : vector<16xi32> to vector<16xi32>
    %swap3A_2318 = vector.shape_cast %add3A_2314 : vector<16xi32> to vector<16xi32>
    tpu.vector_store %arg13[%swap3A_2315], %swap3A_2318 {strides = array<i32>} : memref<2560xi32, #tpu.memory_space<vmem>>, vector<16xi32>,
    %scan3A_2319 = arith.constant 69 : i32
    %mul3A_2320 = arith.constant 16 : i32
    %mul3A_2321 = arith.muli %scan3A_2319, %mul3A_2320 : i32
    %get3A_2322 = arith.index_cast %mul3A_2321 : i32 to index
    %get3A_2323 = tpu.vector_load %arg13[%get3A_2322] {strides = array<i32>} : memref<2560xi32, #tpu.memory_space<vmem>>, vector<16xi32>,
    %get3A_2324 = vector.shape_cast %get3A_2323 : vector<16xi32> to vector<16xi32>
    %and3A_2325 = arith.constant -16384 : i32
    %and3A_2326 = vector.broadcast %and3A_2325 : i32 to vector<16xi32>
    %and3A_2327 = arith.andi %get3A_2324, %and3A_2326 : vector<16xi32>
    %and3A_2328 = arith.constant 2047 : i32
    %and3A_2329 = vector.broadcast %and3A_2328 : i32 to vector<16xi32>
    %and3A_2330 = arith.andi %get3A_2324, %and3A_2329 : vector<16xi32>
    %shift_left3A_2331 = arith.constant 3 : i32
    %shift_left3A_2332 = vector.broadcast %shift_left3A_2331 : i32 to vector<16xi32>
    %shift_left3A_2333 = arith.shli %and3A_2330, %shift_left3A_2332 : vector<16xi32>
    %add3A_2334 = arith.addi %and3A_2327, %shift_left3A_2333 : vector<16xi32>
    %shift_right_logical3A_2335 = arith.constant 11 : i32
    %shift_right_logical3A_2336 = vector.broadcast %shift_right_logical3A_2335 : i32 to vector<16xi32>
    %shift_right_logical3A_2337 = arith.shrui %get3A_2324, %shift_right_logical3A_2336 : vector<16xi32>
    %and3A_2338 = arith.constant 7 : i32
    %and3A_2339 = vector.broadcast %and3A_2338 : i32 to vector<16xi32>
    %and3A_2340 = arith.andi %shift_right_logical3A_2337, %and3A_2339 : vector<16xi32>
    %add3A_2341 = arith.addi %add3A_2334, %and3A_2340 : vector<16xi32>
    %swap3A_2342 = arith.index_cast %mul3A_2321 : i32 to index
    %swap3A_2343 = tpu.vector_load %arg13[%swap3A_2342] {strides = array<i32>} : memref<2560xi32, #tpu.memory_space<vmem>>, vector<16xi32>,
    %swap3A_2344 = vector.shape_cast %swap3A_2343 : vector<16xi32> to vector<16xi32>
    %swap3A_2345 = vector.shape_cast %add3A_2341 : vector<16xi32> to vector<16xi32>
    tpu.vector_store %arg13[%swap3A_2342], %swap3A_2345 {strides = array<i32>} : memref<2560xi32, #tpu.memory_space<vmem>>, vector<16xi32>,
    %scan3A_2346 = arith.constant 70 : i32
    %mul3A_2347 = arith.constant 16 : i32
    %mul3A_2348 = arith.muli %scan3A_2346, %mul3A_2347 : i32
    %get3A_2349 = arith.index_cast %mul3A_2348 : i32 to index
    %get3A_2350 = tpu.vector_load %arg13[%get3A_2349] {strides = array<i32>} : memref<2560xi32, #tpu.memory_space<vmem>>, vector<16xi32>,
    %get3A_2351 = vector.shape_cast %get3A_2350 : vector<16xi32> to vector<16xi32>
    %and3A_2352 = arith.constant -16384 : i32
    %and3A_2353 = vector.broadcast %and3A_2352 : i32 to vector<16xi32>
    %and3A_2354 = arith.andi %get3A_2351, %and3A_2353 : vector<16xi32>
    %and3A_2355 = arith.constant 2047 : i32
    %and3A_2356 = vector.broadcast %and3A_2355 : i32 to vector<16xi32>
    %and3A_2357 = arith.andi %get3A_2351, %and3A_2356 : vector<16xi32>
    %shift_left3A_2358 = arith.constant 3 : i32
    %shift_left3A_2359 = vector.broadcast %shift_left3A_2358 : i32 to vector<16xi32>
    %shift_left3A_2360 = arith.shli %and3A_2357, %shift_left3A_2359 : vector<16xi32>
    %add3A_2361 = arith.addi %and3A_2354, %shift_left3A_2360 : vector<16xi32>
    %shift_right_logical3A_2362 = arith.constant 11 : i32
    %shift_right_logical3A_2363 = vector.broadcast %shift_right_logical3A_2362 : i32 to vector<16xi32>
    %shift_right_logical3A_2364 = arith.shrui %get3A_2351, %shift_right_logical3A_2363 : vector<16xi32>
    %and3A_2365 = arith.constant 7 : i32
    %and3A_2366 = vector.broadcast %and3A_2365 : i32 to vector<16xi32>
    %and3A_2367 = arith.andi %shift_right_logical3A_2364, %and3A_2366 : vector<16xi32>
    %add3A_2368 = arith.addi %add3A_2361, %and3A_2367 : vector<16xi32>
    %swap3A_2369 = arith.index_cast %mul3A_2348 : i32 to index
    %swap3A_2370 = tpu.vector_load %arg13[%swap3A_2369] {strides = array<i32>} : memref<2560xi32, #tpu.memory_space<vmem>>, vector<16xi32>,
    %swap3A_2371 = vector.shape_cast %swap3A_2370 : vector<16xi32> to vector<16xi32>
    %swap3A_2372 = vector.shape_cast %add3A_2368 : vector<16xi32> to vector<16xi32>
    tpu.vector_store %arg13[%swap3A_2369], %swap3A_2372 {strides = array<i32>} : memref<2560xi32, #tpu.memory_space<vmem>>, vector<16xi32>,
    %scan3A_2373 = arith.constant 71 : i32
    %mul3A_2374 = arith.constant 16 : i32
    %mul3A_2375 = arith.muli %scan3A_2373, %mul3A_2374 : i32
    %get3A_2376 = arith.index_cast %mul3A_2375 : i32 to index
    %get3A_2377 = tpu.vector_load %arg13[%get3A_2376] {strides = array<i32>} : memref<2560xi32, #tpu.memory_space<vmem>>, vector<16xi32>,
    %get3A_2378 = vector.shape_cast %get3A_2377 : vector<16xi32> to vector<16xi32>
    %and3A_2379 = arith.constant -16384 : i32
    %and3A_2380 = vector.broadcast %and3A_2379 : i32 to vector<16xi32>
    %and3A_2381 = arith.andi %get3A_2378, %and3A_2380 : vector<16xi32>
    %and3A_2382 = arith.constant 2047 : i32
    %and3A_2383 = vector.broadcast %and3A_2382 : i32 to vector<16xi32>
    %and3A_2384 = arith.andi %get3A_2378, %and3A_2383 : vector<16xi32>
    %shift_left3A_2385 = arith.constant 3 : i32
    %shift_left3A_2386 = vector.broadcast %shift_left3A_2385 : i32 to vector<16xi32>
    %shift_left3A_2387 = arith.shli %and3A_2384, %shift_left3A_2386 : vector<16xi32>
    %add3A_2388 = arith.addi %and3A_2381, %shift_left3A_2387 : vector<16xi32>
    %shift_right_logical3A_2389 = arith.constant 11 : i32
    %shift_right_logical3A_2390 = vector.broadcast %shift_right_logical3A_2389 : i32 to vector<16xi32>
    %shift_right_logical3A_2391 = arith.shrui %get3A_2378, %shift_right_logical3A_2390 : vector<16xi32>
    %and3A_2392 = arith.constant 7 : i32
    %and3A_2393 = vector.broadcast %and3A_2392 : i32 to vector<16xi32>
    %and3A_2394 = arith.andi %shift_right_logical3A_2391, %and3A_2393 : vector<16xi32>
    %add3A_2395 = arith.addi %add3A_2388, %and3A_2394 : vector<16xi32>
    %swap3A_2396 = arith.index_cast %mul3A_2375 : i32 to index
    %swap3A_2397 = tpu.vector_load %arg13[%swap3A_2396] {strides = array<i32>} : memref<2560xi32, #tpu.memory_space<vmem>>, vector<16xi32>,
    %swap3A_2398 = vector.shape_cast %swap3A_2397 : vector<16xi32> to vector<16xi32>
    %swap3A_2399 = vector.shape_cast %add3A_2395 : vector<16xi32> to vector<16xi32>
    tpu.vector_store %arg13[%swap3A_2396], %swap3A_2399 {strides = array<i32>} : memref<2560xi32, #tpu.memory_space<vmem>>, vector<16xi32>,
    %scan3A_2400 = arith.constant 72 : i32
    %mul3A_2401 = arith.constant 16 : i32
    %mul3A_2402 = arith.muli %scan3A_2400, %mul3A_2401 : i32
    %get3A_2403 = arith.index_cast %mul3A_2402 : i32 to index
    %get3A_2404 = tpu.vector_load %arg13[%get3A_2403] {strides = array<i32>} : memref<2560xi32, #tpu.memory_space<vmem>>, vector<16xi32>,
    %get3A_2405 = vector.shape_cast %get3A_2404 : vector<16xi32> to vector<16xi32>
    %and3A_2406 = arith.constant -16384 : i32
    %and3A_2407 = vector.broadcast %and3A_2406 : i32 to vector<16xi32>
    %and3A_2408 = arith.andi %get3A_2405, %and3A_2407 : vector<16xi32>
    %and3A_2409 = arith.constant 2047 : i32
    %and3A_2410 = vector.broadcast %and3A_2409 : i32 to vector<16xi32>
    %and3A_2411 = arith.andi %get3A_2405, %and3A_2410 : vector<16xi32>
    %shift_left3A_2412 = arith.constant 3 : i32
    %shift_left3A_2413 = vector.broadcast %shift_left3A_2412 : i32 to vector<16xi32>
    %shift_left3A_2414 = arith.shli %and3A_2411, %shift_left3A_2413 : vector<16xi32>
    %add3A_2415 = arith.addi %and3A_2408, %shift_left3A_2414 : vector<16xi32>
    %shift_right_logical3A_2416 = arith.constant 11 : i32
    %shift_right_logical3A_2417 = vector.broadcast %shift_right_logical3A_2416 : i32 to vector<16xi32>
    %shift_right_logical3A_2418 = arith.shrui %get3A_2405, %shift_right_logical3A_2417 : vector<16xi32>
    %and3A_2419 = arith.constant 7 : i32
    %and3A_2420 = vector.broadcast %and3A_2419 : i32 to vector<16xi32>
    %and3A_2421 = arith.andi %shift_right_logical3A_2418, %and3A_2420 : vector<16xi32>
    %add3A_2422 = arith.addi %add3A_2415, %and3A_2421 : vector<16xi32>
    %swap3A_2423 = arith.index_cast %mul3A_2402 : i32 to index
    %swap3A_2424 = tpu.vector_load %arg13[%swap3A_2423] {strides = array<i32>} : memref<2560xi32, #tpu.memory_space<vmem>>, vector<16xi32>,
    %swap3A_2425 = vector.shape_cast %swap3A_2424 : vector<16xi32> to vector<16xi32>
    %swap3A_2426 = vector.shape_cast %add3A_2422 : vector<16xi32> to vector<16xi32>
    tpu.vector_store %arg13[%swap3A_2423], %swap3A_2426 {strides = array<i32>} : memref<2560xi32, #tpu.memory_space<vmem>>, vector<16xi32>,
    %scan3A_2427 = arith.constant 73 : i32
    %mul3A_2428 = arith.constant 16 : i32
    %mul3A_2429 = arith.muli %scan3A_2427, %mul3A_2428 : i32
    %get3A_2430 = arith.index_cast %mul3A_2429 : i32 to index
    %get3A_2431 = tpu.vector_load %arg13[%get3A_2430] {strides = array<i32>} : memref<2560xi32, #tpu.memory_space<vmem>>, vector<16xi32>,
    %get3A_2432 = vector.shape_cast %get3A_2431 : vector<16xi32> to vector<16xi32>
    %and3A_2433 = arith.constant -16384 : i32
    %and3A_2434 = vector.broadcast %and3A_2433 : i32 to vector<16xi32>
    %and3A_2435 = arith.andi %get3A_2432, %and3A_2434 : vector<16xi32>
    %and3A_2436 = arith.constant 2047 : i32
    %and3A_2437 = vector.broadcast %and3A_2436 : i32 to vector<16xi32>
    %and3A_2438 = arith.andi %get3A_2432, %and3A_2437 : vector<16xi32>
    %shift_left3A_2439 = arith.constant 3 : i32
    %shift_left3A_2440 = vector.broadcast %shift_left3A_2439 : i32 to vector<16xi32>
    %shift_left3A_2441 = arith.shli %and3A_2438, %shift_left3A_2440 : vector<16xi32>
    %add3A_2442 = arith.addi %and3A_2435, %shift_left3A_2441 : vector<16xi32>
    %shift_right_logical3A_2443 = arith.constant 11 : i32
    %shift_right_logical3A_2444 = vector.broadcast %shift_right_logical3A_2443 : i32 to vector<16xi32>
    %shift_right_logical3A_2445 = arith.shrui %get3A_2432, %shift_right_logical3A_2444 : vector<16xi32>
    %and3A_2446 = arith.constant 7 : i32
    %and3A_2447 = vector.broadcast %and3A_2446 : i32 to vector<16xi32>
    %and3A_2448 = arith.andi %shift_right_logical3A_2445, %and3A_2447 : vector<16xi32>
    %add3A_2449 = arith.addi %add3A_2442, %and3A_2448 : vector<16xi32>
    %swap3A_2450 = arith.index_cast %mul3A_2429 : i32 to index
    %swap3A_2451 = tpu.vector_load %arg13[%swap3A_2450] {strides = array<i32>} : memref<2560xi32, #tpu.memory_space<vmem>>, vector<16xi32>,
    %swap3A_2452 = vector.shape_cast %swap3A_2451 : vector<16xi32> to vector<16xi32>
    %swap3A_2453 = vector.shape_cast %add3A_2449 : vector<16xi32> to vector<16xi32>
    tpu.vector_store %arg13[%swap3A_2450], %swap3A_2453 {strides = array<i32>} : memref<2560xi32, #tpu.memory_space<vmem>>, vector<16xi32>,
    %scan3A_2454 = arith.constant 74 : i32
    %mul3A_2455 = arith.constant 16 : i32
    %mul3A_2456 = arith.muli %scan3A_2454, %mul3A_2455 : i32
    %get3A_2457 = arith.index_cast %mul3A_2456 : i32 to index
    %get3A_2458 = tpu.vector_load %arg13[%get3A_2457] {strides = array<i32>} : memref<2560xi32, #tpu.memory_space<vmem>>, vector<16xi32>,
    %get3A_2459 = vector.shape_cast %get3A_2458 : vector<16xi32> to vector<16xi32>
    %and3A_2460 = arith.constant -16384 : i32
    %and3A_2461 = vector.broadcast %and3A_2460 : i32 to vector<16xi32>
    %and3A_2462 = arith.andi %get3A_2459, %and3A_2461 : vector<16xi32>
    %and3A_2463 = arith.constant 2047 : i32
    %and3A_2464 = vector.broadcast %and3A_2463 : i32 to vector<16xi32>
    %and3A_2465 = arith.andi %get3A_2459, %and3A_2464 : vector<16xi32>
    %shift_left3A_2466 = arith.constant 3 : i32
    %shift_left3A_2467 = vector.broadcast %shift_left3A_2466 : i32 to vector<16xi32>
    %shift_left3A_2468 = arith.shli %and3A_2465, %shift_left3A_2467 : vector<16xi32>
    %add3A_2469 = arith.addi %and3A_2462, %shift_left3A_2468 : vector<16xi32>
    %shift_right_logical3A_2470 = arith.constant 11 : i32
    %shift_right_logical3A_2471 = vector.broadcast %shift_right_logical3A_2470 : i32 to vector<16xi32>
    %shift_right_logical3A_2472 = arith.shrui %get3A_2459, %shift_right_logical3A_2471 : vector<16xi32>
    %and3A_2473 = arith.constant 7 : i32
    %and3A_2474 = vector.broadcast %and3A_2473 : i32 to vector<16xi32>
    %and3A_2475 = arith.andi %shift_right_logical3A_2472, %and3A_2474 : vector<16xi32>
    %add3A_2476 = arith.addi %add3A_2469, %and3A_2475 : vector<16xi32>
    %swap3A_2477 = arith.index_cast %mul3A_2456 : i32 to index
    %swap3A_2478 = tpu.vector_load %arg13[%swap3A_2477] {strides = array<i32>} : memref<2560xi32, #tpu.memory_space<vmem>>, vector<16xi32>,
    %swap3A_2479 = vector.shape_cast %swap3A_2478 : vector<16xi32> to vector<16xi32>
    %swap3A_2480 = vector.shape_cast %add3A_2476 : vector<16xi32> to vector<16xi32>
    tpu.vector_store %arg13[%swap3A_2477], %swap3A_2480 {strides = array<i32>} : memref<2560xi32, #tpu.memory_space<vmem>>, vector<16xi32>,
    %scan3A_2481 = arith.constant 75 : i32
    %mul3A_2482 = arith.constant 16 : i32
    %mul3A_2483 = arith.muli %scan3A_2481, %mul3A_2482 : i32
    %get3A_2484 = arith.index_cast %mul3A_2483 : i32 to index
    %get3A_2485 = tpu.vector_load %arg13[%get3A_2484] {strides = array<i32>} : memref<2560xi32, #tpu.memory_space<vmem>>, vector<16xi32>,
    %get3A_2486 = vector.shape_cast %get3A_2485 : vector<16xi32> to vector<16xi32>
    %and3A_2487 = arith.constant -16384 : i32
    %and3A_2488 = vector.broadcast %and3A_2487 : i32 to vector<16xi32>
    %and3A_2489 = arith.andi %get3A_2486, %and3A_2488 : vector<16xi32>
    %and3A_2490 = arith.constant 2047 : i32
    %and3A_2491 = vector.broadcast %and3A_2490 : i32 to vector<16xi32>
    %and3A_2492 = arith.andi %get3A_2486, %and3A_2491 : vector<16xi32>
    %shift_left3A_2493 = arith.constant 3 : i32
    %shift_left3A_2494 = vector.broadcast %shift_left3A_2493 : i32 to vector<16xi32>
    %shift_left3A_2495 = arith.shli %and3A_2492, %shift_left3A_2494 : vector<16xi32>
    %add3A_2496 = arith.addi %and3A_2489, %shift_left3A_2495 : vector<16xi32>
    %shift_right_logical3A_2497 = arith.constant 11 : i32
    %shift_right_logical3A_2498 = vector.broadcast %shift_right_logical3A_2497 : i32 to vector<16xi32>
    %shift_right_logical3A_2499 = arith.shrui %get3A_2486, %shift_right_logical3A_2498 : vector<16xi32>
    %and3A_2500 = arith.constant 7 : i32
    %and3A_2501 = vector.broadcast %and3A_2500 : i32 to vector<16xi32>
    %and3A_2502 = arith.andi %shift_right_logical3A_2499, %and3A_2501 : vector<16xi32>
    %add3A_2503 = arith.addi %add3A_2496, %and3A_2502 : vector<16xi32>
    %swap3A_2504 = arith.index_cast %mul3A_2483 : i32 to index
    %swap3A_2505 = tpu.vector_load %arg13[%swap3A_2504] {strides = array<i32>} : memref<2560xi32, #tpu.memory_space<vmem>>, vector<16xi32>,
    %swap3A_2506 = vector.shape_cast %swap3A_2505 : vector<16xi32> to vector<16xi32>
    %swap3A_2507 = vector.shape_cast %add3A_2503 : vector<16xi32> to vector<16xi32>
    tpu.vector_store %arg13[%swap3A_2504], %swap3A_2507 {strides = array<i32>} : memref<2560xi32, #tpu.memory_space<vmem>>, vector<16xi32>,
    %scan3A_2508 = arith.constant 76 : i32
    %mul3A_2509 = arith.constant 16 : i32
    %mul3A_2510 = arith.muli %scan3A_2508, %mul3A_2509 : i32
    %get3A_2511 = arith.index_cast %mul3A_2510 : i32 to index
    %get3A_2512 = tpu.vector_load %arg13[%get3A_2511] {strides = array<i32>} : memref<2560xi32, #tpu.memory_space<vmem>>, vector<16xi32>,
    %get3A_2513 = vector.shape_cast %get3A_2512 : vector<16xi32> to vector<16xi32>
    %and3A_2514 = arith.constant -16384 : i32
    %and3A_2515 = vector.broadcast %and3A_2514 : i32 to vector<16xi32>
    %and3A_2516 = arith.andi %get3A_2513, %and3A_2515 : vector<16xi32>
    %and3A_2517 = arith.constant 2047 : i32
    %and3A_2518 = vector.broadcast %and3A_2517 : i32 to vector<16xi32>
    %and3A_2519 = arith.andi %get3A_2513, %and3A_2518 : vector<16xi32>
    %shift_left3A_2520 = arith.constant 3 : i32
    %shift_left3A_2521 = vector.broadcast %shift_left3A_2520 : i32 to vector<16xi32>
    %shift_left3A_2522 = arith.shli %and3A_2519, %shift_left3A_2521 : vector<16xi32>
    %add3A_2523 = arith.addi %and3A_2516, %shift_left3A_2522 : vector<16xi32>
    %shift_right_logical3A_2524 = arith.constant 11 : i32
    %shift_right_logical3A_2525 = vector.broadcast %shift_right_logical3A_2524 : i32 to vector<16xi32>
    %shift_right_logical3A_2526 = arith.shrui %get3A_2513, %shift_right_logical3A_2525 : vector<16xi32>
    %and3A_2527 = arith.constant 7 : i32
    %and3A_2528 = vector.broadcast %and3A_2527 : i32 to vector<16xi32>
    %and3A_2529 = arith.andi %shift_right_logical3A_2526, %and3A_2528 : vector<16xi32>
    %add3A_2530 = arith.addi %add3A_2523, %and3A_2529 : vector<16xi32>
    %swap3A_2531 = arith.index_cast %mul3A_2510 : i32 to index
    %swap3A_2532 = tpu.vector_load %arg13[%swap3A_2531] {strides = array<i32>} : memref<2560xi32, #tpu.memory_space<vmem>>, vector<16xi32>,
    %swap3A_2533 = vector.shape_cast %swap3A_2532 : vector<16xi32> to vector<16xi32>
    %swap3A_2534 = vector.shape_cast %add3A_2530 : vector<16xi32> to vector<16xi32>
    tpu.vector_store %arg13[%swap3A_2531], %swap3A_2534 {strides = array<i32>} : memref<2560xi32, #tpu.memory_space<vmem>>, vector<16xi32>,
    %scan3A_2535 = arith.constant 77 : i32
    %mul3A_2536 = arith.constant 16 : i32
    %mul3A_2537 = arith.muli %scan3A_2535, %mul3A_2536 : i32
    %get3A_2538 = arith.index_cast %mul3A_2537 : i32 to index
    %get3A_2539 = tpu.vector_load %arg13[%get3A_2538] {strides = array<i32>} : memref<2560xi32, #tpu.memory_space<vmem>>, vector<16xi32>,
    %get3A_2540 = vector.shape_cast %get3A_2539 : vector<16xi32> to vector<16xi32>
    %and3A_2541 = arith.constant -16384 : i32
    %and3A_2542 = vector.broadcast %and3A_2541 : i32 to vector<16xi32>
    %and3A_2543 = arith.andi %get3A_2540, %and3A_2542 : vector<16xi32>
    %and3A_2544 = arith.constant 2047 : i32
    %and3A_2545 = vector.broadcast %and3A_2544 : i32 to vector<16xi32>
    %and3A_2546 = arith.andi %get3A_2540, %and3A_2545 : vector<16xi32>
    %shift_left3A_2547 = arith.constant 3 : i32
    %shift_left3A_2548 = vector.broadcast %shift_left3A_2547 : i32 to vector<16xi32>
    %shift_left3A_2549 = arith.shli %and3A_2546, %shift_left3A_2548 : vector<16xi32>
    %add3A_2550 = arith.addi %and3A_2543, %shift_left3A_2549 : vector<16xi32>
    %shift_right_logical3A_2551 = arith.constant 11 : i32
    %shift_right_logical3A_2552 = vector.broadcast %shift_right_logical3A_2551 : i32 to vector<16xi32>
    %shift_right_logical3A_2553 = arith.shrui %get3A_2540, %shift_right_logical3A_2552 : vector<16xi32>
    %and3A_2554 = arith.constant 7 : i32
    %and3A_2555 = vector.broadcast %and3A_2554 : i32 to vector<16xi32>
    %and3A_2556 = arith.andi %shift_right_logical3A_2553, %and3A_2555 : vector<16xi32>
    %add3A_2557 = arith.addi %add3A_2550, %and3A_2556 : vector<16xi32>
    %swap3A_2558 = arith.index_cast %mul3A_2537 : i32 to index
    %swap3A_2559 = tpu.vector_load %arg13[%swap3A_2558] {strides = array<i32>} : memref<2560xi32, #tpu.memory_space<vmem>>, vector<16xi32>,
    %swap3A_2560 = vector.shape_cast %swap3A_2559 : vector<16xi32> to vector<16xi32>
    %swap3A_2561 = vector.shape_cast %add3A_2557 : vector<16xi32> to vector<16xi32>
    tpu.vector_store %arg13[%swap3A_2558], %swap3A_2561 {strides = array<i32>} : memref<2560xi32, #tpu.memory_space<vmem>>, vector<16xi32>,
    %scan3A_2562 = arith.constant 78 : i32
    %mul3A_2563 = arith.constant 16 : i32
    %mul3A_2564 = arith.muli %scan3A_2562, %mul3A_2563 : i32
    %get3A_2565 = arith.index_cast %mul3A_2564 : i32 to index
    %get3A_2566 = tpu.vector_load %arg13[%get3A_2565] {strides = array<i32>} : memref<2560xi32, #tpu.memory_space<vmem>>, vector<16xi32>,
    %get3A_2567 = vector.shape_cast %get3A_2566 : vector<16xi32> to vector<16xi32>
    %and3A_2568 = arith.constant -16384 : i32
    %and3A_2569 = vector.broadcast %and3A_2568 : i32 to vector<16xi32>
    %and3A_2570 = arith.andi %get3A_2567, %and3A_2569 : vector<16xi32>
    %and3A_2571 = arith.constant 2047 : i32
    %and3A_2572 = vector.broadcast %and3A_2571 : i32 to vector<16xi32>
    %and3A_2573 = arith.andi %get3A_2567, %and3A_2572 : vector<16xi32>
    %shift_left3A_2574 = arith.constant 3 : i32
    %shift_left3A_2575 = vector.broadcast %shift_left3A_2574 : i32 to vector<16xi32>
    %shift_left3A_2576 = arith.shli %and3A_2573, %shift_left3A_2575 : vector<16xi32>
    %add3A_2577 = arith.addi %and3A_2570, %shift_left3A_2576 : vector<16xi32>
    %shift_right_logical3A_2578 = arith.constant 11 : i32
    %shift_right_logical3A_2579 = vector.broadcast %shift_right_logical3A_2578 : i32 to vector<16xi32>
    %shift_right_logical3A_2580 = arith.shrui %get3A_2567, %shift_right_logical3A_2579 : vector<16xi32>
    %and3A_2581 = arith.constant 7 : i32
    %and3A_2582 = vector.broadcast %and3A_2581 : i32 to vector<16xi32>
    %and3A_2583 = arith.andi %shift_right_logical3A_2580, %and3A_2582 : vector<16xi32>
    %add3A_2584 = arith.addi %add3A_2577, %and3A_2583 : vector<16xi32>
    %swap3A_2585 = arith.index_cast %mul3A_2564 : i32 to index
    %swap3A_2586 = tpu.vector_load %arg13[%swap3A_2585] {strides = array<i32>} : memref<2560xi32, #tpu.memory_space<vmem>>, vector<16xi32>,
    %swap3A_2587 = vector.shape_cast %swap3A_2586 : vector<16xi32> to vector<16xi32>
    %swap3A_2588 = vector.shape_cast %add3A_2584 : vector<16xi32> to vector<16xi32>
    tpu.vector_store %arg13[%swap3A_2585], %swap3A_2588 {strides = array<i32>} : memref<2560xi32, #tpu.memory_space<vmem>>, vector<16xi32>,
    %scan3A_2589 = arith.constant 79 : i32
    %mul3A_2590 = arith.constant 16 : i32
    %mul3A_2591 = arith.muli %scan3A_2589, %mul3A_2590 : i32
    %get3A_2592 = arith.index_cast %mul3A_2591 : i32 to index
    %get3A_2593 = tpu.vector_load %arg13[%get3A_2592] {strides = array<i32>} : memref<2560xi32, #tpu.memory_space<vmem>>, vector<16xi32>,
    %get3A_2594 = vector.shape_cast %get3A_2593 : vector<16xi32> to vector<16xi32>
    %and3A_2595 = arith.constant -16384 : i32
    %and3A_2596 = vector.broadcast %and3A_2595 : i32 to vector<16xi32>
    %and3A_2597 = arith.andi %get3A_2594, %and3A_2596 : vector<16xi32>
    %and3A_2598 = arith.constant 2047 : i32
    %and3A_2599 = vector.broadcast %and3A_2598 : i32 to vector<16xi32>
    %and3A_2600 = arith.andi %get3A_2594, %and3A_2599 : vector<16xi32>
    %shift_left3A_2601 = arith.constant 3 : i32
    %shift_left3A_2602 = vector.broadcast %shift_left3A_2601 : i32 to vector<16xi32>
    %shift_left3A_2603 = arith.shli %and3A_2600, %shift_left3A_2602 : vector<16xi32>
    %add3A_2604 = arith.addi %and3A_2597, %shift_left3A_2603 : vector<16xi32>
    %shift_right_logical3A_2605 = arith.constant 11 : i32
    %shift_right_logical3A_2606 = vector.broadcast %shift_right_logical3A_2605 : i32 to vector<16xi32>
    %shift_right_logical3A_2607 = arith.shrui %get3A_2594, %shift_right_logical3A_2606 : vector<16xi32>
    %and3A_2608 = arith.constant 7 : i32
    %and3A_2609 = vector.broadcast %and3A_2608 : i32 to vector<16xi32>
    %and3A_2610 = arith.andi %shift_right_logical3A_2607, %and3A_2609 : vector<16xi32>
    %add3A_2611 = arith.addi %add3A_2604, %and3A_2610 : vector<16xi32>
    %swap3A_2612 = arith.index_cast %mul3A_2591 : i32 to index
    %swap3A_2613 = tpu.vector_load %arg13[%swap3A_2612] {strides = array<i32>} : memref<2560xi32, #tpu.memory_space<vmem>>, vector<16xi32>,
    %swap3A_2614 = vector.shape_cast %swap3A_2613 : vector<16xi32> to vector<16xi32>
    %swap3A_2615 = vector.shape_cast %add3A_2611 : vector<16xi32> to vector<16xi32>
    tpu.vector_store %arg13[%swap3A_2612], %swap3A_2615 {strides = array<i32>} : memref<2560xi32, #tpu.memory_space<vmem>>, vector<16xi32>,
    %scan3A_2616 = arith.constant 80 : i32
    %mul3A_2617 = arith.constant 16 : i32
    %mul3A_2618 = arith.muli %scan3A_2616, %mul3A_2617 : i32
    %get3A_2619 = arith.index_cast %mul3A_2618 : i32 to index
    %get3A_2620 = tpu.vector_load %arg13[%get3A_2619] {strides = array<i32>} : memref<2560xi32, #tpu.memory_space<vmem>>, vector<16xi32>,
    %get3A_2621 = vector.shape_cast %get3A_2620 : vector<16xi32> to vector<16xi32>
    %and3A_2622 = arith.constant -16384 : i32
    %and3A_2623 = vector.broadcast %and3A_2622 : i32 to vector<16xi32>
    %and3A_2624 = arith.andi %get3A_2621, %and3A_2623 : vector<16xi32>
    %and3A_2625 = arith.constant 2047 : i32
    %and3A_2626 = vector.broadcast %and3A_2625 : i32 to vector<16xi32>
    %and3A_2627 = arith.andi %get3A_2621, %and3A_2626 : vector<16xi32>
    %shift_left3A_2628 = arith.constant 3 : i32
    %shift_left3A_2629 = vector.broadcast %shift_left3A_2628 : i32 to vector<16xi32>
    %shift_left3A_2630 = arith.shli %and3A_2627, %shift_left3A_2629 : vector<16xi32>
    %add3A_2631 = arith.addi %and3A_2624, %shift_left3A_2630 : vector<16xi32>
    %shift_right_logical3A_2632 = arith.constant 11 : i32
    %shift_right_logical3A_2633 = vector.broadcast %shift_right_logical3A_2632 : i32 to vector<16xi32>
    %shift_right_logical3A_2634 = arith.shrui %get3A_2621, %shift_right_logical3A_2633 : vector<16xi32>
    %and3A_2635 = arith.constant 7 : i32
    %and3A_2636 = vector.broadcast %and3A_2635 : i32 to vector<16xi32>
    %and3A_2637 = arith.andi %shift_right_logical3A_2634, %and3A_2636 : vector<16xi32>
    %add3A_2638 = arith.addi %add3A_2631, %and3A_2637 : vector<16xi32>
    %swap3A_2639 = arith.index_cast %mul3A_2618 : i32 to index
    %swap3A_2640 = tpu.vector_load %arg13[%swap3A_2639] {strides = array<i32>} : memref<2560xi32, #tpu.memory_space<vmem>>, vector<16xi32>,
    %swap3A_2641 = vector.shape_cast %swap3A_2640 : vector<16xi32> to vector<16xi32>
    %swap3A_2642 = vector.shape_cast %add3A_2638 : vector<16xi32> to vector<16xi32>
    tpu.vector_store %arg13[%swap3A_2639], %swap3A_2642 {strides = array<i32>} : memref<2560xi32, #tpu.memory_space<vmem>>, vector<16xi32>,
    %scan3A_2643 = arith.constant 81 : i32
    %mul3A_2644 = arith.constant 16 : i32
    %mul3A_2645 = arith.muli %scan3A_2643, %mul3A_2644 : i32
    %get3A_2646 = arith.index_cast %mul3A_2645 : i32 to index
    %get3A_2647 = tpu.vector_load %arg13[%get3A_2646] {strides = array<i32>} : memref<2560xi32, #tpu.memory_space<vmem>>, vector<16xi32>,
    %get3A_2648 = vector.shape_cast %get3A_2647 : vector<16xi32> to vector<16xi32>
    %and3A_2649 = arith.constant -16384 : i32
    %and3A_2650 = vector.broadcast %and3A_2649 : i32 to vector<16xi32>
    %and3A_2651 = arith.andi %get3A_2648, %and3A_2650 : vector<16xi32>
    %and3A_2652 = arith.constant 2047 : i32
    %and3A_2653 = vector.broadcast %and3A_2652 : i32 to vector<16xi32>
    %and3A_2654 = arith.andi %get3A_2648, %and3A_2653 : vector<16xi32>
    %shift_left3A_2655 = arith.constant 3 : i32
    %shift_left3A_2656 = vector.broadcast %shift_left3A_2655 : i32 to vector<16xi32>
    %shift_left3A_2657 = arith.shli %and3A_2654, %shift_left3A_2656 : vector<16xi32>
    %add3A_2658 = arith.addi %and3A_2651, %shift_left3A_2657 : vector<16xi32>
    %shift_right_logical3A_2659 = arith.constant 11 : i32
    %shift_right_logical3A_2660 = vector.broadcast %shift_right_logical3A_2659 : i32 to vector<16xi32>
    %shift_right_logical3A_2661 = arith.shrui %get3A_2648, %shift_right_logical3A_2660 : vector<16xi32>
    %and3A_2662 = arith.constant 7 : i32
    %and3A_2663 = vector.broadcast %and3A_2662 : i32 to vector<16xi32>
    %and3A_2664 = arith.andi %shift_right_logical3A_2661, %and3A_2663 : vector<16xi32>
    %add3A_2665 = arith.addi %add3A_2658, %and3A_2664 : vector<16xi32>
    %swap3A_2666 = arith.index_cast %mul3A_2645 : i32 to index
    %swap3A_2667 = tpu.vector_load %arg13[%swap3A_2666] {strides = array<i32>} : memref<2560xi32, #tpu.memory_space<vmem>>, vector<16xi32>,
    %swap3A_2668 = vector.shape_cast %swap3A_2667 : vector<16xi32> to vector<16xi32>
    %swap3A_2669 = vector.shape_cast %add3A_2665 : vector<16xi32> to vector<16xi32>
    tpu.vector_store %arg13[%swap3A_2666], %swap3A_2669 {strides = array<i32>} : memref<2560xi32, #tpu.memory_space<vmem>>, vector<16xi32>,
    %scan3A_2670 = arith.constant 82 : i32
    %mul3A_2671 = arith.constant 16 : i32
    %mul3A_2672 = arith.muli %scan3A_2670, %mul3A_2671 : i32
    %get3A_2673 = arith.index_cast %mul3A_2672 : i32 to index
    %get3A_2674 = tpu.vector_load %arg13[%get3A_2673] {strides = array<i32>} : memref<2560xi32, #tpu.memory_space<vmem>>, vector<16xi32>,
    %get3A_2675 = vector.shape_cast %get3A_2674 : vector<16xi32> to vector<16xi32>
    %and3A_2676 = arith.constant -16384 : i32
    %and3A_2677 = vector.broadcast %and3A_2676 : i32 to vector<16xi32>
    %and3A_2678 = arith.andi %get3A_2675, %and3A_2677 : vector<16xi32>
    %and3A_2679 = arith.constant 2047 : i32
    %and3A_2680 = vector.broadcast %and3A_2679 : i32 to vector<16xi32>
    %and3A_2681 = arith.andi %get3A_2675, %and3A_2680 : vector<16xi32>
    %shift_left3A_2682 = arith.constant 3 : i32
    %shift_left3A_2683 = vector.broadcast %shift_left3A_2682 : i32 to vector<16xi32>
    %shift_left3A_2684 = arith.shli %and3A_2681, %shift_left3A_2683 : vector<16xi32>
    %add3A_2685 = arith.addi %and3A_2678, %shift_left3A_2684 : vector<16xi32>
    %shift_right_logical3A_2686 = arith.constant 11 : i32
    %shift_right_logical3A_2687 = vector.broadcast %shift_right_logical3A_2686 : i32 to vector<16xi32>
    %shift_right_logical3A_2688 = arith.shrui %get3A_2675, %shift_right_logical3A_2687 : vector<16xi32>
    %and3A_2689 = arith.constant 7 : i32
    %and3A_2690 = vector.broadcast %and3A_2689 : i32 to vector<16xi32>
    %and3A_2691 = arith.andi %shift_right_logical3A_2688, %and3A_2690 : vector<16xi32>
    %add3A_2692 = arith.addi %add3A_2685, %and3A_2691 : vector<16xi32>
    %swap3A_2693 = arith.index_cast %mul3A_2672 : i32 to index
    %swap3A_2694 = tpu.vector_load %arg13[%swap3A_2693] {strides = array<i32>} : memref<2560xi32, #tpu.memory_space<vmem>>, vector<16xi32>,
    %swap3A_2695 = vector.shape_cast %swap3A_2694 : vector<16xi32> to vector<16xi32>
    %swap3A_2696 = vector.shape_cast %add3A_2692 : vector<16xi32> to vector<16xi32>
    tpu.vector_store %arg13[%swap3A_2693], %swap3A_2696 {strides = array<i32>} : memref<2560xi32, #tpu.memory_space<vmem>>, vector<16xi32>,
    %scan3A_2697 = arith.constant 83 : i32
    %mul3A_2698 = arith.constant 16 : i32
    %mul3A_2699 = arith.muli %scan3A_2697, %mul3A_2698 : i32
    %get3A_2700 = arith.index_cast %mul3A_2699 : i32 to index
    %get3A_2701 = tpu.vector_load %arg13[%get3A_2700] {strides = array<i32>} : memref<2560xi32, #tpu.memory_space<vmem>>, vector<16xi32>,
    %get3A_2702 = vector.shape_cast %get3A_2701 : vector<16xi32> to vector<16xi32>
    %and3A_2703 = arith.constant -16384 : i32
    %and3A_2704 = vector.broadcast %and3A_2703 : i32 to vector<16xi32>
    %and3A_2705 = arith.andi %get3A_2702, %and3A_2704 : vector<16xi32>
    %and3A_2706 = arith.constant 2047 : i32
    %and3A_2707 = vector.broadcast %and3A_2706 : i32 to vector<16xi32>
    %and3A_2708 = arith.andi %get3A_2702, %and3A_2707 : vector<16xi32>
    %shift_left3A_2709 = arith.constant 3 : i32
    %shift_left3A_2710 = vector.broadcast %shift_left3A_2709 : i32 to vector<16xi32>
    %shift_left3A_2711 = arith.shli %and3A_2708, %shift_left3A_2710 : vector<16xi32>
    %add3A_2712 = arith.addi %and3A_2705, %shift_left3A_2711 : vector<16xi32>
    %shift_right_logical3A_2713 = arith.constant 11 : i32
    %shift_right_logical3A_2714 = vector.broadcast %shift_right_logical3A_2713 : i32 to vector<16xi32>
    %shift_right_logical3A_2715 = arith.shrui %get3A_2702, %shift_right_logical3A_2714 : vector<16xi32>
    %and3A_2716 = arith.constant 7 : i32
    %and3A_2717 = vector.broadcast %and3A_2716 : i32 to vector<16xi32>
    %and3A_2718 = arith.andi %shift_right_logical3A_2715, %and3A_2717 : vector<16xi32>
    %add3A_2719 = arith.addi %add3A_2712, %and3A_2718 : vector<16xi32>
    %swap3A_2720 = arith.index_cast %mul3A_2699 : i32 to index
    %swap3A_2721 = tpu.vector_load %arg13[%swap3A_2720] {strides = array<i32>} : memref<2560xi32, #tpu.memory_space<vmem>>, vector<16xi32>,
    %swap3A_2722 = vector.shape_cast %swap3A_2721 : vector<16xi32> to vector<16xi32>
    %swap3A_2723 = vector.shape_cast %add3A_2719 : vector<16xi32> to vector<16xi32>
    tpu.vector_store %arg13[%swap3A_2720], %swap3A_2723 {strides = array<i32>} : memref<2560xi32, #tpu.memory_space<vmem>>, vector<16xi32>,
    %scan3A_2724 = arith.constant 84 : i32
    %mul3A_2725 = arith.constant 16 : i32
    %mul3A_2726 = arith.muli %scan3A_2724, %mul3A_2725 : i32
    %get3A_2727 = arith.index_cast %mul3A_2726 : i32 to index
    %get3A_2728 = tpu.vector_load %arg13[%get3A_2727] {strides = array<i32>} : memref<2560xi32, #tpu.memory_space<vmem>>, vector<16xi32>,
    %get3A_2729 = vector.shape_cast %get3A_2728 : vector<16xi32> to vector<16xi32>
    %and3A_2730 = arith.constant -16384 : i32
    %and3A_2731 = vector.broadcast %and3A_2730 : i32 to vector<16xi32>
    %and3A_2732 = arith.andi %get3A_2729, %and3A_2731 : vector<16xi32>
    %and3A_2733 = arith.constant 2047 : i32
    %and3A_2734 = vector.broadcast %and3A_2733 : i32 to vector<16xi32>
    %and3A_2735 = arith.andi %get3A_2729, %and3A_2734 : vector<16xi32>
    %shift_left3A_2736 = arith.constant 3 : i32
    %shift_left3A_2737 = vector.broadcast %shift_left3A_2736 : i32 to vector<16xi32>
    %shift_left3A_2738 = arith.shli %and3A_2735, %shift_left3A_2737 : vector<16xi32>
    %add3A_2739 = arith.addi %and3A_2732, %shift_left3A_2738 : vector<16xi32>
    %shift_right_logical3A_2740 = arith.constant 11 : i32
    %shift_right_logical3A_2741 = vector.broadcast %shift_right_logical3A_2740 : i32 to vector<16xi32>
    %shift_right_logical3A_2742 = arith.shrui %get3A_2729, %shift_right_logical3A_2741 : vector<16xi32>
    %and3A_2743 = arith.constant 7 : i32
    %and3A_2744 = vector.broadcast %and3A_2743 : i32 to vector<16xi32>
    %and3A_2745 = arith.andi %shift_right_logical3A_2742, %and3A_2744 : vector<16xi32>
    %add3A_2746 = arith.addi %add3A_2739, %and3A_2745 : vector<16xi32>
    %swap3A_2747 = arith.index_cast %mul3A_2726 : i32 to index
    %swap3A_2748 = tpu.vector_load %arg13[%swap3A_2747] {strides = array<i32>} : memref<2560xi32, #tpu.memory_space<vmem>>, vector<16xi32>,
    %swap3A_2749 = vector.shape_cast %swap3A_2748 : vector<16xi32> to vector<16xi32>
    %swap3A_2750 = vector.shape_cast %add3A_2746 : vector<16xi32> to vector<16xi32>
    tpu.vector_store %arg13[%swap3A_2747], %swap3A_2750 {strides = array<i32>} : memref<2560xi32, #tpu.memory_space<vmem>>, vector<16xi32>,
    %scan3A_2751 = arith.constant 85 : i32
    %mul3A_2752 = arith.constant 16 : i32
    %mul3A_2753 = arith.muli %scan3A_2751, %mul3A_2752 : i32
    %get3A_2754 = arith.index_cast %mul3A_2753 : i32 to index
    %get3A_2755 = tpu.vector_load %arg13[%get3A_2754] {strides = array<i32>} : memref<2560xi32, #tpu.memory_space<vmem>>, vector<16xi32>,
    %get3A_2756 = vector.shape_cast %get3A_2755 : vector<16xi32> to vector<16xi32>
    %and3A_2757 = arith.constant -16384 : i32
    %and3A_2758 = vector.broadcast %and3A_2757 : i32 to vector<16xi32>
    %and3A_2759 = arith.andi %get3A_2756, %and3A_2758 : vector<16xi32>
    %and3A_2760 = arith.constant 2047 : i32
    %and3A_2761 = vector.broadcast %and3A_2760 : i32 to vector<16xi32>
    %and3A_2762 = arith.andi %get3A_2756, %and3A_2761 : vector<16xi32>
    %shift_left3A_2763 = arith.constant 3 : i32
    %shift_left3A_2764 = vector.broadcast %shift_left3A_2763 : i32 to vector<16xi32>
    %shift_left3A_2765 = arith.shli %and3A_2762, %shift_left3A_2764 : vector<16xi32>
    %add3A_2766 = arith.addi %and3A_2759, %shift_left3A_2765 : vector<16xi32>
    %shift_right_logical3A_2767 = arith.constant 11 : i32
    %shift_right_logical3A_2768 = vector.broadcast %shift_right_logical3A_2767 : i32 to vector<16xi32>
    %shift_right_logical3A_2769 = arith.shrui %get3A_2756, %shift_right_logical3A_2768 : vector<16xi32>
    %and3A_2770 = arith.constant 7 : i32
    %and3A_2771 = vector.broadcast %and3A_2770 : i32 to vector<16xi32>
    %and3A_2772 = arith.andi %shift_right_logical3A_2769, %and3A_2771 : vector<16xi32>
    %add3A_2773 = arith.addi %add3A_2766, %and3A_2772 : vector<16xi32>
    %swap3A_2774 = arith.index_cast %mul3A_2753 : i32 to index
    %swap3A_2775 = tpu.vector_load %arg13[%swap3A_2774] {strides = array<i32>} : memref<2560xi32, #tpu.memory_space<vmem>>, vector<16xi32>,
    %swap3A_2776 = vector.shape_cast %swap3A_2775 : vector<16xi32> to vector<16xi32>
    %swap3A_2777 = vector.shape_cast %add3A_2773 : vector<16xi32> to vector<16xi32>
    tpu.vector_store %arg13[%swap3A_2774], %swap3A_2777 {strides = array<i32>} : memref<2560xi32, #tpu.memory_space<vmem>>, vector<16xi32>,
    %scan3A_2778 = arith.constant 86 : i32
    %mul3A_2779 = arith.constant 16 : i32
    %mul3A_2780 = arith.muli %scan3A_2778, %mul3A_2779 : i32
    %get3A_2781 = arith.index_cast %mul3A_2780 : i32 to index
    %get3A_2782 = tpu.vector_load %arg13[%get3A_2781] {strides = array<i32>} : memref<2560xi32, #tpu.memory_space<vmem>>, vector<16xi32>,
    %get3A_2783 = vector.shape_cast %get3A_2782 : vector<16xi32> to vector<16xi32>
    %and3A_2784 = arith.constant -16384 : i32
    %and3A_2785 = vector.broadcast %and3A_2784 : i32 to vector<16xi32>
    %and3A_2786 = arith.andi %get3A_2783, %and3A_2785 : vector<16xi32>
    %and3A_2787 = arith.constant 2047 : i32
    %and3A_2788 = vector.broadcast %and3A_2787 : i32 to vector<16xi32>
    %and3A_2789 = arith.andi %get3A_2783, %and3A_2788 : vector<16xi32>
    %shift_left3A_2790 = arith.constant 3 : i32
    %shift_left3A_2791 = vector.broadcast %shift_left3A_2790 : i32 to vector<16xi32>
    %shift_left3A_2792 = arith.shli %and3A_2789, %shift_left3A_2791 : vector<16xi32>
    %add3A_2793 = arith.addi %and3A_2786, %shift_left3A_2792 : vector<16xi32>
    %shift_right_logical3A_2794 = arith.constant 11 : i32
    %shift_right_logical3A_2795 = vector.broadcast %shift_right_logical3A_2794 : i32 to vector<16xi32>
    %shift_right_logical3A_2796 = arith.shrui %get3A_2783, %shift_right_logical3A_2795 : vector<16xi32>
    %and3A_2797 = arith.constant 7 : i32
    %and3A_2798 = vector.broadcast %and3A_2797 : i32 to vector<16xi32>
    %and3A_2799 = arith.andi %shift_right_logical3A_2796, %and3A_2798 : vector<16xi32>
    %add3A_2800 = arith.addi %add3A_2793, %and3A_2799 : vector<16xi32>
    %swap3A_2801 = arith.index_cast %mul3A_2780 : i32 to index
    %swap3A_2802 = tpu.vector_load %arg13[%swap3A_2801] {strides = array<i32>} : memref<2560xi32, #tpu.memory_space<vmem>>, vector<16xi32>,
    %swap3A_2803 = vector.shape_cast %swap3A_2802 : vector<16xi32> to vector<16xi32>
    %swap3A_2804 = vector.shape_cast %add3A_2800 : vector<16xi32> to vector<16xi32>
    tpu.vector_store %arg13[%swap3A_2801], %swap3A_2804 {strides = array<i32>} : memref<2560xi32, #tpu.memory_space<vmem>>, vector<16xi32>,
    %scan3A_2805 = arith.constant 87 : i32
    %mul3A_2806 = arith.constant 16 : i32
    %mul3A_2807 = arith.muli %scan3A_2805, %mul3A_2806 : i32
    %get3A_2808 = arith.index_cast %mul3A_2807 : i32 to index
    %get3A_2809 = tpu.vector_load %arg13[%get3A_2808] {strides = array<i32>} : memref<2560xi32, #tpu.memory_space<vmem>>, vector<16xi32>,
    %get3A_2810 = vector.shape_cast %get3A_2809 : vector<16xi32> to vector<16xi32>
    %and3A_2811 = arith.constant -16384 : i32
    %and3A_2812 = vector.broadcast %and3A_2811 : i32 to vector<16xi32>
    %and3A_2813 = arith.andi %get3A_2810, %and3A_2812 : vector<16xi32>
    %and3A_2814 = arith.constant 2047 : i32
    %and3A_2815 = vector.broadcast %and3A_2814 : i32 to vector<16xi32>
    %and3A_2816 = arith.andi %get3A_2810, %and3A_2815 : vector<16xi32>
    %shift_left3A_2817 = arith.constant 3 : i32
    %shift_left3A_2818 = vector.broadcast %shift_left3A_2817 : i32 to vector<16xi32>
    %shift_left3A_2819 = arith.shli %and3A_2816, %shift_left3A_2818 : vector<16xi32>
    %add3A_2820 = arith.addi %and3A_2813, %shift_left3A_2819 : vector<16xi32>
    %shift_right_logical3A_2821 = arith.constant 11 : i32
    %shift_right_logical3A_2822 = vector.broadcast %shift_right_logical3A_2821 : i32 to vector<16xi32>
    %shift_right_logical3A_2823 = arith.shrui %get3A_2810, %shift_right_logical3A_2822 : vector<16xi32>
    %and3A_2824 = arith.constant 7 : i32
    %and3A_2825 = vector.broadcast %and3A_2824 : i32 to vector<16xi32>
    %and3A_2826 = arith.andi %shift_right_logical3A_2823, %and3A_2825 : vector<16xi32>
    %add3A_2827 = arith.addi %add3A_2820, %and3A_2826 : vector<16xi32>
    %swap3A_2828 = arith.index_cast %mul3A_2807 : i32 to index
    %swap3A_2829 = tpu.vector_load %arg13[%swap3A_2828] {strides = array<i32>} : memref<2560xi32, #tpu.memory_space<vmem>>, vector<16xi32>,
    %swap3A_2830 = vector.shape_cast %swap3A_2829 : vector<16xi32> to vector<16xi32>
    %swap3A_2831 = vector.shape_cast %add3A_2827 : vector<16xi32> to vector<16xi32>
    tpu.vector_store %arg13[%swap3A_2828], %swap3A_2831 {strides = array<i32>} : memref<2560xi32, #tpu.memory_space<vmem>>, vector<16xi32>,
    %scan3A_2832 = arith.constant 88 : i32
    %mul3A_2833 = arith.constant 16 : i32
    %mul3A_2834 = arith.muli %scan3A_2832, %mul3A_2833 : i32
    %get3A_2835 = arith.index_cast %mul3A_2834 : i32 to index
    %get3A_2836 = tpu.vector_load %arg13[%get3A_2835] {strides = array<i32>} : memref<2560xi32, #tpu.memory_space<vmem>>, vector<16xi32>,
    %get3A_2837 = vector.shape_cast %get3A_2836 : vector<16xi32> to vector<16xi32>
    %and3A_2838 = arith.constant -16384 : i32
    %and3A_2839 = vector.broadcast %and3A_2838 : i32 to vector<16xi32>
    %and3A_2840 = arith.andi %get3A_2837, %and3A_2839 : vector<16xi32>
    %and3A_2841 = arith.constant 2047 : i32
    %and3A_2842 = vector.broadcast %and3A_2841 : i32 to vector<16xi32>
    %and3A_2843 = arith.andi %get3A_2837, %and3A_2842 : vector<16xi32>
    %shift_left3A_2844 = arith.constant 3 : i32
    %shift_left3A_2845 = vector.broadcast %shift_left3A_2844 : i32 to vector<16xi32>
    %shift_left3A_2846 = arith.shli %and3A_2843, %shift_left3A_2845 : vector<16xi32>
    %add3A_2847 = arith.addi %and3A_2840, %shift_left3A_2846 : vector<16xi32>
    %shift_right_logical3A_2848 = arith.constant 11 : i32
    %shift_right_logical3A_2849 = vector.broadcast %shift_right_logical3A_2848 : i32 to vector<16xi32>
    %shift_right_logical3A_2850 = arith.shrui %get3A_2837, %shift_right_logical3A_2849 : vector<16xi32>
    %and3A_2851 = arith.constant 7 : i32
    %and3A_2852 = vector.broadcast %and3A_2851 : i32 to vector<16xi32>
    %and3A_2853 = arith.andi %shift_right_logical3A_2850, %and3A_2852 : vector<16xi32>
    %add3A_2854 = arith.addi %add3A_2847, %and3A_2853 : vector<16xi32>
    %swap3A_2855 = arith.index_cast %mul3A_2834 : i32 to index
    %swap3A_2856 = tpu.vector_load %arg13[%swap3A_2855] {strides = array<i32>} : memref<2560xi32, #tpu.memory_space<vmem>>, vector<16xi32>,
    %swap3A_2857 = vector.shape_cast %swap3A_2856 : vector<16xi32> to vector<16xi32>
    %swap3A_2858 = vector.shape_cast %add3A_2854 : vector<16xi32> to vector<16xi32>
    tpu.vector_store %arg13[%swap3A_2855], %swap3A_2858 {strides = array<i32>} : memref<2560xi32, #tpu.memory_space<vmem>>, vector<16xi32>,
    %scan3A_2859 = arith.constant 89 : i32
    %mul3A_2860 = arith.constant 16 : i32
    %mul3A_2861 = arith.muli %scan3A_2859, %mul3A_2860 : i32
    %get3A_2862 = arith.index_cast %mul3A_2861 : i32 to index
    %get3A_2863 = tpu.vector_load %arg13[%get3A_2862] {strides = array<i32>} : memref<2560xi32, #tpu.memory_space<vmem>>, vector<16xi32>,
    %get3A_2864 = vector.shape_cast %get3A_2863 : vector<16xi32> to vector<16xi32>
    %and3A_2865 = arith.constant -16384 : i32
    %and3A_2866 = vector.broadcast %and3A_2865 : i32 to vector<16xi32>
    %and3A_2867 = arith.andi %get3A_2864, %and3A_2866 : vector<16xi32>
    %and3A_2868 = arith.constant 2047 : i32
    %and3A_2869 = vector.broadcast %and3A_2868 : i32 to vector<16xi32>
    %and3A_2870 = arith.andi %get3A_2864, %and3A_2869 : vector<16xi32>
    %shift_left3A_2871 = arith.constant 3 : i32
    %shift_left3A_2872 = vector.broadcast %shift_left3A_2871 : i32 to vector<16xi32>
    %shift_left3A_2873 = arith.shli %and3A_2870, %shift_left3A_2872 : vector<16xi32>
    %add3A_2874 = arith.addi %and3A_2867, %shift_left3A_2873 : vector<16xi32>
    %shift_right_logical3A_2875 = arith.constant 11 : i32
    %shift_right_logical3A_2876 = vector.broadcast %shift_right_logical3A_2875 : i32 to vector<16xi32>
    %shift_right_logical3A_2877 = arith.shrui %get3A_2864, %shift_right_logical3A_2876 : vector<16xi32>
    %and3A_2878 = arith.constant 7 : i32
    %and3A_2879 = vector.broadcast %and3A_2878 : i32 to vector<16xi32>
    %and3A_2880 = arith.andi %shift_right_logical3A_2877, %and3A_2879 : vector<16xi32>
    %add3A_2881 = arith.addi %add3A_2874, %and3A_2880 : vector<16xi32>
    %swap3A_2882 = arith.index_cast %mul3A_2861 : i32 to index
    %swap3A_2883 = tpu.vector_load %arg13[%swap3A_2882] {strides = array<i32>} : memref<2560xi32, #tpu.memory_space<vmem>>, vector<16xi32>,
    %swap3A_2884 = vector.shape_cast %swap3A_2883 : vector<16xi32> to vector<16xi32>
    %swap3A_2885 = vector.shape_cast %add3A_2881 : vector<16xi32> to vector<16xi32>
    tpu.vector_store %arg13[%swap3A_2882], %swap3A_2885 {strides = array<i32>} : memref<2560xi32, #tpu.memory_space<vmem>>, vector<16xi32>,
    %scan3A_2886 = arith.constant 90 : i32
    %mul3A_2887 = arith.constant 16 : i32
    %mul3A_2888 = arith.muli %scan3A_2886, %mul3A_2887 : i32
    %get3A_2889 = arith.index_cast %mul3A_2888 : i32 to index
    %get3A_2890 = tpu.vector_load %arg13[%get3A_2889] {strides = array<i32>} : memref<2560xi32, #tpu.memory_space<vmem>>, vector<16xi32>,
    %get3A_2891 = vector.shape_cast %get3A_2890 : vector<16xi32> to vector<16xi32>
    %and3A_2892 = arith.constant -16384 : i32
    %and3A_2893 = vector.broadcast %and3A_2892 : i32 to vector<16xi32>
    %and3A_2894 = arith.andi %get3A_2891, %and3A_2893 : vector<16xi32>
    %and3A_2895 = arith.constant 2047 : i32
    %and3A_2896 = vector.broadcast %and3A_2895 : i32 to vector<16xi32>
    %and3A_2897 = arith.andi %get3A_2891, %and3A_2896 : vector<16xi32>
    %shift_left3A_2898 = arith.constant 3 : i32
    %shift_left3A_2899 = vector.broadcast %shift_left3A_2898 : i32 to vector<16xi32>
    %shift_left3A_2900 = arith.shli %and3A_2897, %shift_left3A_2899 : vector<16xi32>
    %add3A_2901 = arith.addi %and3A_2894, %shift_left3A_2900 : vector<16xi32>
    %shift_right_logical3A_2902 = arith.constant 11 : i32
    %shift_right_logical3A_2903 = vector.broadcast %shift_right_logical3A_2902 : i32 to vector<16xi32>
    %shift_right_logical3A_2904 = arith.shrui %get3A_2891, %shift_right_logical3A_2903 : vector<16xi32>
    %and3A_2905 = arith.constant 7 : i32
    %and3A_2906 = vector.broadcast %and3A_2905 : i32 to vector<16xi32>
    %and3A_2907 = arith.andi %shift_right_logical3A_2904, %and3A_2906 : vector<16xi32>
    %add3A_2908 = arith.addi %add3A_2901, %and3A_2907 : vector<16xi32>
    %swap3A_2909 = arith.index_cast %mul3A_2888 : i32 to index
    %swap3A_2910 = tpu.vector_load %arg13[%swap3A_2909] {strides = array<i32>} : memref<2560xi32, #tpu.memory_space<vmem>>, vector<16xi32>,
    %swap3A_2911 = vector.shape_cast %swap3A_2910 : vector<16xi32> to vector<16xi32>
    %swap3A_2912 = vector.shape_cast %add3A_2908 : vector<16xi32> to vector<16xi32>
    tpu.vector_store %arg13[%swap3A_2909], %swap3A_2912 {strides = array<i32>} : memref<2560xi32, #tpu.memory_space<vmem>>, vector<16xi32>,
    %scan3A_2913 = arith.constant 91 : i32
    %mul3A_2914 = arith.constant 16 : i32
    %mul3A_2915 = arith.muli %scan3A_2913, %mul3A_2914 : i32
    %get3A_2916 = arith.index_cast %mul3A_2915 : i32 to index
    %get3A_2917 = tpu.vector_load %arg13[%get3A_2916] {strides = array<i32>} : memref<2560xi32, #tpu.memory_space<vmem>>, vector<16xi32>,
    %get3A_2918 = vector.shape_cast %get3A_2917 : vector<16xi32> to vector<16xi32>
    %and3A_2919 = arith.constant -16384 : i32
    %and3A_2920 = vector.broadcast %and3A_2919 : i32 to vector<16xi32>
    %and3A_2921 = arith.andi %get3A_2918, %and3A_2920 : vector<16xi32>
    %and3A_2922 = arith.constant 2047 : i32
    %and3A_2923 = vector.broadcast %and3A_2922 : i32 to vector<16xi32>
    %and3A_2924 = arith.andi %get3A_2918, %and3A_2923 : vector<16xi32>
    %shift_left3A_2925 = arith.constant 3 : i32
    %shift_left3A_2926 = vector.broadcast %shift_left3A_2925 : i32 to vector<16xi32>
    %shift_left3A_2927 = arith.shli %and3A_2924, %shift_left3A_2926 : vector<16xi32>
    %add3A_2928 = arith.addi %and3A_2921, %shift_left3A_2927 : vector<16xi32>
    %shift_right_logical3A_2929 = arith.constant 11 : i32
    %shift_right_logical3A_2930 = vector.broadcast %shift_right_logical3A_2929 : i32 to vector<16xi32>
    %shift_right_logical3A_2931 = arith.shrui %get3A_2918, %shift_right_logical3A_2930 : vector<16xi32>
    %and3A_2932 = arith.constant 7 : i32
    %and3A_2933 = vector.broadcast %and3A_2932 : i32 to vector<16xi32>
    %and3A_2934 = arith.andi %shift_right_logical3A_2931, %and3A_2933 : vector<16xi32>
    %add3A_2935 = arith.addi %add3A_2928, %and3A_2934 : vector<16xi32>
    %swap3A_2936 = arith.index_cast %mul3A_2915 : i32 to index
    %swap3A_2937 = tpu.vector_load %arg13[%swap3A_2936] {strides = array<i32>} : memref<2560xi32, #tpu.memory_space<vmem>>, vector<16xi32>,
    %swap3A_2938 = vector.shape_cast %swap3A_2937 : vector<16xi32> to vector<16xi32>
    %swap3A_2939 = vector.shape_cast %add3A_2935 : vector<16xi32> to vector<16xi32>
    tpu.vector_store %arg13[%swap3A_2936], %swap3A_2939 {strides = array<i32>} : memref<2560xi32, #tpu.memory_space<vmem>>, vector<16xi32>,
    %scan3A_2940 = arith.constant 92 : i32
    %mul3A_2941 = arith.constant 16 : i32
    %mul3A_2942 = arith.muli %scan3A_2940, %mul3A_2941 : i32
    %get3A_2943 = arith.index_cast %mul3A_2942 : i32 to index
    %get3A_2944 = tpu.vector_load %arg13[%get3A_2943] {strides = array<i32>} : memref<2560xi32, #tpu.memory_space<vmem>>, vector<16xi32>,
    %get3A_2945 = vector.shape_cast %get3A_2944 : vector<16xi32> to vector<16xi32>
    %and3A_2946 = arith.constant -16384 : i32
    %and3A_2947 = vector.broadcast %and3A_2946 : i32 to vector<16xi32>
    %and3A_2948 = arith.andi %get3A_2945, %and3A_2947 : vector<16xi32>
    %and3A_2949 = arith.constant 2047 : i32
    %and3A_2950 = vector.broadcast %and3A_2949 : i32 to vector<16xi32>
    %and3A_2951 = arith.andi %get3A_2945, %and3A_2950 : vector<16xi32>
    %shift_left3A_2952 = arith.constant 3 : i32
    %shift_left3A_2953 = vector.broadcast %shift_left3A_2952 : i32 to vector<16xi32>
    %shift_left3A_2954 = arith.shli %and3A_2951, %shift_left3A_2953 : vector<16xi32>
    %add3A_2955 = arith.addi %and3A_2948, %shift_left3A_2954 : vector<16xi32>
    %shift_right_logical3A_2956 = arith.constant 11 : i32
    %shift_right_logical3A_2957 = vector.broadcast %shift_right_logical3A_2956 : i32 to vector<16xi32>
    %shift_right_logical3A_2958 = arith.shrui %get3A_2945, %shift_right_logical3A_2957 : vector<16xi32>
    %and3A_2959 = arith.constant 7 : i32
    %and3A_2960 = vector.broadcast %and3A_2959 : i32 to vector<16xi32>
    %and3A_2961 = arith.andi %shift_right_logical3A_2958, %and3A_2960 : vector<16xi32>
    %add3A_2962 = arith.addi %add3A_2955, %and3A_2961 : vector<16xi32>
    %swap3A_2963 = arith.index_cast %mul3A_2942 : i32 to index
    %swap3A_2964 = tpu.vector_load %arg13[%swap3A_2963] {strides = array<i32>} : memref<2560xi32, #tpu.memory_space<vmem>>, vector<16xi32>,
    %swap3A_2965 = vector.shape_cast %swap3A_2964 : vector<16xi32> to vector<16xi32>
    %swap3A_2966 = vector.shape_cast %add3A_2962 : vector<16xi32> to vector<16xi32>
    tpu.vector_store %arg13[%swap3A_2963], %swap3A_2966 {strides = array<i32>} : memref<2560xi32, #tpu.memory_space<vmem>>, vector<16xi32>,
    %scan3A_2967 = arith.constant 93 : i32
    %mul3A_2968 = arith.constant 16 : i32
    %mul3A_2969 = arith.muli %scan3A_2967, %mul3A_2968 : i32
    %get3A_2970 = arith.index_cast %mul3A_2969 : i32 to index
    %get3A_2971 = tpu.vector_load %arg13[%get3A_2970] {strides = array<i32>} : memref<2560xi32, #tpu.memory_space<vmem>>, vector<16xi32>,
    %get3A_2972 = vector.shape_cast %get3A_2971 : vector<16xi32> to vector<16xi32>
    %and3A_2973 = arith.constant -16384 : i32
    %and3A_2974 = vector.broadcast %and3A_2973 : i32 to vector<16xi32>
    %and3A_2975 = arith.andi %get3A_2972, %and3A_2974 : vector<16xi32>
    %and3A_2976 = arith.constant 2047 : i32
    %and3A_2977 = vector.broadcast %and3A_2976 : i32 to vector<16xi32>
    %and3A_2978 = arith.andi %get3A_2972, %and3A_2977 : vector<16xi32>
    %shift_left3A_2979 = arith.constant 3 : i32
    %shift_left3A_2980 = vector.broadcast %shift_left3A_2979 : i32 to vector<16xi32>
    %shift_left3A_2981 = arith.shli %and3A_2978, %shift_left3A_2980 : vector<16xi32>
    %add3A_2982 = arith.addi %and3A_2975, %shift_left3A_2981 : vector<16xi32>
    %shift_right_logical3A_2983 = arith.constant 11 : i32
    %shift_right_logical3A_2984 = vector.broadcast %shift_right_logical3A_2983 : i32 to vector<16xi32>
    %shift_right_logical3A_2985 = arith.shrui %get3A_2972, %shift_right_logical3A_2984 : vector<16xi32>
    %and3A_2986 = arith.constant 7 : i32
    %and3A_2987 = vector.broadcast %and3A_2986 : i32 to vector<16xi32>
    %and3A_2988 = arith.andi %shift_right_logical3A_2985, %and3A_2987 : vector<16xi32>
    %add3A_2989 = arith.addi %add3A_2982, %and3A_2988 : vector<16xi32>
    %swap3A_2990 = arith.index_cast %mul3A_2969 : i32 to index
    %swap3A_2991 = tpu.vector_load %arg13[%swap3A_2990] {strides = array<i32>} : memref<2560xi32, #tpu.memory_space<vmem>>, vector<16xi32>,
    %swap3A_2992 = vector.shape_cast %swap3A_2991 : vector<16xi32> to vector<16xi32>
    %swap3A_2993 = vector.shape_cast %add3A_2989 : vector<16xi32> to vector<16xi32>
    tpu.vector_store %arg13[%swap3A_2990], %swap3A_2993 {strides = array<i32>} : memref<2560xi32, #tpu.memory_space<vmem>>, vector<16xi32>,
    %scan3A_2994 = arith.constant 94 : i32
    %mul3A_2995 = arith.constant 16 : i32
    %mul3A_2996 = arith.muli %scan3A_2994, %mul3A_2995 : i32
    %get3A_2997 = arith.index_cast %mul3A_2996 : i32 to index
    %get3A_2998 = tpu.vector_load %arg13[%get3A_2997] {strides = array<i32>} : memref<2560xi32, #tpu.memory_space<vmem>>, vector<16xi32>,
    %get3A_2999 = vector.shape_cast %get3A_2998 : vector<16xi32> to vector<16xi32>
    %and3A_3000 = arith.constant -16384 : i32
    %and3A_3001 = vector.broadcast %and3A_3000 : i32 to vector<16xi32>
    %and3A_3002 = arith.andi %get3A_2999, %and3A_3001 : vector<16xi32>
    %and3A_3003 = arith.constant 2047 : i32
    %and3A_3004 = vector.broadcast %and3A_3003 : i32 to vector<16xi32>
    %and3A_3005 = arith.andi %get3A_2999, %and3A_3004 : vector<16xi32>
    %shift_left3A_3006 = arith.constant 3 : i32
    %shift_left3A_3007 = vector.broadcast %shift_left3A_3006 : i32 to vector<16xi32>
    %shift_left3A_3008 = arith.shli %and3A_3005, %shift_left3A_3007 : vector<16xi32>
    %add3A_3009 = arith.addi %and3A_3002, %shift_left3A_3008 : vector<16xi32>
    %shift_right_logical3A_3010 = arith.constant 11 : i32
    %shift_right_logical3A_3011 = vector.broadcast %shift_right_logical3A_3010 : i32 to vector<16xi32>
    %shift_right_logical3A_3012 = arith.shrui %get3A_2999, %shift_right_logical3A_3011 : vector<16xi32>
    %and3A_3013 = arith.constant 7 : i32
    %and3A_3014 = vector.broadcast %and3A_3013 : i32 to vector<16xi32>
    %and3A_3015 = arith.andi %shift_right_logical3A_3012, %and3A_3014 : vector<16xi32>
    %add3A_3016 = arith.addi %add3A_3009, %and3A_3015 : vector<16xi32>
    %swap3A_3017 = arith.index_cast %mul3A_2996 : i32 to index
    %swap3A_3018 = tpu.vector_load %arg13[%swap3A_3017] {strides = array<i32>} : memref<2560xi32, #tpu.memory_space<vmem>>, vector<16xi32>,
    %swap3A_3019 = vector.shape_cast %swap3A_3018 : vector<16xi32> to vector<16xi32>
    %swap3A_3020 = vector.shape_cast %add3A_3016 : vector<16xi32> to vector<16xi32>
    tpu.vector_store %arg13[%swap3A_3017], %swap3A_3020 {strides = array<i32>} : memref<2560xi32, #tpu.memory_space<vmem>>, vector<16xi32>,
    %scan3A_3021 = arith.constant 95 : i32
    %mul3A_3022 = arith.constant 16 : i32
    %mul3A_3023 = arith.muli %scan3A_3021, %mul3A_3022 : i32
    %get3A_3024 = arith.index_cast %mul3A_3023 : i32 to index
    %get3A_3025 = tpu.vector_load %arg13[%get3A_3024] {strides = array<i32>} : memref<2560xi32, #tpu.memory_space<vmem>>, vector<16xi32>,
    %get3A_3026 = vector.shape_cast %get3A_3025 : vector<16xi32> to vector<16xi32>
    %and3A_3027 = arith.constant -16384 : i32
    %and3A_3028 = vector.broadcast %and3A_3027 : i32 to vector<16xi32>
    %and3A_3029 = arith.andi %get3A_3026, %and3A_3028 : vector<16xi32>
    %and3A_3030 = arith.constant 2047 : i32
    %and3A_3031 = vector.broadcast %and3A_3030 : i32 to vector<16xi32>
    %and3A_3032 = arith.andi %get3A_3026, %and3A_3031 : vector<16xi32>
    %shift_left3A_3033 = arith.constant 3 : i32
    %shift_left3A_3034 = vector.broadcast %shift_left3A_3033 : i32 to vector<16xi32>
    %shift_left3A_3035 = arith.shli %and3A_3032, %shift_left3A_3034 : vector<16xi32>
    %add3A_3036 = arith.addi %and3A_3029, %shift_left3A_3035 : vector<16xi32>
    %shift_right_logical3A_3037 = arith.constant 11 : i32
    %shift_right_logical3A_3038 = vector.broadcast %shift_right_logical3A_3037 : i32 to vector<16xi32>
    %shift_right_logical3A_3039 = arith.shrui %get3A_3026, %shift_right_logical3A_3038 : vector<16xi32>
    %and3A_3040 = arith.constant 7 : i32
    %and3A_3041 = vector.broadcast %and3A_3040 : i32 to vector<16xi32>
    %and3A_3042 = arith.andi %shift_right_logical3A_3039, %and3A_3041 : vector<16xi32>
    %add3A_3043 = arith.addi %add3A_3036, %and3A_3042 : vector<16xi32>
    %swap3A_3044 = arith.index_cast %mul3A_3023 : i32 to index
    %swap3A_3045 = tpu.vector_load %arg13[%swap3A_3044] {strides = array<i32>} : memref<2560xi32, #tpu.memory_space<vmem>>, vector<16xi32>,
    %swap3A_3046 = vector.shape_cast %swap3A_3045 : vector<16xi32> to vector<16xi32>
    %swap3A_3047 = vector.shape_cast %add3A_3043 : vector<16xi32> to vector<16xi32>
    tpu.vector_store %arg13[%swap3A_3044], %swap3A_3047 {strides = array<i32>} : memref<2560xi32, #tpu.memory_space<vmem>>, vector<16xi32>,
    %scan3A_3048 = arith.constant 96 : i32
    %mul3A_3049 = arith.constant 16 : i32
    %mul3A_3050 = arith.muli %scan3A_3048, %mul3A_3049 : i32
    %get3A_3051 = arith.index_cast %mul3A_3050 : i32 to index
    %get3A_3052 = tpu.vector_load %arg13[%get3A_3051] {strides = array<i32>} : memref<2560xi32, #tpu.memory_space<vmem>>, vector<16xi32>,
    %get3A_3053 = vector.shape_cast %get3A_3052 : vector<16xi32> to vector<16xi32>
    %and3A_3054 = arith.constant -16384 : i32
    %and3A_3055 = vector.broadcast %and3A_3054 : i32 to vector<16xi32>
    %and3A_3056 = arith.andi %get3A_3053, %and3A_3055 : vector<16xi32>
    %and3A_3057 = arith.constant 2047 : i32
    %and3A_3058 = vector.broadcast %and3A_3057 : i32 to vector<16xi32>
    %and3A_3059 = arith.andi %get3A_3053, %and3A_3058 : vector<16xi32>
    %shift_left3A_3060 = arith.constant 3 : i32
    %shift_left3A_3061 = vector.broadcast %shift_left3A_3060 : i32 to vector<16xi32>
    %shift_left3A_3062 = arith.shli %and3A_3059, %shift_left3A_3061 : vector<16xi32>
    %add3A_3063 = arith.addi %and3A_3056, %shift_left3A_3062 : vector<16xi32>
    %shift_right_logical3A_3064 = arith.constant 11 : i32
    %shift_right_logical3A_3065 = vector.broadcast %shift_right_logical3A_3064 : i32 to vector<16xi32>
    %shift_right_logical3A_3066 = arith.shrui %get3A_3053, %shift_right_logical3A_3065 : vector<16xi32>
    %and3A_3067 = arith.constant 7 : i32
    %and3A_3068 = vector.broadcast %and3A_3067 : i32 to vector<16xi32>
    %and3A_3069 = arith.andi %shift_right_logical3A_3066, %and3A_3068 : vector<16xi32>
    %add3A_3070 = arith.addi %add3A_3063, %and3A_3069 : vector<16xi32>
    %swap3A_3071 = arith.index_cast %mul3A_3050 : i32 to index
    %swap3A_3072 = tpu.vector_load %arg13[%swap3A_3071] {strides = array<i32>} : memref<2560xi32, #tpu.memory_space<vmem>>, vector<16xi32>,
    %swap3A_3073 = vector.shape_cast %swap3A_3072 : vector<16xi32> to vector<16xi32>
    %swap3A_3074 = vector.shape_cast %add3A_3070 : vector<16xi32> to vector<16xi32>
    tpu.vector_store %arg13[%swap3A_3071], %swap3A_3074 {strides = array<i32>} : memref<2560xi32, #tpu.memory_space<vmem>>, vector<16xi32>,
    %scan3A_3075 = arith.constant 97 : i32
    %mul3A_3076 = arith.constant 16 : i32
    %mul3A_3077 = arith.muli %scan3A_3075, %mul3A_3076 : i32
    %get3A_3078 = arith.index_cast %mul3A_3077 : i32 to index
    %get3A_3079 = tpu.vector_load %arg13[%get3A_3078] {strides = array<i32>} : memref<2560xi32, #tpu.memory_space<vmem>>, vector<16xi32>,
    %get3A_3080 = vector.shape_cast %get3A_3079 : vector<16xi32> to vector<16xi32>
    %and3A_3081 = arith.constant -16384 : i32
    %and3A_3082 = vector.broadcast %and3A_3081 : i32 to vector<16xi32>
    %and3A_3083 = arith.andi %get3A_3080, %and3A_3082 : vector<16xi32>
    %and3A_3084 = arith.constant 2047 : i32
    %and3A_3085 = vector.broadcast %and3A_3084 : i32 to vector<16xi32>
    %and3A_3086 = arith.andi %get3A_3080, %and3A_3085 : vector<16xi32>
    %shift_left3A_3087 = arith.constant 3 : i32
    %shift_left3A_3088 = vector.broadcast %shift_left3A_3087 : i32 to vector<16xi32>
    %shift_left3A_3089 = arith.shli %and3A_3086, %shift_left3A_3088 : vector<16xi32>
    %add3A_3090 = arith.addi %and3A_3083, %shift_left3A_3089 : vector<16xi32>
    %shift_right_logical3A_3091 = arith.constant 11 : i32
    %shift_right_logical3A_3092 = vector.broadcast %shift_right_logical3A_3091 : i32 to vector<16xi32>
    %shift_right_logical3A_3093 = arith.shrui %get3A_3080, %shift_right_logical3A_3092 : vector<16xi32>
    %and3A_3094 = arith.constant 7 : i32
    %and3A_3095 = vector.broadcast %and3A_3094 : i32 to vector<16xi32>
    %and3A_3096 = arith.andi %shift_right_logical3A_3093, %and3A_3095 : vector<16xi32>
    %add3A_3097 = arith.addi %add3A_3090, %and3A_3096 : vector<16xi32>
    %swap3A_3098 = arith.index_cast %mul3A_3077 : i32 to index
    %swap3A_3099 = tpu.vector_load %arg13[%swap3A_3098] {strides = array<i32>} : memref<2560xi32, #tpu.memory_space<vmem>>, vector<16xi32>,
    %swap3A_3100 = vector.shape_cast %swap3A_3099 : vector<16xi32> to vector<16xi32>
    %swap3A_3101 = vector.shape_cast %add3A_3097 : vector<16xi32> to vector<16xi32>
    tpu.vector_store %arg13[%swap3A_3098], %swap3A_3101 {strides = array<i32>} : memref<2560xi32, #tpu.memory_space<vmem>>, vector<16xi32>,
    %scan3A_3102 = arith.constant 98 : i32
    %mul3A_3103 = arith.constant 16 : i32
    %mul3A_3104 = arith.muli %scan3A_3102, %mul3A_3103 : i32
    %get3A_3105 = arith.index_cast %mul3A_3104 : i32 to index
    %get3A_3106 = tpu.vector_load %arg13[%get3A_3105] {strides = array<i32>} : memref<2560xi32, #tpu.memory_space<vmem>>, vector<16xi32>,
    %get3A_3107 = vector.shape_cast %get3A_3106 : vector<16xi32> to vector<16xi32>
    %and3A_3108 = arith.constant -16384 : i32
    %and3A_3109 = vector.broadcast %and3A_3108 : i32 to vector<16xi32>
    %and3A_3110 = arith.andi %get3A_3107, %and3A_3109 : vector<16xi32>
    %and3A_3111 = arith.constant 2047 : i32
    %and3A_3112 = vector.broadcast %and3A_3111 : i32 to vector<16xi32>
    %and3A_3113 = arith.andi %get3A_3107, %and3A_3112 : vector<16xi32>
    %shift_left3A_3114 = arith.constant 3 : i32
    %shift_left3A_3115 = vector.broadcast %shift_left3A_3114 : i32 to vector<16xi32>
    %shift_left3A_3116 = arith.shli %and3A_3113, %shift_left3A_3115 : vector<16xi32>
    %add3A_3117 = arith.addi %and3A_3110, %shift_left3A_3116 : vector<16xi32>
    %shift_right_logical3A_3118 = arith.constant 11 : i32
    %shift_right_logical3A_3119 = vector.broadcast %shift_right_logical3A_3118 : i32 to vector<16xi32>
    %shift_right_logical3A_3120 = arith.shrui %get3A_3107, %shift_right_logical3A_3119 : vector<16xi32>
    %and3A_3121 = arith.constant 7 : i32
    %and3A_3122 = vector.broadcast %and3A_3121 : i32 to vector<16xi32>
    %and3A_3123 = arith.andi %shift_right_logical3A_3120, %and3A_3122 : vector<16xi32>
    %add3A_3124 = arith.addi %add3A_3117, %and3A_3123 : vector<16xi32>
    %swap3A_3125 = arith.index_cast %mul3A_3104 : i32 to index
    %swap3A_3126 = tpu.vector_load %arg13[%swap3A_3125] {strides = array<i32>} : memref<2560xi32, #tpu.memory_space<vmem>>, vector<16xi32>,
    %swap3A_3127 = vector.shape_cast %swap3A_3126 : vector<16xi32> to vector<16xi32>
    %swap3A_3128 = vector.shape_cast %add3A_3124 : vector<16xi32> to vector<16xi32>
    tpu.vector_store %arg13[%swap3A_3125], %swap3A_3128 {strides = array<i32>} : memref<2560xi32, #tpu.memory_space<vmem>>, vector<16xi32>,
    %scan3A_3129 = arith.constant 99 : i32
    %mul3A_3130 = arith.constant 16 : i32
    %mul3A_3131 = arith.muli %scan3A_3129, %mul3A_3130 : i32
    %get3A_3132 = arith.index_cast %mul3A_3131 : i32 to index
    %get3A_3133 = tpu.vector_load %arg13[%get3A_3132] {strides = array<i32>} : memref<2560xi32, #tpu.memory_space<vmem>>, vector<16xi32>,
    %get3A_3134 = vector.shape_cast %get3A_3133 : vector<16xi32> to vector<16xi32>
    %and3A_3135 = arith.constant -16384 : i32
    %and3A_3136 = vector.broadcast %and3A_3135 : i32 to vector<16xi32>
    %and3A_3137 = arith.andi %get3A_3134, %and3A_3136 : vector<16xi32>
    %and3A_3138 = arith.constant 2047 : i32
    %and3A_3139 = vector.broadcast %and3A_3138 : i32 to vector<16xi32>
    %and3A_3140 = arith.andi %get3A_3134, %and3A_3139 : vector<16xi32>
    %shift_left3A_3141 = arith.constant 3 : i32
    %shift_left3A_3142 = vector.broadcast %shift_left3A_3141 : i32 to vector<16xi32>
    %shift_left3A_3143 = arith.shli %and3A_3140, %shift_left3A_3142 : vector<16xi32>
    %add3A_3144 = arith.addi %and3A_3137, %shift_left3A_3143 : vector<16xi32>
    %shift_right_logical3A_3145 = arith.constant 11 : i32
    %shift_right_logical3A_3146 = vector.broadcast %shift_right_logical3A_3145 : i32 to vector<16xi32>
    %shift_right_logical3A_3147 = arith.shrui %get3A_3134, %shift_right_logical3A_3146 : vector<16xi32>
    %and3A_3148 = arith.constant 7 : i32
    %and3A_3149 = vector.broadcast %and3A_3148 : i32 to vector<16xi32>
    %and3A_3150 = arith.andi %shift_right_logical3A_3147, %and3A_3149 : vector<16xi32>
    %add3A_3151 = arith.addi %add3A_3144, %and3A_3150 : vector<16xi32>
    %swap3A_3152 = arith.index_cast %mul3A_3131 : i32 to index
    %swap3A_3153 = tpu.vector_load %arg13[%swap3A_3152] {strides = array<i32>} : memref<2560xi32, #tpu.memory_space<vmem>>, vector<16xi32>,
    %swap3A_3154 = vector.shape_cast %swap3A_3153 : vector<16xi32> to vector<16xi32>
    %swap3A_3155 = vector.shape_cast %add3A_3151 : vector<16xi32> to vector<16xi32>
    tpu.vector_store %arg13[%swap3A_3152], %swap3A_3155 {strides = array<i32>} : memref<2560xi32, #tpu.memory_space<vmem>>, vector<16xi32>,
    %scan3A_3156 = arith.constant 100 : i32
    %mul3A_3157 = arith.constant 16 : i32
    %mul3A_3158 = arith.muli %scan3A_3156, %mul3A_3157 : i32
    %get3A_3159 = arith.index_cast %mul3A_3158 : i32 to index
    %get3A_3160 = tpu.vector_load %arg13[%get3A_3159] {strides = array<i32>} : memref<2560xi32, #tpu.memory_space<vmem>>, vector<16xi32>,
    %get3A_3161 = vector.shape_cast %get3A_3160 : vector<16xi32> to vector<16xi32>
    %and3A_3162 = arith.constant -16384 : i32
    %and3A_3163 = vector.broadcast %and3A_3162 : i32 to vector<16xi32>
    %and3A_3164 = arith.andi %get3A_3161, %and3A_3163 : vector<16xi32>
    %and3A_3165 = arith.constant 2047 : i32
    %and3A_3166 = vector.broadcast %and3A_3165 : i32 to vector<16xi32>
    %and3A_3167 = arith.andi %get3A_3161, %and3A_3166 : vector<16xi32>
    %shift_left3A_3168 = arith.constant 3 : i32
    %shift_left3A_3169 = vector.broadcast %shift_left3A_3168 : i32 to vector<16xi32>
    %shift_left3A_3170 = arith.shli %and3A_3167, %shift_left3A_3169 : vector<16xi32>
    %add3A_3171 = arith.addi %and3A_3164, %shift_left3A_3170 : vector<16xi32>
    %shift_right_logical3A_3172 = arith.constant 11 : i32
    %shift_right_logical3A_3173 = vector.broadcast %shift_right_logical3A_3172 : i32 to vector<16xi32>
    %shift_right_logical3A_3174 = arith.shrui %get3A_3161, %shift_right_logical3A_3173 : vector<16xi32>
    %and3A_3175 = arith.constant 7 : i32
    %and3A_3176 = vector.broadcast %and3A_3175 : i32 to vector<16xi32>
    %and3A_3177 = arith.andi %shift_right_logical3A_3174, %and3A_3176 : vector<16xi32>
    %add3A_3178 = arith.addi %add3A_3171, %and3A_3177 : vector<16xi32>
    %swap3A_3179 = arith.index_cast %mul3A_3158 : i32 to index
    %swap3A_3180 = tpu.vector_load %arg13[%swap3A_3179] {strides = array<i32>} : memref<2560xi32, #tpu.memory_space<vmem>>, vector<16xi32>,
    %swap3A_3181 = vector.shape_cast %swap3A_3180 : vector<16xi32> to vector<16xi32>
    %swap3A_3182 = vector.shape_cast %add3A_3178 : vector<16xi32> to vector<16xi32>
    tpu.vector_store %arg13[%swap3A_3179], %swap3A_3182 {strides = array<i32>} : memref<2560xi32, #tpu.memory_space<vmem>>, vector<16xi32>,
    %scan3A_3183 = arith.constant 101 : i32
    %mul3A_3184 = arith.constant 16 : i32
    %mul3A_3185 = arith.muli %scan3A_3183, %mul3A_3184 : i32
    %get3A_3186 = arith.index_cast %mul3A_3185 : i32 to index
    %get3A_3187 = tpu.vector_load %arg13[%get3A_3186] {strides = array<i32>} : memref<2560xi32, #tpu.memory_space<vmem>>, vector<16xi32>,
    %get3A_3188 = vector.shape_cast %get3A_3187 : vector<16xi32> to vector<16xi32>
    %and3A_3189 = arith.constant -16384 : i32
    %and3A_3190 = vector.broadcast %and3A_3189 : i32 to vector<16xi32>
    %and3A_3191 = arith.andi %get3A_3188, %and3A_3190 : vector<16xi32>
    %and3A_3192 = arith.constant 2047 : i32
    %and3A_3193 = vector.broadcast %and3A_3192 : i32 to vector<16xi32>
    %and3A_3194 = arith.andi %get3A_3188, %and3A_3193 : vector<16xi32>
    %shift_left3A_3195 = arith.constant 3 : i32
    %shift_left3A_3196 = vector.broadcast %shift_left3A_3195 : i32 to vector<16xi32>
    %shift_left3A_3197 = arith.shli %and3A_3194, %shift_left3A_3196 : vector<16xi32>
    %add3A_3198 = arith.addi %and3A_3191, %shift_left3A_3197 : vector<16xi32>
    %shift_right_logical3A_3199 = arith.constant 11 : i32
    %shift_right_logical3A_3200 = vector.broadcast %shift_right_logical3A_3199 : i32 to vector<16xi32>
    %shift_right_logical3A_3201 = arith.shrui %get3A_3188, %shift_right_logical3A_3200 : vector<16xi32>
    %and3A_3202 = arith.constant 7 : i32
    %and3A_3203 = vector.broadcast %and3A_3202 : i32 to vector<16xi32>
    %and3A_3204 = arith.andi %shift_right_logical3A_3201, %and3A_3203 : vector<16xi32>
    %add3A_3205 = arith.addi %add3A_3198, %and3A_3204 : vector<16xi32>
    %swap3A_3206 = arith.index_cast %mul3A_3185 : i32 to index
    %swap3A_3207 = tpu.vector_load %arg13[%swap3A_3206] {strides = array<i32>} : memref<2560xi32, #tpu.memory_space<vmem>>, vector<16xi32>,
    %swap3A_3208 = vector.shape_cast %swap3A_3207 : vector<16xi32> to vector<16xi32>
    %swap3A_3209 = vector.shape_cast %add3A_3205 : vector<16xi32> to vector<16xi32>
    tpu.vector_store %arg13[%swap3A_3206], %swap3A_3209 {strides = array<i32>} : memref<2560xi32, #tpu.memory_space<vmem>>, vector<16xi32>,
    %scan3A_3210 = arith.constant 102 : i32
    %mul3A_3211 = arith.constant 16 : i32
    %mul3A_3212 = arith.muli %scan3A_3210, %mul3A_3211 : i32
    %get3A_3213 = arith.index_cast %mul3A_3212 : i32 to index
    %get3A_3214 = tpu.vector_load %arg13[%get3A_3213] {strides = array<i32>} : memref<2560xi32, #tpu.memory_space<vmem>>, vector<16xi32>,
    %get3A_3215 = vector.shape_cast %get3A_3214 : vector<16xi32> to vector<16xi32>
    %and3A_3216 = arith.constant -16384 : i32
    %and3A_3217 = vector.broadcast %and3A_3216 : i32 to vector<16xi32>
    %and3A_3218 = arith.andi %get3A_3215, %and3A_3217 : vector<16xi32>
    %and3A_3219 = arith.constant 2047 : i32
    %and3A_3220 = vector.broadcast %and3A_3219 : i32 to vector<16xi32>
    %and3A_3221 = arith.andi %get3A_3215, %and3A_3220 : vector<16xi32>
    %shift_left3A_3222 = arith.constant 3 : i32
    %shift_left3A_3223 = vector.broadcast %shift_left3A_3222 : i32 to vector<16xi32>
    %shift_left3A_3224 = arith.shli %and3A_3221, %shift_left3A_3223 : vector<16xi32>
    %add3A_3225 = arith.addi %and3A_3218, %shift_left3A_3224 : vector<16xi32>
    %shift_right_logical3A_3226 = arith.constant 11 : i32
    %shift_right_logical3A_3227 = vector.broadcast %shift_right_logical3A_3226 : i32 to vector<16xi32>
    %shift_right_logical3A_3228 = arith.shrui %get3A_3215, %shift_right_logical3A_3227 : vector<16xi32>
    %and3A_3229 = arith.constant 7 : i32
    %and3A_3230 = vector.broadcast %and3A_3229 : i32 to vector<16xi32>
    %and3A_3231 = arith.andi %shift_right_logical3A_3228, %and3A_3230 : vector<16xi32>
    %add3A_3232 = arith.addi %add3A_3225, %and3A_3231 : vector<16xi32>
    %swap3A_3233 = arith.index_cast %mul3A_3212 : i32 to index
    %swap3A_3234 = tpu.vector_load %arg13[%swap3A_3233] {strides = array<i32>} : memref<2560xi32, #tpu.memory_space<vmem>>, vector<16xi32>,
    %swap3A_3235 = vector.shape_cast %swap3A_3234 : vector<16xi32> to vector<16xi32>
    %swap3A_3236 = vector.shape_cast %add3A_3232 : vector<16xi32> to vector<16xi32>
    tpu.vector_store %arg13[%swap3A_3233], %swap3A_3236 {strides = array<i32>} : memref<2560xi32, #tpu.memory_space<vmem>>, vector<16xi32>,
    %scan3A_3237 = arith.constant 103 : i32
    %mul3A_3238 = arith.constant 16 : i32
    %mul3A_3239 = arith.muli %scan3A_3237, %mul3A_3238 : i32
    %get3A_3240 = arith.index_cast %mul3A_3239 : i32 to index
    %get3A_3241 = tpu.vector_load %arg13[%get3A_3240] {strides = array<i32>} : memref<2560xi32, #tpu.memory_space<vmem>>, vector<16xi32>,
    %get3A_3242 = vector.shape_cast %get3A_3241 : vector<16xi32> to vector<16xi32>
    %and3A_3243 = arith.constant -16384 : i32
    %and3A_3244 = vector.broadcast %and3A_3243 : i32 to vector<16xi32>
    %and3A_3245 = arith.andi %get3A_3242, %and3A_3244 : vector<16xi32>
    %and3A_3246 = arith.constant 2047 : i32
    %and3A_3247 = vector.broadcast %and3A_3246 : i32 to vector<16xi32>
    %and3A_3248 = arith.andi %get3A_3242, %and3A_3247 : vector<16xi32>
    %shift_left3A_3249 = arith.constant 3 : i32
    %shift_left3A_3250 = vector.broadcast %shift_left3A_3249 : i32 to vector<16xi32>
    %shift_left3A_3251 = arith.shli %and3A_3248, %shift_left3A_3250 : vector<16xi32>
    %add3A_3252 = arith.addi %and3A_3245, %shift_left3A_3251 : vector<16xi32>
    %shift_right_logical3A_3253 = arith.constant 11 : i32
    %shift_right_logical3A_3254 = vector.broadcast %shift_right_logical3A_3253 : i32 to vector<16xi32>
    %shift_right_logical3A_3255 = arith.shrui %get3A_3242, %shift_right_logical3A_3254 : vector<16xi32>
    %and3A_3256 = arith.constant 7 : i32
    %and3A_3257 = vector.broadcast %and3A_3256 : i32 to vector<16xi32>
    %and3A_3258 = arith.andi %shift_right_logical3A_3255, %and3A_3257 : vector<16xi32>
    %add3A_3259 = arith.addi %add3A_3252, %and3A_3258 : vector<16xi32>
    %swap3A_3260 = arith.index_cast %mul3A_3239 : i32 to index
    %swap3A_3261 = tpu.vector_load %arg13[%swap3A_3260] {strides = array<i32>} : memref<2560xi32, #tpu.memory_space<vmem>>, vector<16xi32>,
    %swap3A_3262 = vector.shape_cast %swap3A_3261 : vector<16xi32> to vector<16xi32>
    %swap3A_3263 = vector.shape_cast %add3A_3259 : vector<16xi32> to vector<16xi32>
    tpu.vector_store %arg13[%swap3A_3260], %swap3A_3263 {strides = array<i32>} : memref<2560xi32, #tpu.memory_space<vmem>>, vector<16xi32>,
    %scan3A_3264 = arith.constant 104 : i32
    %mul3A_3265 = arith.constant 16 : i32
    %mul3A_3266 = arith.muli %scan3A_3264, %mul3A_3265 : i32
    %get3A_3267 = arith.index_cast %mul3A_3266 : i32 to index
    %get3A_3268 = tpu.vector_load %arg13[%get3A_3267] {strides = array<i32>} : memref<2560xi32, #tpu.memory_space<vmem>>, vector<16xi32>,
    %get3A_3269 = vector.shape_cast %get3A_3268 : vector<16xi32> to vector<16xi32>
    %and3A_3270 = arith.constant -16384 : i32
    %and3A_3271 = vector.broadcast %and3A_3270 : i32 to vector<16xi32>
    %and3A_3272 = arith.andi %get3A_3269, %and3A_3271 : vector<16xi32>
    %and3A_3273 = arith.constant 2047 : i32
    %and3A_3274 = vector.broadcast %and3A_3273 : i32 to vector<16xi32>
    %and3A_3275 = arith.andi %get3A_3269, %and3A_3274 : vector<16xi32>
    %shift_left3A_3276 = arith.constant 3 : i32
    %shift_left3A_3277 = vector.broadcast %shift_left3A_3276 : i32 to vector<16xi32>
    %shift_left3A_3278 = arith.shli %and3A_3275, %shift_left3A_3277 : vector<16xi32>
    %add3A_3279 = arith.addi %and3A_3272, %shift_left3A_3278 : vector<16xi32>
    %shift_right_logical3A_3280 = arith.constant 11 : i32
    %shift_right_logical3A_3281 = vector.broadcast %shift_right_logical3A_3280 : i32 to vector<16xi32>
    %shift_right_logical3A_3282 = arith.shrui %get3A_3269, %shift_right_logical3A_3281 : vector<16xi32>
    %and3A_3283 = arith.constant 7 : i32
    %and3A_3284 = vector.broadcast %and3A_3283 : i32 to vector<16xi32>
    %and3A_3285 = arith.andi %shift_right_logical3A_3282, %and3A_3284 : vector<16xi32>
    %add3A_3286 = arith.addi %add3A_3279, %and3A_3285 : vector<16xi32>
    %swap3A_3287 = arith.index_cast %mul3A_3266 : i32 to index
    %swap3A_3288 = tpu.vector_load %arg13[%swap3A_3287] {strides = array<i32>} : memref<2560xi32, #tpu.memory_space<vmem>>, vector<16xi32>,
    %swap3A_3289 = vector.shape_cast %swap3A_3288 : vector<16xi32> to vector<16xi32>
    %swap3A_3290 = vector.shape_cast %add3A_3286 : vector<16xi32> to vector<16xi32>
    tpu.vector_store %arg13[%swap3A_3287], %swap3A_3290 {strides = array<i32>} : memref<2560xi32, #tpu.memory_space<vmem>>, vector<16xi32>,
    %scan3A_3291 = arith.constant 105 : i32
    %mul3A_3292 = arith.constant 16 : i32
    %mul3A_3293 = arith.muli %scan3A_3291, %mul3A_3292 : i32
    %get3A_3294 = arith.index_cast %mul3A_3293 : i32 to index
    %get3A_3295 = tpu.vector_load %arg13[%get3A_3294] {strides = array<i32>} : memref<2560xi32, #tpu.memory_space<vmem>>, vector<16xi32>,
    %get3A_3296 = vector.shape_cast %get3A_3295 : vector<16xi32> to vector<16xi32>
    %and3A_3297 = arith.constant -16384 : i32
    %and3A_3298 = vector.broadcast %and3A_3297 : i32 to vector<16xi32>
    %and3A_3299 = arith.andi %get3A_3296, %and3A_3298 : vector<16xi32>
    %and3A_3300 = arith.constant 2047 : i32
    %and3A_3301 = vector.broadcast %and3A_3300 : i32 to vector<16xi32>
    %and3A_3302 = arith.andi %get3A_3296, %and3A_3301 : vector<16xi32>
    %shift_left3A_3303 = arith.constant 3 : i32
    %shift_left3A_3304 = vector.broadcast %shift_left3A_3303 : i32 to vector<16xi32>
    %shift_left3A_3305 = arith.shli %and3A_3302, %shift_left3A_3304 : vector<16xi32>
    %add3A_3306 = arith.addi %and3A_3299, %shift_left3A_3305 : vector<16xi32>
    %shift_right_logical3A_3307 = arith.constant 11 : i32
    %shift_right_logical3A_3308 = vector.broadcast %shift_right_logical3A_3307 : i32 to vector<16xi32>
    %shift_right_logical3A_3309 = arith.shrui %get3A_3296, %shift_right_logical3A_3308 : vector<16xi32>
    %and3A_3310 = arith.constant 7 : i32
    %and3A_3311 = vector.broadcast %and3A_3310 : i32 to vector<16xi32>
    %and3A_3312 = arith.andi %shift_right_logical3A_3309, %and3A_3311 : vector<16xi32>
    %add3A_3313 = arith.addi %add3A_3306, %and3A_3312 : vector<16xi32>
    %swap3A_3314 = arith.index_cast %mul3A_3293 : i32 to index
    %swap3A_3315 = tpu.vector_load %arg13[%swap3A_3314] {strides = array<i32>} : memref<2560xi32, #tpu.memory_space<vmem>>, vector<16xi32>,
    %swap3A_3316 = vector.shape_cast %swap3A_3315 : vector<16xi32> to vector<16xi32>
    %swap3A_3317 = vector.shape_cast %add3A_3313 : vector<16xi32> to vector<16xi32>
    tpu.vector_store %arg13[%swap3A_3314], %swap3A_3317 {strides = array<i32>} : memref<2560xi32, #tpu.memory_space<vmem>>, vector<16xi32>,
    %scan3A_3318 = arith.constant 106 : i32
    %mul3A_3319 = arith.constant 16 : i32
    %mul3A_3320 = arith.muli %scan3A_3318, %mul3A_3319 : i32
    %get3A_3321 = arith.index_cast %mul3A_3320 : i32 to index
    %get3A_3322 = tpu.vector_load %arg13[%get3A_3321] {strides = array<i32>} : memref<2560xi32, #tpu.memory_space<vmem>>, vector<16xi32>,
    %get3A_3323 = vector.shape_cast %get3A_3322 : vector<16xi32> to vector<16xi32>
    %and3A_3324 = arith.constant -16384 : i32
    %and3A_3325 = vector.broadcast %and3A_3324 : i32 to vector<16xi32>
    %and3A_3326 = arith.andi %get3A_3323, %and3A_3325 : vector<16xi32>
    %and3A_3327 = arith.constant 2047 : i32
    %and3A_3328 = vector.broadcast %and3A_3327 : i32 to vector<16xi32>
    %and3A_3329 = arith.andi %get3A_3323, %and3A_3328 : vector<16xi32>
    %shift_left3A_3330 = arith.constant 3 : i32
    %shift_left3A_3331 = vector.broadcast %shift_left3A_3330 : i32 to vector<16xi32>
    %shift_left3A_3332 = arith.shli %and3A_3329, %shift_left3A_3331 : vector<16xi32>
    %add3A_3333 = arith.addi %and3A_3326, %shift_left3A_3332 : vector<16xi32>
    %shift_right_logical3A_3334 = arith.constant 11 : i32
    %shift_right_logical3A_3335 = vector.broadcast %shift_right_logical3A_3334 : i32 to vector<16xi32>
    %shift_right_logical3A_3336 = arith.shrui %get3A_3323, %shift_right_logical3A_3335 : vector<16xi32>
    %and3A_3337 = arith.constant 7 : i32
    %and3A_3338 = vector.broadcast %and3A_3337 : i32 to vector<16xi32>
    %and3A_3339 = arith.andi %shift_right_logical3A_3336, %and3A_3338 : vector<16xi32>
    %add3A_3340 = arith.addi %add3A_3333, %and3A_3339 : vector<16xi32>
    %swap3A_3341 = arith.index_cast %mul3A_3320 : i32 to index
    %swap3A_3342 = tpu.vector_load %arg13[%swap3A_3341] {strides = array<i32>} : memref<2560xi32, #tpu.memory_space<vmem>>, vector<16xi32>,
    %swap3A_3343 = vector.shape_cast %swap3A_3342 : vector<16xi32> to vector<16xi32>
    %swap3A_3344 = vector.shape_cast %add3A_3340 : vector<16xi32> to vector<16xi32>
    tpu.vector_store %arg13[%swap3A_3341], %swap3A_3344 {strides = array<i32>} : memref<2560xi32, #tpu.memory_space<vmem>>, vector<16xi32>,
    %scan3A_3345 = arith.constant 107 : i32
    %mul3A_3346 = arith.constant 16 : i32
    %mul3A_3347 = arith.muli %scan3A_3345, %mul3A_3346 : i32
    %get3A_3348 = arith.index_cast %mul3A_3347 : i32 to index
    %get3A_3349 = tpu.vector_load %arg13[%get3A_3348] {strides = array<i32>} : memref<2560xi32, #tpu.memory_space<vmem>>, vector<16xi32>,
    %get3A_3350 = vector.shape_cast %get3A_3349 : vector<16xi32> to vector<16xi32>
    %and3A_3351 = arith.constant -16384 : i32
    %and3A_3352 = vector.broadcast %and3A_3351 : i32 to vector<16xi32>
    %and3A_3353 = arith.andi %get3A_3350, %and3A_3352 : vector<16xi32>
    %and3A_3354 = arith.constant 2047 : i32
    %and3A_3355 = vector.broadcast %and3A_3354 : i32 to vector<16xi32>
    %and3A_3356 = arith.andi %get3A_3350, %and3A_3355 : vector<16xi32>
    %shift_left3A_3357 = arith.constant 3 : i32
    %shift_left3A_3358 = vector.broadcast %shift_left3A_3357 : i32 to vector<16xi32>
    %shift_left3A_3359 = arith.shli %and3A_3356, %shift_left3A_3358 : vector<16xi32>
    %add3A_3360 = arith.addi %and3A_3353, %shift_left3A_3359 : vector<16xi32>
    %shift_right_logical3A_3361 = arith.constant 11 : i32
    %shift_right_logical3A_3362 = vector.broadcast %shift_right_logical3A_3361 : i32 to vector<16xi32>
    %shift_right_logical3A_3363 = arith.shrui %get3A_3350, %shift_right_logical3A_3362 : vector<16xi32>
    %and3A_3364 = arith.constant 7 : i32
    %and3A_3365 = vector.broadcast %and3A_3364 : i32 to vector<16xi32>
    %and3A_3366 = arith.andi %shift_right_logical3A_3363, %and3A_3365 : vector<16xi32>
    %add3A_3367 = arith.addi %add3A_3360, %and3A_3366 : vector<16xi32>
    %swap3A_3368 = arith.index_cast %mul3A_3347 : i32 to index
    %swap3A_3369 = tpu.vector_load %arg13[%swap3A_3368] {strides = array<i32>} : memref<2560xi32, #tpu.memory_space<vmem>>, vector<16xi32>,
    %swap3A_3370 = vector.shape_cast %swap3A_3369 : vector<16xi32> to vector<16xi32>
    %swap3A_3371 = vector.shape_cast %add3A_3367 : vector<16xi32> to vector<16xi32>
    tpu.vector_store %arg13[%swap3A_3368], %swap3A_3371 {strides = array<i32>} : memref<2560xi32, #tpu.memory_space<vmem>>, vector<16xi32>,
    %scan3A_3372 = arith.constant 108 : i32
    %mul3A_3373 = arith.constant 16 : i32
    %mul3A_3374 = arith.muli %scan3A_3372, %mul3A_3373 : i32
    %get3A_3375 = arith.index_cast %mul3A_3374 : i32 to index
    %get3A_3376 = tpu.vector_load %arg13[%get3A_3375] {strides = array<i32>} : memref<2560xi32, #tpu.memory_space<vmem>>, vector<16xi32>,
    %get3A_3377 = vector.shape_cast %get3A_3376 : vector<16xi32> to vector<16xi32>
    %and3A_3378 = arith.constant -16384 : i32
    %and3A_3379 = vector.broadcast %and3A_3378 : i32 to vector<16xi32>
    %and3A_3380 = arith.andi %get3A_3377, %and3A_3379 : vector<16xi32>
    %and3A_3381 = arith.constant 2047 : i32
    %and3A_3382 = vector.broadcast %and3A_3381 : i32 to vector<16xi32>
    %and3A_3383 = arith.andi %get3A_3377, %and3A_3382 : vector<16xi32>
    %shift_left3A_3384 = arith.constant 3 : i32
    %shift_left3A_3385 = vector.broadcast %shift_left3A_3384 : i32 to vector<16xi32>
    %shift_left3A_3386 = arith.shli %and3A_3383, %shift_left3A_3385 : vector<16xi32>
    %add3A_3387 = arith.addi %and3A_3380, %shift_left3A_3386 : vector<16xi32>
    %shift_right_logical3A_3388 = arith.constant 11 : i32
    %shift_right_logical3A_3389 = vector.broadcast %shift_right_logical3A_3388 : i32 to vector<16xi32>
    %shift_right_logical3A_3390 = arith.shrui %get3A_3377, %shift_right_logical3A_3389 : vector<16xi32>
    %and3A_3391 = arith.constant 7 : i32
    %and3A_3392 = vector.broadcast %and3A_3391 : i32 to vector<16xi32>
    %and3A_3393 = arith.andi %shift_right_logical3A_3390, %and3A_3392 : vector<16xi32>
    %add3A_3394 = arith.addi %add3A_3387, %and3A_3393 : vector<16xi32>
    %swap3A_3395 = arith.index_cast %mul3A_3374 : i32 to index
    %swap3A_3396 = tpu.vector_load %arg13[%swap3A_3395] {strides = array<i32>} : memref<2560xi32, #tpu.memory_space<vmem>>, vector<16xi32>,
    %swap3A_3397 = vector.shape_cast %swap3A_3396 : vector<16xi32> to vector<16xi32>
    %swap3A_3398 = vector.shape_cast %add3A_3394 : vector<16xi32> to vector<16xi32>
    tpu.vector_store %arg13[%swap3A_3395], %swap3A_3398 {strides = array<i32>} : memref<2560xi32, #tpu.memory_space<vmem>>, vector<16xi32>,
    %scan3A_3399 = arith.constant 109 : i32
    %mul3A_3400 = arith.constant 16 : i32
    %mul3A_3401 = arith.muli %scan3A_3399, %mul3A_3400 : i32
    %get3A_3402 = arith.index_cast %mul3A_3401 : i32 to index
    %get3A_3403 = tpu.vector_load %arg13[%get3A_3402] {strides = array<i32>} : memref<2560xi32, #tpu.memory_space<vmem>>, vector<16xi32>,
    %get3A_3404 = vector.shape_cast %get3A_3403 : vector<16xi32> to vector<16xi32>
    %and3A_3405 = arith.constant -16384 : i32
    %and3A_3406 = vector.broadcast %and3A_3405 : i32 to vector<16xi32>
    %and3A_3407 = arith.andi %get3A_3404, %and3A_3406 : vector<16xi32>
    %and3A_3408 = arith.constant 2047 : i32
    %and3A_3409 = vector.broadcast %and3A_3408 : i32 to vector<16xi32>
    %and3A_3410 = arith.andi %get3A_3404, %and3A_3409 : vector<16xi32>
    %shift_left3A_3411 = arith.constant 3 : i32
    %shift_left3A_3412 = vector.broadcast %shift_left3A_3411 : i32 to vector<16xi32>
    %shift_left3A_3413 = arith.shli %and3A_3410, %shift_left3A_3412 : vector<16xi32>
    %add3A_3414 = arith.addi %and3A_3407, %shift_left3A_3413 : vector<16xi32>
    %shift_right_logical3A_3415 = arith.constant 11 : i32
    %shift_right_logical3A_3416 = vector.broadcast %shift_right_logical3A_3415 : i32 to vector<16xi32>
    %shift_right_logical3A_3417 = arith.shrui %get3A_3404, %shift_right_logical3A_3416 : vector<16xi32>
    %and3A_3418 = arith.constant 7 : i32
    %and3A_3419 = vector.broadcast %and3A_3418 : i32 to vector<16xi32>
    %and3A_3420 = arith.andi %shift_right_logical3A_3417, %and3A_3419 : vector<16xi32>
    %add3A_3421 = arith.addi %add3A_3414, %and3A_3420 : vector<16xi32>
    %swap3A_3422 = arith.index_cast %mul3A_3401 : i32 to index
    %swap3A_3423 = tpu.vector_load %arg13[%swap3A_3422] {strides = array<i32>} : memref<2560xi32, #tpu.memory_space<vmem>>, vector<16xi32>,
    %swap3A_3424 = vector.shape_cast %swap3A_3423 : vector<16xi32> to vector<16xi32>
    %swap3A_3425 = vector.shape_cast %add3A_3421 : vector<16xi32> to vector<16xi32>
    tpu.vector_store %arg13[%swap3A_3422], %swap3A_3425 {strides = array<i32>} : memref<2560xi32, #tpu.memory_space<vmem>>, vector<16xi32>,
    %scan3A_3426 = arith.constant 110 : i32
    %mul3A_3427 = arith.constant 16 : i32
    %mul3A_3428 = arith.muli %scan3A_3426, %mul3A_3427 : i32
    %get3A_3429 = arith.index_cast %mul3A_3428 : i32 to index
    %get3A_3430 = tpu.vector_load %arg13[%get3A_3429] {strides = array<i32>} : memref<2560xi32, #tpu.memory_space<vmem>>, vector<16xi32>,
    %get3A_3431 = vector.shape_cast %get3A_3430 : vector<16xi32> to vector<16xi32>
    %and3A_3432 = arith.constant -16384 : i32
    %and3A_3433 = vector.broadcast %and3A_3432 : i32 to vector<16xi32>
    %and3A_3434 = arith.andi %get3A_3431, %and3A_3433 : vector<16xi32>
    %and3A_3435 = arith.constant 2047 : i32
    %and3A_3436 = vector.broadcast %and3A_3435 : i32 to vector<16xi32>
    %and3A_3437 = arith.andi %get3A_3431, %and3A_3436 : vector<16xi32>
    %shift_left3A_3438 = arith.constant 3 : i32
    %shift_left3A_3439 = vector.broadcast %shift_left3A_3438 : i32 to vector<16xi32>
    %shift_left3A_3440 = arith.shli %and3A_3437, %shift_left3A_3439 : vector<16xi32>
    %add3A_3441 = arith.addi %and3A_3434, %shift_left3A_3440 : vector<16xi32>
    %shift_right_logical3A_3442 = arith.constant 11 : i32
    %shift_right_logical3A_3443 = vector.broadcast %shift_right_logical3A_3442 : i32 to vector<16xi32>
    %shift_right_logical3A_3444 = arith.shrui %get3A_3431, %shift_right_logical3A_3443 : vector<16xi32>
    %and3A_3445 = arith.constant 7 : i32
    %and3A_3446 = vector.broadcast %and3A_3445 : i32 to vector<16xi32>
    %and3A_3447 = arith.andi %shift_right_logical3A_3444, %and3A_3446 : vector<16xi32>
    %add3A_3448 = arith.addi %add3A_3441, %and3A_3447 : vector<16xi32>
    %swap3A_3449 = arith.index_cast %mul3A_3428 : i32 to index
    %swap3A_3450 = tpu.vector_load %arg13[%swap3A_3449] {strides = array<i32>} : memref<2560xi32, #tpu.memory_space<vmem>>, vector<16xi32>,
    %swap3A_3451 = vector.shape_cast %swap3A_3450 : vector<16xi32> to vector<16xi32>
    %swap3A_3452 = vector.shape_cast %add3A_3448 : vector<16xi32> to vector<16xi32>
    tpu.vector_store %arg13[%swap3A_3449], %swap3A_3452 {strides = array<i32>} : memref<2560xi32, #tpu.memory_space<vmem>>, vector<16xi32>,
    %scan3A_3453 = arith.constant 111 : i32
    %mul3A_3454 = arith.constant 16 : i32
    %mul3A_3455 = arith.muli %scan3A_3453, %mul3A_3454 : i32
    %get3A_3456 = arith.index_cast %mul3A_3455 : i32 to index
    %get3A_3457 = tpu.vector_load %arg13[%get3A_3456] {strides = array<i32>} : memref<2560xi32, #tpu.memory_space<vmem>>, vector<16xi32>,
    %get3A_3458 = vector.shape_cast %get3A_3457 : vector<16xi32> to vector<16xi32>
    %and3A_3459 = arith.constant -16384 : i32
    %and3A_3460 = vector.broadcast %and3A_3459 : i32 to vector<16xi32>
    %and3A_3461 = arith.andi %get3A_3458, %and3A_3460 : vector<16xi32>
    %and3A_3462 = arith.constant 2047 : i32
    %and3A_3463 = vector.broadcast %and3A_3462 : i32 to vector<16xi32>
    %and3A_3464 = arith.andi %get3A_3458, %and3A_3463 : vector<16xi32>
    %shift_left3A_3465 = arith.constant 3 : i32
    %shift_left3A_3466 = vector.broadcast %shift_left3A_3465 : i32 to vector<16xi32>
    %shift_left3A_3467 = arith.shli %and3A_3464, %shift_left3A_3466 : vector<16xi32>
    %add3A_3468 = arith.addi %and3A_3461, %shift_left3A_3467 : vector<16xi32>
    %shift_right_logical3A_3469 = arith.constant 11 : i32
    %shift_right_logical3A_3470 = vector.broadcast %shift_right_logical3A_3469 : i32 to vector<16xi32>
    %shift_right_logical3A_3471 = arith.shrui %get3A_3458, %shift_right_logical3A_3470 : vector<16xi32>
    %and3A_3472 = arith.constant 7 : i32
    %and3A_3473 = vector.broadcast %and3A_3472 : i32 to vector<16xi32>
    %and3A_3474 = arith.andi %shift_right_logical3A_3471, %and3A_3473 : vector<16xi32>
    %add3A_3475 = arith.addi %add3A_3468, %and3A_3474 : vector<16xi32>
    %swap3A_3476 = arith.index_cast %mul3A_3455 : i32 to index
    %swap3A_3477 = tpu.vector_load %arg13[%swap3A_3476] {strides = array<i32>} : memref<2560xi32, #tpu.memory_space<vmem>>, vector<16xi32>,
    %swap3A_3478 = vector.shape_cast %swap3A_3477 : vector<16xi32> to vector<16xi32>
    %swap3A_3479 = vector.shape_cast %add3A_3475 : vector<16xi32> to vector<16xi32>
    tpu.vector_store %arg13[%swap3A_3476], %swap3A_3479 {strides = array<i32>} : memref<2560xi32, #tpu.memory_space<vmem>>, vector<16xi32>,
    %scan3A_3480 = arith.constant 112 : i32
    %mul3A_3481 = arith.constant 16 : i32
    %mul3A_3482 = arith.muli %scan3A_3480, %mul3A_3481 : i32
    %get3A_3483 = arith.index_cast %mul3A_3482 : i32 to index
    %get3A_3484 = tpu.vector_load %arg13[%get3A_3483] {strides = array<i32>} : memref<2560xi32, #tpu.memory_space<vmem>>, vector<16xi32>,
    %get3A_3485 = vector.shape_cast %get3A_3484 : vector<16xi32> to vector<16xi32>
    %and3A_3486 = arith.constant -16384 : i32
    %and3A_3487 = vector.broadcast %and3A_3486 : i32 to vector<16xi32>
    %and3A_3488 = arith.andi %get3A_3485, %and3A_3487 : vector<16xi32>
    %and3A_3489 = arith.constant 2047 : i32
    %and3A_3490 = vector.broadcast %and3A_3489 : i32 to vector<16xi32>
    %and3A_3491 = arith.andi %get3A_3485, %and3A_3490 : vector<16xi32>
    %shift_left3A_3492 = arith.constant 3 : i32
    %shift_left3A_3493 = vector.broadcast %shift_left3A_3492 : i32 to vector<16xi32>
    %shift_left3A_3494 = arith.shli %and3A_3491, %shift_left3A_3493 : vector<16xi32>
    %add3A_3495 = arith.addi %and3A_3488, %shift_left3A_3494 : vector<16xi32>
    %shift_right_logical3A_3496 = arith.constant 11 : i32
    %shift_right_logical3A_3497 = vector.broadcast %shift_right_logical3A_3496 : i32 to vector<16xi32>
    %shift_right_logical3A_3498 = arith.shrui %get3A_3485, %shift_right_logical3A_3497 : vector<16xi32>
    %and3A_3499 = arith.constant 7 : i32
    %and3A_3500 = vector.broadcast %and3A_3499 : i32 to vector<16xi32>
    %and3A_3501 = arith.andi %shift_right_logical3A_3498, %and3A_3500 : vector<16xi32>
    %add3A_3502 = arith.addi %add3A_3495, %and3A_3501 : vector<16xi32>
    %swap3A_3503 = arith.index_cast %mul3A_3482 : i32 to index
    %swap3A_3504 = tpu.vector_load %arg13[%swap3A_3503] {strides = array<i32>} : memref<2560xi32, #tpu.memory_space<vmem>>, vector<16xi32>,
    %swap3A_3505 = vector.shape_cast %swap3A_3504 : vector<16xi32> to vector<16xi32>
    %swap3A_3506 = vector.shape_cast %add3A_3502 : vector<16xi32> to vector<16xi32>
    tpu.vector_store %arg13[%swap3A_3503], %swap3A_3506 {strides = array<i32>} : memref<2560xi32, #tpu.memory_space<vmem>>, vector<16xi32>,
    %scan3A_3507 = arith.constant 113 : i32
    %mul3A_3508 = arith.constant 16 : i32
    %mul3A_3509 = arith.muli %scan3A_3507, %mul3A_3508 : i32
    %get3A_3510 = arith.index_cast %mul3A_3509 : i32 to index
    %get3A_3511 = tpu.vector_load %arg13[%get3A_3510] {strides = array<i32>} : memref<2560xi32, #tpu.memory_space<vmem>>, vector<16xi32>,
    %get3A_3512 = vector.shape_cast %get3A_3511 : vector<16xi32> to vector<16xi32>
    %and3A_3513 = arith.constant -16384 : i32
    %and3A_3514 = vector.broadcast %and3A_3513 : i32 to vector<16xi32>
    %and3A_3515 = arith.andi %get3A_3512, %and3A_3514 : vector<16xi32>
    %and3A_3516 = arith.constant 2047 : i32
    %and3A_3517 = vector.broadcast %and3A_3516 : i32 to vector<16xi32>
    %and3A_3518 = arith.andi %get3A_3512, %and3A_3517 : vector<16xi32>
    %shift_left3A_3519 = arith.constant 3 : i32
    %shift_left3A_3520 = vector.broadcast %shift_left3A_3519 : i32 to vector<16xi32>
    %shift_left3A_3521 = arith.shli %and3A_3518, %shift_left3A_3520 : vector<16xi32>
    %add3A_3522 = arith.addi %and3A_3515, %shift_left3A_3521 : vector<16xi32>
    %shift_right_logical3A_3523 = arith.constant 11 : i32
    %shift_right_logical3A_3524 = vector.broadcast %shift_right_logical3A_3523 : i32 to vector<16xi32>
    %shift_right_logical3A_3525 = arith.shrui %get3A_3512, %shift_right_logical3A_3524 : vector<16xi32>
    %and3A_3526 = arith.constant 7 : i32
    %and3A_3527 = vector.broadcast %and3A_3526 : i32 to vector<16xi32>
    %and3A_3528 = arith.andi %shift_right_logical3A_3525, %and3A_3527 : vector<16xi32>
    %add3A_3529 = arith.addi %add3A_3522, %and3A_3528 : vector<16xi32>
    %swap3A_3530 = arith.index_cast %mul3A_3509 : i32 to index
    %swap3A_3531 = tpu.vector_load %arg13[%swap3A_3530] {strides = array<i32>} : memref<2560xi32, #tpu.memory_space<vmem>>, vector<16xi32>,
    %swap3A_3532 = vector.shape_cast %swap3A_3531 : vector<16xi32> to vector<16xi32>
    %swap3A_3533 = vector.shape_cast %add3A_3529 : vector<16xi32> to vector<16xi32>
    tpu.vector_store %arg13[%swap3A_3530], %swap3A_3533 {strides = array<i32>} : memref<2560xi32, #tpu.memory_space<vmem>>, vector<16xi32>,
    %scan3A_3534 = arith.constant 114 : i32
    %mul3A_3535 = arith.constant 16 : i32
    %mul3A_3536 = arith.muli %scan3A_3534, %mul3A_3535 : i32
    %get3A_3537 = arith.index_cast %mul3A_3536 : i32 to index
    %get3A_3538 = tpu.vector_load %arg13[%get3A_3537] {strides = array<i32>} : memref<2560xi32, #tpu.memory_space<vmem>>, vector<16xi32>,
    %get3A_3539 = vector.shape_cast %get3A_3538 : vector<16xi32> to vector<16xi32>
    %and3A_3540 = arith.constant -16384 : i32
    %and3A_3541 = vector.broadcast %and3A_3540 : i32 to vector<16xi32>
    %and3A_3542 = arith.andi %get3A_3539, %and3A_3541 : vector<16xi32>
    %and3A_3543 = arith.constant 2047 : i32
    %and3A_3544 = vector.broadcast %and3A_3543 : i32 to vector<16xi32>
    %and3A_3545 = arith.andi %get3A_3539, %and3A_3544 : vector<16xi32>
    %shift_left3A_3546 = arith.constant 3 : i32
    %shift_left3A_3547 = vector.broadcast %shift_left3A_3546 : i32 to vector<16xi32>
    %shift_left3A_3548 = arith.shli %and3A_3545, %shift_left3A_3547 : vector<16xi32>
    %add3A_3549 = arith.addi %and3A_3542, %shift_left3A_3548 : vector<16xi32>
    %shift_right_logical3A_3550 = arith.constant 11 : i32
    %shift_right_logical3A_3551 = vector.broadcast %shift_right_logical3A_3550 : i32 to vector<16xi32>
    %shift_right_logical3A_3552 = arith.shrui %get3A_3539, %shift_right_logical3A_3551 : vector<16xi32>
    %and3A_3553 = arith.constant 7 : i32
    %and3A_3554 = vector.broadcast %and3A_3553 : i32 to vector<16xi32>
    %and3A_3555 = arith.andi %shift_right_logical3A_3552, %and3A_3554 : vector<16xi32>
    %add3A_3556 = arith.addi %add3A_3549, %and3A_3555 : vector<16xi32>
    %swap3A_3557 = arith.index_cast %mul3A_3536 : i32 to index
    %swap3A_3558 = tpu.vector_load %arg13[%swap3A_3557] {strides = array<i32>} : memref<2560xi32, #tpu.memory_space<vmem>>, vector<16xi32>,
    %swap3A_3559 = vector.shape_cast %swap3A_3558 : vector<16xi32> to vector<16xi32>
    %swap3A_3560 = vector.shape_cast %add3A_3556 : vector<16xi32> to vector<16xi32>
    tpu.vector_store %arg13[%swap3A_3557], %swap3A_3560 {strides = array<i32>} : memref<2560xi32, #tpu.memory_space<vmem>>, vector<16xi32>,
    %scan3A_3561 = arith.constant 115 : i32
    %mul3A_3562 = arith.constant 16 : i32
    %mul3A_3563 = arith.muli %scan3A_3561, %mul3A_3562 : i32
    %get3A_3564 = arith.index_cast %mul3A_3563 : i32 to index
    %get3A_3565 = tpu.vector_load %arg13[%get3A_3564] {strides = array<i32>} : memref<2560xi32, #tpu.memory_space<vmem>>, vector<16xi32>,
    %get3A_3566 = vector.shape_cast %get3A_3565 : vector<16xi32> to vector<16xi32>
    %and3A_3567 = arith.constant -16384 : i32
    %and3A_3568 = vector.broadcast %and3A_3567 : i32 to vector<16xi32>
    %and3A_3569 = arith.andi %get3A_3566, %and3A_3568 : vector<16xi32>
    %and3A_3570 = arith.constant 2047 : i32
    %and3A_3571 = vector.broadcast %and3A_3570 : i32 to vector<16xi32>
    %and3A_3572 = arith.andi %get3A_3566, %and3A_3571 : vector<16xi32>
    %shift_left3A_3573 = arith.constant 3 : i32
    %shift_left3A_3574 = vector.broadcast %shift_left3A_3573 : i32 to vector<16xi32>
    %shift_left3A_3575 = arith.shli %and3A_3572, %shift_left3A_3574 : vector<16xi32>
    %add3A_3576 = arith.addi %and3A_3569, %shift_left3A_3575 : vector<16xi32>
    %shift_right_logical3A_3577 = arith.constant 11 : i32
    %shift_right_logical3A_3578 = vector.broadcast %shift_right_logical3A_3577 : i32 to vector<16xi32>
    %shift_right_logical3A_3579 = arith.shrui %get3A_3566, %shift_right_logical3A_3578 : vector<16xi32>
    %and3A_3580 = arith.constant 7 : i32
    %and3A_3581 = vector.broadcast %and3A_3580 : i32 to vector<16xi32>
    %and3A_3582 = arith.andi %shift_right_logical3A_3579, %and3A_3581 : vector<16xi32>
    %add3A_3583 = arith.addi %add3A_3576, %and3A_3582 : vector<16xi32>
    %swap3A_3584 = arith.index_cast %mul3A_3563 : i32 to index
    %swap3A_3585 = tpu.vector_load %arg13[%swap3A_3584] {strides = array<i32>} : memref<2560xi32, #tpu.memory_space<vmem>>, vector<16xi32>,
    %swap3A_3586 = vector.shape_cast %swap3A_3585 : vector<16xi32> to vector<16xi32>
    %swap3A_3587 = vector.shape_cast %add3A_3583 : vector<16xi32> to vector<16xi32>
    tpu.vector_store %arg13[%swap3A_3584], %swap3A_3587 {strides = array<i32>} : memref<2560xi32, #tpu.memory_space<vmem>>, vector<16xi32>,
    %scan3A_3588 = arith.constant 116 : i32
    %mul3A_3589 = arith.constant 16 : i32
    %mul3A_3590 = arith.muli %scan3A_3588, %mul3A_3589 : i32
    %get3A_3591 = arith.index_cast %mul3A_3590 : i32 to index
    %get3A_3592 = tpu.vector_load %arg13[%get3A_3591] {strides = array<i32>} : memref<2560xi32, #tpu.memory_space<vmem>>, vector<16xi32>,
    %get3A_3593 = vector.shape_cast %get3A_3592 : vector<16xi32> to vector<16xi32>
    %and3A_3594 = arith.constant -16384 : i32
    %and3A_3595 = vector.broadcast %and3A_3594 : i32 to vector<16xi32>
    %and3A_3596 = arith.andi %get3A_3593, %and3A_3595 : vector<16xi32>
    %and3A_3597 = arith.constant 2047 : i32
    %and3A_3598 = vector.broadcast %and3A_3597 : i32 to vector<16xi32>
    %and3A_3599 = arith.andi %get3A_3593, %and3A_3598 : vector<16xi32>
    %shift_left3A_3600 = arith.constant 3 : i32
    %shift_left3A_3601 = vector.broadcast %shift_left3A_3600 : i32 to vector<16xi32>
    %shift_left3A_3602 = arith.shli %and3A_3599, %shift_left3A_3601 : vector<16xi32>
    %add3A_3603 = arith.addi %and3A_3596, %shift_left3A_3602 : vector<16xi32>
    %shift_right_logical3A_3604 = arith.constant 11 : i32
    %shift_right_logical3A_3605 = vector.broadcast %shift_right_logical3A_3604 : i32 to vector<16xi32>
    %shift_right_logical3A_3606 = arith.shrui %get3A_3593, %shift_right_logical3A_3605 : vector<16xi32>
    %and3A_3607 = arith.constant 7 : i32
    %and3A_3608 = vector.broadcast %and3A_3607 : i32 to vector<16xi32>
    %and3A_3609 = arith.andi %shift_right_logical3A_3606, %and3A_3608 : vector<16xi32>
    %add3A_3610 = arith.addi %add3A_3603, %and3A_3609 : vector<16xi32>
    %swap3A_3611 = arith.index_cast %mul3A_3590 : i32 to index
    %swap3A_3612 = tpu.vector_load %arg13[%swap3A_3611] {strides = array<i32>} : memref<2560xi32, #tpu.memory_space<vmem>>, vector<16xi32>,
    %swap3A_3613 = vector.shape_cast %swap3A_3612 : vector<16xi32> to vector<16xi32>
    %swap3A_3614 = vector.shape_cast %add3A_3610 : vector<16xi32> to vector<16xi32>
    tpu.vector_store %arg13[%swap3A_3611], %swap3A_3614 {strides = array<i32>} : memref<2560xi32, #tpu.memory_space<vmem>>, vector<16xi32>,
    %scan3A_3615 = arith.constant 117 : i32
    %mul3A_3616 = arith.constant 16 : i32
    %mul3A_3617 = arith.muli %scan3A_3615, %mul3A_3616 : i32
    %get3A_3618 = arith.index_cast %mul3A_3617 : i32 to index
    %get3A_3619 = tpu.vector_load %arg13[%get3A_3618] {strides = array<i32>} : memref<2560xi32, #tpu.memory_space<vmem>>, vector<16xi32>,
    %get3A_3620 = vector.shape_cast %get3A_3619 : vector<16xi32> to vector<16xi32>
    %and3A_3621 = arith.constant -16384 : i32
    %and3A_3622 = vector.broadcast %and3A_3621 : i32 to vector<16xi32>
    %and3A_3623 = arith.andi %get3A_3620, %and3A_3622 : vector<16xi32>
    %and3A_3624 = arith.constant 2047 : i32
    %and3A_3625 = vector.broadcast %and3A_3624 : i32 to vector<16xi32>
    %and3A_3626 = arith.andi %get3A_3620, %and3A_3625 : vector<16xi32>
    %shift_left3A_3627 = arith.constant 3 : i32
    %shift_left3A_3628 = vector.broadcast %shift_left3A_3627 : i32 to vector<16xi32>
    %shift_left3A_3629 = arith.shli %and3A_3626, %shift_left3A_3628 : vector<16xi32>
    %add3A_3630 = arith.addi %and3A_3623, %shift_left3A_3629 : vector<16xi32>
    %shift_right_logical3A_3631 = arith.constant 11 : i32
    %shift_right_logical3A_3632 = vector.broadcast %shift_right_logical3A_3631 : i32 to vector<16xi32>
    %shift_right_logical3A_3633 = arith.shrui %get3A_3620, %shift_right_logical3A_3632 : vector<16xi32>
    %and3A_3634 = arith.constant 7 : i32
    %and3A_3635 = vector.broadcast %and3A_3634 : i32 to vector<16xi32>
    %and3A_3636 = arith.andi %shift_right_logical3A_3633, %and3A_3635 : vector<16xi32>
    %add3A_3637 = arith.addi %add3A_3630, %and3A_3636 : vector<16xi32>
    %swap3A_3638 = arith.index_cast %mul3A_3617 : i32 to index
    %swap3A_3639 = tpu.vector_load %arg13[%swap3A_3638] {strides = array<i32>} : memref<2560xi32, #tpu.memory_space<vmem>>, vector<16xi32>,
    %swap3A_3640 = vector.shape_cast %swap3A_3639 : vector<16xi32> to vector<16xi32>
    %swap3A_3641 = vector.shape_cast %add3A_3637 : vector<16xi32> to vector<16xi32>
    tpu.vector_store %arg13[%swap3A_3638], %swap3A_3641 {strides = array<i32>} : memref<2560xi32, #tpu.memory_space<vmem>>, vector<16xi32>,
    %scan3A_3642 = arith.constant 118 : i32
    %mul3A_3643 = arith.constant 16 : i32
    %mul3A_3644 = arith.muli %scan3A_3642, %mul3A_3643 : i32
    %get3A_3645 = arith.index_cast %mul3A_3644 : i32 to index
    %get3A_3646 = tpu.vector_load %arg13[%get3A_3645] {strides = array<i32>} : memref<2560xi32, #tpu.memory_space<vmem>>, vector<16xi32>,
    %get3A_3647 = vector.shape_cast %get3A_3646 : vector<16xi32> to vector<16xi32>
    %and3A_3648 = arith.constant -16384 : i32
    %and3A_3649 = vector.broadcast %and3A_3648 : i32 to vector<16xi32>
    %and3A_3650 = arith.andi %get3A_3647, %and3A_3649 : vector<16xi32>
    %and3A_3651 = arith.constant 2047 : i32
    %and3A_3652 = vector.broadcast %and3A_3651 : i32 to vector<16xi32>
    %and3A_3653 = arith.andi %get3A_3647, %and3A_3652 : vector<16xi32>
    %shift_left3A_3654 = arith.constant 3 : i32
    %shift_left3A_3655 = vector.broadcast %shift_left3A_3654 : i32 to vector<16xi32>
    %shift_left3A_3656 = arith.shli %and3A_3653, %shift_left3A_3655 : vector<16xi32>
    %add3A_3657 = arith.addi %and3A_3650, %shift_left3A_3656 : vector<16xi32>
    %shift_right_logical3A_3658 = arith.constant 11 : i32
    %shift_right_logical3A_3659 = vector.broadcast %shift_right_logical3A_3658 : i32 to vector<16xi32>
    %shift_right_logical3A_3660 = arith.shrui %get3A_3647, %shift_right_logical3A_3659 : vector<16xi32>
    %and3A_3661 = arith.constant 7 : i32
    %and3A_3662 = vector.broadcast %and3A_3661 : i32 to vector<16xi32>
    %and3A_3663 = arith.andi %shift_right_logical3A_3660, %and3A_3662 : vector<16xi32>
    %add3A_3664 = arith.addi %add3A_3657, %and3A_3663 : vector<16xi32>
    %swap3A_3665 = arith.index_cast %mul3A_3644 : i32 to index
    %swap3A_3666 = tpu.vector_load %arg13[%swap3A_3665] {strides = array<i32>} : memref<2560xi32, #tpu.memory_space<vmem>>, vector<16xi32>,
    %swap3A_3667 = vector.shape_cast %swap3A_3666 : vector<16xi32> to vector<16xi32>
    %swap3A_3668 = vector.shape_cast %add3A_3664 : vector<16xi32> to vector<16xi32>
    tpu.vector_store %arg13[%swap3A_3665], %swap3A_3668 {strides = array<i32>} : memref<2560xi32, #tpu.memory_space<vmem>>, vector<16xi32>,
    %scan3A_3669 = arith.constant 119 : i32
    %mul3A_3670 = arith.constant 16 : i32
    %mul3A_3671 = arith.muli %scan3A_3669, %mul3A_3670 : i32
    %get3A_3672 = arith.index_cast %mul3A_3671 : i32 to index
    %get3A_3673 = tpu.vector_load %arg13[%get3A_3672] {strides = array<i32>} : memref<2560xi32, #tpu.memory_space<vmem>>, vector<16xi32>,
    %get3A_3674 = vector.shape_cast %get3A_3673 : vector<16xi32> to vector<16xi32>
    %and3A_3675 = arith.constant -16384 : i32
    %and3A_3676 = vector.broadcast %and3A_3675 : i32 to vector<16xi32>
    %and3A_3677 = arith.andi %get3A_3674, %and3A_3676 : vector<16xi32>
    %and3A_3678 = arith.constant 2047 : i32
    %and3A_3679 = vector.broadcast %and3A_3678 : i32 to vector<16xi32>
    %and3A_3680 = arith.andi %get3A_3674, %and3A_3679 : vector<16xi32>
    %shift_left3A_3681 = arith.constant 3 : i32
    %shift_left3A_3682 = vector.broadcast %shift_left3A_3681 : i32 to vector<16xi32>
    %shift_left3A_3683 = arith.shli %and3A_3680, %shift_left3A_3682 : vector<16xi32>
    %add3A_3684 = arith.addi %and3A_3677, %shift_left3A_3683 : vector<16xi32>
    %shift_right_logical3A_3685 = arith.constant 11 : i32
    %shift_right_logical3A_3686 = vector.broadcast %shift_right_logical3A_3685 : i32 to vector<16xi32>
    %shift_right_logical3A_3687 = arith.shrui %get3A_3674, %shift_right_logical3A_3686 : vector<16xi32>
    %and3A_3688 = arith.constant 7 : i32
    %and3A_3689 = vector.broadcast %and3A_3688 : i32 to vector<16xi32>
    %and3A_3690 = arith.andi %shift_right_logical3A_3687, %and3A_3689 : vector<16xi32>
    %add3A_3691 = arith.addi %add3A_3684, %and3A_3690 : vector<16xi32>
    %swap3A_3692 = arith.index_cast %mul3A_3671 : i32 to index
    %swap3A_3693 = tpu.vector_load %arg13[%swap3A_3692] {strides = array<i32>} : memref<2560xi32, #tpu.memory_space<vmem>>, vector<16xi32>,
    %swap3A_3694 = vector.shape_cast %swap3A_3693 : vector<16xi32> to vector<16xi32>
    %swap3A_3695 = vector.shape_cast %add3A_3691 : vector<16xi32> to vector<16xi32>
    tpu.vector_store %arg13[%swap3A_3692], %swap3A_3695 {strides = array<i32>} : memref<2560xi32, #tpu.memory_space<vmem>>, vector<16xi32>,
    %scan3A_3696 = arith.constant 120 : i32
    %mul3A_3697 = arith.constant 16 : i32
    %mul3A_3698 = arith.muli %scan3A_3696, %mul3A_3697 : i32
    %get3A_3699 = arith.index_cast %mul3A_3698 : i32 to index
    %get3A_3700 = tpu.vector_load %arg13[%get3A_3699] {strides = array<i32>} : memref<2560xi32, #tpu.memory_space<vmem>>, vector<16xi32>,
    %get3A_3701 = vector.shape_cast %get3A_3700 : vector<16xi32> to vector<16xi32>
    %and3A_3702 = arith.constant -16384 : i32
    %and3A_3703 = vector.broadcast %and3A_3702 : i32 to vector<16xi32>
    %and3A_3704 = arith.andi %get3A_3701, %and3A_3703 : vector<16xi32>
    %and3A_3705 = arith.constant 2047 : i32
    %and3A_3706 = vector.broadcast %and3A_3705 : i32 to vector<16xi32>
    %and3A_3707 = arith.andi %get3A_3701, %and3A_3706 : vector<16xi32>
    %shift_left3A_3708 = arith.constant 3 : i32
    %shift_left3A_3709 = vector.broadcast %shift_left3A_3708 : i32 to vector<16xi32>
    %shift_left3A_3710 = arith.shli %and3A_3707, %shift_left3A_3709 : vector<16xi32>
    %add3A_3711 = arith.addi %and3A_3704, %shift_left3A_3710 : vector<16xi32>
    %shift_right_logical3A_3712 = arith.constant 11 : i32
    %shift_right_logical3A_3713 = vector.broadcast %shift_right_logical3A_3712 : i32 to vector<16xi32>
    %shift_right_logical3A_3714 = arith.shrui %get3A_3701, %shift_right_logical3A_3713 : vector<16xi32>
    %and3A_3715 = arith.constant 7 : i32
    %and3A_3716 = vector.broadcast %and3A_3715 : i32 to vector<16xi32>
    %and3A_3717 = arith.andi %shift_right_logical3A_3714, %and3A_3716 : vector<16xi32>
    %add3A_3718 = arith.addi %add3A_3711, %and3A_3717 : vector<16xi32>
    %swap3A_3719 = arith.index_cast %mul3A_3698 : i32 to index
    %swap3A_3720 = tpu.vector_load %arg13[%swap3A_3719] {strides = array<i32>} : memref<2560xi32, #tpu.memory_space<vmem>>, vector<16xi32>,
    %swap3A_3721 = vector.shape_cast %swap3A_3720 : vector<16xi32> to vector<16xi32>
    %swap3A_3722 = vector.shape_cast %add3A_3718 : vector<16xi32> to vector<16xi32>
    tpu.vector_store %arg13[%swap3A_3719], %swap3A_3722 {strides = array<i32>} : memref<2560xi32, #tpu.memory_space<vmem>>, vector<16xi32>,
    %scan3A_3723 = arith.constant 121 : i32
    %mul3A_3724 = arith.constant 16 : i32
    %mul3A_3725 = arith.muli %scan3A_3723, %mul3A_3724 : i32
    %get3A_3726 = arith.index_cast %mul3A_3725 : i32 to index
    %get3A_3727 = tpu.vector_load %arg13[%get3A_3726] {strides = array<i32>} : memref<2560xi32, #tpu.memory_space<vmem>>, vector<16xi32>,
    %get3A_3728 = vector.shape_cast %get3A_3727 : vector<16xi32> to vector<16xi32>
    %and3A_3729 = arith.constant -16384 : i32
    %and3A_3730 = vector.broadcast %and3A_3729 : i32 to vector<16xi32>
    %and3A_3731 = arith.andi %get3A_3728, %and3A_3730 : vector<16xi32>
    %and3A_3732 = arith.constant 2047 : i32
    %and3A_3733 = vector.broadcast %and3A_3732 : i32 to vector<16xi32>
    %and3A_3734 = arith.andi %get3A_3728, %and3A_3733 : vector<16xi32>
    %shift_left3A_3735 = arith.constant 3 : i32
    %shift_left3A_3736 = vector.broadcast %shift_left3A_3735 : i32 to vector<16xi32>
    %shift_left3A_3737 = arith.shli %and3A_3734, %shift_left3A_3736 : vector<16xi32>
    %add3A_3738 = arith.addi %and3A_3731, %shift_left3A_3737 : vector<16xi32>
    %shift_right_logical3A_3739 = arith.constant 11 : i32
    %shift_right_logical3A_3740 = vector.broadcast %shift_right_logical3A_3739 : i32 to vector<16xi32>
    %shift_right_logical3A_3741 = arith.shrui %get3A_3728, %shift_right_logical3A_3740 : vector<16xi32>
    %and3A_3742 = arith.constant 7 : i32
    %and3A_3743 = vector.broadcast %and3A_3742 : i32 to vector<16xi32>
    %and3A_3744 = arith.andi %shift_right_logical3A_3741, %and3A_3743 : vector<16xi32>
    %add3A_3745 = arith.addi %add3A_3738, %and3A_3744 : vector<16xi32>
    %swap3A_3746 = arith.index_cast %mul3A_3725 : i32 to index
    %swap3A_3747 = tpu.vector_load %arg13[%swap3A_3746] {strides = array<i32>} : memref<2560xi32, #tpu.memory_space<vmem>>, vector<16xi32>,
    %swap3A_3748 = vector.shape_cast %swap3A_3747 : vector<16xi32> to vector<16xi32>
    %swap3A_3749 = vector.shape_cast %add3A_3745 : vector<16xi32> to vector<16xi32>
    tpu.vector_store %arg13[%swap3A_3746], %swap3A_3749 {strides = array<i32>} : memref<2560xi32, #tpu.memory_space<vmem>>, vector<16xi32>,
    %scan3A_3750 = arith.constant 122 : i32
    %mul3A_3751 = arith.constant 16 : i32
    %mul3A_3752 = arith.muli %scan3A_3750, %mul3A_3751 : i32
    %get3A_3753 = arith.index_cast %mul3A_3752 : i32 to index
    %get3A_3754 = tpu.vector_load %arg13[%get3A_3753] {strides = array<i32>} : memref<2560xi32, #tpu.memory_space<vmem>>, vector<16xi32>,
    %get3A_3755 = vector.shape_cast %get3A_3754 : vector<16xi32> to vector<16xi32>
    %and3A_3756 = arith.constant -16384 : i32
    %and3A_3757 = vector.broadcast %and3A_3756 : i32 to vector<16xi32>
    %and3A_3758 = arith.andi %get3A_3755, %and3A_3757 : vector<16xi32>
    %and3A_3759 = arith.constant 2047 : i32
    %and3A_3760 = vector.broadcast %and3A_3759 : i32 to vector<16xi32>
    %and3A_3761 = arith.andi %get3A_3755, %and3A_3760 : vector<16xi32>
    %shift_left3A_3762 = arith.constant 3 : i32
    %shift_left3A_3763 = vector.broadcast %shift_left3A_3762 : i32 to vector<16xi32>
    %shift_left3A_3764 = arith.shli %and3A_3761, %shift_left3A_3763 : vector<16xi32>
    %add3A_3765 = arith.addi %and3A_3758, %shift_left3A_3764 : vector<16xi32>
    %shift_right_logical3A_3766 = arith.constant 11 : i32
    %shift_right_logical3A_3767 = vector.broadcast %shift_right_logical3A_3766 : i32 to vector<16xi32>
    %shift_right_logical3A_3768 = arith.shrui %get3A_3755, %shift_right_logical3A_3767 : vector<16xi32>
    %and3A_3769 = arith.constant 7 : i32
    %and3A_3770 = vector.broadcast %and3A_3769 : i32 to vector<16xi32>
    %and3A_3771 = arith.andi %shift_right_logical3A_3768, %and3A_3770 : vector<16xi32>
    %add3A_3772 = arith.addi %add3A_3765, %and3A_3771 : vector<16xi32>
    %swap3A_3773 = arith.index_cast %mul3A_3752 : i32 to index
    %swap3A_3774 = tpu.vector_load %arg13[%swap3A_3773] {strides = array<i32>} : memref<2560xi32, #tpu.memory_space<vmem>>, vector<16xi32>,
    %swap3A_3775 = vector.shape_cast %swap3A_3774 : vector<16xi32> to vector<16xi32>
    %swap3A_3776 = vector.shape_cast %add3A_3772 : vector<16xi32> to vector<16xi32>
    tpu.vector_store %arg13[%swap3A_3773], %swap3A_3776 {strides = array<i32>} : memref<2560xi32, #tpu.memory_space<vmem>>, vector<16xi32>,
    %scan3A_3777 = arith.constant 123 : i32
    %mul3A_3778 = arith.constant 16 : i32
    %mul3A_3779 = arith.muli %scan3A_3777, %mul3A_3778 : i32
    %get3A_3780 = arith.index_cast %mul3A_3779 : i32 to index
    %get3A_3781 = tpu.vector_load %arg13[%get3A_3780] {strides = array<i32>} : memref<2560xi32, #tpu.memory_space<vmem>>, vector<16xi32>,
    %get3A_3782 = vector.shape_cast %get3A_3781 : vector<16xi32> to vector<16xi32>
    %and3A_3783 = arith.constant -16384 : i32
    %and3A_3784 = vector.broadcast %and3A_3783 : i32 to vector<16xi32>
    %and3A_3785 = arith.andi %get3A_3782, %and3A_3784 : vector<16xi32>
    %and3A_3786 = arith.constant 2047 : i32
    %and3A_3787 = vector.broadcast %and3A_3786 : i32 to vector<16xi32>
    %and3A_3788 = arith.andi %get3A_3782, %and3A_3787 : vector<16xi32>
    %shift_left3A_3789 = arith.constant 3 : i32
    %shift_left3A_3790 = vector.broadcast %shift_left3A_3789 : i32 to vector<16xi32>
    %shift_left3A_3791 = arith.shli %and3A_3788, %shift_left3A_3790 : vector<16xi32>
    %add3A_3792 = arith.addi %and3A_3785, %shift_left3A_3791 : vector<16xi32>
    %shift_right_logical3A_3793 = arith.constant 11 : i32
    %shift_right_logical3A_3794 = vector.broadcast %shift_right_logical3A_3793 : i32 to vector<16xi32>
    %shift_right_logical3A_3795 = arith.shrui %get3A_3782, %shift_right_logical3A_3794 : vector<16xi32>
    %and3A_3796 = arith.constant 7 : i32
    %and3A_3797 = vector.broadcast %and3A_3796 : i32 to vector<16xi32>
    %and3A_3798 = arith.andi %shift_right_logical3A_3795, %and3A_3797 : vector<16xi32>
    %add3A_3799 = arith.addi %add3A_3792, %and3A_3798 : vector<16xi32>
    %swap3A_3800 = arith.index_cast %mul3A_3779 : i32 to index
    %swap3A_3801 = tpu.vector_load %arg13[%swap3A_3800] {strides = array<i32>} : memref<2560xi32, #tpu.memory_space<vmem>>, vector<16xi32>,
    %swap3A_3802 = vector.shape_cast %swap3A_3801 : vector<16xi32> to vector<16xi32>
    %swap3A_3803 = vector.shape_cast %add3A_3799 : vector<16xi32> to vector<16xi32>
    tpu.vector_store %arg13[%swap3A_3800], %swap3A_3803 {strides = array<i32>} : memref<2560xi32, #tpu.memory_space<vmem>>, vector<16xi32>,
    %scan3A_3804 = arith.constant 124 : i32
    %mul3A_3805 = arith.constant 16 : i32
    %mul3A_3806 = arith.muli %scan3A_3804, %mul3A_3805 : i32
    %get3A_3807 = arith.index_cast %mul3A_3806 : i32 to index
    %get3A_3808 = tpu.vector_load %arg13[%get3A_3807] {strides = array<i32>} : memref<2560xi32, #tpu.memory_space<vmem>>, vector<16xi32>,
    %get3A_3809 = vector.shape_cast %get3A_3808 : vector<16xi32> to vector<16xi32>
    %and3A_3810 = arith.constant -16384 : i32
    %and3A_3811 = vector.broadcast %and3A_3810 : i32 to vector<16xi32>
    %and3A_3812 = arith.andi %get3A_3809, %and3A_3811 : vector<16xi32>
    %and3A_3813 = arith.constant 2047 : i32
    %and3A_3814 = vector.broadcast %and3A_3813 : i32 to vector<16xi32>
    %and3A_3815 = arith.andi %get3A_3809, %and3A_3814 : vector<16xi32>
    %shift_left3A_3816 = arith.constant 3 : i32
    %shift_left3A_3817 = vector.broadcast %shift_left3A_3816 : i32 to vector<16xi32>
    %shift_left3A_3818 = arith.shli %and3A_3815, %shift_left3A_3817 : vector<16xi32>
    %add3A_3819 = arith.addi %and3A_3812, %shift_left3A_3818 : vector<16xi32>
    %shift_right_logical3A_3820 = arith.constant 11 : i32
    %shift_right_logical3A_3821 = vector.broadcast %shift_right_logical3A_3820 : i32 to vector<16xi32>
    %shift_right_logical3A_3822 = arith.shrui %get3A_3809, %shift_right_logical3A_3821 : vector<16xi32>
    %and3A_3823 = arith.constant 7 : i32
    %and3A_3824 = vector.broadcast %and3A_3823 : i32 to vector<16xi32>
    %and3A_3825 = arith.andi %shift_right_logical3A_3822, %and3A_3824 : vector<16xi32>
    %add3A_3826 = arith.addi %add3A_3819, %and3A_3825 : vector<16xi32>
    %swap3A_3827 = arith.index_cast %mul3A_3806 : i32 to index
    %swap3A_3828 = tpu.vector_load %arg13[%swap3A_3827] {strides = array<i32>} : memref<2560xi32, #tpu.memory_space<vmem>>, vector<16xi32>,
    %swap3A_3829 = vector.shape_cast %swap3A_3828 : vector<16xi32> to vector<16xi32>
    %swap3A_3830 = vector.shape_cast %add3A_3826 : vector<16xi32> to vector<16xi32>
    tpu.vector_store %arg13[%swap3A_3827], %swap3A_3830 {strides = array<i32>} : memref<2560xi32, #tpu.memory_space<vmem>>, vector<16xi32>,
    %scan3A_3831 = arith.constant 125 : i32
    %mul3A_3832 = arith.constant 16 : i32
    %mul3A_3833 = arith.muli %scan3A_3831, %mul3A_3832 : i32
    %get3A_3834 = arith.index_cast %mul3A_3833 : i32 to index
    %get3A_3835 = tpu.vector_load %arg13[%get3A_3834] {strides = array<i32>} : memref<2560xi32, #tpu.memory_space<vmem>>, vector<16xi32>,
    %get3A_3836 = vector.shape_cast %get3A_3835 : vector<16xi32> to vector<16xi32>
    %and3A_3837 = arith.constant -16384 : i32
    %and3A_3838 = vector.broadcast %and3A_3837 : i32 to vector<16xi32>
    %and3A_3839 = arith.andi %get3A_3836, %and3A_3838 : vector<16xi32>
    %and3A_3840 = arith.constant 2047 : i32
    %and3A_3841 = vector.broadcast %and3A_3840 : i32 to vector<16xi32>
    %and3A_3842 = arith.andi %get3A_3836, %and3A_3841 : vector<16xi32>
    %shift_left3A_3843 = arith.constant 3 : i32
    %shift_left3A_3844 = vector.broadcast %shift_left3A_3843 : i32 to vector<16xi32>
    %shift_left3A_3845 = arith.shli %and3A_3842, %shift_left3A_3844 : vector<16xi32>
    %add3A_3846 = arith.addi %and3A_3839, %shift_left3A_3845 : vector<16xi32>
    %shift_right_logical3A_3847 = arith.constant 11 : i32
    %shift_right_logical3A_3848 = vector.broadcast %shift_right_logical3A_3847 : i32 to vector<16xi32>
    %shift_right_logical3A_3849 = arith.shrui %get3A_3836, %shift_right_logical3A_3848 : vector<16xi32>
    %and3A_3850 = arith.constant 7 : i32
    %and3A_3851 = vector.broadcast %and3A_3850 : i32 to vector<16xi32>
    %and3A_3852 = arith.andi %shift_right_logical3A_3849, %and3A_3851 : vector<16xi32>
    %add3A_3853 = arith.addi %add3A_3846, %and3A_3852 : vector<16xi32>
    %swap3A_3854 = arith.index_cast %mul3A_3833 : i32 to index
    %swap3A_3855 = tpu.vector_load %arg13[%swap3A_3854] {strides = array<i32>} : memref<2560xi32, #tpu.memory_space<vmem>>, vector<16xi32>,
    %swap3A_3856 = vector.shape_cast %swap3A_3855 : vector<16xi32> to vector<16xi32>
    %swap3A_3857 = vector.shape_cast %add3A_3853 : vector<16xi32> to vector<16xi32>
    tpu.vector_store %arg13[%swap3A_3854], %swap3A_3857 {strides = array<i32>} : memref<2560xi32, #tpu.memory_space<vmem>>, vector<16xi32>,
    %scan3A_3858 = arith.constant 126 : i32
    %mul3A_3859 = arith.constant 16 : i32
    %mul3A_3860 = arith.muli %scan3A_3858, %mul3A_3859 : i32
    %get3A_3861 = arith.index_cast %mul3A_3860 : i32 to index
    %get3A_3862 = tpu.vector_load %arg13[%get3A_3861] {strides = array<i32>} : memref<2560xi32, #tpu.memory_space<vmem>>, vector<16xi32>,
    %get3A_3863 = vector.shape_cast %get3A_3862 : vector<16xi32> to vector<16xi32>
    %and3A_3864 = arith.constant -16384 : i32
    %and3A_3865 = vector.broadcast %and3A_3864 : i32 to vector<16xi32>
    %and3A_3866 = arith.andi %get3A_3863, %and3A_3865 : vector<16xi32>
    %and3A_3867 = arith.constant 2047 : i32
    %and3A_3868 = vector.broadcast %and3A_3867 : i32 to vector<16xi32>
    %and3A_3869 = arith.andi %get3A_3863, %and3A_3868 : vector<16xi32>
    %shift_left3A_3870 = arith.constant 3 : i32
    %shift_left3A_3871 = vector.broadcast %shift_left3A_3870 : i32 to vector<16xi32>
    %shift_left3A_3872 = arith.shli %and3A_3869, %shift_left3A_3871 : vector<16xi32>
    %add3A_3873 = arith.addi %and3A_3866, %shift_left3A_3872 : vector<16xi32>
    %shift_right_logical3A_3874 = arith.constant 11 : i32
    %shift_right_logical3A_3875 = vector.broadcast %shift_right_logical3A_3874 : i32 to vector<16xi32>
    %shift_right_logical3A_3876 = arith.shrui %get3A_3863, %shift_right_logical3A_3875 : vector<16xi32>
    %and3A_3877 = arith.constant 7 : i32
    %and3A_3878 = vector.broadcast %and3A_3877 : i32 to vector<16xi32>
    %and3A_3879 = arith.andi %shift_right_logical3A_3876, %and3A_3878 : vector<16xi32>
    %add3A_3880 = arith.addi %add3A_3873, %and3A_3879 : vector<16xi32>
    %swap3A_3881 = arith.index_cast %mul3A_3860 : i32 to index
    %swap3A_3882 = tpu.vector_load %arg13[%swap3A_3881] {strides = array<i32>} : memref<2560xi32, #tpu.memory_space<vmem>>, vector<16xi32>,
    %swap3A_3883 = vector.shape_cast %swap3A_3882 : vector<16xi32> to vector<16xi32>
    %swap3A_3884 = vector.shape_cast %add3A_3880 : vector<16xi32> to vector<16xi32>
    tpu.vector_store %arg13[%swap3A_3881], %swap3A_3884 {strides = array<i32>} : memref<2560xi32, #tpu.memory_space<vmem>>, vector<16xi32>,
    %scan3A_3885 = arith.constant 127 : i32
    %mul3A_3886 = arith.constant 16 : i32
    %mul3A_3887 = arith.muli %scan3A_3885, %mul3A_3886 : i32
    %get3A_3888 = arith.index_cast %mul3A_3887 : i32 to index
    %get3A_3889 = tpu.vector_load %arg13[%get3A_3888] {strides = array<i32>} : memref<2560xi32, #tpu.memory_space<vmem>>, vector<16xi32>,
    %get3A_3890 = vector.shape_cast %get3A_3889 : vector<16xi32> to vector<16xi32>
    %and3A_3891 = arith.constant -16384 : i32
    %and3A_3892 = vector.broadcast %and3A_3891 : i32 to vector<16xi32>
    %and3A_3893 = arith.andi %get3A_3890, %and3A_3892 : vector<16xi32>
    %and3A_3894 = arith.constant 2047 : i32
    %and3A_3895 = vector.broadcast %and3A_3894 : i32 to vector<16xi32>
    %and3A_3896 = arith.andi %get3A_3890, %and3A_3895 : vector<16xi32>
    %shift_left3A_3897 = arith.constant 3 : i32
    %shift_left3A_3898 = vector.broadcast %shift_left3A_3897 : i32 to vector<16xi32>
    %shift_left3A_3899 = arith.shli %and3A_3896, %shift_left3A_3898 : vector<16xi32>
    %add3A_3900 = arith.addi %and3A_3893, %shift_left3A_3899 : vector<16xi32>
    %shift_right_logical3A_3901 = arith.constant 11 : i32
    %shift_right_logical3A_3902 = vector.broadcast %shift_right_logical3A_3901 : i32 to vector<16xi32>
    %shift_right_logical3A_3903 = arith.shrui %get3A_3890, %shift_right_logical3A_3902 : vector<16xi32>
    %and3A_3904 = arith.constant 7 : i32
    %and3A_3905 = vector.broadcast %and3A_3904 : i32 to vector<16xi32>
    %and3A_3906 = arith.andi %shift_right_logical3A_3903, %and3A_3905 : vector<16xi32>
    %add3A_3907 = arith.addi %add3A_3900, %and3A_3906 : vector<16xi32>
    %swap3A_3908 = arith.index_cast %mul3A_3887 : i32 to index
    %swap3A_3909 = tpu.vector_load %arg13[%swap3A_3908] {strides = array<i32>} : memref<2560xi32, #tpu.memory_space<vmem>>, vector<16xi32>,
    %swap3A_3910 = vector.shape_cast %swap3A_3909 : vector<16xi32> to vector<16xi32>
    %swap3A_3911 = vector.shape_cast %add3A_3907 : vector<16xi32> to vector<16xi32>
    tpu.vector_store %arg13[%swap3A_3908], %swap3A_3911 {strides = array<i32>} : memref<2560xi32, #tpu.memory_space<vmem>>, vector<16xi32>,
    %scan3A_3912 = arith.constant 128 : i32
    %mul3A_3913 = arith.constant 16 : i32
    %mul3A_3914 = arith.muli %scan3A_3912, %mul3A_3913 : i32
    %get3A_3915 = arith.index_cast %mul3A_3914 : i32 to index
    %get3A_3916 = tpu.vector_load %arg13[%get3A_3915] {strides = array<i32>} : memref<2560xi32, #tpu.memory_space<vmem>>, vector<16xi32>,
    %get3A_3917 = vector.shape_cast %get3A_3916 : vector<16xi32> to vector<16xi32>
    %and3A_3918 = arith.constant -16384 : i32
    %and3A_3919 = vector.broadcast %and3A_3918 : i32 to vector<16xi32>
    %and3A_3920 = arith.andi %get3A_3917, %and3A_3919 : vector<16xi32>
    %and3A_3921 = arith.constant 2047 : i32
    %and3A_3922 = vector.broadcast %and3A_3921 : i32 to vector<16xi32>
    %and3A_3923 = arith.andi %get3A_3917, %and3A_3922 : vector<16xi32>
    %shift_left3A_3924 = arith.constant 3 : i32
    %shift_left3A_3925 = vector.broadcast %shift_left3A_3924 : i32 to vector<16xi32>
    %shift_left3A_3926 = arith.shli %and3A_3923, %shift_left3A_3925 : vector<16xi32>
    %add3A_3927 = arith.addi %and3A_3920, %shift_left3A_3926 : vector<16xi32>
    %shift_right_logical3A_3928 = arith.constant 11 : i32
    %shift_right_logical3A_3929 = vector.broadcast %shift_right_logical3A_3928 : i32 to vector<16xi32>
    %shift_right_logical3A_3930 = arith.shrui %get3A_3917, %shift_right_logical3A_3929 : vector<16xi32>
    %and3A_3931 = arith.constant 7 : i32
    %and3A_3932 = vector.broadcast %and3A_3931 : i32 to vector<16xi32>
    %and3A_3933 = arith.andi %shift_right_logical3A_3930, %and3A_3932 : vector<16xi32>
    %add3A_3934 = arith.addi %add3A_3927, %and3A_3933 : vector<16xi32>
    %swap3A_3935 = arith.index_cast %mul3A_3914 : i32 to index
    %swap3A_3936 = tpu.vector_load %arg13[%swap3A_3935] {strides = array<i32>} : memref<2560xi32, #tpu.memory_space<vmem>>, vector<16xi32>,
    %swap3A_3937 = vector.shape_cast %swap3A_3936 : vector<16xi32> to vector<16xi32>
    %swap3A_3938 = vector.shape_cast %add3A_3934 : vector<16xi32> to vector<16xi32>
    tpu.vector_store %arg13[%swap3A_3935], %swap3A_3938 {strides = array<i32>} : memref<2560xi32, #tpu.memory_space<vmem>>, vector<16xi32>,
    %scan3A_3939 = arith.constant 129 : i32
    %mul3A_3940 = arith.constant 16 : i32
    %mul3A_3941 = arith.muli %scan3A_3939, %mul3A_3940 : i32
    %get3A_3942 = arith.index_cast %mul3A_3941 : i32 to index
    %get3A_3943 = tpu.vector_load %arg13[%get3A_3942] {strides = array<i32>} : memref<2560xi32, #tpu.memory_space<vmem>>, vector<16xi32>,
    %get3A_3944 = vector.shape_cast %get3A_3943 : vector<16xi32> to vector<16xi32>
    %and3A_3945 = arith.constant -16384 : i32
    %and3A_3946 = vector.broadcast %and3A_3945 : i32 to vector<16xi32>
    %and3A_3947 = arith.andi %get3A_3944, %and3A_3946 : vector<16xi32>
    %and3A_3948 = arith.constant 2047 : i32
    %and3A_3949 = vector.broadcast %and3A_3948 : i32 to vector<16xi32>
    %and3A_3950 = arith.andi %get3A_3944, %and3A_3949 : vector<16xi32>
    %shift_left3A_3951 = arith.constant 3 : i32
    %shift_left3A_3952 = vector.broadcast %shift_left3A_3951 : i32 to vector<16xi32>
    %shift_left3A_3953 = arith.shli %and3A_3950, %shift_left3A_3952 : vector<16xi32>
    %add3A_3954 = arith.addi %and3A_3947, %shift_left3A_3953 : vector<16xi32>
    %shift_right_logical3A_3955 = arith.constant 11 : i32
    %shift_right_logical3A_3956 = vector.broadcast %shift_right_logical3A_3955 : i32 to vector<16xi32>
    %shift_right_logical3A_3957 = arith.shrui %get3A_3944, %shift_right_logical3A_3956 : vector<16xi32>
    %and3A_3958 = arith.constant 7 : i32
    %and3A_3959 = vector.broadcast %and3A_3958 : i32 to vector<16xi32>
    %and3A_3960 = arith.andi %shift_right_logical3A_3957, %and3A_3959 : vector<16xi32>
    %add3A_3961 = arith.addi %add3A_3954, %and3A_3960 : vector<16xi32>
    %swap3A_3962 = arith.index_cast %mul3A_3941 : i32 to index
    %swap3A_3963 = tpu.vector_load %arg13[%swap3A_3962] {strides = array<i32>} : memref<2560xi32, #tpu.memory_space<vmem>>, vector<16xi32>,
    %swap3A_3964 = vector.shape_cast %swap3A_3963 : vector<16xi32> to vector<16xi32>
    %swap3A_3965 = vector.shape_cast %add3A_3961 : vector<16xi32> to vector<16xi32>
    tpu.vector_store %arg13[%swap3A_3962], %swap3A_3965 {strides = array<i32>} : memref<2560xi32, #tpu.memory_space<vmem>>, vector<16xi32>,
    %scan3A_3966 = arith.constant 130 : i32
    %mul3A_3967 = arith.constant 16 : i32
    %mul3A_3968 = arith.muli %scan3A_3966, %mul3A_3967 : i32
    %get3A_3969 = arith.index_cast %mul3A_3968 : i32 to index
    %get3A_3970 = tpu.vector_load %arg13[%get3A_3969] {strides = array<i32>} : memref<2560xi32, #tpu.memory_space<vmem>>, vector<16xi32>,
    %get3A_3971 = vector.shape_cast %get3A_3970 : vector<16xi32> to vector<16xi32>
    %and3A_3972 = arith.constant -16384 : i32
    %and3A_3973 = vector.broadcast %and3A_3972 : i32 to vector<16xi32>
    %and3A_3974 = arith.andi %get3A_3971, %and3A_3973 : vector<16xi32>
    %and3A_3975 = arith.constant 2047 : i32
    %and3A_3976 = vector.broadcast %and3A_3975 : i32 to vector<16xi32>
    %and3A_3977 = arith.andi %get3A_3971, %and3A_3976 : vector<16xi32>
    %shift_left3A_3978 = arith.constant 3 : i32
    %shift_left3A_3979 = vector.broadcast %shift_left3A_3978 : i32 to vector<16xi32>
    %shift_left3A_3980 = arith.shli %and3A_3977, %shift_left3A_3979 : vector<16xi32>
    %add3A_3981 = arith.addi %and3A_3974, %shift_left3A_3980 : vector<16xi32>
    %shift_right_logical3A_3982 = arith.constant 11 : i32
    %shift_right_logical3A_3983 = vector.broadcast %shift_right_logical3A_3982 : i32 to vector<16xi32>
    %shift_right_logical3A_3984 = arith.shrui %get3A_3971, %shift_right_logical3A_3983 : vector<16xi32>
    %and3A_3985 = arith.constant 7 : i32
    %and3A_3986 = vector.broadcast %and3A_3985 : i32 to vector<16xi32>
    %and3A_3987 = arith.andi %shift_right_logical3A_3984, %and3A_3986 : vector<16xi32>
    %add3A_3988 = arith.addi %add3A_3981, %and3A_3987 : vector<16xi32>
    %swap3A_3989 = arith.index_cast %mul3A_3968 : i32 to index
    %swap3A_3990 = tpu.vector_load %arg13[%swap3A_3989] {strides = array<i32>} : memref<2560xi32, #tpu.memory_space<vmem>>, vector<16xi32>,
    %swap3A_3991 = vector.shape_cast %swap3A_3990 : vector<16xi32> to vector<16xi32>
    %swap3A_3992 = vector.shape_cast %add3A_3988 : vector<16xi32> to vector<16xi32>
    tpu.vector_store %arg13[%swap3A_3989], %swap3A_3992 {strides = array<i32>} : memref<2560xi32, #tpu.memory_space<vmem>>, vector<16xi32>,
    %scan3A_3993 = arith.constant 131 : i32
    %mul3A_3994 = arith.constant 16 : i32
    %mul3A_3995 = arith.muli %scan3A_3993, %mul3A_3994 : i32
    %get3A_3996 = arith.index_cast %mul3A_3995 : i32 to index
    %get3A_3997 = tpu.vector_load %arg13[%get3A_3996] {strides = array<i32>} : memref<2560xi32, #tpu.memory_space<vmem>>, vector<16xi32>,
    %get3A_3998 = vector.shape_cast %get3A_3997 : vector<16xi32> to vector<16xi32>
    %and3A_3999 = arith.constant -16384 : i32
    %and3A_4000 = vector.broadcast %and3A_3999 : i32 to vector<16xi32>
    %and3A_4001 = arith.andi %get3A_3998, %and3A_4000 : vector<16xi32>
    %and3A_4002 = arith.constant 2047 : i32
    %and3A_4003 = vector.broadcast %and3A_4002 : i32 to vector<16xi32>
    %and3A_4004 = arith.andi %get3A_3998, %and3A_4003 : vector<16xi32>
    %shift_left3A_4005 = arith.constant 3 : i32
    %shift_left3A_4006 = vector.broadcast %shift_left3A_4005 : i32 to vector<16xi32>
    %shift_left3A_4007 = arith.shli %and3A_4004, %shift_left3A_4006 : vector<16xi32>
    %add3A_4008 = arith.addi %and3A_4001, %shift_left3A_4007 : vector<16xi32>
    %shift_right_logical3A_4009 = arith.constant 11 : i32
    %shift_right_logical3A_4010 = vector.broadcast %shift_right_logical3A_4009 : i32 to vector<16xi32>
    %shift_right_logical3A_4011 = arith.shrui %get3A_3998, %shift_right_logical3A_4010 : vector<16xi32>
    %and3A_4012 = arith.constant 7 : i32
    %and3A_4013 = vector.broadcast %and3A_4012 : i32 to vector<16xi32>
    %and3A_4014 = arith.andi %shift_right_logical3A_4011, %and3A_4013 : vector<16xi32>
    %add3A_4015 = arith.addi %add3A_4008, %and3A_4014 : vector<16xi32>
    %swap3A_4016 = arith.index_cast %mul3A_3995 : i32 to index
    %swap3A_4017 = tpu.vector_load %arg13[%swap3A_4016] {strides = array<i32>} : memref<2560xi32, #tpu.memory_space<vmem>>, vector<16xi32>,
    %swap3A_4018 = vector.shape_cast %swap3A_4017 : vector<16xi32> to vector<16xi32>
    %swap3A_4019 = vector.shape_cast %add3A_4015 : vector<16xi32> to vector<16xi32>
    tpu.vector_store %arg13[%swap3A_4016], %swap3A_4019 {strides = array<i32>} : memref<2560xi32, #tpu.memory_space<vmem>>, vector<16xi32>,
    %scan3A_4020 = arith.constant 132 : i32
    %mul3A_4021 = arith.constant 16 : i32
    %mul3A_4022 = arith.muli %scan3A_4020, %mul3A_4021 : i32
    %get3A_4023 = arith.index_cast %mul3A_4022 : i32 to index
    %get3A_4024 = tpu.vector_load %arg13[%get3A_4023] {strides = array<i32>} : memref<2560xi32, #tpu.memory_space<vmem>>, vector<16xi32>,
    %get3A_4025 = vector.shape_cast %get3A_4024 : vector<16xi32> to vector<16xi32>
    %and3A_4026 = arith.constant -16384 : i32
    %and3A_4027 = vector.broadcast %and3A_4026 : i32 to vector<16xi32>
    %and3A_4028 = arith.andi %get3A_4025, %and3A_4027 : vector<16xi32>
    %and3A_4029 = arith.constant 2047 : i32
    %and3A_4030 = vector.broadcast %and3A_4029 : i32 to vector<16xi32>
    %and3A_4031 = arith.andi %get3A_4025, %and3A_4030 : vector<16xi32>
    %shift_left3A_4032 = arith.constant 3 : i32
    %shift_left3A_4033 = vector.broadcast %shift_left3A_4032 : i32 to vector<16xi32>
    %shift_left3A_4034 = arith.shli %and3A_4031, %shift_left3A_4033 : vector<16xi32>
    %add3A_4035 = arith.addi %and3A_4028, %shift_left3A_4034 : vector<16xi32>
    %shift_right_logical3A_4036 = arith.constant 11 : i32
    %shift_right_logical3A_4037 = vector.broadcast %shift_right_logical3A_4036 : i32 to vector<16xi32>
    %shift_right_logical3A_4038 = arith.shrui %get3A_4025, %shift_right_logical3A_4037 : vector<16xi32>
    %and3A_4039 = arith.constant 7 : i32
    %and3A_4040 = vector.broadcast %and3A_4039 : i32 to vector<16xi32>
    %and3A_4041 = arith.andi %shift_right_logical3A_4038, %and3A_4040 : vector<16xi32>
    %add3A_4042 = arith.addi %add3A_4035, %and3A_4041 : vector<16xi32>
    %swap3A_4043 = arith.index_cast %mul3A_4022 : i32 to index
    %swap3A_4044 = tpu.vector_load %arg13[%swap3A_4043] {strides = array<i32>} : memref<2560xi32, #tpu.memory_space<vmem>>, vector<16xi32>,
    %swap3A_4045 = vector.shape_cast %swap3A_4044 : vector<16xi32> to vector<16xi32>
    %swap3A_4046 = vector.shape_cast %add3A_4042 : vector<16xi32> to vector<16xi32>
    tpu.vector_store %arg13[%swap3A_4043], %swap3A_4046 {strides = array<i32>} : memref<2560xi32, #tpu.memory_space<vmem>>, vector<16xi32>,
    %scan3A_4047 = arith.constant 133 : i32
    %mul3A_4048 = arith.constant 16 : i32
    %mul3A_4049 = arith.muli %scan3A_4047, %mul3A_4048 : i32
    %get3A_4050 = arith.index_cast %mul3A_4049 : i32 to index
    %get3A_4051 = tpu.vector_load %arg13[%get3A_4050] {strides = array<i32>} : memref<2560xi32, #tpu.memory_space<vmem>>, vector<16xi32>,
    %get3A_4052 = vector.shape_cast %get3A_4051 : vector<16xi32> to vector<16xi32>
    %and3A_4053 = arith.constant -16384 : i32
    %and3A_4054 = vector.broadcast %and3A_4053 : i32 to vector<16xi32>
    %and3A_4055 = arith.andi %get3A_4052, %and3A_4054 : vector<16xi32>
    %and3A_4056 = arith.constant 2047 : i32
    %and3A_4057 = vector.broadcast %and3A_4056 : i32 to vector<16xi32>
    %and3A_4058 = arith.andi %get3A_4052, %and3A_4057 : vector<16xi32>
    %shift_left3A_4059 = arith.constant 3 : i32
    %shift_left3A_4060 = vector.broadcast %shift_left3A_4059 : i32 to vector<16xi32>
    %shift_left3A_4061 = arith.shli %and3A_4058, %shift_left3A_4060 : vector<16xi32>
    %add3A_4062 = arith.addi %and3A_4055, %shift_left3A_4061 : vector<16xi32>
    %shift_right_logical3A_4063 = arith.constant 11 : i32
    %shift_right_logical3A_4064 = vector.broadcast %shift_right_logical3A_4063 : i32 to vector<16xi32>
    %shift_right_logical3A_4065 = arith.shrui %get3A_4052, %shift_right_logical3A_4064 : vector<16xi32>
    %and3A_4066 = arith.constant 7 : i32
    %and3A_4067 = vector.broadcast %and3A_4066 : i32 to vector<16xi32>
    %and3A_4068 = arith.andi %shift_right_logical3A_4065, %and3A_4067 : vector<16xi32>
    %add3A_4069 = arith.addi %add3A_4062, %and3A_4068 : vector<16xi32>
    %swap3A_4070 = arith.index_cast %mul3A_4049 : i32 to index
    %swap3A_4071 = tpu.vector_load %arg13[%swap3A_4070] {strides = array<i32>} : memref<2560xi32, #tpu.memory_space<vmem>>, vector<16xi32>,
    %swap3A_4072 = vector.shape_cast %swap3A_4071 : vector<16xi32> to vector<16xi32>
    %swap3A_4073 = vector.shape_cast %add3A_4069 : vector<16xi32> to vector<16xi32>
    tpu.vector_store %arg13[%swap3A_4070], %swap3A_4073 {strides = array<i32>} : memref<2560xi32, #tpu.memory_space<vmem>>, vector<16xi32>,
    %scan3A_4074 = arith.constant 134 : i32
    %mul3A_4075 = arith.constant 16 : i32
    %mul3A_4076 = arith.muli %scan3A_4074, %mul3A_4075 : i32
    %get3A_4077 = arith.index_cast %mul3A_4076 : i32 to index
    %get3A_4078 = tpu.vector_load %arg13[%get3A_4077] {strides = array<i32>} : memref<2560xi32, #tpu.memory_space<vmem>>, vector<16xi32>,
    %get3A_4079 = vector.shape_cast %get3A_4078 : vector<16xi32> to vector<16xi32>
    %and3A_4080 = arith.constant -16384 : i32
    %and3A_4081 = vector.broadcast %and3A_4080 : i32 to vector<16xi32>
    %and3A_4082 = arith.andi %get3A_4079, %and3A_4081 : vector<16xi32>
    %and3A_4083 = arith.constant 2047 : i32
    %and3A_4084 = vector.broadcast %and3A_4083 : i32 to vector<16xi32>
    %and3A_4085 = arith.andi %get3A_4079, %and3A_4084 : vector<16xi32>
    %shift_left3A_4086 = arith.constant 3 : i32
    %shift_left3A_4087 = vector.broadcast %shift_left3A_4086 : i32 to vector<16xi32>
    %shift_left3A_4088 = arith.shli %and3A_4085, %shift_left3A_4087 : vector<16xi32>
    %add3A_4089 = arith.addi %and3A_4082, %shift_left3A_4088 : vector<16xi32>
    %shift_right_logical3A_4090 = arith.constant 11 : i32
    %shift_right_logical3A_4091 = vector.broadcast %shift_right_logical3A_4090 : i32 to vector<16xi32>
    %shift_right_logical3A_4092 = arith.shrui %get3A_4079, %shift_right_logical3A_4091 : vector<16xi32>
    %and3A_4093 = arith.constant 7 : i32
    %and3A_4094 = vector.broadcast %and3A_4093 : i32 to vector<16xi32>
    %and3A_4095 = arith.andi %shift_right_logical3A_4092, %and3A_4094 : vector<16xi32>
    %add3A_4096 = arith.addi %add3A_4089, %and3A_4095 : vector<16xi32>
    %swap3A_4097 = arith.index_cast %mul3A_4076 : i32 to index
    %swap3A_4098 = tpu.vector_load %arg13[%swap3A_4097] {strides = array<i32>} : memref<2560xi32, #tpu.memory_space<vmem>>, vector<16xi32>,
    %swap3A_4099 = vector.shape_cast %swap3A_4098 : vector<16xi32> to vector<16xi32>
    %swap3A_4100 = vector.shape_cast %add3A_4096 : vector<16xi32> to vector<16xi32>
    tpu.vector_store %arg13[%swap3A_4097], %swap3A_4100 {strides = array<i32>} : memref<2560xi32, #tpu.memory_space<vmem>>, vector<16xi32>,
    %scan3A_4101 = arith.constant 135 : i32
    %mul3A_4102 = arith.constant 16 : i32
    %mul3A_4103 = arith.muli %scan3A_4101, %mul3A_4102 : i32
    %get3A_4104 = arith.index_cast %mul3A_4103 : i32 to index
    %get3A_4105 = tpu.vector_load %arg13[%get3A_4104] {strides = array<i32>} : memref<2560xi32, #tpu.memory_space<vmem>>, vector<16xi32>,
    %get3A_4106 = vector.shape_cast %get3A_4105 : vector<16xi32> to vector<16xi32>
    %and3A_4107 = arith.constant -16384 : i32
    %and3A_4108 = vector.broadcast %and3A_4107 : i32 to vector<16xi32>
    %and3A_4109 = arith.andi %get3A_4106, %and3A_4108 : vector<16xi32>
    %and3A_4110 = arith.constant 2047 : i32
    %and3A_4111 = vector.broadcast %and3A_4110 : i32 to vector<16xi32>
    %and3A_4112 = arith.andi %get3A_4106, %and3A_4111 : vector<16xi32>
    %shift_left3A_4113 = arith.constant 3 : i32
    %shift_left3A_4114 = vector.broadcast %shift_left3A_4113 : i32 to vector<16xi32>
    %shift_left3A_4115 = arith.shli %and3A_4112, %shift_left3A_4114 : vector<16xi32>
    %add3A_4116 = arith.addi %and3A_4109, %shift_left3A_4115 : vector<16xi32>
    %shift_right_logical3A_4117 = arith.constant 11 : i32
    %shift_right_logical3A_4118 = vector.broadcast %shift_right_logical3A_4117 : i32 to vector<16xi32>
    %shift_right_logical3A_4119 = arith.shrui %get3A_4106, %shift_right_logical3A_4118 : vector<16xi32>
    %and3A_4120 = arith.constant 7 : i32
    %and3A_4121 = vector.broadcast %and3A_4120 : i32 to vector<16xi32>
    %and3A_4122 = arith.andi %shift_right_logical3A_4119, %and3A_4121 : vector<16xi32>
    %add3A_4123 = arith.addi %add3A_4116, %and3A_4122 : vector<16xi32>
    %swap3A_4124 = arith.index_cast %mul3A_4103 : i32 to index
    %swap3A_4125 = tpu.vector_load %arg13[%swap3A_4124] {strides = array<i32>} : memref<2560xi32, #tpu.memory_space<vmem>>, vector<16xi32>,
    %swap3A_4126 = vector.shape_cast %swap3A_4125 : vector<16xi32> to vector<16xi32>
    %swap3A_4127 = vector.shape_cast %add3A_4123 : vector<16xi32> to vector<16xi32>
    tpu.vector_store %arg13[%swap3A_4124], %swap3A_4127 {strides = array<i32>} : memref<2560xi32, #tpu.memory_space<vmem>>, vector<16xi32>,
    %scan3A_4128 = arith.constant 136 : i32
    %mul3A_4129 = arith.constant 16 : i32
    %mul3A_4130 = arith.muli %scan3A_4128, %mul3A_4129 : i32
    %get3A_4131 = arith.index_cast %mul3A_4130 : i32 to index
    %get3A_4132 = tpu.vector_load %arg13[%get3A_4131] {strides = array<i32>} : memref<2560xi32, #tpu.memory_space<vmem>>, vector<16xi32>,
    %get3A_4133 = vector.shape_cast %get3A_4132 : vector<16xi32> to vector<16xi32>
    %and3A_4134 = arith.constant -16384 : i32
    %and3A_4135 = vector.broadcast %and3A_4134 : i32 to vector<16xi32>
    %and3A_4136 = arith.andi %get3A_4133, %and3A_4135 : vector<16xi32>
    %and3A_4137 = arith.constant 2047 : i32
    %and3A_4138 = vector.broadcast %and3A_4137 : i32 to vector<16xi32>
    %and3A_4139 = arith.andi %get3A_4133, %and3A_4138 : vector<16xi32>
    %shift_left3A_4140 = arith.constant 3 : i32
    %shift_left3A_4141 = vector.broadcast %shift_left3A_4140 : i32 to vector<16xi32>
    %shift_left3A_4142 = arith.shli %and3A_4139, %shift_left3A_4141 : vector<16xi32>
    %add3A_4143 = arith.addi %and3A_4136, %shift_left3A_4142 : vector<16xi32>
    %shift_right_logical3A_4144 = arith.constant 11 : i32
    %shift_right_logical3A_4145 = vector.broadcast %shift_right_logical3A_4144 : i32 to vector<16xi32>
    %shift_right_logical3A_4146 = arith.shrui %get3A_4133, %shift_right_logical3A_4145 : vector<16xi32>
    %and3A_4147 = arith.constant 7 : i32
    %and3A_4148 = vector.broadcast %and3A_4147 : i32 to vector<16xi32>
    %and3A_4149 = arith.andi %shift_right_logical3A_4146, %and3A_4148 : vector<16xi32>
    %add3A_4150 = arith.addi %add3A_4143, %and3A_4149 : vector<16xi32>
    %swap3A_4151 = arith.index_cast %mul3A_4130 : i32 to index
    %swap3A_4152 = tpu.vector_load %arg13[%swap3A_4151] {strides = array<i32>} : memref<2560xi32, #tpu.memory_space<vmem>>, vector<16xi32>,
    %swap3A_4153 = vector.shape_cast %swap3A_4152 : vector<16xi32> to vector<16xi32>
    %swap3A_4154 = vector.shape_cast %add3A_4150 : vector<16xi32> to vector<16xi32>
    tpu.vector_store %arg13[%swap3A_4151], %swap3A_4154 {strides = array<i32>} : memref<2560xi32, #tpu.memory_space<vmem>>, vector<16xi32>,
    %scan3A_4155 = arith.constant 137 : i32
    %mul3A_4156 = arith.constant 16 : i32
    %mul3A_4157 = arith.muli %scan3A_4155, %mul3A_4156 : i32
    %get3A_4158 = arith.index_cast %mul3A_4157 : i32 to index
    %get3A_4159 = tpu.vector_load %arg13[%get3A_4158] {strides = array<i32>} : memref<2560xi32, #tpu.memory_space<vmem>>, vector<16xi32>,
    %get3A_4160 = vector.shape_cast %get3A_4159 : vector<16xi32> to vector<16xi32>
    %and3A_4161 = arith.constant -16384 : i32
    %and3A_4162 = vector.broadcast %and3A_4161 : i32 to vector<16xi32>
    %and3A_4163 = arith.andi %get3A_4160, %and3A_4162 : vector<16xi32>
    %and3A_4164 = arith.constant 2047 : i32
    %and3A_4165 = vector.broadcast %and3A_4164 : i32 to vector<16xi32>
    %and3A_4166 = arith.andi %get3A_4160, %and3A_4165 : vector<16xi32>
    %shift_left3A_4167 = arith.constant 3 : i32
    %shift_left3A_4168 = vector.broadcast %shift_left3A_4167 : i32 to vector<16xi32>
    %shift_left3A_4169 = arith.shli %and3A_4166, %shift_left3A_4168 : vector<16xi32>
    %add3A_4170 = arith.addi %and3A_4163, %shift_left3A_4169 : vector<16xi32>
    %shift_right_logical3A_4171 = arith.constant 11 : i32
    %shift_right_logical3A_4172 = vector.broadcast %shift_right_logical3A_4171 : i32 to vector<16xi32>
    %shift_right_logical3A_4173 = arith.shrui %get3A_4160, %shift_right_logical3A_4172 : vector<16xi32>
    %and3A_4174 = arith.constant 7 : i32
    %and3A_4175 = vector.broadcast %and3A_4174 : i32 to vector<16xi32>
    %and3A_4176 = arith.andi %shift_right_logical3A_4173, %and3A_4175 : vector<16xi32>
    %add3A_4177 = arith.addi %add3A_4170, %and3A_4176 : vector<16xi32>
    %swap3A_4178 = arith.index_cast %mul3A_4157 : i32 to index
    %swap3A_4179 = tpu.vector_load %arg13[%swap3A_4178] {strides = array<i32>} : memref<2560xi32, #tpu.memory_space<vmem>>, vector<16xi32>,
    %swap3A_4180 = vector.shape_cast %swap3A_4179 : vector<16xi32> to vector<16xi32>
    %swap3A_4181 = vector.shape_cast %add3A_4177 : vector<16xi32> to vector<16xi32>
    tpu.vector_store %arg13[%swap3A_4178], %swap3A_4181 {strides = array<i32>} : memref<2560xi32, #tpu.memory_space<vmem>>, vector<16xi32>,
    %scan3A_4182 = arith.constant 138 : i32
    %mul3A_4183 = arith.constant 16 : i32
    %mul3A_4184 = arith.muli %scan3A_4182, %mul3A_4183 : i32
    %get3A_4185 = arith.index_cast %mul3A_4184 : i32 to index
    %get3A_4186 = tpu.vector_load %arg13[%get3A_4185] {strides = array<i32>} : memref<2560xi32, #tpu.memory_space<vmem>>, vector<16xi32>,
    %get3A_4187 = vector.shape_cast %get3A_4186 : vector<16xi32> to vector<16xi32>
    %and3A_4188 = arith.constant -16384 : i32
    %and3A_4189 = vector.broadcast %and3A_4188 : i32 to vector<16xi32>
    %and3A_4190 = arith.andi %get3A_4187, %and3A_4189 : vector<16xi32>
    %and3A_4191 = arith.constant 2047 : i32
    %and3A_4192 = vector.broadcast %and3A_4191 : i32 to vector<16xi32>
    %and3A_4193 = arith.andi %get3A_4187, %and3A_4192 : vector<16xi32>
    %shift_left3A_4194 = arith.constant 3 : i32
    %shift_left3A_4195 = vector.broadcast %shift_left3A_4194 : i32 to vector<16xi32>
    %shift_left3A_4196 = arith.shli %and3A_4193, %shift_left3A_4195 : vector<16xi32>
    %add3A_4197 = arith.addi %and3A_4190, %shift_left3A_4196 : vector<16xi32>
    %shift_right_logical3A_4198 = arith.constant 11 : i32
    %shift_right_logical3A_4199 = vector.broadcast %shift_right_logical3A_4198 : i32 to vector<16xi32>
    %shift_right_logical3A_4200 = arith.shrui %get3A_4187, %shift_right_logical3A_4199 : vector<16xi32>
    %and3A_4201 = arith.constant 7 : i32
    %and3A_4202 = vector.broadcast %and3A_4201 : i32 to vector<16xi32>
    %and3A_4203 = arith.andi %shift_right_logical3A_4200, %and3A_4202 : vector<16xi32>
    %add3A_4204 = arith.addi %add3A_4197, %and3A_4203 : vector<16xi32>
    %swap3A_4205 = arith.index_cast %mul3A_4184 : i32 to index
    %swap3A_4206 = tpu.vector_load %arg13[%swap3A_4205] {strides = array<i32>} : memref<2560xi32, #tpu.memory_space<vmem>>, vector<16xi32>,
    %swap3A_4207 = vector.shape_cast %swap3A_4206 : vector<16xi32> to vector<16xi32>
    %swap3A_4208 = vector.shape_cast %add3A_4204 : vector<16xi32> to vector<16xi32>
    tpu.vector_store %arg13[%swap3A_4205], %swap3A_4208 {strides = array<i32>} : memref<2560xi32, #tpu.memory_space<vmem>>, vector<16xi32>,
    %scan3A_4209 = arith.constant 139 : i32
    %mul3A_4210 = arith.constant 16 : i32
    %mul3A_4211 = arith.muli %scan3A_4209, %mul3A_4210 : i32
    %get3A_4212 = arith.index_cast %mul3A_4211 : i32 to index
    %get3A_4213 = tpu.vector_load %arg13[%get3A_4212] {strides = array<i32>} : memref<2560xi32, #tpu.memory_space<vmem>>, vector<16xi32>,
    %get3A_4214 = vector.shape_cast %get3A_4213 : vector<16xi32> to vector<16xi32>
    %and3A_4215 = arith.constant -16384 : i32
    %and3A_4216 = vector.broadcast %and3A_4215 : i32 to vector<16xi32>
    %and3A_4217 = arith.andi %get3A_4214, %and3A_4216 : vector<16xi32>
    %and3A_4218 = arith.constant 2047 : i32
    %and3A_4219 = vector.broadcast %and3A_4218 : i32 to vector<16xi32>
    %and3A_4220 = arith.andi %get3A_4214, %and3A_4219 : vector<16xi32>
    %shift_left3A_4221 = arith.constant 3 : i32
    %shift_left3A_4222 = vector.broadcast %shift_left3A_4221 : i32 to vector<16xi32>
    %shift_left3A_4223 = arith.shli %and3A_4220, %shift_left3A_4222 : vector<16xi32>
    %add3A_4224 = arith.addi %and3A_4217, %shift_left3A_4223 : vector<16xi32>
    %shift_right_logical3A_4225 = arith.constant 11 : i32
    %shift_right_logical3A_4226 = vector.broadcast %shift_right_logical3A_4225 : i32 to vector<16xi32>
    %shift_right_logical3A_4227 = arith.shrui %get3A_4214, %shift_right_logical3A_4226 : vector<16xi32>
    %and3A_4228 = arith.constant 7 : i32
    %and3A_4229 = vector.broadcast %and3A_4228 : i32 to vector<16xi32>
    %and3A_4230 = arith.andi %shift_right_logical3A_4227, %and3A_4229 : vector<16xi32>
    %add3A_4231 = arith.addi %add3A_4224, %and3A_4230 : vector<16xi32>
    %swap3A_4232 = arith.index_cast %mul3A_4211 : i32 to index
    %swap3A_4233 = tpu.vector_load %arg13[%swap3A_4232] {strides = array<i32>} : memref<2560xi32, #tpu.memory_space<vmem>>, vector<16xi32>,
    %swap3A_4234 = vector.shape_cast %swap3A_4233 : vector<16xi32> to vector<16xi32>
    %swap3A_4235 = vector.shape_cast %add3A_4231 : vector<16xi32> to vector<16xi32>
    tpu.vector_store %arg13[%swap3A_4232], %swap3A_4235 {strides = array<i32>} : memref<2560xi32, #tpu.memory_space<vmem>>, vector<16xi32>,
    %scan3A_4236 = arith.constant 140 : i32
    %mul3A_4237 = arith.constant 16 : i32
    %mul3A_4238 = arith.muli %scan3A_4236, %mul3A_4237 : i32
    %get3A_4239 = arith.index_cast %mul3A_4238 : i32 to index
    %get3A_4240 = tpu.vector_load %arg13[%get3A_4239] {strides = array<i32>} : memref<2560xi32, #tpu.memory_space<vmem>>, vector<16xi32>,
    %get3A_4241 = vector.shape_cast %get3A_4240 : vector<16xi32> to vector<16xi32>
    %and3A_4242 = arith.constant -16384 : i32
    %and3A_4243 = vector.broadcast %and3A_4242 : i32 to vector<16xi32>
    %and3A_4244 = arith.andi %get3A_4241, %and3A_4243 : vector<16xi32>
    %and3A_4245 = arith.constant 2047 : i32
    %and3A_4246 = vector.broadcast %and3A_4245 : i32 to vector<16xi32>
    %and3A_4247 = arith.andi %get3A_4241, %and3A_4246 : vector<16xi32>
    %shift_left3A_4248 = arith.constant 3 : i32
    %shift_left3A_4249 = vector.broadcast %shift_left3A_4248 : i32 to vector<16xi32>
    %shift_left3A_4250 = arith.shli %and3A_4247, %shift_left3A_4249 : vector<16xi32>
    %add3A_4251 = arith.addi %and3A_4244, %shift_left3A_4250 : vector<16xi32>
    %shift_right_logical3A_4252 = arith.constant 11 : i32
    %shift_right_logical3A_4253 = vector.broadcast %shift_right_logical3A_4252 : i32 to vector<16xi32>
    %shift_right_logical3A_4254 = arith.shrui %get3A_4241, %shift_right_logical3A_4253 : vector<16xi32>
    %and3A_4255 = arith.constant 7 : i32
    %and3A_4256 = vector.broadcast %and3A_4255 : i32 to vector<16xi32>
    %and3A_4257 = arith.andi %shift_right_logical3A_4254, %and3A_4256 : vector<16xi32>
    %add3A_4258 = arith.addi %add3A_4251, %and3A_4257 : vector<16xi32>
    %swap3A_4259 = arith.index_cast %mul3A_4238 : i32 to index
    %swap3A_4260 = tpu.vector_load %arg13[%swap3A_4259] {strides = array<i32>} : memref<2560xi32, #tpu.memory_space<vmem>>, vector<16xi32>,
    %swap3A_4261 = vector.shape_cast %swap3A_4260 : vector<16xi32> to vector<16xi32>
    %swap3A_4262 = vector.shape_cast %add3A_4258 : vector<16xi32> to vector<16xi32>
    tpu.vector_store %arg13[%swap3A_4259], %swap3A_4262 {strides = array<i32>} : memref<2560xi32, #tpu.memory_space<vmem>>, vector<16xi32>,
    %scan3A_4263 = arith.constant 141 : i32
    %mul3A_4264 = arith.constant 16 : i32
    %mul3A_4265 = arith.muli %scan3A_4263, %mul3A_4264 : i32
    %get3A_4266 = arith.index_cast %mul3A_4265 : i32 to index
    %get3A_4267 = tpu.vector_load %arg13[%get3A_4266] {strides = array<i32>} : memref<2560xi32, #tpu.memory_space<vmem>>, vector<16xi32>,
    %get3A_4268 = vector.shape_cast %get3A_4267 : vector<16xi32> to vector<16xi32>
    %and3A_4269 = arith.constant -16384 : i32
    %and3A_4270 = vector.broadcast %and3A_4269 : i32 to vector<16xi32>
    %and3A_4271 = arith.andi %get3A_4268, %and3A_4270 : vector<16xi32>
    %and3A_4272 = arith.constant 2047 : i32
    %and3A_4273 = vector.broadcast %and3A_4272 : i32 to vector<16xi32>
    %and3A_4274 = arith.andi %get3A_4268, %and3A_4273 : vector<16xi32>
    %shift_left3A_4275 = arith.constant 3 : i32
    %shift_left3A_4276 = vector.broadcast %shift_left3A_4275 : i32 to vector<16xi32>
    %shift_left3A_4277 = arith.shli %and3A_4274, %shift_left3A_4276 : vector<16xi32>
    %add3A_4278 = arith.addi %and3A_4271, %shift_left3A_4277 : vector<16xi32>
    %shift_right_logical3A_4279 = arith.constant 11 : i32
    %shift_right_logical3A_4280 = vector.broadcast %shift_right_logical3A_4279 : i32 to vector<16xi32>
    %shift_right_logical3A_4281 = arith.shrui %get3A_4268, %shift_right_logical3A_4280 : vector<16xi32>
    %and3A_4282 = arith.constant 7 : i32
    %and3A_4283 = vector.broadcast %and3A_4282 : i32 to vector<16xi32>
    %and3A_4284 = arith.andi %shift_right_logical3A_4281, %and3A_4283 : vector<16xi32>
    %add3A_4285 = arith.addi %add3A_4278, %and3A_4284 : vector<16xi32>
    %swap3A_4286 = arith.index_cast %mul3A_4265 : i32 to index
    %swap3A_4287 = tpu.vector_load %arg13[%swap3A_4286] {strides = array<i32>} : memref<2560xi32, #tpu.memory_space<vmem>>, vector<16xi32>,
    %swap3A_4288 = vector.shape_cast %swap3A_4287 : vector<16xi32> to vector<16xi32>
    %swap3A_4289 = vector.shape_cast %add3A_4285 : vector<16xi32> to vector<16xi32>
    tpu.vector_store %arg13[%swap3A_4286], %swap3A_4289 {strides = array<i32>} : memref<2560xi32, #tpu.memory_space<vmem>>, vector<16xi32>,
    %scan3A_4290 = arith.constant 142 : i32
    %mul3A_4291 = arith.constant 16 : i32
    %mul3A_4292 = arith.muli %scan3A_4290, %mul3A_4291 : i32
    %get3A_4293 = arith.index_cast %mul3A_4292 : i32 to index
    %get3A_4294 = tpu.vector_load %arg13[%get3A_4293] {strides = array<i32>} : memref<2560xi32, #tpu.memory_space<vmem>>, vector<16xi32>,
    %get3A_4295 = vector.shape_cast %get3A_4294 : vector<16xi32> to vector<16xi32>
    %and3A_4296 = arith.constant -16384 : i32
    %and3A_4297 = vector.broadcast %and3A_4296 : i32 to vector<16xi32>
    %and3A_4298 = arith.andi %get3A_4295, %and3A_4297 : vector<16xi32>
    %and3A_4299 = arith.constant 2047 : i32
    %and3A_4300 = vector.broadcast %and3A_4299 : i32 to vector<16xi32>
    %and3A_4301 = arith.andi %get3A_4295, %and3A_4300 : vector<16xi32>
    %shift_left3A_4302 = arith.constant 3 : i32
    %shift_left3A_4303 = vector.broadcast %shift_left3A_4302 : i32 to vector<16xi32>
    %shift_left3A_4304 = arith.shli %and3A_4301, %shift_left3A_4303 : vector<16xi32>
    %add3A_4305 = arith.addi %and3A_4298, %shift_left3A_4304 : vector<16xi32>
    %shift_right_logical3A_4306 = arith.constant 11 : i32
    %shift_right_logical3A_4307 = vector.broadcast %shift_right_logical3A_4306 : i32 to vector<16xi32>
    %shift_right_logical3A_4308 = arith.shrui %get3A_4295, %shift_right_logical3A_4307 : vector<16xi32>
    %and3A_4309 = arith.constant 7 : i32
    %and3A_4310 = vector.broadcast %and3A_4309 : i32 to vector<16xi32>
    %and3A_4311 = arith.andi %shift_right_logical3A_4308, %and3A_4310 : vector<16xi32>
    %add3A_4312 = arith.addi %add3A_4305, %and3A_4311 : vector<16xi32>
    %swap3A_4313 = arith.index_cast %mul3A_4292 : i32 to index
    %swap3A_4314 = tpu.vector_load %arg13[%swap3A_4313] {strides = array<i32>} : memref<2560xi32, #tpu.memory_space<vmem>>, vector<16xi32>,
    %swap3A_4315 = vector.shape_cast %swap3A_4314 : vector<16xi32> to vector<16xi32>
    %swap3A_4316 = vector.shape_cast %add3A_4312 : vector<16xi32> to vector<16xi32>
    tpu.vector_store %arg13[%swap3A_4313], %swap3A_4316 {strides = array<i32>} : memref<2560xi32, #tpu.memory_space<vmem>>, vector<16xi32>,
    %scan3A_4317 = arith.constant 143 : i32
    %mul3A_4318 = arith.constant 16 : i32
    %mul3A_4319 = arith.muli %scan3A_4317, %mul3A_4318 : i32
    %get3A_4320 = arith.index_cast %mul3A_4319 : i32 to index
    %get3A_4321 = tpu.vector_load %arg13[%get3A_4320] {strides = array<i32>} : memref<2560xi32, #tpu.memory_space<vmem>>, vector<16xi32>,
    %get3A_4322 = vector.shape_cast %get3A_4321 : vector<16xi32> to vector<16xi32>
    %and3A_4323 = arith.constant -16384 : i32
    %and3A_4324 = vector.broadcast %and3A_4323 : i32 to vector<16xi32>
    %and3A_4325 = arith.andi %get3A_4322, %and3A_4324 : vector<16xi32>
    %and3A_4326 = arith.constant 2047 : i32
    %and3A_4327 = vector.broadcast %and3A_4326 : i32 to vector<16xi32>
    %and3A_4328 = arith.andi %get3A_4322, %and3A_4327 : vector<16xi32>
    %shift_left3A_4329 = arith.constant 3 : i32
    %shift_left3A_4330 = vector.broadcast %shift_left3A_4329 : i32 to vector<16xi32>
    %shift_left3A_4331 = arith.shli %and3A_4328, %shift_left3A_4330 : vector<16xi32>
    %add3A_4332 = arith.addi %and3A_4325, %shift_left3A_4331 : vector<16xi32>
    %shift_right_logical3A_4333 = arith.constant 11 : i32
    %shift_right_logical3A_4334 = vector.broadcast %shift_right_logical3A_4333 : i32 to vector<16xi32>
    %shift_right_logical3A_4335 = arith.shrui %get3A_4322, %shift_right_logical3A_4334 : vector<16xi32>
    %and3A_4336 = arith.constant 7 : i32
    %and3A_4337 = vector.broadcast %and3A_4336 : i32 to vector<16xi32>
    %and3A_4338 = arith.andi %shift_right_logical3A_4335, %and3A_4337 : vector<16xi32>
    %add3A_4339 = arith.addi %add3A_4332, %and3A_4338 : vector<16xi32>
    %swap3A_4340 = arith.index_cast %mul3A_4319 : i32 to index
    %swap3A_4341 = tpu.vector_load %arg13[%swap3A_4340] {strides = array<i32>} : memref<2560xi32, #tpu.memory_space<vmem>>, vector<16xi32>,
    %swap3A_4342 = vector.shape_cast %swap3A_4341 : vector<16xi32> to vector<16xi32>
    %swap3A_4343 = vector.shape_cast %add3A_4339 : vector<16xi32> to vector<16xi32>
    tpu.vector_store %arg13[%swap3A_4340], %swap3A_4343 {strides = array<i32>} : memref<2560xi32, #tpu.memory_space<vmem>>, vector<16xi32>,
    %scan3A_4344 = arith.constant 144 : i32
    %mul3A_4345 = arith.constant 16 : i32
    %mul3A_4346 = arith.muli %scan3A_4344, %mul3A_4345 : i32
    %get3A_4347 = arith.index_cast %mul3A_4346 : i32 to index
    %get3A_4348 = tpu.vector_load %arg13[%get3A_4347] {strides = array<i32>} : memref<2560xi32, #tpu.memory_space<vmem>>, vector<16xi32>,
    %get3A_4349 = vector.shape_cast %get3A_4348 : vector<16xi32> to vector<16xi32>
    %and3A_4350 = arith.constant -16384 : i32
    %and3A_4351 = vector.broadcast %and3A_4350 : i32 to vector<16xi32>
    %and3A_4352 = arith.andi %get3A_4349, %and3A_4351 : vector<16xi32>
    %and3A_4353 = arith.constant 2047 : i32
    %and3A_4354 = vector.broadcast %and3A_4353 : i32 to vector<16xi32>
    %and3A_4355 = arith.andi %get3A_4349, %and3A_4354 : vector<16xi32>
    %shift_left3A_4356 = arith.constant 3 : i32
    %shift_left3A_4357 = vector.broadcast %shift_left3A_4356 : i32 to vector<16xi32>
    %shift_left3A_4358 = arith.shli %and3A_4355, %shift_left3A_4357 : vector<16xi32>
    %add3A_4359 = arith.addi %and3A_4352, %shift_left3A_4358 : vector<16xi32>
    %shift_right_logical3A_4360 = arith.constant 11 : i32
    %shift_right_logical3A_4361 = vector.broadcast %shift_right_logical3A_4360 : i32 to vector<16xi32>
    %shift_right_logical3A_4362 = arith.shrui %get3A_4349, %shift_right_logical3A_4361 : vector<16xi32>
    %and3A_4363 = arith.constant 7 : i32
    %and3A_4364 = vector.broadcast %and3A_4363 : i32 to vector<16xi32>
    %and3A_4365 = arith.andi %shift_right_logical3A_4362, %and3A_4364 : vector<16xi32>
    %add3A_4366 = arith.addi %add3A_4359, %and3A_4365 : vector<16xi32>
    %swap3A_4367 = arith.index_cast %mul3A_4346 : i32 to index
    %swap3A_4368 = tpu.vector_load %arg13[%swap3A_4367] {strides = array<i32>} : memref<2560xi32, #tpu.memory_space<vmem>>, vector<16xi32>,
    %swap3A_4369 = vector.shape_cast %swap3A_4368 : vector<16xi32> to vector<16xi32>
    %swap3A_4370 = vector.shape_cast %add3A_4366 : vector<16xi32> to vector<16xi32>
    tpu.vector_store %arg13[%swap3A_4367], %swap3A_4370 {strides = array<i32>} : memref<2560xi32, #tpu.memory_space<vmem>>, vector<16xi32>,
    %scan3A_4371 = arith.constant 145 : i32
    %mul3A_4372 = arith.constant 16 : i32
    %mul3A_4373 = arith.muli %scan3A_4371, %mul3A_4372 : i32
    %get3A_4374 = arith.index_cast %mul3A_4373 : i32 to index
    %get3A_4375 = tpu.vector_load %arg13[%get3A_4374] {strides = array<i32>} : memref<2560xi32, #tpu.memory_space<vmem>>, vector<16xi32>,
    %get3A_4376 = vector.shape_cast %get3A_4375 : vector<16xi32> to vector<16xi32>
    %and3A_4377 = arith.constant -16384 : i32
    %and3A_4378 = vector.broadcast %and3A_4377 : i32 to vector<16xi32>
    %and3A_4379 = arith.andi %get3A_4376, %and3A_4378 : vector<16xi32>
    %and3A_4380 = arith.constant 2047 : i32
    %and3A_4381 = vector.broadcast %and3A_4380 : i32 to vector<16xi32>
    %and3A_4382 = arith.andi %get3A_4376, %and3A_4381 : vector<16xi32>
    %shift_left3A_4383 = arith.constant 3 : i32
    %shift_left3A_4384 = vector.broadcast %shift_left3A_4383 : i32 to vector<16xi32>
    %shift_left3A_4385 = arith.shli %and3A_4382, %shift_left3A_4384 : vector<16xi32>
    %add3A_4386 = arith.addi %and3A_4379, %shift_left3A_4385 : vector<16xi32>
    %shift_right_logical3A_4387 = arith.constant 11 : i32
    %shift_right_logical3A_4388 = vector.broadcast %shift_right_logical3A_4387 : i32 to vector<16xi32>
    %shift_right_logical3A_4389 = arith.shrui %get3A_4376, %shift_right_logical3A_4388 : vector<16xi32>
    %and3A_4390 = arith.constant 7 : i32
    %and3A_4391 = vector.broadcast %and3A_4390 : i32 to vector<16xi32>
    %and3A_4392 = arith.andi %shift_right_logical3A_4389, %and3A_4391 : vector<16xi32>
    %add3A_4393 = arith.addi %add3A_4386, %and3A_4392 : vector<16xi32>
    %swap3A_4394 = arith.index_cast %mul3A_4373 : i32 to index
    %swap3A_4395 = tpu.vector_load %arg13[%swap3A_4394] {strides = array<i32>} : memref<2560xi32, #tpu.memory_space<vmem>>, vector<16xi32>,
    %swap3A_4396 = vector.shape_cast %swap3A_4395 : vector<16xi32> to vector<16xi32>
    %swap3A_4397 = vector.shape_cast %add3A_4393 : vector<16xi32> to vector<16xi32>
    tpu.vector_store %arg13[%swap3A_4394], %swap3A_4397 {strides = array<i32>} : memref<2560xi32, #tpu.memory_space<vmem>>, vector<16xi32>,
    %scan3A_4398 = arith.constant 146 : i32
    %mul3A_4399 = arith.constant 16 : i32
    %mul3A_4400 = arith.muli %scan3A_4398, %mul3A_4399 : i32
    %get3A_4401 = arith.index_cast %mul3A_4400 : i32 to index
    %get3A_4402 = tpu.vector_load %arg13[%get3A_4401] {strides = array<i32>} : memref<2560xi32, #tpu.memory_space<vmem>>, vector<16xi32>,
    %get3A_4403 = vector.shape_cast %get3A_4402 : vector<16xi32> to vector<16xi32>
    %and3A_4404 = arith.constant -16384 : i32
    %and3A_4405 = vector.broadcast %and3A_4404 : i32 to vector<16xi32>
    %and3A_4406 = arith.andi %get3A_4403, %and3A_4405 : vector<16xi32>
    %and3A_4407 = arith.constant 2047 : i32
    %and3A_4408 = vector.broadcast %and3A_4407 : i32 to vector<16xi32>
    %and3A_4409 = arith.andi %get3A_4403, %and3A_4408 : vector<16xi32>
    %shift_left3A_4410 = arith.constant 3 : i32
    %shift_left3A_4411 = vector.broadcast %shift_left3A_4410 : i32 to vector<16xi32>
    %shift_left3A_4412 = arith.shli %and3A_4409, %shift_left3A_4411 : vector<16xi32>
    %add3A_4413 = arith.addi %and3A_4406, %shift_left3A_4412 : vector<16xi32>
    %shift_right_logical3A_4414 = arith.constant 11 : i32
    %shift_right_logical3A_4415 = vector.broadcast %shift_right_logical3A_4414 : i32 to vector<16xi32>
    %shift_right_logical3A_4416 = arith.shrui %get3A_4403, %shift_right_logical3A_4415 : vector<16xi32>
    %and3A_4417 = arith.constant 7 : i32
    %and3A_4418 = vector.broadcast %and3A_4417 : i32 to vector<16xi32>
    %and3A_4419 = arith.andi %shift_right_logical3A_4416, %and3A_4418 : vector<16xi32>
    %add3A_4420 = arith.addi %add3A_4413, %and3A_4419 : vector<16xi32>
    %swap3A_4421 = arith.index_cast %mul3A_4400 : i32 to index
    %swap3A_4422 = tpu.vector_load %arg13[%swap3A_4421] {strides = array<i32>} : memref<2560xi32, #tpu.memory_space<vmem>>, vector<16xi32>,
    %swap3A_4423 = vector.shape_cast %swap3A_4422 : vector<16xi32> to vector<16xi32>
    %swap3A_4424 = vector.shape_cast %add3A_4420 : vector<16xi32> to vector<16xi32>
    tpu.vector_store %arg13[%swap3A_4421], %swap3A_4424 {strides = array<i32>} : memref<2560xi32, #tpu.memory_space<vmem>>, vector<16xi32>,
    %scan3A_4425 = arith.constant 147 : i32
    %mul3A_4426 = arith.constant 16 : i32
    %mul3A_4427 = arith.muli %scan3A_4425, %mul3A_4426 : i32
    %get3A_4428 = arith.index_cast %mul3A_4427 : i32 to index
    %get3A_4429 = tpu.vector_load %arg13[%get3A_4428] {strides = array<i32>} : memref<2560xi32, #tpu.memory_space<vmem>>, vector<16xi32>,
    %get3A_4430 = vector.shape_cast %get3A_4429 : vector<16xi32> to vector<16xi32>
    %and3A_4431 = arith.constant -16384 : i32
    %and3A_4432 = vector.broadcast %and3A_4431 : i32 to vector<16xi32>
    %and3A_4433 = arith.andi %get3A_4430, %and3A_4432 : vector<16xi32>
    %and3A_4434 = arith.constant 2047 : i32
    %and3A_4435 = vector.broadcast %and3A_4434 : i32 to vector<16xi32>
    %and3A_4436 = arith.andi %get3A_4430, %and3A_4435 : vector<16xi32>
    %shift_left3A_4437 = arith.constant 3 : i32
    %shift_left3A_4438 = vector.broadcast %shift_left3A_4437 : i32 to vector<16xi32>
    %shift_left3A_4439 = arith.shli %and3A_4436, %shift_left3A_4438 : vector<16xi32>
    %add3A_4440 = arith.addi %and3A_4433, %shift_left3A_4439 : vector<16xi32>
    %shift_right_logical3A_4441 = arith.constant 11 : i32
    %shift_right_logical3A_4442 = vector.broadcast %shift_right_logical3A_4441 : i32 to vector<16xi32>
    %shift_right_logical3A_4443 = arith.shrui %get3A_4430, %shift_right_logical3A_4442 : vector<16xi32>
    %and3A_4444 = arith.constant 7 : i32
    %and3A_4445 = vector.broadcast %and3A_4444 : i32 to vector<16xi32>
    %and3A_4446 = arith.andi %shift_right_logical3A_4443, %and3A_4445 : vector<16xi32>
    %add3A_4447 = arith.addi %add3A_4440, %and3A_4446 : vector<16xi32>
    %swap3A_4448 = arith.index_cast %mul3A_4427 : i32 to index
    %swap3A_4449 = tpu.vector_load %arg13[%swap3A_4448] {strides = array<i32>} : memref<2560xi32, #tpu.memory_space<vmem>>, vector<16xi32>,
    %swap3A_4450 = vector.shape_cast %swap3A_4449 : vector<16xi32> to vector<16xi32>
    %swap3A_4451 = vector.shape_cast %add3A_4447 : vector<16xi32> to vector<16xi32>
    tpu.vector_store %arg13[%swap3A_4448], %swap3A_4451 {strides = array<i32>} : memref<2560xi32, #tpu.memory_space<vmem>>, vector<16xi32>,
    %scan3A_4452 = arith.constant 148 : i32
    %mul3A_4453 = arith.constant 16 : i32
    %mul3A_4454 = arith.muli %scan3A_4452, %mul3A_4453 : i32
    %get3A_4455 = arith.index_cast %mul3A_4454 : i32 to index
    %get3A_4456 = tpu.vector_load %arg13[%get3A_4455] {strides = array<i32>} : memref<2560xi32, #tpu.memory_space<vmem>>, vector<16xi32>,
    %get3A_4457 = vector.shape_cast %get3A_4456 : vector<16xi32> to vector<16xi32>
    %and3A_4458 = arith.constant -16384 : i32
    %and3A_4459 = vector.broadcast %and3A_4458 : i32 to vector<16xi32>
    %and3A_4460 = arith.andi %get3A_4457, %and3A_4459 : vector<16xi32>
    %and3A_4461 = arith.constant 2047 : i32
    %and3A_4462 = vector.broadcast %and3A_4461 : i32 to vector<16xi32>
    %and3A_4463 = arith.andi %get3A_4457, %and3A_4462 : vector<16xi32>
    %shift_left3A_4464 = arith.constant 3 : i32
    %shift_left3A_4465 = vector.broadcast %shift_left3A_4464 : i32 to vector<16xi32>
    %shift_left3A_4466 = arith.shli %and3A_4463, %shift_left3A_4465 : vector<16xi32>
    %add3A_4467 = arith.addi %and3A_4460, %shift_left3A_4466 : vector<16xi32>
    %shift_right_logical3A_4468 = arith.constant 11 : i32
    %shift_right_logical3A_4469 = vector.broadcast %shift_right_logical3A_4468 : i32 to vector<16xi32>
    %shift_right_logical3A_4470 = arith.shrui %get3A_4457, %shift_right_logical3A_4469 : vector<16xi32>
    %and3A_4471 = arith.constant 7 : i32
    %and3A_4472 = vector.broadcast %and3A_4471 : i32 to vector<16xi32>
    %and3A_4473 = arith.andi %shift_right_logical3A_4470, %and3A_4472 : vector<16xi32>
    %add3A_4474 = arith.addi %add3A_4467, %and3A_4473 : vector<16xi32>
    %swap3A_4475 = arith.index_cast %mul3A_4454 : i32 to index
    %swap3A_4476 = tpu.vector_load %arg13[%swap3A_4475] {strides = array<i32>} : memref<2560xi32, #tpu.memory_space<vmem>>, vector<16xi32>,
    %swap3A_4477 = vector.shape_cast %swap3A_4476 : vector<16xi32> to vector<16xi32>
    %swap3A_4478 = vector.shape_cast %add3A_4474 : vector<16xi32> to vector<16xi32>
    tpu.vector_store %arg13[%swap3A_4475], %swap3A_4478 {strides = array<i32>} : memref<2560xi32, #tpu.memory_space<vmem>>, vector<16xi32>,
    %scan3A_4479 = arith.constant 149 : i32
    %mul3A_4480 = arith.constant 16 : i32
    %mul3A_4481 = arith.muli %scan3A_4479, %mul3A_4480 : i32
    %get3A_4482 = arith.index_cast %mul3A_4481 : i32 to index
    %get3A_4483 = tpu.vector_load %arg13[%get3A_4482] {strides = array<i32>} : memref<2560xi32, #tpu.memory_space<vmem>>, vector<16xi32>,
    %get3A_4484 = vector.shape_cast %get3A_4483 : vector<16xi32> to vector<16xi32>
    %and3A_4485 = arith.constant -16384 : i32
    %and3A_4486 = vector.broadcast %and3A_4485 : i32 to vector<16xi32>
    %and3A_4487 = arith.andi %get3A_4484, %and3A_4486 : vector<16xi32>
    %and3A_4488 = arith.constant 2047 : i32
    %and3A_4489 = vector.broadcast %and3A_4488 : i32 to vector<16xi32>
    %and3A_4490 = arith.andi %get3A_4484, %and3A_4489 : vector<16xi32>
    %shift_left3A_4491 = arith.constant 3 : i32
    %shift_left3A_4492 = vector.broadcast %shift_left3A_4491 : i32 to vector<16xi32>
    %shift_left3A_4493 = arith.shli %and3A_4490, %shift_left3A_4492 : vector<16xi32>
    %add3A_4494 = arith.addi %and3A_4487, %shift_left3A_4493 : vector<16xi32>
    %shift_right_logical3A_4495 = arith.constant 11 : i32
    %shift_right_logical3A_4496 = vector.broadcast %shift_right_logical3A_4495 : i32 to vector<16xi32>
    %shift_right_logical3A_4497 = arith.shrui %get3A_4484, %shift_right_logical3A_4496 : vector<16xi32>
    %and3A_4498 = arith.constant 7 : i32
    %and3A_4499 = vector.broadcast %and3A_4498 : i32 to vector<16xi32>
    %and3A_4500 = arith.andi %shift_right_logical3A_4497, %and3A_4499 : vector<16xi32>
    %add3A_4501 = arith.addi %add3A_4494, %and3A_4500 : vector<16xi32>
    %swap3A_4502 = arith.index_cast %mul3A_4481 : i32 to index
    %swap3A_4503 = tpu.vector_load %arg13[%swap3A_4502] {strides = array<i32>} : memref<2560xi32, #tpu.memory_space<vmem>>, vector<16xi32>,
    %swap3A_4504 = vector.shape_cast %swap3A_4503 : vector<16xi32> to vector<16xi32>
    %swap3A_4505 = vector.shape_cast %add3A_4501 : vector<16xi32> to vector<16xi32>
    tpu.vector_store %arg13[%swap3A_4502], %swap3A_4505 {strides = array<i32>} : memref<2560xi32, #tpu.memory_space<vmem>>, vector<16xi32>,
    %scan3A_4506 = arith.constant 150 : i32
    %mul3A_4507 = arith.constant 16 : i32
    %mul3A_4508 = arith.muli %scan3A_4506, %mul3A_4507 : i32
    %get3A_4509 = arith.index_cast %mul3A_4508 : i32 to index
    %get3A_4510 = tpu.vector_load %arg13[%get3A_4509] {strides = array<i32>} : memref<2560xi32, #tpu.memory_space<vmem>>, vector<16xi32>,
    %get3A_4511 = vector.shape_cast %get3A_4510 : vector<16xi32> to vector<16xi32>
    %and3A_4512 = arith.constant -16384 : i32
    %and3A_4513 = vector.broadcast %and3A_4512 : i32 to vector<16xi32>
    %and3A_4514 = arith.andi %get3A_4511, %and3A_4513 : vector<16xi32>
    %and3A_4515 = arith.constant 2047 : i32
    %and3A_4516 = vector.broadcast %and3A_4515 : i32 to vector<16xi32>
    %and3A_4517 = arith.andi %get3A_4511, %and3A_4516 : vector<16xi32>
    %shift_left3A_4518 = arith.constant 3 : i32
    %shift_left3A_4519 = vector.broadcast %shift_left3A_4518 : i32 to vector<16xi32>
    %shift_left3A_4520 = arith.shli %and3A_4517, %shift_left3A_4519 : vector<16xi32>
    %add3A_4521 = arith.addi %and3A_4514, %shift_left3A_4520 : vector<16xi32>
    %shift_right_logical3A_4522 = arith.constant 11 : i32
    %shift_right_logical3A_4523 = vector.broadcast %shift_right_logical3A_4522 : i32 to vector<16xi32>
    %shift_right_logical3A_4524 = arith.shrui %get3A_4511, %shift_right_logical3A_4523 : vector<16xi32>
    %and3A_4525 = arith.constant 7 : i32
    %and3A_4526 = vector.broadcast %and3A_4525 : i32 to vector<16xi32>
    %and3A_4527 = arith.andi %shift_right_logical3A_4524, %and3A_4526 : vector<16xi32>
    %add3A_4528 = arith.addi %add3A_4521, %and3A_4527 : vector<16xi32>
    %swap3A_4529 = arith.index_cast %mul3A_4508 : i32 to index
    %swap3A_4530 = tpu.vector_load %arg13[%swap3A_4529] {strides = array<i32>} : memref<2560xi32, #tpu.memory_space<vmem>>, vector<16xi32>,
    %swap3A_4531 = vector.shape_cast %swap3A_4530 : vector<16xi32> to vector<16xi32>
    %swap3A_4532 = vector.shape_cast %add3A_4528 : vector<16xi32> to vector<16xi32>
    tpu.vector_store %arg13[%swap3A_4529], %swap3A_4532 {strides = array<i32>} : memref<2560xi32, #tpu.memory_space<vmem>>, vector<16xi32>,
    %scan3A_4533 = arith.constant 151 : i32
    %mul3A_4534 = arith.constant 16 : i32
    %mul3A_4535 = arith.muli %scan3A_4533, %mul3A_4534 : i32
    %get3A_4536 = arith.index_cast %mul3A_4535 : i32 to index
    %get3A_4537 = tpu.vector_load %arg13[%get3A_4536] {strides = array<i32>} : memref<2560xi32, #tpu.memory_space<vmem>>, vector<16xi32>,
    %get3A_4538 = vector.shape_cast %get3A_4537 : vector<16xi32> to vector<16xi32>
    %and3A_4539 = arith.constant -16384 : i32
    %and3A_4540 = vector.broadcast %and3A_4539 : i32 to vector<16xi32>
    %and3A_4541 = arith.andi %get3A_4538, %and3A_4540 : vector<16xi32>
    %and3A_4542 = arith.constant 2047 : i32
    %and3A_4543 = vector.broadcast %and3A_4542 : i32 to vector<16xi32>
    %and3A_4544 = arith.andi %get3A_4538, %and3A_4543 : vector<16xi32>
    %shift_left3A_4545 = arith.constant 3 : i32
    %shift_left3A_4546 = vector.broadcast %shift_left3A_4545 : i32 to vector<16xi32>
    %shift_left3A_4547 = arith.shli %and3A_4544, %shift_left3A_4546 : vector<16xi32>
    %add3A_4548 = arith.addi %and3A_4541, %shift_left3A_4547 : vector<16xi32>
    %shift_right_logical3A_4549 = arith.constant 11 : i32
    %shift_right_logical3A_4550 = vector.broadcast %shift_right_logical3A_4549 : i32 to vector<16xi32>
    %shift_right_logical3A_4551 = arith.shrui %get3A_4538, %shift_right_logical3A_4550 : vector<16xi32>
    %and3A_4552 = arith.constant 7 : i32
    %and3A_4553 = vector.broadcast %and3A_4552 : i32 to vector<16xi32>
    %and3A_4554 = arith.andi %shift_right_logical3A_4551, %and3A_4553 : vector<16xi32>
    %add3A_4555 = arith.addi %add3A_4548, %and3A_4554 : vector<16xi32>
    %swap3A_4556 = arith.index_cast %mul3A_4535 : i32 to index
    %swap3A_4557 = tpu.vector_load %arg13[%swap3A_4556] {strides = array<i32>} : memref<2560xi32, #tpu.memory_space<vmem>>, vector<16xi32>,
    %swap3A_4558 = vector.shape_cast %swap3A_4557 : vector<16xi32> to vector<16xi32>
    %swap3A_4559 = vector.shape_cast %add3A_4555 : vector<16xi32> to vector<16xi32>
    tpu.vector_store %arg13[%swap3A_4556], %swap3A_4559 {strides = array<i32>} : memref<2560xi32, #tpu.memory_space<vmem>>, vector<16xi32>,
    %scan3A_4560 = arith.constant 152 : i32
    %mul3A_4561 = arith.constant 16 : i32
    %mul3A_4562 = arith.muli %scan3A_4560, %mul3A_4561 : i32
    %get3A_4563 = arith.index_cast %mul3A_4562 : i32 to index
    %get3A_4564 = tpu.vector_load %arg13[%get3A_4563] {strides = array<i32>} : memref<2560xi32, #tpu.memory_space<vmem>>, vector<16xi32>,
    %get3A_4565 = vector.shape_cast %get3A_4564 : vector<16xi32> to vector<16xi32>
    %and3A_4566 = arith.constant -16384 : i32
    %and3A_4567 = vector.broadcast %and3A_4566 : i32 to vector<16xi32>
    %and3A_4568 = arith.andi %get3A_4565, %and3A_4567 : vector<16xi32>
    %and3A_4569 = arith.constant 2047 : i32
    %and3A_4570 = vector.broadcast %and3A_4569 : i32 to vector<16xi32>
    %and3A_4571 = arith.andi %get3A_4565, %and3A_4570 : vector<16xi32>
    %shift_left3A_4572 = arith.constant 3 : i32
    %shift_left3A_4573 = vector.broadcast %shift_left3A_4572 : i32 to vector<16xi32>
    %shift_left3A_4574 = arith.shli %and3A_4571, %shift_left3A_4573 : vector<16xi32>
    %add3A_4575 = arith.addi %and3A_4568, %shift_left3A_4574 : vector<16xi32>
    %shift_right_logical3A_4576 = arith.constant 11 : i32
    %shift_right_logical3A_4577 = vector.broadcast %shift_right_logical3A_4576 : i32 to vector<16xi32>
    %shift_right_logical3A_4578 = arith.shrui %get3A_4565, %shift_right_logical3A_4577 : vector<16xi32>
    %and3A_4579 = arith.constant 7 : i32
    %and3A_4580 = vector.broadcast %and3A_4579 : i32 to vector<16xi32>
    %and3A_4581 = arith.andi %shift_right_logical3A_4578, %and3A_4580 : vector<16xi32>
    %add3A_4582 = arith.addi %add3A_4575, %and3A_4581 : vector<16xi32>
    %swap3A_4583 = arith.index_cast %mul3A_4562 : i32 to index
    %swap3A_4584 = tpu.vector_load %arg13[%swap3A_4583] {strides = array<i32>} : memref<2560xi32, #tpu.memory_space<vmem>>, vector<16xi32>,
    %swap3A_4585 = vector.shape_cast %swap3A_4584 : vector<16xi32> to vector<16xi32>
    %swap3A_4586 = vector.shape_cast %add3A_4582 : vector<16xi32> to vector<16xi32>
    tpu.vector_store %arg13[%swap3A_4583], %swap3A_4586 {strides = array<i32>} : memref<2560xi32, #tpu.memory_space<vmem>>, vector<16xi32>,
    %scan3A_4587 = arith.constant 153 : i32
    %mul3A_4588 = arith.constant 16 : i32
    %mul3A_4589 = arith.muli %scan3A_4587, %mul3A_4588 : i32
    %get3A_4590 = arith.index_cast %mul3A_4589 : i32 to index
    %get3A_4591 = tpu.vector_load %arg13[%get3A_4590] {strides = array<i32>} : memref<2560xi32, #tpu.memory_space<vmem>>, vector<16xi32>,
    %get3A_4592 = vector.shape_cast %get3A_4591 : vector<16xi32> to vector<16xi32>
    %and3A_4593 = arith.constant -16384 : i32
    %and3A_4594 = vector.broadcast %and3A_4593 : i32 to vector<16xi32>
    %and3A_4595 = arith.andi %get3A_4592, %and3A_4594 : vector<16xi32>
    %and3A_4596 = arith.constant 2047 : i32
    %and3A_4597 = vector.broadcast %and3A_4596 : i32 to vector<16xi32>
    %and3A_4598 = arith.andi %get3A_4592, %and3A_4597 : vector<16xi32>
    %shift_left3A_4599 = arith.constant 3 : i32
    %shift_left3A_4600 = vector.broadcast %shift_left3A_4599 : i32 to vector<16xi32>
    %shift_left3A_4601 = arith.shli %and3A_4598, %shift_left3A_4600 : vector<16xi32>
    %add3A_4602 = arith.addi %and3A_4595, %shift_left3A_4601 : vector<16xi32>
    %shift_right_logical3A_4603 = arith.constant 11 : i32
    %shift_right_logical3A_4604 = vector.broadcast %shift_right_logical3A_4603 : i32 to vector<16xi32>
    %shift_right_logical3A_4605 = arith.shrui %get3A_4592, %shift_right_logical3A_4604 : vector<16xi32>
    %and3A_4606 = arith.constant 7 : i32
    %and3A_4607 = vector.broadcast %and3A_4606 : i32 to vector<16xi32>
    %and3A_4608 = arith.andi %shift_right_logical3A_4605, %and3A_4607 : vector<16xi32>
    %add3A_4609 = arith.addi %add3A_4602, %and3A_4608 : vector<16xi32>
    %swap3A_4610 = arith.index_cast %mul3A_4589 : i32 to index
    %swap3A_4611 = tpu.vector_load %arg13[%swap3A_4610] {strides = array<i32>} : memref<2560xi32, #tpu.memory_space<vmem>>, vector<16xi32>,
    %swap3A_4612 = vector.shape_cast %swap3A_4611 : vector<16xi32> to vector<16xi32>
    %swap3A_4613 = vector.shape_cast %add3A_4609 : vector<16xi32> to vector<16xi32>
    tpu.vector_store %arg13[%swap3A_4610], %swap3A_4613 {strides = array<i32>} : memref<2560xi32, #tpu.memory_space<vmem>>, vector<16xi32>,
    %scan3A_4614 = arith.constant 154 : i32
    %mul3A_4615 = arith.constant 16 : i32
    %mul3A_4616 = arith.muli %scan3A_4614, %mul3A_4615 : i32
    %get3A_4617 = arith.index_cast %mul3A_4616 : i32 to index
    %get3A_4618 = tpu.vector_load %arg13[%get3A_4617] {strides = array<i32>} : memref<2560xi32, #tpu.memory_space<vmem>>, vector<16xi32>,
    %get3A_4619 = vector.shape_cast %get3A_4618 : vector<16xi32> to vector<16xi32>
    %and3A_4620 = arith.constant -16384 : i32
    %and3A_4621 = vector.broadcast %and3A_4620 : i32 to vector<16xi32>
    %and3A_4622 = arith.andi %get3A_4619, %and3A_4621 : vector<16xi32>
    %and3A_4623 = arith.constant 2047 : i32
    %and3A_4624 = vector.broadcast %and3A_4623 : i32 to vector<16xi32>
    %and3A_4625 = arith.andi %get3A_4619, %and3A_4624 : vector<16xi32>
    %shift_left3A_4626 = arith.constant 3 : i32
    %shift_left3A_4627 = vector.broadcast %shift_left3A_4626 : i32 to vector<16xi32>
    %shift_left3A_4628 = arith.shli %and3A_4625, %shift_left3A_4627 : vector<16xi32>
    %add3A_4629 = arith.addi %and3A_4622, %shift_left3A_4628 : vector<16xi32>
    %shift_right_logical3A_4630 = arith.constant 11 : i32
    %shift_right_logical3A_4631 = vector.broadcast %shift_right_logical3A_4630 : i32 to vector<16xi32>
    %shift_right_logical3A_4632 = arith.shrui %get3A_4619, %shift_right_logical3A_4631 : vector<16xi32>
    %and3A_4633 = arith.constant 7 : i32
    %and3A_4634 = vector.broadcast %and3A_4633 : i32 to vector<16xi32>
    %and3A_4635 = arith.andi %shift_right_logical3A_4632, %and3A_4634 : vector<16xi32>
    %add3A_4636 = arith.addi %add3A_4629, %and3A_4635 : vector<16xi32>
    %swap3A_4637 = arith.index_cast %mul3A_4616 : i32 to index
    %swap3A_4638 = tpu.vector_load %arg13[%swap3A_4637] {strides = array<i32>} : memref<2560xi32, #tpu.memory_space<vmem>>, vector<16xi32>,
    %swap3A_4639 = vector.shape_cast %swap3A_4638 : vector<16xi32> to vector<16xi32>
    %swap3A_4640 = vector.shape_cast %add3A_4636 : vector<16xi32> to vector<16xi32>
    tpu.vector_store %arg13[%swap3A_4637], %swap3A_4640 {strides = array<i32>} : memref<2560xi32, #tpu.memory_space<vmem>>, vector<16xi32>,
    %scan3A_4641 = arith.constant 155 : i32
    %mul3A_4642 = arith.constant 16 : i32
    %mul3A_4643 = arith.muli %scan3A_4641, %mul3A_4642 : i32
    %get3A_4644 = arith.index_cast %mul3A_4643 : i32 to index
    %get3A_4645 = tpu.vector_load %arg13[%get3A_4644] {strides = array<i32>} : memref<2560xi32, #tpu.memory_space<vmem>>, vector<16xi32>,
    %get3A_4646 = vector.shape_cast %get3A_4645 : vector<16xi32> to vector<16xi32>
    %and3A_4647 = arith.constant -16384 : i32
    %and3A_4648 = vector.broadcast %and3A_4647 : i32 to vector<16xi32>
    %and3A_4649 = arith.andi %get3A_4646, %and3A_4648 : vector<16xi32>
    %and3A_4650 = arith.constant 2047 : i32
    %and3A_4651 = vector.broadcast %and3A_4650 : i32 to vector<16xi32>
    %and3A_4652 = arith.andi %get3A_4646, %and3A_4651 : vector<16xi32>
    %shift_left3A_4653 = arith.constant 3 : i32
    %shift_left3A_4654 = vector.broadcast %shift_left3A_4653 : i32 to vector<16xi32>
    %shift_left3A_4655 = arith.shli %and3A_4652, %shift_left3A_4654 : vector<16xi32>
    %add3A_4656 = arith.addi %and3A_4649, %shift_left3A_4655 : vector<16xi32>
    %shift_right_logical3A_4657 = arith.constant 11 : i32
    %shift_right_logical3A_4658 = vector.broadcast %shift_right_logical3A_4657 : i32 to vector<16xi32>
    %shift_right_logical3A_4659 = arith.shrui %get3A_4646, %shift_right_logical3A_4658 : vector<16xi32>
    %and3A_4660 = arith.constant 7 : i32
    %and3A_4661 = vector.broadcast %and3A_4660 : i32 to vector<16xi32>
    %and3A_4662 = arith.andi %shift_right_logical3A_4659, %and3A_4661 : vector<16xi32>
    %add3A_4663 = arith.addi %add3A_4656, %and3A_4662 : vector<16xi32>
    %swap3A_4664 = arith.index_cast %mul3A_4643 : i32 to index
    %swap3A_4665 = tpu.vector_load %arg13[%swap3A_4664] {strides = array<i32>} : memref<2560xi32, #tpu.memory_space<vmem>>, vector<16xi32>,
    %swap3A_4666 = vector.shape_cast %swap3A_4665 : vector<16xi32> to vector<16xi32>
    %swap3A_4667 = vector.shape_cast %add3A_4663 : vector<16xi32> to vector<16xi32>
    tpu.vector_store %arg13[%swap3A_4664], %swap3A_4667 {strides = array<i32>} : memref<2560xi32, #tpu.memory_space<vmem>>, vector<16xi32>,
    %scan3A_4668 = arith.constant 156 : i32
    %mul3A_4669 = arith.constant 16 : i32
    %mul3A_4670 = arith.muli %scan3A_4668, %mul3A_4669 : i32
    %get3A_4671 = arith.index_cast %mul3A_4670 : i32 to index
    %get3A_4672 = tpu.vector_load %arg13[%get3A_4671] {strides = array<i32>} : memref<2560xi32, #tpu.memory_space<vmem>>, vector<16xi32>,
    %get3A_4673 = vector.shape_cast %get3A_4672 : vector<16xi32> to vector<16xi32>
    %and3A_4674 = arith.constant -16384 : i32
    %and3A_4675 = vector.broadcast %and3A_4674 : i32 to vector<16xi32>
    %and3A_4676 = arith.andi %get3A_4673, %and3A_4675 : vector<16xi32>
    %and3A_4677 = arith.constant 2047 : i32
    %and3A_4678 = vector.broadcast %and3A_4677 : i32 to vector<16xi32>
    %and3A_4679 = arith.andi %get3A_4673, %and3A_4678 : vector<16xi32>
    %shift_left3A_4680 = arith.constant 3 : i32
    %shift_left3A_4681 = vector.broadcast %shift_left3A_4680 : i32 to vector<16xi32>
    %shift_left3A_4682 = arith.shli %and3A_4679, %shift_left3A_4681 : vector<16xi32>
    %add3A_4683 = arith.addi %and3A_4676, %shift_left3A_4682 : vector<16xi32>
    %shift_right_logical3A_4684 = arith.constant 11 : i32
    %shift_right_logical3A_4685 = vector.broadcast %shift_right_logical3A_4684 : i32 to vector<16xi32>
    %shift_right_logical3A_4686 = arith.shrui %get3A_4673, %shift_right_logical3A_4685 : vector<16xi32>
    %and3A_4687 = arith.constant 7 : i32
    %and3A_4688 = vector.broadcast %and3A_4687 : i32 to vector<16xi32>
    %and3A_4689 = arith.andi %shift_right_logical3A_4686, %and3A_4688 : vector<16xi32>
    %add3A_4690 = arith.addi %add3A_4683, %and3A_4689 : vector<16xi32>
    %swap3A_4691 = arith.index_cast %mul3A_4670 : i32 to index
    %swap3A_4692 = tpu.vector_load %arg13[%swap3A_4691] {strides = array<i32>} : memref<2560xi32, #tpu.memory_space<vmem>>, vector<16xi32>,
    %swap3A_4693 = vector.shape_cast %swap3A_4692 : vector<16xi32> to vector<16xi32>
    %swap3A_4694 = vector.shape_cast %add3A_4690 : vector<16xi32> to vector<16xi32>
    tpu.vector_store %arg13[%swap3A_4691], %swap3A_4694 {strides = array<i32>} : memref<2560xi32, #tpu.memory_space<vmem>>, vector<16xi32>,
    %scan3A_4695 = arith.constant 157 : i32
    %mul3A_4696 = arith.constant 16 : i32
    %mul3A_4697 = arith.muli %scan3A_4695, %mul3A_4696 : i32
    %get3A_4698 = arith.index_cast %mul3A_4697 : i32 to index
    %get3A_4699 = tpu.vector_load %arg13[%get3A_4698] {strides = array<i32>} : memref<2560xi32, #tpu.memory_space<vmem>>, vector<16xi32>,
    %get3A_4700 = vector.shape_cast %get3A_4699 : vector<16xi32> to vector<16xi32>
    %and3A_4701 = arith.constant -16384 : i32
    %and3A_4702 = vector.broadcast %and3A_4701 : i32 to vector<16xi32>
    %and3A_4703 = arith.andi %get3A_4700, %and3A_4702 : vector<16xi32>
    %and3A_4704 = arith.constant 2047 : i32
    %and3A_4705 = vector.broadcast %and3A_4704 : i32 to vector<16xi32>
    %and3A_4706 = arith.andi %get3A_4700, %and3A_4705 : vector<16xi32>
    %shift_left3A_4707 = arith.constant 3 : i32
    %shift_left3A_4708 = vector.broadcast %shift_left3A_4707 : i32 to vector<16xi32>
    %shift_left3A_4709 = arith.shli %and3A_4706, %shift_left3A_4708 : vector<16xi32>
    %add3A_4710 = arith.addi %and3A_4703, %shift_left3A_4709 : vector<16xi32>
    %shift_right_logical3A_4711 = arith.constant 11 : i32
    %shift_right_logical3A_4712 = vector.broadcast %shift_right_logical3A_4711 : i32 to vector<16xi32>
    %shift_right_logical3A_4713 = arith.shrui %get3A_4700, %shift_right_logical3A_4712 : vector<16xi32>
    %and3A_4714 = arith.constant 7 : i32
    %and3A_4715 = vector.broadcast %and3A_4714 : i32 to vector<16xi32>
    %and3A_4716 = arith.andi %shift_right_logical3A_4713, %and3A_4715 : vector<16xi32>
    %add3A_4717 = arith.addi %add3A_4710, %and3A_4716 : vector<16xi32>
    %swap3A_4718 = arith.index_cast %mul3A_4697 : i32 to index
    %swap3A_4719 = tpu.vector_load %arg13[%swap3A_4718] {strides = array<i32>} : memref<2560xi32, #tpu.memory_space<vmem>>, vector<16xi32>,
    %swap3A_4720 = vector.shape_cast %swap3A_4719 : vector<16xi32> to vector<16xi32>
    %swap3A_4721 = vector.shape_cast %add3A_4717 : vector<16xi32> to vector<16xi32>
    tpu.vector_store %arg13[%swap3A_4718], %swap3A_4721 {strides = array<i32>} : memref<2560xi32, #tpu.memory_space<vmem>>, vector<16xi32>,
    %scan3A_4722 = arith.constant 158 : i32
    %mul3A_4723 = arith.constant 16 : i32
    %mul3A_4724 = arith.muli %scan3A_4722, %mul3A_4723 : i32
    %get3A_4725 = arith.index_cast %mul3A_4724 : i32 to index
    %get3A_4726 = tpu.vector_load %arg13[%get3A_4725] {strides = array<i32>} : memref<2560xi32, #tpu.memory_space<vmem>>, vector<16xi32>,
    %get3A_4727 = vector.shape_cast %get3A_4726 : vector<16xi32> to vector<16xi32>
    %and3A_4728 = arith.constant -16384 : i32
    %and3A_4729 = vector.broadcast %and3A_4728 : i32 to vector<16xi32>
    %and3A_4730 = arith.andi %get3A_4727, %and3A_4729 : vector<16xi32>
    %and3A_4731 = arith.constant 2047 : i32
    %and3A_4732 = vector.broadcast %and3A_4731 : i32 to vector<16xi32>
    %and3A_4733 = arith.andi %get3A_4727, %and3A_4732 : vector<16xi32>
    %shift_left3A_4734 = arith.constant 3 : i32
    %shift_left3A_4735 = vector.broadcast %shift_left3A_4734 : i32 to vector<16xi32>
    %shift_left3A_4736 = arith.shli %and3A_4733, %shift_left3A_4735 : vector<16xi32>
    %add3A_4737 = arith.addi %and3A_4730, %shift_left3A_4736 : vector<16xi32>
    %shift_right_logical3A_4738 = arith.constant 11 : i32
    %shift_right_logical3A_4739 = vector.broadcast %shift_right_logical3A_4738 : i32 to vector<16xi32>
    %shift_right_logical3A_4740 = arith.shrui %get3A_4727, %shift_right_logical3A_4739 : vector<16xi32>
    %and3A_4741 = arith.constant 7 : i32
    %and3A_4742 = vector.broadcast %and3A_4741 : i32 to vector<16xi32>
    %and3A_4743 = arith.andi %shift_right_logical3A_4740, %and3A_4742 : vector<16xi32>
    %add3A_4744 = arith.addi %add3A_4737, %and3A_4743 : vector<16xi32>
    %swap3A_4745 = arith.index_cast %mul3A_4724 : i32 to index
    %swap3A_4746 = tpu.vector_load %arg13[%swap3A_4745] {strides = array<i32>} : memref<2560xi32, #tpu.memory_space<vmem>>, vector<16xi32>,
    %swap3A_4747 = vector.shape_cast %swap3A_4746 : vector<16xi32> to vector<16xi32>
    %swap3A_4748 = vector.shape_cast %add3A_4744 : vector<16xi32> to vector<16xi32>
    tpu.vector_store %arg13[%swap3A_4745], %swap3A_4748 {strides = array<i32>} : memref<2560xi32, #tpu.memory_space<vmem>>, vector<16xi32>,
    %scan3A_4749 = arith.constant 159 : i32
    %mul3A_4750 = arith.constant 16 : i32
    %mul3A_4751 = arith.muli %scan3A_4749, %mul3A_4750 : i32
    %get3A_4752 = arith.index_cast %mul3A_4751 : i32 to index
    %get3A_4753 = tpu.vector_load %arg13[%get3A_4752] {strides = array<i32>} : memref<2560xi32, #tpu.memory_space<vmem>>, vector<16xi32>,
    %get3A_4754 = vector.shape_cast %get3A_4753 : vector<16xi32> to vector<16xi32>
    %and3A_4755 = arith.constant -16384 : i32
    %and3A_4756 = vector.broadcast %and3A_4755 : i32 to vector<16xi32>
    %and3A_4757 = arith.andi %get3A_4754, %and3A_4756 : vector<16xi32>
    %and3A_4758 = arith.constant 2047 : i32
    %and3A_4759 = vector.broadcast %and3A_4758 : i32 to vector<16xi32>
    %and3A_4760 = arith.andi %get3A_4754, %and3A_4759 : vector<16xi32>
    %shift_left3A_4761 = arith.constant 3 : i32
    %shift_left3A_4762 = vector.broadcast %shift_left3A_4761 : i32 to vector<16xi32>
    %shift_left3A_4763 = arith.shli %and3A_4760, %shift_left3A_4762 : vector<16xi32>
    %add3A_4764 = arith.addi %and3A_4757, %shift_left3A_4763 : vector<16xi32>
    %shift_right_logical3A_4765 = arith.constant 11 : i32
    %shift_right_logical3A_4766 = vector.broadcast %shift_right_logical3A_4765 : i32 to vector<16xi32>
    %shift_right_logical3A_4767 = arith.shrui %get3A_4754, %shift_right_logical3A_4766 : vector<16xi32>
    %and3A_4768 = arith.constant 7 : i32
    %and3A_4769 = vector.broadcast %and3A_4768 : i32 to vector<16xi32>
    %and3A_4770 = arith.andi %shift_right_logical3A_4767, %and3A_4769 : vector<16xi32>
    %add3A_4771 = arith.addi %add3A_4764, %and3A_4770 : vector<16xi32>
    %swap3A_4772 = arith.index_cast %mul3A_4751 : i32 to index
    %swap3A_4773 = tpu.vector_load %arg13[%swap3A_4772] {strides = array<i32>} : memref<2560xi32, #tpu.memory_space<vmem>>, vector<16xi32>,
    %swap3A_4774 = vector.shape_cast %swap3A_4773 : vector<16xi32> to vector<16xi32>
    %swap3A_4775 = vector.shape_cast %add3A_4771 : vector<16xi32> to vector<16xi32>
    tpu.vector_store %arg13[%swap3A_4772], %swap3A_4775 {strides = array<i32>} : memref<2560xi32, #tpu.memory_space<vmem>>, vector<16xi32>,
    %scan3A_4776 = arith.constant 160 : i32
    %dma_start3A_4777 = arith.constant 0 : i32
    %dma_start3A_4778 = arith.constant 0 : i32
    %dma_start3A_4779 = tpu.memref_slice %arg6[%dma_start3A_4777, %dma_start3A_4778] : memref<1015808x16xf32, #tpu.memory_space<hbm>> -> memref<1015808x16xf32, #tpu.memory_space<hbm>>
    tpu.enqueue_indirect_dma source(%dma_start3A_4779 : memref<1015808x16xf32, #tpu.memory_space<hbm>>) target(%arg16 : memref<2560x16xf32, #tpu.memory_space<vmem>>) offsets(%arg13 : memref<2560xi32, #tpu.memory_space<vmem>>) semaphore(%arg20 : memref<!tpu.dma_semaphore, #tpu.memory_space<semaphore_mem>>)
    %dma_wait3A_4780 = arith.constant 0 : i32
    %dma_wait3A_4781 = arith.constant 0 : i32
    %dma_wait3A_4782 = tpu.memref_slice %arg5[%dma_wait3A_4780, %dma_wait3A_4781] : memref<114688x16xf32, #tpu.memory_space<hbm>> -> memref<114688x16xf32, #tpu.memory_space<hbm>>
    tpu.wait_indirect_dma semaphore(%arg18 : memref<!tpu.dma_semaphore, #tpu.memory_space<semaphore_mem>>) src(%dma_wait3A_4782 : memref<114688x16xf32, #tpu.memory_space<hbm>>) dst(%arg14 : memref<128x16xf32, #tpu.memory_space<vmem>>)
    %dma_start3A_4783 = arith.constant 0 : i32
    %dma_start3A_4784 = tpu.memref_slice %arg7[%mul3A_2, %dma_start3A_4783] : memref<4096x16xf32, #tpu.memory_space<hbm>> -> memref<128x16xf32, #tpu.memory_space<hbm>>
    %dma_start3A_4785 = arith.constant 0 : i32
    %dma_start3A_4786 = tpu.memref_slice %arg7[%mul3A_2, %dma_start3A_4785] : memref<4096x16xf32, #tpu.memory_space<hbm>> -> memref<128x16xf32, #tpu.memory_space<hbm>>
    tpu.enqueue_dma source(%arg14 : memref<128x16xf32, #tpu.memory_space<vmem>>) target(%dma_start3A_4786 : memref<128x16xf32, #tpu.memory_space<hbm>>) target_semaphore(%arg21 : memref<!tpu.dma_semaphore, #tpu.memory_space<semaphore_mem>>)
    %dma_wait3A_4787 = arith.constant 0 : i32
    %dma_wait3A_4788 = arith.constant 0 : i32
    %dma_wait3A_4789 = tpu.memref_slice %arg6[%dma_wait3A_4787, %dma_wait3A_4788] : memref<1015808x16xf32, #tpu.memory_space<hbm>> -> memref<1015808x16xf32, #tpu.memory_space<hbm>>
    tpu.wait_indirect_dma semaphore(%arg19 : memref<!tpu.dma_semaphore, #tpu.memory_space<semaphore_mem>>) src(%dma_wait3A_4789 : memref<1015808x16xf32, #tpu.memory_space<hbm>>) dst(%arg15 : memref<128x16xf32, #tpu.memory_space<vmem>>)
    %dma_start3A_4790 = arith.constant 0 : i32
    %dma_start3A_4791 = tpu.memref_slice %arg9[%mul3A_2, %dma_start3A_4790] : memref<4096x16xf32, #tpu.memory_space<hbm>> -> memref<128x16xf32, #tpu.memory_space<hbm>>
    %dma_start3A_4792 = arith.constant 0 : i32
    %dma_start3A_4793 = tpu.memref_slice %arg9[%mul3A_2, %dma_start3A_4792] : memref<4096x16xf32, #tpu.memory_space<hbm>> -> memref<128x16xf32, #tpu.memory_space<hbm>>
    tpu.enqueue_dma source(%arg15 : memref<128x16xf32, #tpu.memory_space<vmem>>) target(%dma_start3A_4793 : memref<128x16xf32, #tpu.memory_space<hbm>>) target_semaphore(%arg21 : memref<!tpu.dma_semaphore, #tpu.memory_space<semaphore_mem>>)
    %dma_wait3A_4794 = arith.constant 0 : i32
    %dma_wait3A_4795 = arith.constant 0 : i32
    %dma_wait3A_4796 = tpu.memref_slice %arg6[%dma_wait3A_4794, %dma_wait3A_4795] : memref<1015808x16xf32, #tpu.memory_space<hbm>> -> memref<1015808x16xf32, #tpu.memory_space<hbm>>
    tpu.wait_indirect_dma semaphore(%arg20 : memref<!tpu.dma_semaphore, #tpu.memory_space<semaphore_mem>>) src(%dma_wait3A_4796 : memref<1015808x16xf32, #tpu.memory_space<hbm>>) dst(%arg16 : memref<2560x16xf32, #tpu.memory_space<vmem>>)
    %mul3A_4797 = arith.constant 2560 : i32
    %mul3A_4798 = arith.muli %add3A, %mul3A_4797 : i32
    %dma_start3A_4799 = arith.constant 0 : i32
    %dma_start3A_4800 = tpu.memref_slice %arg8[%mul3A_4798, %dma_start3A_4799] : memref<81920x16xf32, #tpu.memory_space<hbm>> -> memref<2560x16xf32, #tpu.memory_space<hbm>>
    %dma_start3A_4801 = arith.constant 0 : i32
    %dma_start3A_4802 = tpu.memref_slice %arg8[%mul3A_4798, %dma_start3A_4801] : memref<81920x16xf32, #tpu.memory_space<hbm>> -> memref<2560x16xf32, #tpu.memory_space<hbm>>
    tpu.enqueue_dma source(%arg16 : memref<2560x16xf32, #tpu.memory_space<vmem>>) target(%dma_start3A_4802 : memref<2560x16xf32, #tpu.memory_space<hbm>>) target_semaphore(%arg21 : memref<!tpu.dma_semaphore, #tpu.memory_space<semaphore_mem>>)
    %dma_wait3A_4803 = arith.constant 0 : i32
    %dma_wait3A_4804 = tpu.memref_slice %arg7[%mul3A_2, %dma_wait3A_4803] : memref<4096x16xf32, #tpu.memory_space<hbm>> -> memref<128x16xf32, #tpu.memory_space<hbm>>
    %dma_wait3A_4805 = arith.constant 0 : i32
    %dma_wait3A_4806 = tpu.memref_slice %arg7[%mul3A_2, %dma_wait3A_4805] : memref<4096x16xf32, #tpu.memory_space<hbm>> -> memref<128x16xf32, #tpu.memory_space<hbm>>
    tpu.wait_dma2 semaphore(%arg21 : memref<!tpu.dma_semaphore, #tpu.memory_space<semaphore_mem>>) src(%arg14 : memref<128x16xf32, #tpu.memory_space<vmem>>) dst(%dma_wait3A_4806 : memref<128x16xf32, #tpu.memory_space<hbm>>)
    %dma_wait3A_4807 = arith.constant 0 : i32
    %dma_wait3A_4808 = tpu.memref_slice %arg9[%mul3A_2, %dma_wait3A_4807] : memref<4096x16xf32, #tpu.memory_space<hbm>> -> memref<128x16xf32, #tpu.memory_space<hbm>>
    %dma_wait3A_4809 = arith.constant 0 : i32
    %dma_wait3A_4810 = tpu.memref_slice %arg9[%mul3A_2, %dma_wait3A_4809] : memref<4096x16xf32, #tpu.memory_space<hbm>> -> memref<128x16xf32, #tpu.memory_space<hbm>>
    tpu.wait_dma2 semaphore(%arg21 : memref<!tpu.dma_semaphore, #tpu.memory_space<semaphore_mem>>) src(%arg15 : memref<128x16xf32, #tpu.memory_space<vmem>>) dst(%dma_wait3A_4810 : memref<128x16xf32, #tpu.memory_space<hbm>>)
    %dma_wait3A_4811 = arith.constant 0 : i32
    %dma_wait3A_4812 = tpu.memref_slice %arg8[%mul3A_4798, %dma_wait3A_4811] : memref<81920x16xf32, #tpu.memory_space<hbm>> -> memref<2560x16xf32, #tpu.memory_space<hbm>>
    %dma_wait3A_4813 = arith.constant 0 : i32
    %dma_wait3A_4814 = tpu.memref_slice %arg8[%mul3A_4798, %dma_wait3A_4813] : memref<81920x16xf32, #tpu.memory_space<hbm>> -> memref<2560x16xf32, #tpu.memory_space<hbm>>
    tpu.wait_dma2 semaphore(%arg21 : memref<!tpu.dma_semaphore, #tpu.memory_space<semaphore_mem>>) src(%arg16 : memref<2560x16xf32, #tpu.memory_space<vmem>>) dst(%dma_wait3A_4814 : memref<2560x16xf32, #tpu.memory_space<hbm>>)
    return
  }
}

module attributes {stable_mosaic.version = 14 : i64} {
  func.func @_detile_body(%arg0: i32, %arg1: memref<16x16384xf32, #tpu.memory_space<vmem>>, %arg2: memref<16x1024xf32, #tpu.memory_space<vmem>>, %arg3: memref<2048x128xf32, #tpu.memory_space<vmem>>) attributes {dimension_semantics = [#tpu.dimension_semantics<arbitrary>], iteration_bounds = array<i64: 7>, scalar_prefetch = 0 : i64, scratch_operands = 0 : i64, tpu.core_type = #tpu.core_type<tc>, window_params = [{transform_indices = @transform_0, window_bounds = array<i64: 16, 16384>}, {pipeline_mode = #tpu.pipeline_mode<synchronous>, transform_indices = @transform_1, window_bounds = array<i64: 16, 1024>}, {transform_indices = @transform_2, window_bounds = array<i64: 2048, 128>}]} {
    %get3A = arith.constant 0 : index
    %get3A_0 = arith.constant 0 : index
    %get3A_1 = vector.load %arg1[%get3A, %get3A_0] : memref<16x16384xf32, #tpu.memory_space<vmem>>, vector<16x16384xf32>
    %get3A_2 = arith.constant 0 : index
    %get3A_3 = arith.constant 0 : index
    %get3A_4 = vector.load %arg2[%get3A_2, %get3A_3] : memref<16x1024xf32, #tpu.memory_space<vmem>>, vector<16x1024xf32>
    %slice3A = vector.extract_strided_slice %get3A_1 {offsets = [0, 0], sizes = [16, 2048], strides = [1, 1]} : vector<16x16384xf32> to vector<16x2048xf32>
    %slice3A_5 = vector.extract_strided_slice %get3A_4 {offsets = [0, 0], sizes = [16, 128], strides = [1, 1]} : vector<16x1024xf32> to vector<16x128xf32>
    %dot_general3A = arith.constant dense<0.000000e+00> : vector<2048x128xf32>
    %dot_general3A_6 = tpu.matmul %slice3A, %slice3A_5, %dot_general3A {dimension_numbers = #tpu.dot_dimension_numbers<[0], [0], [1], [1], [0, 1, 1, 1], [], []>, transpose_lhs_hint = true} : vector<16x2048xf32>, vector<16x128xf32>, vector<2048x128xf32> -> vector<2048x128xf32>
    %slice3A_7 = vector.extract_strided_slice %get3A_1 {offsets = [0, 2048], sizes = [16, 2048], strides = [1, 1]} : vector<16x16384xf32> to vector<16x2048xf32>
    %slice3A_8 = vector.extract_strided_slice %get3A_4 {offsets = [0, 128], sizes = [16, 128], strides = [1, 1]} : vector<16x1024xf32> to vector<16x128xf32>
    %dot_general3A_9 = arith.constant dense<0.000000e+00> : vector<2048x128xf32>
    %dot_general3A_10 = tpu.matmul %slice3A_7, %slice3A_8, %dot_general3A_9 {dimension_numbers = #tpu.dot_dimension_numbers<[0], [0], [1], [1], [0, 1, 1, 1], [], []>, transpose_lhs_hint = true} : vector<16x2048xf32>, vector<16x128xf32>, vector<2048x128xf32> -> vector<2048x128xf32>
    %add3A = arith.addf %dot_general3A_6, %dot_general3A_10 : vector<2048x128xf32>
    %slice3A_11 = vector.extract_strided_slice %get3A_1 {offsets = [0, 4096], sizes = [16, 2048], strides = [1, 1]} : vector<16x16384xf32> to vector<16x2048xf32>
    %slice3A_12 = vector.extract_strided_slice %get3A_4 {offsets = [0, 256], sizes = [16, 128], strides = [1, 1]} : vector<16x1024xf32> to vector<16x128xf32>
    %dot_general3A_13 = arith.constant dense<0.000000e+00> : vector<2048x128xf32>
    %dot_general3A_14 = tpu.matmul %slice3A_11, %slice3A_12, %dot_general3A_13 {dimension_numbers = #tpu.dot_dimension_numbers<[0], [0], [1], [1], [0, 1, 1, 1], [], []>, transpose_lhs_hint = true} : vector<16x2048xf32>, vector<16x128xf32>, vector<2048x128xf32> -> vector<2048x128xf32>
    %add3A_15 = arith.addf %add3A, %dot_general3A_14 : vector<2048x128xf32>
    %slice3A_16 = vector.extract_strided_slice %get3A_1 {offsets = [0, 6144], sizes = [16, 2048], strides = [1, 1]} : vector<16x16384xf32> to vector<16x2048xf32>
    %slice3A_17 = vector.extract_strided_slice %get3A_4 {offsets = [0, 384], sizes = [16, 128], strides = [1, 1]} : vector<16x1024xf32> to vector<16x128xf32>
    %dot_general3A_18 = arith.constant dense<0.000000e+00> : vector<2048x128xf32>
    %dot_general3A_19 = tpu.matmul %slice3A_16, %slice3A_17, %dot_general3A_18 {dimension_numbers = #tpu.dot_dimension_numbers<[0], [0], [1], [1], [0, 1, 1, 1], [], []>, transpose_lhs_hint = true} : vector<16x2048xf32>, vector<16x128xf32>, vector<2048x128xf32> -> vector<2048x128xf32>
    %add3A_20 = arith.addf %add3A_15, %dot_general3A_19 : vector<2048x128xf32>
    %slice3A_21 = vector.extract_strided_slice %get3A_1 {offsets = [0, 8192], sizes = [16, 2048], strides = [1, 1]} : vector<16x16384xf32> to vector<16x2048xf32>
    %slice3A_22 = vector.extract_strided_slice %get3A_4 {offsets = [0, 512], sizes = [16, 128], strides = [1, 1]} : vector<16x1024xf32> to vector<16x128xf32>
    %dot_general3A_23 = arith.constant dense<0.000000e+00> : vector<2048x128xf32>
    %dot_general3A_24 = tpu.matmul %slice3A_21, %slice3A_22, %dot_general3A_23 {dimension_numbers = #tpu.dot_dimension_numbers<[0], [0], [1], [1], [0, 1, 1, 1], [], []>, transpose_lhs_hint = true} : vector<16x2048xf32>, vector<16x128xf32>, vector<2048x128xf32> -> vector<2048x128xf32>
    %add3A_25 = arith.addf %add3A_20, %dot_general3A_24 : vector<2048x128xf32>
    %slice3A_26 = vector.extract_strided_slice %get3A_1 {offsets = [0, 10240], sizes = [16, 2048], strides = [1, 1]} : vector<16x16384xf32> to vector<16x2048xf32>
    %slice3A_27 = vector.extract_strided_slice %get3A_4 {offsets = [0, 640], sizes = [16, 128], strides = [1, 1]} : vector<16x1024xf32> to vector<16x128xf32>
    %dot_general3A_28 = arith.constant dense<0.000000e+00> : vector<2048x128xf32>
    %dot_general3A_29 = tpu.matmul %slice3A_26, %slice3A_27, %dot_general3A_28 {dimension_numbers = #tpu.dot_dimension_numbers<[0], [0], [1], [1], [0, 1, 1, 1], [], []>, transpose_lhs_hint = true} : vector<16x2048xf32>, vector<16x128xf32>, vector<2048x128xf32> -> vector<2048x128xf32>
    %add3A_30 = arith.addf %add3A_25, %dot_general3A_29 : vector<2048x128xf32>
    %slice3A_31 = vector.extract_strided_slice %get3A_1 {offsets = [0, 12288], sizes = [16, 2048], strides = [1, 1]} : vector<16x16384xf32> to vector<16x2048xf32>
    %slice3A_32 = vector.extract_strided_slice %get3A_4 {offsets = [0, 768], sizes = [16, 128], strides = [1, 1]} : vector<16x1024xf32> to vector<16x128xf32>
    %dot_general3A_33 = arith.constant dense<0.000000e+00> : vector<2048x128xf32>
    %dot_general3A_34 = tpu.matmul %slice3A_31, %slice3A_32, %dot_general3A_33 {dimension_numbers = #tpu.dot_dimension_numbers<[0], [0], [1], [1], [0, 1, 1, 1], [], []>, transpose_lhs_hint = true} : vector<16x2048xf32>, vector<16x128xf32>, vector<2048x128xf32> -> vector<2048x128xf32>
    %add3A_35 = arith.addf %add3A_30, %dot_general3A_34 : vector<2048x128xf32>
    %slice3A_36 = vector.extract_strided_slice %get3A_1 {offsets = [0, 14336], sizes = [16, 2048], strides = [1, 1]} : vector<16x16384xf32> to vector<16x2048xf32>
    %slice3A_37 = vector.extract_strided_slice %get3A_4 {offsets = [0, 896], sizes = [16, 128], strides = [1, 1]} : vector<16x1024xf32> to vector<16x128xf32>
    %dot_general3A_38 = arith.constant dense<0.000000e+00> : vector<2048x128xf32>
    %dot_general3A_39 = tpu.matmul %slice3A_36, %slice3A_37, %dot_general3A_38 {dimension_numbers = #tpu.dot_dimension_numbers<[0], [0], [1], [1], [0, 1, 1, 1], [], []>, transpose_lhs_hint = true} : vector<16x2048xf32>, vector<16x128xf32>, vector<2048x128xf32> -> vector<2048x128xf32>
    %add3A_40 = arith.addf %add3A_35, %dot_general3A_39 : vector<2048x128xf32>
    %swap3A = arith.constant 0 : index
    %swap3A_41 = arith.constant 0 : index
    %swap3A_42 = vector.load %arg3[%swap3A, %swap3A_41] : memref<2048x128xf32, #tpu.memory_space<vmem>>, vector<2048x128xf32>
    tpu.vector_store %arg3[%swap3A, %swap3A_41], %add3A_40 {strides = array<i32>} : memref<2048x128xf32, #tpu.memory_space<vmem>>, vector<2048x128xf32>,
    return
  }
  func.func @transform_0(%arg0: i32) -> (i32, i32) {
    %c0_i32 = arith.constant 0 : i32
    %c0_i32_0 = arith.constant 0 : i32
    return %c0_i32, %arg0 : i32, i32
  }
  func.func @transform_1(%arg0: i32) -> (i32, i32) {
    %c0_i32 = arith.constant 0 : i32
    %c0_i32_0 = arith.constant 0 : i32
    %c0_i32_1 = arith.constant 0 : i32
    return %c0_i32, %c0_i32_0 : i32, i32
  }
  func.func @transform_2(%arg0: i32) -> (i32, i32) {
    %c0_i32 = arith.constant 0 : i32
    %c0_i32_0 = arith.constant 0 : i32
    return %arg0, %c0_i32 : i32, i32
  }
}

module attributes {stable_mosaic.version = 14 : i64} {
  func.func @_detile_body(%arg0: i32, %arg1: memref<16x16384xf32, #tpu.memory_space<vmem>>, %arg2: memref<16x1024xf32, #tpu.memory_space<vmem>>, %arg3: memref<2048x128xf32, #tpu.memory_space<vmem>>) attributes {dimension_semantics = [#tpu.dimension_semantics<arbitrary>], iteration_bounds = array<i64: 62>, scalar_prefetch = 0 : i64, scratch_operands = 0 : i64, tpu.core_type = #tpu.core_type<tc>, window_params = [{transform_indices = @transform_0, window_bounds = array<i64: 16, 16384>}, {pipeline_mode = #tpu.pipeline_mode<synchronous>, transform_indices = @transform_1, window_bounds = array<i64: 16, 1024>}, {transform_indices = @transform_2, window_bounds = array<i64: 2048, 128>}]} {
    %get3A = arith.constant 0 : index
    %get3A_0 = arith.constant 0 : index
    %get3A_1 = vector.load %arg1[%get3A, %get3A_0] : memref<16x16384xf32, #tpu.memory_space<vmem>>, vector<16x16384xf32>
    %get3A_2 = arith.constant 0 : index
    %get3A_3 = arith.constant 0 : index
    %get3A_4 = vector.load %arg2[%get3A_2, %get3A_3] : memref<16x1024xf32, #tpu.memory_space<vmem>>, vector<16x1024xf32>
    %slice3A = vector.extract_strided_slice %get3A_1 {offsets = [0, 0], sizes = [16, 2048], strides = [1, 1]} : vector<16x16384xf32> to vector<16x2048xf32>
    %slice3A_5 = vector.extract_strided_slice %get3A_4 {offsets = [0, 0], sizes = [16, 128], strides = [1, 1]} : vector<16x1024xf32> to vector<16x128xf32>
    %dot_general3A = arith.constant dense<0.000000e+00> : vector<2048x128xf32>
    %dot_general3A_6 = tpu.matmul %slice3A, %slice3A_5, %dot_general3A {dimension_numbers = #tpu.dot_dimension_numbers<[0], [0], [1], [1], [0, 1, 1, 1], [], []>, transpose_lhs_hint = true} : vector<16x2048xf32>, vector<16x128xf32>, vector<2048x128xf32> -> vector<2048x128xf32>
    %slice3A_7 = vector.extract_strided_slice %get3A_1 {offsets = [0, 2048], sizes = [16, 2048], strides = [1, 1]} : vector<16x16384xf32> to vector<16x2048xf32>
    %slice3A_8 = vector.extract_strided_slice %get3A_4 {offsets = [0, 128], sizes = [16, 128], strides = [1, 1]} : vector<16x1024xf32> to vector<16x128xf32>
    %dot_general3A_9 = arith.constant dense<0.000000e+00> : vector<2048x128xf32>
    %dot_general3A_10 = tpu.matmul %slice3A_7, %slice3A_8, %dot_general3A_9 {dimension_numbers = #tpu.dot_dimension_numbers<[0], [0], [1], [1], [0, 1, 1, 1], [], []>, transpose_lhs_hint = true} : vector<16x2048xf32>, vector<16x128xf32>, vector<2048x128xf32> -> vector<2048x128xf32>
    %add3A = arith.addf %dot_general3A_6, %dot_general3A_10 : vector<2048x128xf32>
    %slice3A_11 = vector.extract_strided_slice %get3A_1 {offsets = [0, 4096], sizes = [16, 2048], strides = [1, 1]} : vector<16x16384xf32> to vector<16x2048xf32>
    %slice3A_12 = vector.extract_strided_slice %get3A_4 {offsets = [0, 256], sizes = [16, 128], strides = [1, 1]} : vector<16x1024xf32> to vector<16x128xf32>
    %dot_general3A_13 = arith.constant dense<0.000000e+00> : vector<2048x128xf32>
    %dot_general3A_14 = tpu.matmul %slice3A_11, %slice3A_12, %dot_general3A_13 {dimension_numbers = #tpu.dot_dimension_numbers<[0], [0], [1], [1], [0, 1, 1, 1], [], []>, transpose_lhs_hint = true} : vector<16x2048xf32>, vector<16x128xf32>, vector<2048x128xf32> -> vector<2048x128xf32>
    %add3A_15 = arith.addf %add3A, %dot_general3A_14 : vector<2048x128xf32>
    %slice3A_16 = vector.extract_strided_slice %get3A_1 {offsets = [0, 6144], sizes = [16, 2048], strides = [1, 1]} : vector<16x16384xf32> to vector<16x2048xf32>
    %slice3A_17 = vector.extract_strided_slice %get3A_4 {offsets = [0, 384], sizes = [16, 128], strides = [1, 1]} : vector<16x1024xf32> to vector<16x128xf32>
    %dot_general3A_18 = arith.constant dense<0.000000e+00> : vector<2048x128xf32>
    %dot_general3A_19 = tpu.matmul %slice3A_16, %slice3A_17, %dot_general3A_18 {dimension_numbers = #tpu.dot_dimension_numbers<[0], [0], [1], [1], [0, 1, 1, 1], [], []>, transpose_lhs_hint = true} : vector<16x2048xf32>, vector<16x128xf32>, vector<2048x128xf32> -> vector<2048x128xf32>
    %add3A_20 = arith.addf %add3A_15, %dot_general3A_19 : vector<2048x128xf32>
    %slice3A_21 = vector.extract_strided_slice %get3A_1 {offsets = [0, 8192], sizes = [16, 2048], strides = [1, 1]} : vector<16x16384xf32> to vector<16x2048xf32>
    %slice3A_22 = vector.extract_strided_slice %get3A_4 {offsets = [0, 512], sizes = [16, 128], strides = [1, 1]} : vector<16x1024xf32> to vector<16x128xf32>
    %dot_general3A_23 = arith.constant dense<0.000000e+00> : vector<2048x128xf32>
    %dot_general3A_24 = tpu.matmul %slice3A_21, %slice3A_22, %dot_general3A_23 {dimension_numbers = #tpu.dot_dimension_numbers<[0], [0], [1], [1], [0, 1, 1, 1], [], []>, transpose_lhs_hint = true} : vector<16x2048xf32>, vector<16x128xf32>, vector<2048x128xf32> -> vector<2048x128xf32>
    %add3A_25 = arith.addf %add3A_20, %dot_general3A_24 : vector<2048x128xf32>
    %slice3A_26 = vector.extract_strided_slice %get3A_1 {offsets = [0, 10240], sizes = [16, 2048], strides = [1, 1]} : vector<16x16384xf32> to vector<16x2048xf32>
    %slice3A_27 = vector.extract_strided_slice %get3A_4 {offsets = [0, 640], sizes = [16, 128], strides = [1, 1]} : vector<16x1024xf32> to vector<16x128xf32>
    %dot_general3A_28 = arith.constant dense<0.000000e+00> : vector<2048x128xf32>
    %dot_general3A_29 = tpu.matmul %slice3A_26, %slice3A_27, %dot_general3A_28 {dimension_numbers = #tpu.dot_dimension_numbers<[0], [0], [1], [1], [0, 1, 1, 1], [], []>, transpose_lhs_hint = true} : vector<16x2048xf32>, vector<16x128xf32>, vector<2048x128xf32> -> vector<2048x128xf32>
    %add3A_30 = arith.addf %add3A_25, %dot_general3A_29 : vector<2048x128xf32>
    %slice3A_31 = vector.extract_strided_slice %get3A_1 {offsets = [0, 12288], sizes = [16, 2048], strides = [1, 1]} : vector<16x16384xf32> to vector<16x2048xf32>
    %slice3A_32 = vector.extract_strided_slice %get3A_4 {offsets = [0, 768], sizes = [16, 128], strides = [1, 1]} : vector<16x1024xf32> to vector<16x128xf32>
    %dot_general3A_33 = arith.constant dense<0.000000e+00> : vector<2048x128xf32>
    %dot_general3A_34 = tpu.matmul %slice3A_31, %slice3A_32, %dot_general3A_33 {dimension_numbers = #tpu.dot_dimension_numbers<[0], [0], [1], [1], [0, 1, 1, 1], [], []>, transpose_lhs_hint = true} : vector<16x2048xf32>, vector<16x128xf32>, vector<2048x128xf32> -> vector<2048x128xf32>
    %add3A_35 = arith.addf %add3A_30, %dot_general3A_34 : vector<2048x128xf32>
    %slice3A_36 = vector.extract_strided_slice %get3A_1 {offsets = [0, 14336], sizes = [16, 2048], strides = [1, 1]} : vector<16x16384xf32> to vector<16x2048xf32>
    %slice3A_37 = vector.extract_strided_slice %get3A_4 {offsets = [0, 896], sizes = [16, 128], strides = [1, 1]} : vector<16x1024xf32> to vector<16x128xf32>
    %dot_general3A_38 = arith.constant dense<0.000000e+00> : vector<2048x128xf32>
    %dot_general3A_39 = tpu.matmul %slice3A_36, %slice3A_37, %dot_general3A_38 {dimension_numbers = #tpu.dot_dimension_numbers<[0], [0], [1], [1], [0, 1, 1, 1], [], []>, transpose_lhs_hint = true} : vector<16x2048xf32>, vector<16x128xf32>, vector<2048x128xf32> -> vector<2048x128xf32>
    %add3A_40 = arith.addf %add3A_35, %dot_general3A_39 : vector<2048x128xf32>
    %swap3A = arith.constant 0 : index
    %swap3A_41 = arith.constant 0 : index
    %swap3A_42 = vector.load %arg3[%swap3A, %swap3A_41] : memref<2048x128xf32, #tpu.memory_space<vmem>>, vector<2048x128xf32>
    tpu.vector_store %arg3[%swap3A, %swap3A_41], %add3A_40 {strides = array<i32>} : memref<2048x128xf32, #tpu.memory_space<vmem>>, vector<2048x128xf32>,
    return
  }
  func.func @transform_0(%arg0: i32) -> (i32, i32) {
    %c0_i32 = arith.constant 0 : i32
    %c0_i32_0 = arith.constant 0 : i32
    return %c0_i32, %arg0 : i32, i32
  }
  func.func @transform_1(%arg0: i32) -> (i32, i32) {
    %c0_i32 = arith.constant 0 : i32
    %c0_i32_0 = arith.constant 0 : i32
    %c0_i32_1 = arith.constant 0 : i32
    return %c0_i32, %c0_i32_0 : i32, i32
  }
  func.func @transform_2(%arg0: i32) -> (i32, i32) {
    %c0_i32 = arith.constant 0 : i32
    %c0_i32_0 = arith.constant 0 : i32
    return %arg0, %c0_i32 : i32, i32
  }
}

module attributes {stable_mosaic.version = 14 : i64} {
  func.func @_tc_body(%arg0: i32, %arg1: memref<8x16x128xf32, #tpu.memory_space<vmem>>, %arg2: memref<8x20x16x128xf32, #tpu.memory_space<vmem>>, %arg3: memref<8x16x128xf32, #tpu.memory_space<vmem>>, %arg4: memref<128x128xf32, #tpu.memory_space<vmem>>, %arg5: memref<128x128xf32, #tpu.memory_space<vmem>>, %arg6: memref<128x128xf32, #tpu.memory_space<vmem>>, %arg7: memref<1x128xf32, #tpu.memory_space<vmem>>, %arg8: memref<1x128xf32, #tpu.memory_space<vmem>>, %arg9: memref<128x8xf32, #tpu.memory_space<vmem>>, %arg10: memref<128x8xf32, #tpu.memory_space<vmem>>, %arg11: memref<128x128xf32, #tpu.memory_space<vmem>>) attributes {dimension_semantics = [#tpu.dimension_semantics<arbitrary>], iteration_bounds = array<i64: 4>, scalar_prefetch = 0 : i64, scratch_operands = 0 : i64, tpu.core_type = #tpu.core_type<tc>, window_params = [{transform_indices = @transform_0, window_bounds = array<i64: 8, 16, 128>}, {transform_indices = @transform_1, window_bounds = array<i64: 8, 20, 16, 128>}, {transform_indices = @transform_2, window_bounds = array<i64: 8, 16, 128>}, {pipeline_mode = #tpu.pipeline_mode<synchronous>, transform_indices = @transform_3, window_bounds = array<i64: 128, 128>}, {pipeline_mode = #tpu.pipeline_mode<synchronous>, transform_indices = @transform_4, window_bounds = array<i64: 128, 128>}, {pipeline_mode = #tpu.pipeline_mode<synchronous>, transform_indices = @transform_5, window_bounds = array<i64: 128, 128>}, {pipeline_mode = #tpu.pipeline_mode<synchronous>, transform_indices = @transform_6, window_bounds = array<i64: 1, 128>}, {pipeline_mode = #tpu.pipeline_mode<synchronous>, transform_indices = @transform_7, window_bounds = array<i64: 1, 128>}, {pipeline_mode = #tpu.pipeline_mode<synchronous>, transform_indices = @transform_8, window_bounds = array<i64: 128, 8>}, {transform_indices = @transform_9, window_bounds = array<i64: 128, 8>}, {transform_indices = @transform_10, window_bounds = array<i64: 128, 128>}]} {
    %get3A = arith.constant 0 : index
    %get3A_0 = arith.constant 0 : index
    %get3A_1 = vector.load %arg4[%get3A, %get3A_0] : memref<128x128xf32, #tpu.memory_space<vmem>>, vector<128x128xf32>
    %get3A_2 = arith.constant 0 : index
    %get3A_3 = arith.constant 0 : index
    %get3A_4 = vector.load %arg5[%get3A_2, %get3A_3] : memref<128x128xf32, #tpu.memory_space<vmem>>, vector<128x128xf32>
    %get3A_5 = arith.constant 0 : index
    %get3A_6 = arith.constant 0 : index
    %get3A_7 = vector.load %arg6[%get3A_5, %get3A_6] : memref<128x128xf32, #tpu.memory_space<vmem>>, vector<128x128xf32>
    %get3A_8 = arith.constant 0 : index
    %get3A_9 = arith.constant 0 : index
    %get3A_10 = vector.load %arg7[%get3A_8, %get3A_9] : memref<1x128xf32, #tpu.memory_space<vmem>>, vector<1x128xf32>
    %get3A_11 = arith.constant 0 : index
    %get3A_12 = arith.constant 0 : index
    %get3A_13 = vector.load %arg8[%get3A_11, %get3A_12] : memref<1x128xf32, #tpu.memory_space<vmem>>, vector<1x128xf32>
    %get3A_14 = arith.constant 0 : index
    %get3A_15 = arith.constant 0 : index
    %get3A_16 = arith.constant 0 : index
    %get3A_17 = vector.load %arg1[%get3A_14, %get3A_15, %get3A_16] : memref<8x16x128xf32, #tpu.memory_space<vmem>>, vector<8x16x128xf32>
    %reshape3A = vector.shape_cast %get3A_17 : vector<8x16x128xf32> to vector<128x128xf32>
    %dot_general3A = arith.constant dense<0.000000e+00> : vector<128x128xf32>
    %dot_general3A_18 = tpu.matmul %reshape3A, %get3A_1, %dot_general3A {dimension_numbers = #tpu.dot_dimension_numbers<[1], [0], [0], [1], [0, 0, 1, 1], [], []>, transpose_lhs_hint = false} : vector<128x128xf32>, vector<128x128xf32>, vector<128x128xf32> -> vector<128x128xf32>
    %get3A_19 = arith.constant 0 : index
    %get3A_20 = arith.constant 0 : index
    %get3A_21 = arith.constant 0 : index
    %get3A_22 = arith.constant 0 : index
    %get3A_23 = vector.load %arg2[%get3A_19, %get3A_20, %get3A_21, %get3A_22] : memref<8x20x16x128xf32, #tpu.memory_space<vmem>>, vector<8x20x16x128xf32>
    %reshape3A_24 = vector.shape_cast %get3A_23 : vector<8x20x16x128xf32> to vector<2560x128xf32>
    %dot_general3A_25 = arith.constant dense<0.000000e+00> : vector<2560x128xf32>
    %dot_general3A_26 = tpu.matmul %reshape3A_24, %get3A_4, %dot_general3A_25 {dimension_numbers = #tpu.dot_dimension_numbers<[1], [0], [0], [1], [0, 0, 1, 1], [], []>, transpose_lhs_hint = false} : vector<2560x128xf32>, vector<128x128xf32>, vector<2560x128xf32> -> vector<2560x128xf32>
    %reshape3A_27 = vector.shape_cast %dot_general3A_26 : vector<2560x128xf32> to vector<8x20x16x128xf32>
    %add3A = vector.broadcast %get3A_10 : vector<1x128xf32> to vector<128x128xf32>
    %add3A_28 = arith.addf %dot_general3A_18, %add3A : vector<128x128xf32>
    %reshape3A_29 = vector.shape_cast %add3A_28 : vector<128x128xf32> to vector<8x1x16x128xf32>
    %add3A_30 = vector.broadcast %reshape3A_29 : vector<8x1x16x128xf32> to vector<8x20x16x128xf32>
    %add3A_31 = arith.addf %reshape3A_27, %add3A_30 : vector<8x20x16x128xf32>
    %ge3A = arith.constant 0.000000e+00 : f32
    %ge3A_32 = vector.broadcast %ge3A : f32 to vector<8x20x16x128xf32>
    %ge3A_33 = arith.cmpf oge, %add3A_31, %ge3A_32 : vector<8x20x16x128xf32>
    %mul3A = arith.constant 0.00999999977 : f32
    %mul3A_34 = vector.broadcast %mul3A : f32 to vector<8x20x16x128xf32>
    %mul3A_35 = arith.mulf %mul3A_34, %add3A_31 : vector<8x20x16x128xf32>
    %select_n3A = arith.select %ge3A_33, %add3A_31, %mul3A_35 : vector<8x20x16x128xi1>, vector<8x20x16x128xf32>
    %reduce_sum3A = arith.constant dense<0.000000e+00> : vector<8x16x128xf32>
    %reduce_sum3A_36 = vector.multi_reduction <add>, %select_n3A, %reduce_sum3A [1] : vector<8x20x16x128xf32> to vector<8x16x128xf32>
    %div3A = arith.constant 2.000000e+01 : f32
    %div3A_37 = vector.broadcast %div3A : f32 to vector<8x16x128xf32>
    %div3A_38 = arith.divf %reduce_sum3A_36, %div3A_37 : vector<8x16x128xf32>
    %reshape3A_39 = vector.shape_cast %div3A_38 : vector<8x16x128xf32> to vector<128x128xf32>
    %dot_general3A_40 = arith.constant dense<0.000000e+00> : vector<128x128xf32>
    %dot_general3A_41 = tpu.matmul %reshape3A_39, %get3A_7, %dot_general3A_40 {dimension_numbers = #tpu.dot_dimension_numbers<[1], [0], [0], [1], [0, 0, 1, 1], [], []>, transpose_lhs_hint = false} : vector<128x128xf32>, vector<128x128xf32>, vector<128x128xf32> -> vector<128x128xf32>
    %add3A_42 = vector.broadcast %get3A_13 : vector<1x128xf32> to vector<128x128xf32>
    %add3A_43 = arith.addf %dot_general3A_41, %add3A_42 : vector<128x128xf32>
    %get3A_44 = arith.constant 0 : index
    %get3A_45 = arith.constant 0 : index
    %get3A_46 = arith.constant 0 : index
    %get3A_47 = vector.load %arg3[%get3A_44, %get3A_45, %get3A_46] : memref<8x16x128xf32, #tpu.memory_space<vmem>>, vector<8x16x128xf32>
    %reshape3A_48 = vector.shape_cast %get3A_47 : vector<8x16x128xf32> to vector<128x128xf32>
    %dot_general3A_49 = arith.constant dense<0.000000e+00> : vector<128x128xf32>
    %dot_general3A_50 = tpu.matmul %reshape3A_48, %get3A_4, %dot_general3A_49 {dimension_numbers = #tpu.dot_dimension_numbers<[1], [0], [0], [1], [0, 0, 1, 1], [], []>, transpose_lhs_hint = false} : vector<128x128xf32>, vector<128x128xf32>, vector<128x128xf32> -> vector<128x128xf32>
    %add3A_51 = arith.addf %dot_general3A_18, %dot_general3A_50 : vector<128x128xf32>
    %add3A_52 = vector.broadcast %get3A_10 : vector<1x128xf32> to vector<128x128xf32>
    %add3A_53 = arith.addf %add3A_51, %add3A_52 : vector<128x128xf32>
    %ge3A_54 = arith.constant 0.000000e+00 : f32
    %ge3A_55 = vector.broadcast %ge3A_54 : f32 to vector<128x128xf32>
    %ge3A_56 = arith.cmpf oge, %add3A_53, %ge3A_55 : vector<128x128xf32>
    %mul3A_57 = arith.constant 0.00999999977 : f32
    %mul3A_58 = vector.broadcast %mul3A_57 : f32 to vector<128x128xf32>
    %mul3A_59 = arith.mulf %mul3A_58, %add3A_53 : vector<128x128xf32>
    %select_n3A_60 = arith.select %ge3A_56, %add3A_53, %mul3A_59 : vector<128x128xi1>, vector<128x128xf32>
    %dot_general3A_61 = arith.constant dense<0.000000e+00> : vector<128x128xf32>
    %dot_general3A_62 = tpu.matmul %select_n3A_60, %get3A_7, %dot_general3A_61 {dimension_numbers = #tpu.dot_dimension_numbers<[1], [0], [0], [1], [0, 0, 1, 1], [], []>, transpose_lhs_hint = false} : vector<128x128xf32>, vector<128x128xf32>, vector<128x128xf32> -> vector<128x128xf32>
    %add3A_63 = vector.broadcast %get3A_13 : vector<1x128xf32> to vector<128x128xf32>
    %add3A_64 = arith.addf %dot_general3A_62, %add3A_63 : vector<128x128xf32>
    %swap3A = arith.constant 0 : index
    %swap3A_65 = arith.constant 0 : index
    %swap3A_66 = vector.load %arg11[%swap3A, %swap3A_65] : memref<128x128xf32, #tpu.memory_space<vmem>>, vector<128x128xf32>
    tpu.vector_store %arg11[%swap3A, %swap3A_65], %add3A_43 {strides = array<i32>} : memref<128x128xf32, #tpu.memory_space<vmem>>, vector<128x128xf32>,
    %mul3A_67 = arith.mulf %add3A_43, %add3A_64 : vector<128x128xf32>
    %get3A_68 = arith.constant 0 : index
    %get3A_69 = arith.constant 0 : index
    %get3A_70 = vector.load %arg9[%get3A_68, %get3A_69] : memref<128x8xf32, #tpu.memory_space<vmem>>, vector<128x8xf32>
    %dot_general3A_71 = arith.constant dense<0.000000e+00> : vector<128x8xf32>
    %dot_general3A_72 = tpu.matmul %mul3A_67, %get3A_70, %dot_general3A_71 {dimension_numbers = #tpu.dot_dimension_numbers<[1], [0], [0], [1], [0, 0, 1, 1], [], []>, transpose_lhs_hint = false} : vector<128x128xf32>, vector<128x8xf32>, vector<128x8xf32> -> vector<128x8xf32>
    %swap3A_73 = arith.constant 0 : index
    %swap3A_74 = arith.constant 0 : index
    %swap3A_75 = vector.load %arg10[%swap3A_73, %swap3A_74] : memref<128x8xf32, #tpu.memory_space<vmem>>, vector<128x8xf32>
    tpu.vector_store %arg10[%swap3A_73, %swap3A_74], %dot_general3A_72 {strides = array<i32>} : memref<128x8xf32, #tpu.memory_space<vmem>>, vector<128x8xf32>,
    return
  }
  func.func @transform_0(%arg0: i32) -> (i32, i32, i32) {
    %c0_i32 = arith.constant 0 : i32
    %c0_i32_0 = arith.constant 0 : i32
    %c0_i32_1 = arith.constant 0 : i32
    return %arg0, %c0_i32, %c0_i32_0 : i32, i32, i32
  }
  func.func @transform_1(%arg0: i32) -> (i32, i32, i32, i32) {
    %c0_i32 = arith.constant 0 : i32
    %c0_i32_0 = arith.constant 0 : i32
    %c0_i32_1 = arith.constant 0 : i32
    %c0_i32_2 = arith.constant 0 : i32
    return %arg0, %c0_i32, %c0_i32_0, %c0_i32_1 : i32, i32, i32, i32
  }
  func.func @transform_2(%arg0: i32) -> (i32, i32, i32) {
    %c0_i32 = arith.constant 0 : i32
    %c0_i32_0 = arith.constant 0 : i32
    %c0_i32_1 = arith.constant 0 : i32
    return %arg0, %c0_i32, %c0_i32_0 : i32, i32, i32
  }
  func.func @transform_3(%arg0: i32) -> (i32, i32) {
    %c0_i32 = arith.constant 0 : i32
    %c0_i32_0 = arith.constant 0 : i32
    %c0_i32_1 = arith.constant 0 : i32
    return %c0_i32, %c0_i32_0 : i32, i32
  }
  func.func @transform_4(%arg0: i32) -> (i32, i32) {
    %c0_i32 = arith.constant 0 : i32
    %c0_i32_0 = arith.constant 0 : i32
    %c0_i32_1 = arith.constant 0 : i32
    return %c0_i32, %c0_i32_0 : i32, i32
  }
  func.func @transform_5(%arg0: i32) -> (i32, i32) {
    %c0_i32 = arith.constant 0 : i32
    %c0_i32_0 = arith.constant 0 : i32
    %c0_i32_1 = arith.constant 0 : i32
    return %c0_i32, %c0_i32_0 : i32, i32
  }
  func.func @transform_6(%arg0: i32) -> (i32, i32) {
    %c0_i32 = arith.constant 0 : i32
    %c0_i32_0 = arith.constant 0 : i32
    %c0_i32_1 = arith.constant 0 : i32
    return %c0_i32, %c0_i32_0 : i32, i32
  }
  func.func @transform_7(%arg0: i32) -> (i32, i32) {
    %c0_i32 = arith.constant 0 : i32
    %c0_i32_0 = arith.constant 0 : i32
    %c0_i32_1 = arith.constant 0 : i32
    return %c0_i32, %c0_i32_0 : i32, i32
  }
  func.func @transform_8(%arg0: i32) -> (i32, i32) {
    %c0_i32 = arith.constant 0 : i32
    %c0_i32_0 = arith.constant 0 : i32
    %c0_i32_1 = arith.constant 0 : i32
    return %c0_i32, %c0_i32_0 : i32, i32
  }
  func.func @transform_9(%arg0: i32) -> (i32, i32) {
    %c0_i32 = arith.constant 0 : i32
    %c0_i32_0 = arith.constant 0 : i32
    return %arg0, %c0_i32 : i32, i32
  }
  func.func @transform_10(%arg0: i32) -> (i32, i32) {
    %c0_i32 = arith.constant 0 : i32
    %c0_i32_0 = arith.constant 0 : i32
    return %arg0, %c0_i32 : i32, i32
  }
}

</mosaic_0001>

<sc_bundles>
// kernel: kernel.6.cloned.1.call-start
scs
__scs_entry_jumppad:
0x0: {  	(pc) =	sbr.rel $0x88, $3  }
0x1: {  	(tag) =	ssettag $0x0;
	lr =	simm.s32 $0x1  }
0x2: {  	[smem:$0x3F98] =	sst lr;
	_ =	strace $0xD0000000  }
0x3: {  	_ = 	snop  }
0x4: {  	_ = 	snop  }
0x5: {  	_ = 	snop  }
0x6: {  	_ = 	snop  }
0x7: {  	_ = 	snop  }
__scs_overlays_trampoline_lowered:
0x8: {  	[smem:$0x3FA7] =	sst s0  }
0x9: {  	[smem:$0x3FA8] =	sst s1  }
0xa: {  	[smem:$0x3FA9] =	sst s2  }
0xb: {  	[smem:$0x3FAA] =	sst s3  }
0xc: {  	[smem:$0x3FAB] =	sst s4  }
0xd: {  	[smem:$0x3FAC] =	sst s5  }
0xe: {  	[smem:$0x3FAD] =	sst s6  }
0xf: {  	[smem:$0x3FAE] =	sst s7  }
0x10: {  	[smem:$0x3FAF] =	sst s8  }
0x11: {  	[smem:$0x3FB0] =	sst s9;
	s0 =	simm.s32 @!p0 $0x0  }
0x12: {  	s1 =	sld [smem:$0x3F96];
	s0 =	simm.s32 @p0 $0x1  }
0x13: {  	[smem:$0x3FB1] =	sst s0;
	s0 =	simm.s32 @!p1 $0x0  }
0x14: {  	s2 =	sld [smem:$0x3F95];
	s0 =	simm.s32 @p1 $0x1  }
0x15: {  	[smem:$0x3FB2] =	sst s0;
	s0 =	simm.s32 @!p2 $0x0  }
0x16: {  	s3 =	sld [smem:$0x3FDB];
	s0 =	simm.s32 @p2 $0x1  }
0x17: {  	s4 =	simm.s32 $0x1BF5;
	[smem:$0x3FB4] =	sst s0  }
0x18: {  	s0 =	sld [smem:$0x3F97];
	_ =	swait.ge [sflag:s4], $0x0  }
0x19: {  	s7 =	sld [smem:$0x3F98]  }
0x1a: {  	s8 =	sadd.s32 $0xFFFFE003, lr  }
0x1b: {  	s9 =	sadd.s32 $0xFFFFFEF7, lr;
	s5 =	simm.s32 $0xFFFFFFFF;
	p2 =	slt.u32 s8, $0xFFFFF086  }
0x1c: {  	p1 =	slt.u32 s9, $0xF7A;
	s5 =	simm.s32 @!p2 $0x0  }
0x1d: {  	s5 =	simm.s32 @p1 $0x1;
	p0 =	seq.s32 s7, s2  }
0x1e: {  	s7 =	smul.u32 @!p0 $0xF7A, s2;
	p2 =	seq.s32 @!p0 s5, $0x0  }
0x1f: {  	s9 =	smul.u32 $0xF7A, s1;
	s8 =	simm.s32 @!p0 $0x1BF5;
	p2 =	por !p2, p0  }
0x20: {  	[sflag:s8] =	ssyncset.s32 @!p0 $0xFFFFF086;
	s6 =	sadd.s32 @!p0 s3, s7;
	s7 =	simm.s32 @!p0 $0x108  }
0x21: {  	s3 =	sadd.s32 s3, s9;
	s6 =	sadd.s32 @!p0 $0x88, s6;
	s7 =	simm.s32 @p2 $0x1082  }
0x22: {  	[simem:s7], [sflag:s8] =	dma.local @!p0 [hbm:s6], $0xF7A  }
0x23: {  	s9 =	sor.u32 $0xD0000000, s2;
	s6 =	simm.s32 $0x108;
	_ =	swait.ge @!p0 [sflag:s8], $0x0  }
0x24: {  	s3 =	sadd.s32 $0x88, s3;
	s6 =	simm.s32 @!p1 $0x1082;
	[sflag:s4] =	ssyncset.s32 $0xFFFFF086  }
0x25: {  	[simem:s6], [sflag:s4] =	dma.local [hbm:s3], $0xF7A  }
0x26: {  	[smem:$0x3F98] =	sst s1;
	(tag) =	ssettag s2;
	_ =	strace s9  }
0x27: {  	s1 =	sld [smem:$0x3FA8]  }
0x28: {  	s2 =	sld [smem:$0x3FA9]  }
0x29: {  	s4 =	sld [smem:$0x3FAB]  }
0x2a: {  	p0 =	seq.s32 s5, $0x0;
	s5 =	sld [smem:$0x3FAC]  }
0x2b: {  	s6 =	sld [smem:$0x3FAD]  }
0x2c: {  	s7 =	sld [smem:$0x3FAE]  }
0x2d: {  	s3 =	simm.s32 $0x108;
	s8 =	sld [smem:$0x3FAF]  }
0x2e: {  	s3 =	simm.s32 @!p0 $0x1082;
	s9 =	sld [smem:$0x3FB0]  }
0x2f: {  	lr =	sadd.s32 s0, s3;
	s0 =	sld [smem:$0x3FA7]  }
0x30: {  	s3 =	sld [smem:$0x3FAA]  }
0x31: {  	[smem:$0x3FB3] =	sst s10  }
0x32: {  	s10 =	sld [smem:$0x3FB1];
	_ =	sdelay $0x3  }
0x33: {  	p0 =	seq.s32 s10, $0x1;
	s10 =	sld [smem:$0x3FB3];
	_ =	sdelay $0x3  }
0x34: {  	[smem:$0x3FB3] =	sst s10  }
0x35: {  	s10 =	sld [smem:$0x3FB2];
	_ =	sdelay $0x3  }
0x36: {  	p1 =	seq.s32 s10, $0x1;
	s10 =	sld [smem:$0x3FB3];
	_ =	sdelay $0x3  }
0x37: {  	[smem:$0x3FB3] =	sst s10  }
0x38: {  	s10 =	sld [smem:$0x3FB4]  }
0x39: {  	_ = 	snop;
	(pc) =	sbr.ind lr, $3  }
0x3a: {  	_ = 	snop  }
0x3b: {  	_ = 	snop  }
0x3c: {  	p2 =	seq.s32 s10, $0x1;
	s10 =	sld [smem:$0x3FB3]  }
0x3d: {  	_ =	shalt  }
0x3e: {  	_ =	shalt  }
0x3f: {  	_ =	shalt  }
0x40: {  	_ =	shalt  }
0x41: {  	_ =	shalt  }
0x42: {  	_ =	shalt  }
0x43: {  	_ =	shalt  }
0x44: {  	_ =	shalt  }
0x45: {  	_ =	shalt  }
0x46: {  	_ =	shalt  }
0x47: {  	_ =	shalt  }
0x48: {  	_ =	shalt  }
0x49: {  	_ =	shalt  }
0x4a: {  	_ =	shalt  }
0x4b: {  	_ =	shalt  }
0x4c: {  	_ =	shalt  }
0x4d: {  	_ =	shalt  }
0x4e: {  	_ =	shalt  }
0x4f: {  	_ =	shalt  }
0x50: {  	_ =	shalt  }
0x51: {  	_ =	shalt  }
0x52: {  	_ =	shalt  }
0x53: {  	_ =	shalt  }
0x54: {  	_ =	shalt  }
0x55: {  	_ =	shalt  }
0x56: {  	_ =	shalt  }
0x57: {  	_ =	shalt  }
0x58: {  	_ =	shalt  }
0x59: {  	_ =	shalt  }
0x5a: {  	_ =	shalt  }
0x5b: {  	_ =	shalt  }
0x5c: {  	_ =	shalt  }
0x5d: {  	_ =	shalt  }
0x5e: {  	_ =	shalt  }
0x5f: {  	_ =	shalt  }
0x60: {  	_ =	shalt  }
0x61: {  	_ =	shalt  }
0x62: {  	_ =	shalt  }
0x63: {  	_ =	shalt  }
0x64: {  	_ =	shalt  }
0x65: {  	_ =	shalt  }
0x66: {  	_ =	shalt  }
0x67: {  	_ =	shalt  }
0x68: {  	_ =	shalt  }
0x69: {  	_ =	shalt  }
0x6a: {  	_ =	shalt  }
0x6b: {  	_ =	shalt  }
0x6c: {  	_ =	shalt  }
0x6d: {  	_ =	shalt  }
0x6e: {  	_ =	shalt  }
0x6f: {  	_ =	shalt  }
0x70: {  	_ =	shalt  }
0x71: {  	_ =	shalt  }
0x72: {  	_ =	shalt  }
0x73: {  	_ =	shalt  }
0x74: {  	_ =	shalt  }
0x75: {  	_ =	shalt  }
0x76: {  	_ =	shalt  }
0x77: {  	_ =	shalt  }
0x78: {  	_ =	shalt  }
0x79: {  	_ =	shalt  }
0x7a: {  	_ =	shalt  }
0x7b: {  	_ =	shalt  }
0x7c: {  	_ =	shalt  }
0x7d: {  	_ =	shalt  }
0x7e: {  	_ =	shalt  }
0x7f: {  	_ =	shalt  }
0x80: {  	_ =	shalt  }
0x81: {  	_ =	shalt  }
0x82: {  	_ =	shalt  }
0x83: {  	_ =	shalt  }
0x84: {  	_ =	shalt  }
0x85: {  	_ =	shalt  }
0x86: {  	_ =	shalt  }
0x87: {  	_ =	shalt  }
.Lfunc_end0:
.L_simem_size_0:
called_computation_lowered:
.L_overlay_start_0:
0x88: {  	s2 =	sld [smem:$0x3FD9]  }
0x89: {  	s3 =	sld [smem:$0x3FFE];
	_ =	sdelay $0x1  }
0x8a: {  	s1 =	srdreg.scid  }
0x8b: {  	s0 =	sand.u32 $0x1, s1  }
0x8c: {  	s14 =	sshll.u32 s0, $0xA;
	s2 =	sadd.s32 s3, s2  }
0x8d: {  	s2 =	sadd.s32 s2, s14  }
0x8e: {  	[smem:$0x3FBF] =	sst s2  }
0x8f: {  	_ = 	snop  }
0x90: {  	s2 =	sld [smem:$0x3FD0];
	_ =	sdelay $0x1  }
0x91: {  	s15 =	sld [smem:$0x3FC9]  }
0x92: {  	s5 =	simm.s32 $0xA;
	s6 =	simm.s32 $0x10;
	s4 =	sld [smem:$0x3FC8]  }
0x93: {  	[smem:s6], [sflag:s5] =	dma.local [hbm:s2], $0x1  }
0x94: {  	_ =	swait.eq [sflag:s5], $0x1  }
0x95: {  	[sflag:s5] =	ssyncset.done $0x0  }
0x96: {  	s16 =	sld [smem:$0x11];
	[sflag:s5] =	ssyncadd.s32 $0xFFFFFFFF  }
0x97: {  	s17 =	sld [smem:$0x12];
	(tm) =	ssettm $0x1  }
0x98: {  	s18 =	sld [smem:$0x3FFB];
	_ =	sdelay $0x3  }
0x99: {  	_ =	strace s18  }
0x9a: {  	s6 =	sld [smem:$0x3FFC];
	_ =	sdelay $0x3  }
0x9b: {  	_ =	strace s6  }
0x9c: {  	s6 =	sld [smem:$0x3FFD];
	_ =	sdelay $0x3  }
0x9d: {  	_ =	strace s6  }
0x9e: {  	_ =	strace $0x8FFFFFFF  }
0x9f: {  	s19 =	sld [smem:$0x3FDB];
	_ =	sdelay $0x1  }
0xa0: {  	s7 =	simm.s32 $_scs_section_size  }
0xa1: {  	s8 =	simm.s32 $_size__tile_overlayer_lowered;
	s9 =	simm.s32 $_tile_overlayer_lowered  }
0xa2: {  	s22 =	simm.s32 $0x1BFF;
	s21 =	sshll.u32 s9, $0x1;
	s6 =	sadd.s32 s7, s19  }
0xa3: {  	s10 =	simm.s32 $0x0;
	s20 =	sshll.u32 s8, $0x1;
	s8 =	sadd.s32 s21, s6  }
0xa4: {  	[timem:s10], [sflag:s22] =	dma.local [hbm:s8], s20  }
0xa5: {  	_ =	swait.ge [sflag:s22], s20  }
0xa6: {  	s7 =	ssub.s32 $0x0, s20;
	[sflag:s22] =	ssyncset.done $0x0  }
0xa7: {  	[sflag:s22] =	ssyncadd.s32 s7;
	_ =	sdelay $0x1  }
0xa8: {  	s23 =	simm.s32 $0x1B8B  }
0xa9: {  	_ =	swait.ge [sflag:s23], $0x1  }
0xaa: {  	[sflag:s23] =	ssyncset.done $0x0  }
0xab: {  	s25 =	simm.s32 $0x1B8E;
	s24 =	sld [smem:$0x3FFE];
	[sflag:s23] =	ssyncadd.s32 $0xFFFFFFFF  }
0xac: {  	s26 =	simm.s32 $execute0_lowered;
	[smem:$0x3FD2] =	sst s25  }
0xad: {  	s8 =	sshll.u32 s26, $0x1;
	_ =	strace $0x80000046;
	[dreg:$0x1] =	wrdreg $0xFFFFFFFF  }
0xae: {  	s28 =	simm.s32 $_size_execute0_lowered;
	s6 =	sadd.s32 s6, s8;
	[dreg:$0x0] =	wrdreg $0x0  }
0xaf: {  	s8 =	sshll.u32 s28, $0x1;
	[dreg:$0x2] =	wrdreg s6  }
0xb0: {  	[dreg:$0x3] =	wrdreg s8  }
0xb1: {  	[dreg:$0x4] =	wrdreg $0xC0  }
0xb2: {  	_ =	task [dreg:s10], $0x5FFFF  }
0xb3: {  	[dreg:$0x1] =	wrdreg $0xFFFFFFFF  }
0xb4: {  	[dreg:$0x0] =	wrdreg $0x60  }
0xb5: {  	[dreg:$0x2] =	wrdreg s15  }
0xb6: {  	[dreg:$0x3] =	wrdreg s4  }
0xb7: {  	[dreg:$0x4] =	wrdreg s24  }
0xb8: {  	[dreg:$0x5] =	wrdreg s17  }
0xb9: {  	[dreg:$0x6] =	wrdreg s16  }
0xba: {  	[dreg:$0x7] =	wrdreg $0x9  }
0xbb: {  	_ =	task.clear_ibuf [dreg:s10], $0x8FFFF;
	_ =	strace $0x90000046  }
0xbc: {  	s29 =	simm.s32 $0x9;
	_ =	strace $0x80000048  }
0xbd: {  	_ =	swait.ge [sflag:s29], $0x1  }
0xbe: {  	[sflag:s29] =	ssyncadd.s32 $0xFFFFFFFF  }
0xbf: {  	_ =	strace $0x90000048  }
0xc0: {  	_ =	sfence  }
0xc1: {  	s30 =	sld [smem:$0x0];
	_ =	sdelay $0x2  }
0xc2: {  	s31 =	sshll.u32 s1, $0xD;
	s1 =	sshrl.u32 s1, $0x2  }
0xc3: {  	s3 =	sand.u32 $0x4000, s31;
	s1 =	sadd.s32 s1, s30  }
0xc4: {  	s0 =	sor.u32 s3, s0;
	s1 =	sshll.u32 s1, $0x11  }
0xc5: {  	s0 =	sor.u32 s1, s0  }
0xc6: {  	s0 =	sadd.s32 $0x8F2B, s0  }
0xc7: {  	[sflag:s0] =	ssyncadd.remote.s32 $0x1  }
0xc8: {  	_ =	sfence.sel $0xFFFF  }
0xc9: {  	[dreg:$0x0] =	wrdreg $0xFFFFFFFF;
	(pc) =	sbr.abs _section_cstart, $3  }
0xca: {  	[dreg:$0x1] =	wrdreg $0xFFFFFFFF  }
0xcb: {  	_ =	task.clear_ibuf [dreg:s10], $0x2FFFF;
	_ =	strace $0x9FFFFFFF  }
0xcc: {  	(tm) =	ssettm $0x7FFFFFFF  }
0xcd: {  	_ =	shalt  }
tec
execute0_lowered:
.L_overlay_start_1:
0x0: {  	(tag) =	ssettag $0x1  }
0x1: {  	s5 =	rddreg [dreg:$0x0]  }
0x2: {  	s6 =	rddreg [dreg:$0x1]  }
0x3: {  	s7 =	rddreg [dreg:$0x2]  }
0x4: {  	s8 =	rddreg [dreg:$0x3]  }
0x5: {  	s9 =	rddreg [dreg:$0x4]  }
0x6: {  	s0 =	rddreg [dreg:$0x5];
	s2 =	simm.s32 $0x0;
	s3 =	srdreg.scid  }
0x7: {  	s1 =	stileid.u32;
	s15 =	simm.s32 $0x1D00;
	s16 =	simm.s32 $0xA00  }
0x8: {  	s17 =	simm.s32 $0x100;
	s18 =	simm.s32 $0xB00;
	s19 =	simm.s32 $0x1  }
0x9: {  	s20 =	simm.s32 $0x2500;
	s21 =	simm.s32 $0x2;
	s22 =	simm.s32 $0x3  }
0xa: {  	s23 =	simm.s32 $0x4;
	s24 =	simm.s32 $0x5;
	s25 =	simm.s32 $0x0  }
0xb: {  	[smem:$0x7FF] =	sst s2;
	s4 =	sand.u32 $0x1, s3;
	s31 =	sshll.u32 s1, $0x1  }
0xc: {  	s3 =	sadd.s32 $0x7C400, s7;
	_ =	strace $0x80000047;
	s10 =	sor.u32 s4, s31  }
0xd: {  	s12 =	ssub.s32 $0x2, s4;
	s4 =	sadd.s32 $0xB4400, s7;
	s11 =	smul.u32 $0x1400, s10  }
0xe: {  	s13 =	sshrl.u32 s12, $0x1;
	s14 =	sshll.u32 s10, $0x4;
	s10 =	sshll.u32 s10, $0x8  }
0xf: {  	s12 =	ssub.s32 s12, s13;
	s5 =	sadd.s32 s5, s14;
	s6 =	sadd.s32 s6, s14  }
0x10: {  	s8 =	sadd.s32 s8, s10;
	s9 =	sadd.s32 s9, s10;
	s13 =	simm.s32 $0x80  }
0x11: {  	s14 =	simm.s32 $0x1500;
	s11 =	sadd.s32 s11, s7;
	s7 =	sadd.s32 $0x3F290, s7  }
0x12: {  	s10 =	sadd.s32 $0x2A4400, s11;
	s11 =	smax.u32 s12, $0x1;
	s12 =	simm.s32 $0x6  }
.LBB2_1:
0x13: {  	[tilespmem:s2], [sflag:$0x6] =	stream.linear.gather [hbm4b:s5+s2], $0x80, $0x38;
	[tilespmem:$0xC500] =	vst v63  }
0x14: {  	_ =	swait.ge [sflag:s12], $0x80  }
0x15: {  	[sflag:s12] =	ssyncset.done $0x0  }
0x16: {  	[sflag:s12] =	ssyncadd.s32 $0xFFFFFF80  }
0x17: {  	[tilespmem:s13], [sflag:$0x6] =	stream.linear.gather [hbm4b:s6+s2], $0x80, $0x38;
	[tilespmem:$0xC500] =	vst v63  }
0x18: {  	_ =	swait.ge [sflag:s12], $0x80  }
0x19: {  	[sflag:s12] =	ssyncset.done $0x0  }
0x1a: {  	[sflag:s12] =	ssyncadd.s32 $0xFFFFFF80  }
0x1b: {  	v0 =	vld [tilespmem:$0x0];
	_ =	sdelay $0x4  }
0x1c: {  	v0 =	vmul.u32 $0x14, v0;
	_ =	sdelay $0x1  }
0x1d: {  	s26 =	simm.s32 $0x140;
	v0 =	vadd.s32 s2, v0  }
0x1e: {  	[tilespmem:s26+$0xFFFFFFC0] =	vst v0  }
0x1f: {  	v0 =	vld [tilespmem:$0x10];
	_ =	sdelay $0x4  }
0x20: {  	v0 =	vmul.u32 $0x14, v0;
	_ =	sdelay $0x1  }
0x21: {  	v0 =	vadd.s32 s2, v0  }
0x22: {  	[tilespmem:s26+$0xFFFFFFD0] =	vst v0  }
0x23: {  	v0 =	vld [tilespmem:$0x20];
	_ =	sdelay $0x4  }
0x24: {  	v0 =	vmul.u32 $0x14, v0;
	_ =	sdelay $0x1  }
0x25: {  	v0 =	vadd.s32 s2, v0  }
0x26: {  	[tilespmem:s26+$0xFFFFFFE0] =	vst v0  }
0x27: {  	v0 =	vld [tilespmem:$0x30];
	_ =	sdelay $0x4  }
0x28: {  	v0 =	vmul.u32 $0x14, v0;
	_ =	sdelay $0x1  }
0x29: {  	v0 =	vadd.s32 s2, v0  }
0x2a: {  	[tilespmem:s26+$0xFFFFFFF0] =	vst v0  }
0x2b: {  	v0 =	vld [tilespmem:$0x40];
	_ =	sdelay $0x4  }
0x2c: {  	v0 =	vmul.u32 $0x14, v0;
	_ =	sdelay $0x1  }
0x2d: {  	v0 =	vadd.s32 s2, v0  }
0x2e: {  	[tilespmem:s26+$0x0] =	vst v0  }
0x2f: {  	v0 =	vld [tilespmem:$0x50];
	_ =	sdelay $0x4  }
0x30: {  	v0 =	vmul.u32 $0x14, v0;
	_ =	sdelay $0x1  }
0x31: {  	v0 =	vadd.s32 s2, v0  }
0x32: {  	[tilespmem:s26+$0x10] =	vst v0  }
0x33: {  	v0 =	vld [tilespmem:$0x60];
	_ =	sdelay $0x4  }
0x34: {  	v0 =	vmul.u32 $0x14, v0;
	_ =	sdelay $0x1  }
0x35: {  	v0 =	vadd.s32 s2, v0  }
0x36: {  	[tilespmem:s26+$0x20] =	vst v0  }
0x37: {  	v0 =	vld [tilespmem:$0x70];
	_ =	sdelay $0x4  }
0x38: {  	v0 =	vmul.u32 $0x14, v0;
	_ =	sdelay $0x1  }
0x39: {  	v0 =	vadd.s32 s2, v0  }
0x3a: {  	[tilespmem:s26+$0x30] =	vst v0  }
0x3b: {  	s28 =	simm.s32 $0x1;
	s29 =	simm.s32 $0x2;
	v0 =	vld [tilespmem:$0x0]  }
.LBB2_2:
0x3c: {  	p0 =	sne.s32 s29, $0x13;
	_ =	sdelay $0x3  }
0x3d: {  	v0 =	vmul.u32 $0x14, v0;
	_ =	sdelay $0x1  }
0x3e: {  	s26 =	sadd.s32 $0x80, s26;
	v0 =	vadd.s32 s28, v0  }
0x3f: {  	[tilespmem:s26+$0xFFFFFFC0] =	vst v0  }
0x40: {  	v0 =	vld [tilespmem:$0x10];
	_ =	sdelay $0x4  }
0x41: {  	v0 =	vmul.u32 $0x14, v0;
	_ =	sdelay $0x1  }
0x42: {  	v0 =	vadd.s32 s28, v0  }
0x43: {  	[tilespmem:s26+$0xFFFFFFD0] =	vst v0  }
0x44: {  	v0 =	vld [tilespmem:$0x20];
	_ =	sdelay $0x4  }
0x45: {  	v0 =	vmul.u32 $0x14, v0;
	_ =	sdelay $0x1  }
0x46: {  	v0 =	vadd.s32 s28, v0  }
0x47: {  	[tilespmem:s26+$0xFFFFFFE0] =	vst v0  }
0x48: {  	v0 =	vld [tilespmem:$0x30];
	_ =	sdelay $0x4  }
0x49: {  	v0 =	vmul.u32 $0x14, v0;
	_ =	sdelay $0x1  }
0x4a: {  	v0 =	vadd.s32 s28, v0  }
0x4b: {  	[tilespmem:s26+$0xFFFFFFF0] =	vst v0  }
0x4c: {  	v0 =	vld [tilespmem:$0x40];
	_ =	sdelay $0x4  }
0x4d: {  	v0 =	vmul.u32 $0x14, v0;
	_ =	sdelay $0x1  }
0x4e: {  	v0 =	vadd.s32 s28, v0  }
0x4f: {  	[tilespmem:s26+$0x0] =	vst v0  }
0x50: {  	v0 =	vld [tilespmem:$0x50];
	_ =	sdelay $0x4  }
0x51: {  	v0 =	vmul.u32 $0x14, v0;
	_ =	sdelay $0x1  }
0x52: {  	v0 =	vadd.s32 s28, v0  }
0x53: {  	[tilespmem:s26+$0x10] =	vst v0  }
0x54: {  	v0 =	vld [tilespmem:$0x60];
	_ =	sdelay $0x4  }
0x55: {  	v0 =	vmul.u32 $0x14, v0;
	_ =	sdelay $0x1  }
0x56: {  	v0 =	vadd.s32 s28, v0  }
0x57: {  	[tilespmem:s26+$0x20] =	vst v0  }
0x58: {  	v0 =	vld [tilespmem:$0x70];
	_ =	sdelay $0x4  }
.Ltmp0:
0x59: {  	v0 =	vmul.u32 $0x14, v0;
	(pc) =	sbr.rel @p0 .LBB2_2-.Ltmp0, $4  }
0x5a: {  	_ = 	snop  }
0x5b: {  	v0 =	vadd.s32 s28, v0;
	s28 =	smov.u32 s29  }
0x5c: {  	[tilespmem:s26+$0x30] =	vst v0  }
0x5d: {  	s29 =	sadd.s32 $0x1, s29;
	v0 =	vld [tilespmem:$0x0]  }
0x5e: {  	_ =	sdelay $0x3  }
0x5f: {  	v0 =	vmul.u32 $0x14, v0;
	_ =	sdelay $0x1  }
0x60: {  	s26 =	sadd.s32 $0x80, s26;
	v0 =	vadd.s32 s28, v0  }
0x61: {  	[tilespmem:s26+$0xFFFFFFC0] =	vst v0  }
0x62: {  	v0 =	vld [tilespmem:$0x10];
	_ =	sdelay $0x4  }
0x63: {  	v0 =	vmul.u32 $0x14, v0;
	_ =	sdelay $0x1  }
0x64: {  	v0 =	vadd.s32 s28, v0  }
0x65: {  	[tilespmem:s26+$0xFFFFFFD0] =	vst v0  }
0x66: {  	v0 =	vld [tilespmem:$0x20];
	_ =	sdelay $0x4  }
0x67: {  	v0 =	vmul.u32 $0x14, v0;
	_ =	sdelay $0x1  }
0x68: {  	v0 =	vadd.s32 s28, v0  }
0x69: {  	[tilespmem:s26+$0xFFFFFFE0] =	vst v0  }
0x6a: {  	v0 =	vld [tilespmem:$0x30];
	_ =	sdelay $0x4  }
0x6b: {  	v0 =	vmul.u32 $0x14, v0;
	_ =	sdelay $0x1  }
0x6c: {  	v0 =	vadd.s32 s28, v0  }
0x6d: {  	[tilespmem:s26+$0xFFFFFFF0] =	vst v0  }
0x6e: {  	v0 =	vld [tilespmem:$0x40];
	_ =	sdelay $0x4  }
0x6f: {  	v0 =	vmul.u32 $0x14, v0;
	_ =	sdelay $0x1  }
0x70: {  	v0 =	vadd.s32 s28, v0  }
0x71: {  	[tilespmem:s26+$0x0] =	vst v0  }
0x72: {  	v0 =	vld [tilespmem:$0x50];
	_ =	sdelay $0x4  }
0x73: {  	v0 =	vmul.u32 $0x14, v0;
	_ =	sdelay $0x1  }
0x74: {  	v0 =	vadd.s32 s28, v0  }
0x75: {  	[tilespmem:s26+$0x10] =	vst v0  }
0x76: {  	v0 =	vld [tilespmem:$0x60];
	_ =	sdelay $0x4  }
0x77: {  	v0 =	vmul.u32 $0x14, v0;
	_ =	sdelay $0x1  }
0x78: {  	v0 =	vadd.s32 s28, v0  }
0x79: {  	[tilespmem:s26+$0x20] =	vst v0  }
0x7a: {  	v0 =	vld [tilespmem:$0x70];
	_ =	sdelay $0x4  }
0x7b: {  	v0 =	vmul.u32 $0x14, v0;
	_ =	sdelay $0x1  }
0x7c: {  	v0 =	vadd.s32 s28, v0  }
0x7d: {  	[tilespmem:s26+$0x30] =	vst v0  }
0x7e: {  	v0 =	vld [tilespmem:$0x0]  }
0x7f: {  	v1 =	vld [tilespmem:$0x10]  }
0x80: {  	v3 =	vld [tilespmem:$0x20]  }
0x81: {  	v5 =	vld [tilespmem:$0x30]  }
0x82: {  	v19 =	vld [tilespmem:$0x40]  }
0x83: {  	v7 =	vld [tilespmem:$0x50]  }
0x84: {  	v8 =	vld [tilespmem:$0x60]  }
0x85: {  	v26 =	vld [tilespmem:$0x70];
	v2 =	vshll.u32 v0, $0x3;
	v4 =	vand.u32 $0xFFFFC000, v0;
	v0 =	vshrl.u32 v0, $0xB  }
0x86: {  	v10 =	vld [tilespmem:$0x80];
	v18 =	vshll.u32 v1, $0x3;
	v6 =	vand.u32 $0xFFFFC000, v1;
	v1 =	vshrl.u32 v1, $0xB  }
0x87: {  	v11 =	vld [tilespmem:$0x90];
	v20 =	vshll.u32 v3, $0x3;
	v21 =	vand.u32 $0xFFFFC000, v3;
	v3 =	vshrl.u32 v3, $0xB  }
0x88: {  	v35 =	vld [tilespmem:$0xA0];
	v22 =	vshll.u32 v5, $0x3;
	v23 =	vand.u32 $0xFFFFC000, v5;
	v24 =	vshrl.u32 v5, $0xB  }
0x89: {  	v13 =	vld [tilespmem:$0xB0];
	v25 =	vshll.u32 v19, $0x3;
	v9 =	vand.u32 $0xFFFFC000, v19;
	v28 =	vshll.u32 v7, $0x3  }
0x8a: {  	v14 =	vld [tilespmem:$0xC0];
	v29 =	vand.u32 $0xFFFFC000, v7;
	v7 =	vshrl.u32 v7, $0xB;
	v31 =	vshll.u32 v8, $0x3  }
0x8b: {  	v47 =	vld [tilespmem:$0xD0];
	v32 =	vand.u32 $0xFFFFC000, v8;
	v33 =	vshrl.u32 v8, $0xB;
	v34 =	vshll.u32 v26, $0x3  }
0x8c: {  	v53 =	vld [tilespmem:$0xE0];
	v12 =	vand.u32 $0xFFFFC000, v26;
	v37 =	vshll.u32 v10, $0x3;
	v38 =	vand.u32 $0xFFFFC000, v10  }
0x8d: {  	v57 =	vld [tilespmem:$0xF0];
	v10 =	vshrl.u32 v10, $0xB;
	v40 =	vshll.u32 v11, $0x3;
	v41 =	vand.u32 $0xFFFFC000, v11  }
0x8e: {  	v42 =	vshrl.u32 v11, $0xB;
	v43 =	vshll.u32 v35, $0x3;
	v44 =	vand.u32 $0xFFFFC000, v35  }
0x8f: {  	v48 =	vshll.u32 v13, $0x3;
	v49 =	vand.u32 $0xFFFFC000, v13;
	v50 =	vshrl.u32 v13, $0xB  }
0x90: {  	v52 =	vshll.u32 v14, $0x3;
	v54 =	vand.u32 $0xFFFFC000, v14;
	v55 =	vshrl.u32 v14, $0xB  }
0x91: {  	v56 =	vshll.u32 v47, $0x3;
	v58 =	vand.u32 $0xFFFFC000, v47;
	v59 =	vshrl.u32 v47, $0xB  }
0x92: {  	v63 =	vshll.u32 v53, $0x3;
	v13 =	vshrl.u32 v57, $0xB;
	v2 =	vand.u32 $0x3FF8, v2  }
0x93: {  	v0 =	vand.u32 $0x7, v0;
	v1 =	vand.u32 $0x7, v1;
	v3 =	vand.u32 $0x7, v3  }
0x94: {  	v5 =	vand.u32 $0x3FF8, v25;
	v30 =	vand.u32 $0x7, v7;
	v7 =	vand.u32 $0x3FF8, v31  }
0x95: {  	v8 =	vand.u32 $0x3FF8, v34;
	v39 =	vand.u32 $0x7, v10;
	v10 =	vand.u32 $0x3FF8, v40  }
0x96: {  	v11 =	vand.u32 $0x3FF8, v43;
	v45 =	vand.u32 $0x7, v42;
	v51 =	vand.u32 $0x7, v50  }
0x97: {  	v60 =	vand.u32 $0x7, v59;
	v2 =	vor.u32 v4, v2;
	v4 =	vand.u32 $0x3FF8, v18  }
0x98: {  	v5 =	vor.u32 v9, v5;
	v9 =	vshrl.u32 v26, $0xB;
	v8 =	vor.u32 v12, v8  }
0x99: {  	v12 =	vshrl.u32 v35, $0xB;
	v4 =	vor.u32 v6, v4;
	v0 =	vor.u32 v0, v2  }
0x9a: {  	v2 =	vand.u32 $0x3FF8, v20;
	v6 =	vshrl.u32 v19, $0xB;
	v9 =	vand.u32 $0x7, v9  }
0x9b: {  	v46 =	vand.u32 $0x7, v12;
	v12 =	vand.u32 $0xFFFFC000, v57;
	v1 =	vor.u32 v1, v4  }
0x9c: {  	v2 =	vor.u32 v21, v2;
	v4 =	vand.u32 $0x3FF8, v22;
	v6 =	vand.u32 $0x7, v6;
	[tilespmem:$0x0] =	vst v0  }
0x9d: {  	v36 =	vor.u32 v9, v8;
	v8 =	vand.u32 $0x3FF8, v37;
	v9 =	vor.u32 v41, v10;
	[tilespmem:$0x10] =	vst v1  }
0x9e: {  	v0 =	vor.u32 v44, v11;
	v11 =	vshll.u32 v57, $0x3;
	v2 =	vor.u32 v3, v2;
	[tilespmem:$0x70] =	vst v36  }
0x9f: {  	v3 =	vor.u32 v23, v4;
	v4 =	vand.u32 $0x7, v24;
	v27 =	vor.u32 v6, v5;
	[tilespmem:$0x20] =	vst v2  }
0xa0: {  	v5 =	vand.u32 $0x3FF8, v28;
	v6 =	vor.u32 v32, v7;
	v1 =	vor.u32 v45, v9;
	[tilespmem:$0x40] =	vst v27  }
0xa1: {  	v7 =	vand.u32 $0x7, v33;
	v8 =	vor.u32 v38, v8;
	v0 =	vor.u32 v46, v0;
	[tilespmem:$0x90] =	vst v1  }
0xa2: {  	v9 =	vshrl.u32 v53, $0xB;
	v3 =	vor.u32 v4, v3;
	v5 =	vor.u32 v29, v5;
	[tilespmem:$0xA0] =	vst v0  }
0xa3: {  	v6 =	vor.u32 v7, v6;
	v8 =	vor.u32 v39, v8;
	v2 =	vand.u32 $0x3FF8, v48;
	[tilespmem:$0x30] =	vst v3  }
0xa4: {  	v4 =	vand.u32 $0x3FF8, v52;
	v10 =	vand.u32 $0x7, v9;
	v5 =	vor.u32 v30, v5;
	[tilespmem:$0x60] =	vst v6  }
0xa5: {  	v2 =	vor.u32 v49, v2;
	v3 =	vor.u32 v54, v4;
	[tilespmem:$0x80] =	vst v8;
	v4 =	vand.u32 $0x7, v55  }
0xa6: {  	v8 =	vand.u32 $0xFFFFC000, v53;
	[tilespmem:$0x50] =	vst v5;
	v2 =	vor.u32 v51, v2;
	v5 =	vand.u32 $0x3FF8, v56  }
0xa7: {  	v61 =	vor.u32 v4, v3;
	v4 =	vand.u32 $0x3FF8, v63;
	v5 =	vor.u32 v58, v5;
	[tilespmem:$0xB0] =	vst v2  }
0xa8: {  	v0 =	vor.u32 v8, v4;
	[tilespmem:$0xC0] =	vst v61;
	v4 =	vand.u32 $0x3FF8, v11;
	v62 =	vor.u32 v60, v5  }
0xa9: {  	v14 =	vand.u32 $0x7, v13;
	v0 =	vor.u32 v10, v0;
	v1 =	vor.u32 v12, v4;
	[tilespmem:$0xD0] =	vst v62  }
0xaa: {  	[tilespmem:$0xE0] =	vst v0;
	v15 =	vor.u32 v14, v1  }
0xab: {  	[tilespmem:$0xF0] =	vst v15  }
0xac: {  	[tilespmem:s14], [sflag:$0x2] =	stream.indirect.gather [hbm4b:s3+s13], $0x10, s2, s13, $0xb8;
	[tilespmem:$0xC500] =	vst v63  }
0xad: {  	_ = 	snop  }
0xae: {  	[tilespmem:s15], [sflag:$0x3] =	stream.indirect.gather [hbm4b:s4+s13], $0x10, s13, s13, $0xb8;
	[tilespmem:$0xC500] =	vst v63  }
0xaf: {  	_ = 	snop  }
0xb0: {  	[tilespmem:s18], [sflag:$0x1] =	stream.indirect.gather [hbm4b:s7+s16], $0x1, s17, s16, $0xb8;
	[tilespmem:$0xC500] =	vst v63  }
0xb1: {  	_ =	swait.ge [sflag:s19], $0xA00  }
0xb2: {  	[sflag:s19] =	ssyncset.done $0x0  }
0xb3: {  	[sflag:s19] =	ssyncadd.s32 $0xFFFFF600  }
0xb4: {  	v16 =	vld [tilespmem:$0xB00]  }
0xb5: {  	v17 =	vld [tilespmem:$0xB10]  }
0xb6: {  	v19 =	vld [tilespmem:$0xB20]  }
0xb7: {  	v22 =	vld [tilespmem:$0xB30]  }
0xb8: {  	v24 =	vld [tilespmem:$0xB40]  }
0xb9: {  	v30 =	vld [tilespmem:$0xB50]  }
0xba: {  	v35 =	vld [tilespmem:$0xB60];
	v18 =	vshll.u32 v16, $0x3;
	v20 =	vand.u32 $0xFFFFC000, v16;
	v0 =	vshrl.u32 v16, $0xB  }
0xbb: {  	v38 =	vld [tilespmem:$0xB70];
	v21 =	vshll.u32 v17, $0x3;
	v23 =	vand.u32 $0xFFFFC000, v17;
	v1 =	vshrl.u32 v17, $0xB  }
0xbc: {  	v44 =	vld [tilespmem:$0xB80];
	v25 =	vshll.u32 v19, $0x3;
	v26 =	vand.u32 $0xFFFFC000, v19;
	v27 =	vshrl.u32 v19, $0xB  }
0xbd: {  	v49 =	vld [tilespmem:$0xB90];
	v29 =	vshll.u32 v22, $0x3;
	v31 =	vand.u32 $0xFFFFC000, v22;
	v33 =	vshrl.u32 v22, $0xB  }
0xbe: {  	v52 =	vld [tilespmem:$0xBA0];
	v34 =	vshll.u32 v24, $0x3;
	v36 =	vand.u32 $0xFFFFC000, v24;
	v6 =	vshrl.u32 v24, $0xB  }
0xbf: {  	v39 =	vshll.u32 v30, $0x3;
	v40 =	vand.u32 $0xFFFFC000, v30;
	v41 =	vshrl.u32 v30, $0xB  }
0xc0: {  	v43 =	vshll.u32 v35, $0x3;
	v45 =	vand.u32 $0xFFFFC000, v35;
	v47 =	vshrl.u32 v35, $0xB  }
0xc1: {  	v48 =	vshll.u32 v38, $0x3;
	v50 =	vand.u32 $0xFFFFC000, v38;
	v53 =	vshll.u32 v44, $0x3  }
0xc2: {  	v58 =	vld [tilespmem:$0xBB0];
	v54 =	vand.u32 $0xFFFFC000, v44;
	v55 =	vshrl.u32 v44, $0xB;
	v57 =	vshll.u32 v49, $0x3  }
0xc3: {  	v63 =	vld [tilespmem:$0xBC0];
	v59 =	vand.u32 $0xFFFFC000, v49;
	v61 =	vshrl.u32 v49, $0xB;
	v62 =	vshll.u32 v52, $0x3  }
0xc4: {  	v22 =	vand.u32 $0xFFFFC000, v52;
	v2 =	vand.u32 $0x3FF8, v18;
	v4 =	vand.u32 $0x3FF8, v21  }
0xc5: {  	v0 =	vand.u32 $0x7, v0;
	v1 =	vand.u32 $0x7, v1;
	v28 =	vand.u32 $0x7, v27  }
0xc6: {  	v32 =	vand.u32 $0x3FF8, v29;
	v37 =	vand.u32 $0x7, v6;
	v42 =	vand.u32 $0x7, v41  }
0xc7: {  	v46 =	vand.u32 $0x3FF8, v43;
	v6 =	vshrl.u32 v38, $0xB;
	v56 =	vand.u32 $0x7, v55  }
0xc8: {  	v60 =	vand.u32 $0x3FF8, v57;
	v27 =	vshrl.u32 v58, $0xB;
	v29 =	vshll.u32 v63, $0x3  }
0xc9: {  	v24 =	vld [tilespmem:$0xBD0];
	v2 =	vor.u32 v20, v2;
	v4 =	vor.u32 v23, v4;
	v51 =	vand.u32 $0x7, v6  }
0xca: {  	v30 =	vld [tilespmem:$0xBE0];
	v6 =	vshrl.u32 v52, $0xB;
	v8 =	vor.u32 v0, v2;
	v7 =	vor.u32 v1, v4  }
0xcb: {  	v35 =	vld [tilespmem:$0xBF0];
	v0 =	vand.u32 $0x3FF8, v25;
	v2 =	vand.u32 $0x3FF8, v34;
	v1 =	vand.u32 $0x7, v33  }
0xcc: {  	v44 =	vld [tilespmem:$0xC10];
	v23 =	vand.u32 $0x7, v6;
	v25 =	vshll.u32 v58, $0x3;
	v33 =	vshrl.u32 v63, $0xB  }
0xcd: {  	v49 =	vld [tilespmem:$0xC20];
	v0 =	vor.u32 v26, v0;
	v2 =	vor.u32 v36, v2;
	v26 =	vand.u32 $0xFFFFC000, v58  }
0xce: {  	v9 =	vor.u32 v28, v0;
	v0 =	vor.u32 v31, v32;
	v10 =	vor.u32 v37, v2  }
0xcf: {  	v2 =	vand.u32 $0x3FF8, v48;
	v28 =	vand.u32 $0x7, v27;
	v31 =	vand.u32 $0xFFFFC000, v63  }
0xd0: {  	v38 =	vld [tilespmem:$0xC00];
	v32 =	vand.u32 $0x3FF8, v29;
	v34 =	vshll.u32 v24, $0x3;
	v36 =	vand.u32 $0xFFFFC000, v24  }
0xd1: {  	v6 =	vshrl.u32 v24, $0xB;
	v41 =	vshrl.u32 v30, $0xB;
	v43 =	vshll.u32 v35, $0x3  }
0xd2: {  	v55 =	vand.u32 $0xFFFFC000, v44;
	v58 =	vshll.u32 v49, $0x3;
	v11 =	vor.u32 v1, v0  }
0xd3: {  	v52 =	vld [tilespmem:$0xC30];
	v0 =	vand.u32 $0x3FF8, v39;
	v1 =	vand.u32 $0x7, v47;
	v2 =	vor.u32 v50, v2  }
0xd4: {  	v37 =	vand.u32 $0x7, v6;
	v39 =	vshll.u32 v30, $0x3;
	v47 =	vshrl.u32 v35, $0xB  }
0xd5: {  	v48 =	vshll.u32 v38, $0x3;
	v50 =	vand.u32 $0xFFFFC000, v38;
	v6 =	vshrl.u32 v38, $0xB  }
0xd6: {  	v16 =	vld [tilespmem:$0xC50];
	v0 =	vor.u32 v40, v0;
	v13 =	vor.u32 v51, v2;
	v2 =	vand.u32 $0x3FF8, v62  }
0xd7: {  	v40 =	vand.u32 $0xFFFFC000, v30;
	v51 =	vand.u32 $0x7, v6;
	v62 =	vshrl.u32 v49, $0xB  }
0xd8: {  	v63 =	vshll.u32 v52, $0x3;
	v19 =	vand.u32 $0xFFFFC000, v52;
	v6 =	vshrl.u32 v52, $0xB  }
0xd9: {  	v24 =	vld [tilespmem:$0xC60];
	v12 =	vor.u32 v42, v0;
	v0 =	vor.u32 v45, v46;
	v2 =	vor.u32 v22, v2  }
0xda: {  	v42 =	vand.u32 $0x7, v41;
	v45 =	vand.u32 $0xFFFFC000, v35;
	v46 =	vand.u32 $0x3FF8, v43  }
0xdb: {  	v21 =	vand.u32 $0x7, v6;
	v35 =	vshrl.u32 v16, $0xB;
	v14 =	vor.u32 v1, v0  }
0xdc: {  	v0 =	vand.u32 $0x3FF8, v53;
	v1 =	vand.u32 $0x7, v61;
	v17 =	vor.u32 v23, v2  }
0xdd: {  	v2 =	vand.u32 $0x3FF8, v34;
	v61 =	vand.u32 $0x3FF8, v58;
	v0 =	vor.u32 v54, v0  }
0xde: {  	v2 =	vor.u32 v36, v2;
	v54 =	vshll.u32 v44, $0x3;
	v36 =	vshll.u32 v24, $0x3  }
0xdf: {  	v52 =	vld [tilespmem:$0xCB0];
	v38 =	vand.u32 $0xFFFFC000, v24;
	v6 =	vshrl.u32 v24, $0xB;
	v15 =	vor.u32 v56, v0  }
0xe0: {  	v0 =	vor.u32 v59, v60;
	v22 =	vor.u32 v37, v2;
	v2 =	vand.u32 $0x3FF8, v48  }
0xe1: {  	v56 =	vshrl.u32 v44, $0xB;
	v60 =	vand.u32 $0xFFFFC000, v49;
	v18 =	vor.u32 v1, v0  }
0xe2: {  	v0 =	vand.u32 $0x3FF8, v25;
	v1 =	vand.u32 $0x7, v33;
	v2 =	vor.u32 v50, v2  }
0xe3: {  	v57 =	vand.u32 $0x7, v56;
	v33 =	vand.u32 $0xFFFFC000, v16;
	v0 =	vor.u32 v26, v0  }
0xe4: {  	v59 =	vld [tilespmem:$0xC40];
	v53 =	vor.u32 v51, v2;
	v2 =	vand.u32 $0x3FF8, v63;
	v63 =	vand.u32 $0xFFFFC000, v52  }
0xe5: {  	v37 =	vld [tilespmem:$0xC80];
	v20 =	vor.u32 v28, v0;
	v0 =	vor.u32 v31, v32;
	v2 =	vor.u32 v19, v2  }
0xe6: {  	v31 =	vshll.u32 v16, $0x3;
	v16 =	vshrl.u32 v52, $0xB;
	v23 =	vor.u32 v1, v0  }
0xe7: {  	v0 =	vand.u32 $0x3FF8, v39;
	v1 =	vand.u32 $0x7, v47;
	v26 =	vor.u32 v21, v2  }
0xe8: {  	v34 =	vand.u32 $0x3FF8, v31;
	v2 =	vand.u32 $0x3FF8, v36;
	v39 =	vand.u32 $0x7, v6  }
0xe9: {  	v32 =	vld [tilespmem:$0xC70];
	v0 =	vor.u32 v40, v0;
	v27 =	vshll.u32 v59, $0x3;
	v28 =	vand.u32 $0xFFFFC000, v59  }
0xea: {  	v47 =	vld [tilespmem:$0xCA0];
	v29 =	vshrl.u32 v59, $0xB;
	v2 =	vor.u32 v38, v2;
	v48 =	vand.u32 $0xFFFFC000, v37  }
0xeb: {  	v21 =	vld [tilespmem:$0xCE0];
	v50 =	vshrl.u32 v37, $0xB;
	v25 =	vor.u32 v42, v0;
	v0 =	vor.u32 v45, v46  }
0xec: {  	v40 =	vld [tilespmem:$0xC90];
	v30 =	vand.u32 $0x7, v29;
	v41 =	vor.u32 v39, v2;
	v46 =	vshll.u32 v37, $0x3  }
0xed: {  	v0 =	vor.u32 v1, v0;
	v1 =	vand.u32 $0x7, v62;
	v49 =	vand.u32 $0x3FF8, v46  }
0xee: {  	[tilespmem:$0x1FD90] =	vst v0;
	v0 =	vand.u32 $0x3FF8, v54;
	v42 =	vshll.u32 v32, $0x3;
	v44 =	vshrl.u32 v32, $0xB  }
0xef: {  	v39 =	vld [tilespmem:$0xD10];
	v43 =	vand.u32 $0xFFFFC000, v32;
	v0 =	vor.u32 v55, v0;
	v45 =	vand.u32 $0x7, v44  }
0xf0: {  	v58 =	vand.u32 $0xFFFFC000, v47;
	v59 =	vshrl.u32 v47, $0xB;
	v37 =	vshrl.u32 v21, $0xB  }
0xf1: {  	[tilespmem:$0x1FDA0] =	vst v53;
	v62 =	vld [tilespmem:$0xCD0];
	v0 =	vor.u32 v57, v0;
	v51 =	vshll.u32 v40, $0x3;
	v53 =	vand.u32 $0xFFFFC000, v40  }
0xf2: {  	v6 =	vshrl.u32 v40, $0xB;
	v57 =	vshll.u32 v47, $0x3;
	[tilespmem:$0x1FDB0] =	vst v0;
	v0 =	vor.u32 v60, v61  }
0xf3: {  	v55 =	vld [tilespmem:$0xCC0];
	v2 =	vand.u32 $0x3FF8, v51;
	v54 =	vand.u32 $0x7, v6;
	v60 =	vand.u32 $0x7, v59  }
0xf4: {  	v61 =	vshll.u32 v52, $0x3;
	v52 =	vshrl.u32 v39, $0xB;
	v0 =	vor.u32 v1, v0  }
0xf5: {  	v1 =	vand.u32 $0x7, v35;
	v2 =	vor.u32 v53, v2;
	v5 =	vand.u32 $0x3FF8, v61  }
0xf6: {  	v29 =	vshll.u32 v62, $0x3;
	v31 =	vshrl.u32 v62, $0xB;
	v35 =	vand.u32 $0xFFFFC000, v21  }
0xf7: {  	[tilespmem:$0x1FDC0] =	vst v0;
	v0 =	vand.u32 $0x3FF8, v27;
	v56 =	vor.u32 v54, v2;
	v32 =	vand.u32 $0x7, v31  }
0xf8: {  	v27 =	vld [tilespmem:$0xCF0];
	v0 =	vor.u32 v28, v0;
	v19 =	vshll.u32 v55, $0x3;
	v24 =	vand.u32 $0xFFFFC000, v55  }
0xf9: {  	[tilespmem:$0x1FDD0] =	vst v26;
	v54 =	vld [tilespmem:$0xD40];
	v6 =	vshrl.u32 v55, $0xB;
	v0 =	vor.u32 v30, v0;
	v2 =	vand.u32 $0x3FF8, v19  }
0xfa: {  	v26 =	vand.u32 $0x7, v6;
	v30 =	vand.u32 $0xFFFFC000, v62;
	[tilespmem:$0x1FDE0] =	vst v0;
	v0 =	vor.u32 v33, v34  }
0xfb: {  	v2 =	vor.u32 v24, v2;
	v33 =	vshll.u32 v21, $0x3;
	v0 =	vor.u32 v1, v0  }
0xfc: {  	v34 =	vld [tilespmem:$0xD00];
	v1 =	vand.u32 $0x7, v50;
	v28 =	vor.u32 v26, v2;
	v36 =	vand.u32 $0x3FF8, v33  }
0xfd: {  	v50 =	vand.u32 $0xFFFFC000, v39;
	[tilespmem:$0x1FDF0] =	vst v0;
	v0 =	vand.u32 $0x3FF8, v42;
	v38 =	vshll.u32 v27, $0x3  }
0xfe: {  	v40 =	vand.u32 $0xFFFFC000, v27;
	v6 =	vshrl.u32 v27, $0xB;
	v19 =	vand.u32 $0xFFFFC000, v54  }
0xff: {  	v42 =	vld [tilespmem:$0xD20];
	v24 =	vshrl.u32 v54, $0xB;
	v0 =	vor.u32 v43, v0;
	v2 =	vand.u32 $0x3FF8, v38  }
0x100: {  	[tilespmem:$0x1FE00] =	vst v41;
	v27 =	vld [tilespmem:$0xD70];
	v41 =	vand.u32 $0x7, v6;
	v0 =	vor.u32 v45, v0;
	v2 =	vor.u32 v40, v2  }
0x101: {  	[tilespmem:$0x1FE10] =	vst v0;
	v0 =	vor.u32 v48, v49;
	v43 =	vor.u32 v41, v2;
	v44 =	vshll.u32 v34, $0x3  }
0x102: {  	v45 =	vand.u32 $0xFFFFC000, v34;
	v46 =	vshrl.u32 v34, $0xB;
	v48 =	vshll.u32 v39, $0x3  }
0x103: {  	v49 =	vld [tilespmem:$0xD30];
	v0 =	vor.u32 v1, v0;
	v1 =	vand.u32 $0x7, v16;
	v47 =	vand.u32 $0x7, v46  }
0x104: {  	v51 =	vand.u32 $0x3FF8, v48;
	[tilespmem:$0x1FE20] =	vst v0;
	v0 =	vand.u32 $0x3FF8, v57;
	v53 =	vshll.u32 v42, $0x3  }
0x105: {  	v55 =	vand.u32 $0xFFFFC000, v42;
	v6 =	vshrl.u32 v42, $0xB;
	v38 =	vand.u32 $0xFFFFC000, v27  }
0x106: {  	v16 =	vld [tilespmem:$0xD60];
	v40 =	vshrl.u32 v27, $0xB;
	v0 =	vor.u32 v58, v0;
	v2 =	vand.u32 $0x3FF8, v53  }
0x107: {  	[tilespmem:$0x1FE30] =	vst v56;
	v57 =	vld [tilespmem:$0xD50];
	v56 =	vand.u32 $0x7, v6;
	v0 =	vor.u32 v60, v0;
	v2 =	vor.u32 v55, v2  }
0x108: {  	v42 =	vld [tilespmem:$0xDA0];
	[tilespmem:$0x1FE40] =	vst v0;
	v0 =	vor.u32 v63, v5;
	v58 =	vor.u32 v56, v2;
	v59 =	vshll.u32 v49, $0x3  }
0x109: {  	v60 =	vand.u32 $0xFFFFC000, v49;
	v61 =	vshrl.u32 v49, $0xB;
	v63 =	vshll.u32 v54, $0x3  }
0x10a: {  	v0 =	vor.u32 v1, v0;
	v1 =	vand.u32 $0x7, v37;
	v62 =	vand.u32 $0x7, v61  }
0x10b: {  	[tilespmem:$0x1FE60] =	vst v28;
	v21 =	vand.u32 $0x3FF8, v63;
	v33 =	vand.u32 $0xFFFFC000, v16;
	v34 =	vshrl.u32 v16, $0xB  }
0x10c: {  	[tilespmem:$0x1FE50] =	vst v0;
	v0 =	vand.u32 $0x3FF8, v29;
	v26 =	vshll.u32 v57, $0x3;
	v28 =	vand.u32 $0xFFFFC000, v57  }
0x10d: {  	v37 =	vld [tilespmem:$0xD90];
	v6 =	vshrl.u32 v57, $0xB;
	v53 =	vand.u32 $0xFFFFC000, v42;
	v55 =	vshrl.u32 v42, $0xB  }
0x10e: {  	v57 =	vld [tilespmem:$0xDD0];
	v0 =	vor.u32 v30, v0;
	v2 =	vand.u32 $0x3FF8, v26;
	v29 =	vand.u32 $0x7, v6  }
0x10f: {  	v30 =	vld [tilespmem:$0xD80];
	v0 =	vor.u32 v32, v0;
	v2 =	vor.u32 v28, v2;
	v32 =	vshll.u32 v16, $0x3  }
0x110: {  	[tilespmem:$0x1FE70] =	vst v0;
	v0 =	vor.u32 v35, v36;
	v31 =	vor.u32 v29, v2;
	v35 =	vand.u32 $0x7, v34  }
0x111: {  	v36 =	vshll.u32 v27, $0x3;
	v0 =	vor.u32 v1, v0;
	v1 =	vand.u32 $0x7, v52  }
0x112: {  	v29 =	vld [tilespmem:$0xE00];
	v39 =	vand.u32 $0x3FF8, v36;
	v48 =	vand.u32 $0xFFFFC000, v37;
	[tilespmem:$0x1FE80] =	vst v0;
	v0 =	vand.u32 $0x3FF8, v44  }
0x113: {  	v49 =	vshrl.u32 v37, $0xB;
	v27 =	vshrl.u32 v57, $0xB;
	v0 =	vor.u32 v45, v0  }
0x114: {  	[tilespmem:$0x1FE90] =	vst v43;
	v52 =	vld [tilespmem:$0xDC0];
	v41 =	vshll.u32 v30, $0x3;
	v43 =	vand.u32 $0xFFFFC000, v30;
	v6 =	vshrl.u32 v30, $0xB  }
0x115: {  	v0 =	vor.u32 v47, v0;
	v2 =	vand.u32 $0x3FF8, v41;
	v44 =	vand.u32 $0x7, v6  }
0x116: {  	v45 =	vld [tilespmem:$0xDB0];
	v47 =	vshll.u32 v37, $0x3;
	[tilespmem:$0x1FEA0] =	vst v0;
	v0 =	vor.u32 v50, v51;
	v2 =	vor.u32 v43, v2  }
0x117: {  	v50 =	vand.u32 $0x7, v49;
	v51 =	vshll.u32 v42, $0x3;
	v42 =	vshrl.u32 v29, $0xB  }
0x118: {  	v0 =	vor.u32 v1, v0;
	v1 =	vand.u32 $0x7, v24;
	v46 =	vor.u32 v44, v2  }
0x119: {  	v54 =	vand.u32 $0x3FF8, v51;
	v63 =	vand.u32 $0xFFFFC000, v52;
	v5 =	vshrl.u32 v52, $0xB  }
0x11a: {  	v24 =	vand.u32 $0xFFFFC000, v57;
	[tilespmem:$0x1FEB0] =	vst v0;
	v0 =	vand.u32 $0x3FF8, v59;
	v16 =	vand.u32 $0x7, v5  }
0x11b: {  	[tilespmem:$0x1FEC0] =	vst v58;
	v44 =	vld [tilespmem:$0xE30];
	v0 =	vor.u32 v60, v0;
	v56 =	vshll.u32 v45, $0x3;
	v58 =	vand.u32 $0xFFFFC000, v45  }
0x11c: {  	v6 =	vshrl.u32 v45, $0xB;
	v60 =	vld [tilespmem:$0xDE0];
	v0 =	vor.u32 v62, v0;
	v2 =	vand.u32 $0x3FF8, v56  }
0x11d: {  	v59 =	vand.u32 $0x7, v6;
	v62 =	vshll.u32 v52, $0x3;
	[tilespmem:$0x1FED0] =	vst v0;
	v0 =	vor.u32 v19, v21  }
0x11e: {  	v2 =	vor.u32 v58, v2;
	v19 =	vshll.u32 v57, $0x3;
	v0 =	vor.u32 v1, v0  }
0x11f: {  	v52 =	vld [tilespmem:$0xE40];
	v1 =	vand.u32 $0x7, v40;
	v61 =	vor.u32 v59, v2;
	v26 =	vand.u32 $0x3FF8, v19  }
0x120: {  	v21 =	vld [tilespmem:$0xDF0];
	v40 =	vand.u32 $0xFFFFC000, v29;
	v58 =	vshll.u32 v44, $0x3;
	[tilespmem:$0x1FEE0] =	vst v0;
	v0 =	vand.u32 $0x3FF8, v32  }
0x121: {  	[tilespmem:$0x1FF50] =	vst v61;
	v61 =	vand.u32 $0x3FF8, v58;
	v0 =	vor.u32 v33, v0;
	v28 =	vshll.u32 v60, $0x3  }
0x122: {  	v30 =	vand.u32 $0xFFFFC000, v60;
	v6 =	vshrl.u32 v60, $0xB;
	v60 =	vand.u32 $0xFFFFC000, v44  }
0x123: {  	[tilespmem:$0x1FEF0] =	vst v31;
	v59 =	vld [tilespmem:$0xE50];
	v0 =	vor.u32 v35, v0;
	v2 =	vand.u32 $0x3FF8, v28;
	v31 =	vand.u32 $0x7, v6  }
0x124: {  	v32 =	vld [tilespmem:$0xE10];
	v19 =	vand.u32 $0xFFFFC000, v52;
	[tilespmem:$0x1FF00] =	vst v0;
	v0 =	vor.u32 v38, v39;
	v2 =	vor.u32 v30, v2  }
0x125: {  	v34 =	vshll.u32 v21, $0x3;
	v35 =	vand.u32 $0xFFFFC000, v21;
	v36 =	vshrl.u32 v21, $0xB  }
0x126: {  	v38 =	vshll.u32 v29, $0x3;
	v0 =	vor.u32 v1, v0;
	v1 =	vand.u32 $0x7, v55  }
0x127: {  	v33 =	vor.u32 v31, v2;
	v37 =	vand.u32 $0x7, v36;
	v41 =	vand.u32 $0x3FF8, v38  }
0x128: {  	v39 =	vld [tilespmem:$0xE20];
	v28 =	vand.u32 $0xFFFFC000, v59;
	v29 =	vshrl.u32 v59, $0xB;
	[tilespmem:$0x1FF10] =	vst v0;
	v0 =	vand.u32 $0x3FF8, v47  }
0x129: {  	v43 =	vshll.u32 v32, $0x3;
	v45 =	vand.u32 $0xFFFFC000, v32;
	v6 =	vshrl.u32 v32, $0xB  }
0x12a: {  	v30 =	vand.u32 $0x7, v29;
	v0 =	vor.u32 v48, v0;
	v2 =	vand.u32 $0x3FF8, v43  }
0x12b: {  	[tilespmem:$0x1FF20] =	vst v46;
	v46 =	vand.u32 $0x7, v6;
	v6 =	vshrl.u32 v52, $0xB;
	v0 =	vor.u32 v50, v0  }
0x12c: {  	v32 =	vld [tilespmem:$0xE80];
	v2 =	vor.u32 v45, v2;
	v21 =	vand.u32 $0x7, v6;
	[tilespmem:$0x1FF30] =	vst v0;
	v0 =	vor.u32 v53, v54  }
0x12d: {  	v53 =	vor.u32 v46, v2;
	v54 =	vshll.u32 v39, $0x3;
	v0 =	vor.u32 v1, v0  }
0x12e: {  	v55 =	vand.u32 $0xFFFFC000, v39;
	v56 =	vshrl.u32 v39, $0xB;
	v46 =	vld [tilespmem:$0xEB0];
	[tilespmem:$0x1FF40] =	vst v0;
	v0 =	vand.u32 $0x3FF8, v62  }
0x12f: {  	v1 =	vand.u32 $0x7, v27;
	v57 =	vand.u32 $0x7, v56;
	v0 =	vor.u32 v63, v0  }
0x130: {  	v27 =	vshll.u32 v59, $0x3;
	v62 =	vshrl.u32 v44, $0xB;
	v0 =	vor.u32 v16, v0  }
0x131: {  	v43 =	vshrl.u32 v32, $0xB;
	v63 =	vshll.u32 v52, $0x3;
	v16 =	vld [tilespmem:$0xE60];
	[tilespmem:$0x1FF60] =	vst v0;
	v0 =	vor.u32 v24, v26  }
0x132: {  	v44 =	vand.u32 $0x7, v43;
	v2 =	vand.u32 $0x3FF8, v63;
	v63 =	vld [tilespmem:$0xED0];
	v0 =	vor.u32 v1, v0  }
0x133: {  	v2 =	vor.u32 v19, v2;
	v19 =	vshll.u32 v46, $0x3;
	[tilespmem:$0x1FF70] =	vst v0;
	v0 =	vand.u32 $0x3FF8, v34  }
0x134: {  	v24 =	vld [tilespmem:$0xE70];
	v1 =	vand.u32 $0x7, v42;
	v26 =	vor.u32 v21, v2;
	v0 =	vor.u32 v35, v0  }
0x135: {  	v42 =	vand.u32 $0xFFFFC000, v32;
	v21 =	vand.u32 $0xFFFFC000, v46;
	v47 =	vor.u32 v37, v0  }
0x136: {  	[tilespmem:$0x1FF80] =	vst v33;
	v0 =	vor.u32 v40, v41;
	v31 =	vshll.u32 v16, $0x3;
	v33 =	vand.u32 $0xFFFFC000, v16  }
0x137: {  	v35 =	vshrl.u32 v16, $0xB;
	v41 =	vshll.u32 v32, $0x3;
	v32 =	vshll.u32 v63, $0x3  }
0x138: {  	v49 =	vor.u32 v1, v0;
	v0 =	vand.u32 $0x3FF8, v54;
	v1 =	vand.u32 $0x7, v62  }
0x139: {  	v37 =	vld [tilespmem:$0xE90];
	v34 =	vand.u32 $0x3FF8, v31;
	v36 =	vshll.u32 v24, $0x3;
	v38 =	vand.u32 $0xFFFFC000, v24  }
0x13a: {  	v40 =	vld [tilespmem:$0xEA0];
	v6 =	vshrl.u32 v24, $0xB;
	v24 =	vshrl.u32 v46, $0xB;
	v0 =	vor.u32 v55, v0  }
0x13b: {  	[tilespmem:$0x1FFB0] =	vst v26;
	v2 =	vand.u32 $0x3FF8, v36;
	v39 =	vand.u32 $0x7, v6;
	v0 =	vor.u32 v57, v0  }
0x13c: {  	v26 =	vand.u32 $0x7, v24;
	v2 =	vor.u32 v38, v2;
	[tilespmem:$0x1FFA0] =	vst v0;
	v0 =	vor.u32 v60, v61  }
0x13d: {  	v51 =	vor.u32 v39, v2;
	v48 =	vor.u32 v1, v0;
	v0 =	vand.u32 $0x3FF8, v27  }
0x13e: {  	v36 =	vld [tilespmem:$0xF00];
	v1 =	vand.u32 $0x7, v35;
	v45 =	vshll.u32 v37, $0x3;
	v56 =	vand.u32 $0xFFFFC000, v37  }
0x13f: {  	v58 =	vshrl.u32 v37, $0xB;
	v59 =	vshll.u32 v40, $0x3;
	v61 =	vand.u32 $0xFFFFC000, v40  }
0x140: {  	v6 =	vshrl.u32 v40, $0xB;
	v0 =	vor.u32 v28, v0;
	v57 =	vand.u32 $0x3FF8, v45  }
0x141: {  	v60 =	vld [tilespmem:$0xEC0];
	v2 =	vand.u32 $0x3FF8, v59;
	v62 =	vand.u32 $0x7, v6;
	v6 =	vshrl.u32 v63, $0xB  }
0x142: {  	v0 =	vor.u32 v30, v0;
	v2 =	vor.u32 v61, v2;
	v35 =	vand.u32 $0x7, v6  }
0x143: {  	v55 =	vld [tilespmem:$0xF20];
	v46 =	vshll.u32 v36, $0x3;
	v6 =	vshrl.u32 v36, $0xB;
	[tilespmem:$0x1FFC0] =	vst v0;
	v0 =	vor.u32 v33, v34  }
0x144: {  	v28 =	vld [tilespmem:$0xEE0];
	v16 =	vor.u32 v62, v2;
	v2 =	vand.u32 $0x3FF8, v32;
	v34 =	vand.u32 $0xFFFFC000, v63  }
0x145: {  	v50 =	vor.u32 v1, v0;
	v0 =	vand.u32 $0x3FF8, v41;
	v1 =	vand.u32 $0x7, v58  }
0x146: {  	v27 =	vshll.u32 v60, $0x3;
	v30 =	vand.u32 $0xFFFFC000, v60;
	v31 =	vshrl.u32 v60, $0xB  }
0x147: {  	v33 =	vld [tilespmem:$0xEF0];
	v2 =	vor.u32 v34, v2;
	v0 =	vor.u32 v42, v0;
	v29 =	vand.u32 $0x3FF8, v27  }
0x148: {  	v54 =	vor.u32 v35, v2;
	v2 =	vand.u32 $0x3FF8, v46;
	v27 =	vshrl.u32 v55, $0xB  }
0x149: {  	v32 =	vld [tilespmem:$0xF60];
	v0 =	vor.u32 v44, v0;
	v37 =	vshll.u32 v28, $0x3;
	v39 =	vshrl.u32 v28, $0xB  }
0x14a: {  	v38 =	vand.u32 $0xFFFFC000, v28;
	[tilespmem:$0x1FFD0] =	vst v0;
	v0 =	vor.u32 v56, v57;
	v40 =	vand.u32 $0x7, v39  }
0x14b: {  	v58 =	vld [tilespmem:$0xF30];
	v56 =	vand.u32 $0xFFFFC000, v36;
	v57 =	vand.u32 $0x7, v6;
	v52 =	vor.u32 v1, v0  }
0x14c: {  	v42 =	vld [tilespmem:$0xF10];
	v0 =	vand.u32 $0x3FF8, v19;
	v1 =	vand.u32 $0x7, v31;
	v41 =	vshll.u32 v33, $0x3  }
0x14d: {  	v44 =	vand.u32 $0xFFFFC000, v33;
	v45 =	vshrl.u32 v33, $0xB;
	v2 =	vor.u32 v56, v2  }
0x14e: {  	v19 =	vshll.u32 v55, $0x3;
	v46 =	vshll.u32 v32, $0x3;
	v0 =	vor.u32 v21, v0  }
0x14f: {  	v43 =	vand.u32 $0x3FF8, v41;
	v63 =	vor.u32 v57, v2;
	v24 =	vand.u32 $0x3FF8, v19  }
0x150: {  	v28 =	vshll.u32 v58, $0x3;
	v6 =	vshrl.u32 v58, $0xB;
	v57 =	vand.u32 $0xFFFFC000, v32  }
0x151: {  	v0 =	vor.u32 v26, v0;
	v59 =	vshll.u32 v42, $0x3;
	v60 =	vand.u32 $0xFFFFC000, v42  }
0x152: {  	[tilespmem:$0x1FF90] =	vst v53;
	v21 =	vld [tilespmem:$0xF40];
	v5 =	vshrl.u32 v42, $0xB;
	v26 =	vand.u32 $0xFFFFC000, v55;
	v2 =	vand.u32 $0x3FF8, v28  }
0x153: {  	v31 =	vand.u32 $0x7, v6;
	v6 =	vshrl.u32 v32, $0xB;
	[tilespmem:$0x1FFF0] =	vst v0;
	v0 =	vor.u32 v30, v29  }
0x154: {  	[tilespmem:$0x1FFE0] =	vst v16;
	v55 =	vld [tilespmem:$0xF80];
	v16 =	vand.u32 $0x7, v5;
	v53 =	vor.u32 v1, v0;
	v0 =	vand.u32 $0x3FF8, v37  }
0x155: {  	v30 =	vand.u32 $0xFFFFC000, v58;
	v58 =	vand.u32 $0x7, v6;
	v0 =	vor.u32 v38, v0  }
0x156: {  	v29 =	vld [tilespmem:$0xF50];
	v1 =	vand.u32 $0x7, v45;
	v2 =	vor.u32 v30, v2;
	v62 =	vor.u32 v40, v0  }
0x157: {  	v0 =	vor.u32 v44, v43;
	v33 =	vshll.u32 v21, $0x3;
	v34 =	vand.u32 $0xFFFFC000, v21  }
0x158: {  	v28 =	vld [tilespmem:$0xFA0];
	v35 =	vshrl.u32 v21, $0xB;
	v61 =	vor.u32 v1, v0;
	v0 =	vand.u32 $0x3FF8, v59  }
0x159: {  	v1 =	vand.u32 $0x7, v27;
	v36 =	vand.u32 $0x7, v35;
	v27 =	vshll.u32 v55, $0x3  }
0x15a: {  	v30 =	vand.u32 $0xFFFFC000, v55;
	v0 =	vor.u32 v60, v0;
	v60 =	vor.u32 v31, v2  }
0x15b: {  	v38 =	vld [tilespmem:$0xF70];
	v37 =	vshll.u32 v29, $0x3;
	v43 =	vand.u32 $0xFFFFC000, v29;
	v44 =	vshrl.u32 v29, $0xB  }
0x15c: {  	v2 =	vand.u32 $0x3FF8, v46;
	v29 =	vand.u32 $0x3FF8, v27;
	v31 =	vshrl.u32 v55, $0xB  }
0x15d: {  	v46 =	vshrl.u32 v28, $0xB;
	v45 =	vor.u32 v16, v0;
	v0 =	vor.u32 v26, v24  }
0x15e: {  	v41 =	vand.u32 $0x3FF8, v37;
	v2 =	vor.u32 v57, v2;
	v55 =	vand.u32 $0x7, v46  }
0x15f: {  	v16 =	vld [tilespmem:$0xF90];
	v59 =	vor.u32 v1, v0;
	v0 =	vand.u32 $0x3FF8, v33;
	v1 =	vand.u32 $0x7, v44  }
0x160: {  	v58 =	vor.u32 v58, v2;
	v19 =	vshll.u32 v38, $0x3;
	v21 =	vand.u32 $0xFFFFC000, v38  }
0x161: {  	v24 =	vshrl.u32 v38, $0xB;
	v44 =	vand.u32 $0xFFFFC000, v28;
	v0 =	vor.u32 v34, v0  }
0x162: {  	v33 =	vld [tilespmem:$0xFB0];
	v26 =	vand.u32 $0x7, v24;
	v42 =	vor.u32 v36, v0;
	v0 =	vor.u32 v43, v41  }
0x163: {  	v43 =	vshll.u32 v28, $0x3;
	v40 =	vor.u32 v1, v0;
	v0 =	vand.u32 $0x3FF8, v19  }
0x164: {  	v1 =	vand.u32 $0x7, v31;
	v0 =	vor.u32 v21, v0;
	v32 =	vshll.u32 v16, $0x3  }
0x165: {  	v41 =	vld [tilespmem:$0xFC0];
	v34 =	vand.u32 $0xFFFFC000, v16;
	v6 =	vshrl.u32 v16, $0xB;
	v57 =	vor.u32 v26, v0  }
0x166: {  	v28 =	vld [tilespmem:$0xFE0];
	v0 =	vor.u32 v30, v29;
	v2 =	vand.u32 $0x3FF8, v32;
	v35 =	vand.u32 $0x7, v6  }
0x167: {  	v16 =	vshll.u32 v33, $0x3;
	v24 =	vand.u32 $0xFFFFC000, v33;
	v26 =	vshrl.u32 v33, $0xB  }
0x168: {  	v19 =	vld [tilespmem:$0xFD0];
	v2 =	vor.u32 v34, v2;
	v37 =	vor.u32 v1, v0;
	v0 =	vand.u32 $0x3FF8, v43  }
0x169: {  	v21 =	vand.u32 $0x3FF8, v16;
	v1 =	vand.u32 $0x7, v26;
	v56 =	vor.u32 v35, v2  }
0x16a: {  	v31 =	vld [tilespmem:$0xFF0];
	v0 =	vor.u32 v44, v0;
	v27 =	vshll.u32 v41, $0x3;
	v29 =	vand.u32 $0xFFFFC000, v41  }
0x16b: {  	v6 =	vshrl.u32 v41, $0xB;
	v39 =	vshll.u32 v28, $0x3;
	v5 =	vand.u32 $0xFFFFC000, v28  }
0x16c: {  	v16 =	vshrl.u32 v28, $0xB;
	v55 =	vor.u32 v55, v0;
	v0 =	vor.u32 v24, v21  }
0x16d: {  	v2 =	vand.u32 $0x3FF8, v27;
	v30 =	vand.u32 $0x7, v6;
	v32 =	vshll.u32 v19, $0x3  }
0x16e: {  	v33 =	vand.u32 $0xFFFFC000, v19;
	v36 =	vshrl.u32 v19, $0xB;
	v44 =	vand.u32 $0x3FF8, v39  }
0x16f: {  	[tilespmem:$0xB50] =	vst v12;
	v12 =	vld [tilespmem:$0x1110];
	v19 =	vshll.u32 v31, $0x3;
	v24 =	vand.u32 $0xFFFFC000, v31;
	v6 =	vshrl.u32 v31, $0xB  }
0x170: {  	v41 =	vld [tilespmem:$0x1000];
	v2 =	vor.u32 v29, v2;
	v34 =	vor.u32 v1, v0;
	v0 =	vand.u32 $0x3FF8, v32  }
0x171: {  	v21 =	vld [tilespmem:$0x1010];
	v38 =	vand.u32 $0x7, v36;
	v1 =	vand.u32 $0x7, v16;
	v26 =	vand.u32 $0x7, v6  }
0x172: {  	v27 =	vld [tilespmem:$0x1020];
	v35 =	vor.u32 v30, v2;
	v0 =	vor.u32 v33, v0;
	v2 =	vand.u32 $0x3FF8, v19  }
0x173: {  	v46 =	vor.u32 v38, v0;
	v0 =	vor.u32 v5, v44;
	v2 =	vor.u32 v24, v2  }
0x174: {  	[tilespmem:$0xB90] =	vst v18;
	v18 =	vshll.u32 v12, $0x3;
	v31 =	vor.u32 v1, v0;
	v44 =	vor.u32 v26, v2  }
0x175: {  	v29 =	vshll.u32 v41, $0x3;
	v30 =	vand.u32 $0xFFFFC000, v41;
	v32 =	vshrl.u32 v41, $0xB  }
0x176: {  	v4 =	vld [tilespmem:$0x1040];
	v0 =	vand.u32 $0x3FF8, v29;
	v33 =	vand.u32 $0x7, v32;
	v36 =	vshll.u32 v21, $0x3  }
0x177: {  	v38 =	vld [tilespmem:$0x1030];
	v16 =	vand.u32 $0xFFFFC000, v21;
	v19 =	vshrl.u32 v21, $0xB;
	v21 =	vshll.u32 v27, $0x3  }
0x178: {  	v24 =	vand.u32 $0xFFFFC000, v27;
	v6 =	vshrl.u32 v27, $0xB;
	v0 =	vor.u32 v30, v0  }
0x179: {  	v5 =	vand.u32 $0x3FF8, v36;
	v2 =	vand.u32 $0x3FF8, v21;
	v1 =	vand.u32 $0x7, v19  }
0x17a: {  	v32 =	vld [tilespmem:$0x1050];
	v26 =	vand.u32 $0x7, v6;
	v43 =	vor.u32 v33, v0;
	v0 =	vor.u32 v16, v5  }
0x17b: {  	v2 =	vor.u32 v24, v2;
	v16 =	vshll.u32 v4, $0x3;
	v24 =	vand.u32 $0xFFFFC000, v4  }
0x17c: {  	v28 =	vor.u32 v1, v0;
	v41 =	vor.u32 v26, v2;
	v33 =	vshll.u32 v38, $0x3  }
0x17d: {  	v19 =	vld [tilespmem:$0x1060];
	v36 =	vand.u32 $0xFFFFC000, v38;
	v38 =	vshrl.u32 v38, $0xB;
	v21 =	vand.u32 $0x3FF8, v16  }
0x17e: {  	v26 =	vshrl.u32 v4, $0xB;
	v0 =	vand.u32 $0x3FF8, v33;
	v39 =	vand.u32 $0x7, v38  }
0x17f: {  	v1 =	vand.u32 $0x7, v26;
	v0 =	vor.u32 v36, v0;
	v29 =	vshll.u32 v32, $0x3  }
0x180: {  	v4 =	vld [tilespmem:$0x1070];
	v30 =	vand.u32 $0xFFFFC000, v32;
	v6 =	vshrl.u32 v32, $0xB;
	v27 =	vor.u32 v39, v0  }
0x181: {  	v0 =	vor.u32 v24, v21;
	v2 =	vand.u32 $0x3FF8, v29;
	v32 =	vand.u32 $0x7, v6  }
0x182: {  	v6 =	vld [tilespmem:$0x1080];
	v33 =	vshll.u32 v19, $0x3;
	v36 =	vand.u32 $0xFFFFC000, v19;
	v5 =	vshrl.u32 v19, $0xB  }
0x183: {  	v21 =	vld [tilespmem:$0x1090];
	v2 =	vor.u32 v30, v2;
	v38 =	vor.u32 v1, v0;
	v0 =	vand.u32 $0x3FF8, v33  }
0x184: {  	v16 =	vand.u32 $0x7, v5;
	v39 =	vor.u32 v32, v2;
	v0 =	vor.u32 v36, v0  }
0x185: {  	v19 =	vshll.u32 v4, $0x3;
	v29 =	vand.u32 $0xFFFFC000, v4;
	v30 =	vshrl.u32 v4, $0xB  }
0x186: {  	v4 =	vld [tilespmem:$0x10A0];
	v24 =	vor.u32 v16, v0;
	v26 =	vand.u32 $0x3FF8, v19;
	v1 =	vand.u32 $0x7, v30  }
0x187: {  	v3 =	vld [tilespmem:$0x10C0];
	v0 =	vor.u32 v29, v26;
	v32 =	vshll.u32 v6, $0x3;
	v33 =	vand.u32 $0xFFFFC000, v6  }
0x188: {  	v6 =	vshrl.u32 v6, $0xB;
	v5 =	vshll.u32 v21, $0x3;
	v16 =	vand.u32 $0xFFFFC000, v21  }
0x189: {  	v19 =	vshrl.u32 v21, $0xB;
	v2 =	vand.u32 $0x3FF8, v32;
	v36 =	vand.u32 $0x7, v6  }
0x18a: {  	v6 =	vld [tilespmem:$0x10B0];
	v21 =	vand.u32 $0x7, v19;
	v2 =	vor.u32 v33, v2;
	v33 =	vor.u32 v1, v0  }
0x18b: {  	v0 =	vand.u32 $0x3FF8, v5;
	v26 =	vshll.u32 v4, $0x3;
	v30 =	vand.u32 $0xFFFFC000, v4  }
0x18c: {  	v32 =	vshrl.u32 v4, $0xB;
	v4 =	vld [tilespmem:$0x10D0];
	v5 =	vshrl.u32 v3, $0xB;
	v36 =	vor.u32 v36, v2  }
0x18d: {  	v0 =	vor.u32 v16, v0;
	v29 =	vand.u32 $0x3FF8, v26;
	v1 =	vand.u32 $0x7, v32  }
0x18e: {  	[tilespmem:$0xB10] =	vst v7;
	v7 =	vand.u32 $0x7, v5;
	v21 =	vor.u32 v21, v0;
	v0 =	vor.u32 v30, v29  }
0x18f: {  	v29 =	vshll.u32 v3, $0x3;
	v30 =	vand.u32 $0xFFFFC000, v3;
	v3 =	vld [tilespmem:$0x10F0];
	v16 =	vshll.u32 v6, $0x3  }
0x190: {  	v19 =	vand.u32 $0xFFFFC000, v6;
	v6 =	vshrl.u32 v6, $0xB;
	v2 =	vand.u32 $0x3FF8, v16  }
0x191: {  	[tilespmem:$0xB00] =	vst v8;
	v26 =	vand.u32 $0x7, v6;
	v6 =	vld [tilespmem:$0x10E0];
	v8 =	vshll.u32 v4, $0x3;
	v2 =	vor.u32 v19, v2  }
0x192: {  	v19 =	vor.u32 v1, v0;
	v0 =	vand.u32 $0x3FF8, v29;
	v16 =	vand.u32 $0x3FF8, v8  }
0x193: {  	v29 =	vshrl.u32 v4, $0xB;
	v32 =	vor.u32 v26, v2;
	v0 =	vor.u32 v30, v0  }
0x194: {  	[tilespmem:$0xB20] =	vst v9;
	v26 =	vand.u32 $0xFFFFC000, v4;
	v4 =	vld [tilespmem:$0x1100];
	v1 =	vand.u32 $0x7, v29;
	v5 =	vshll.u32 v3, $0x3  }
0x195: {  	[tilespmem:$0xB40] =	vst v10;
	v8 =	vshrl.u32 v3, $0xB;
	v30 =	vor.u32 v7, v0;
	v0 =	vor.u32 v26, v16  }
0x196: {  	[tilespmem:$0xB30] =	vst v11;
	v7 =	vand.u32 $0xFFFFC000, v3;
	v16 =	vor.u32 v1, v0;
	v9 =	vshll.u32 v6, $0x3  }
0x197: {  	[tilespmem:$0xB60] =	vst v14;
	v10 =	vand.u32 $0xFFFFC000, v6;
	v6 =	vshrl.u32 v6, $0xB;
	v2 =	vand.u32 $0x3FF8, v9  }
0x198: {  	[tilespmem:$0xBA0] =	vst v17;
	v0 =	vand.u32 $0x3FF8, v5;
	v11 =	vand.u32 $0x7, v6;
	v2 =	vor.u32 v10, v2  }
0x199: {  	[tilespmem:$0xB80] =	vst v15;
	v10 =	vshll.u32 v4, $0x3;
	v15 =	vand.u32 $0xFFFFC000, v4;
	v17 =	vshrl.u32 v4, $0xB;
	v4 =	vld [tilespmem:$0x1130]  }
0x19a: {  	[tilespmem:$0xBD0] =	vst v22;
	v0 =	vor.u32 v7, v0;
	v9 =	vand.u32 $0x7, v8;
	v29 =	vor.u32 v11, v2;
	v11 =	vld [tilespmem:$0x1120]  }
0x19b: {  	[tilespmem:$0xBB0] =	vst v20;
	v20 =	vand.u32 $0xFFFFC000, v12;
	v6 =	vshrl.u32 v12, $0xB;
	v26 =	vor.u32 v9, v0  }
0x19c: {  	[tilespmem:$0xBC0] =	vst v23;
	v22 =	vld [tilespmem:$0x1FDB0];
	v23 =	vand.u32 $0x7, v6;
	v14 =	vand.u32 $0x3FF8, v10;
	v2 =	vand.u32 $0x3FF8, v18  }
0x19d: {  	v3 =	vld [tilespmem:$0x1150];
	v1 =	vand.u32 $0x7, v17;
	v0 =	vor.u32 v15, v14;
	v2 =	vor.u32 v20, v2  }
0x19e: {  	[tilespmem:$0xB70] =	vst v13;
	v6 =	vld [tilespmem:$0x1140];
	v13 =	vor.u32 v1, v0;
	v14 =	vor.u32 v23, v2;
	v15 =	vshll.u32 v4, $0x3  }
0x19f: {  	v8 =	vshll.u32 v11, $0x3;
	v9 =	vand.u32 $0xFFFFC000, v11;
	v10 =	vshrl.u32 v11, $0xB;
	v11 =	vld [tilespmem:$0x1FD90]  }
0x1a0: {  	v20 =	vand.u32 $0xFFFFC000, v4;
	v23 =	vshrl.u32 v4, $0xB;
	v4 =	vld [tilespmem:$0x1160];
	v0 =	vand.u32 $0x3FF8, v8  }
0x1a1: {  	v0 =	vor.u32 v9, v0;
	v9 =	vld [tilespmem:$0x1FDC0]  }
0x1a2: {  	[tilespmem:$0xC10] =	vst v22;
	v17 =	vld [tilespmem:$0x1FDA0];
	v22 =	vshrl.u32 v3, $0xB  }
0x1a3: {  	v18 =	vand.u32 $0x3FF8, v15;
	v1 =	vand.u32 $0x7, v23;
	v15 =	vld [tilespmem:$0x1FDE0];
	v12 =	vand.u32 $0x7, v10  }
0x1a4: {  	v8 =	vshll.u32 v6, $0x3;
	v10 =	vand.u32 $0xFFFFC000, v6;
	v6 =	vshrl.u32 v6, $0xB;
	[tilespmem:$0xBF0] =	vst v11;
	v11 =	vld [tilespmem:$0x1FDD0]  }
0x1a5: {  	[tilespmem:$0xBE0] =	vst v25;
	v2 =	vand.u32 $0x3FF8, v8;
	v25 =	vor.u32 v12, v0;
	v12 =	vand.u32 $0x7, v6;
	v6 =	vld [tilespmem:$0x1170]  }
0x1a6: {  	v0 =	vor.u32 v20, v18;
	v2 =	vor.u32 v10, v2;
	v18 =	vld [tilespmem:$0x1FDF0];
	[tilespmem:$0xC20] =	vst v9;
	v9 =	vshll.u32 v4, $0x3  }
0x1a7: {  	[tilespmem:$0xC00] =	vst v17;
	v17 =	vshll.u32 v3, $0x3;
	v23 =	vor.u32 v12, v2;
	v12 =	vand.u32 $0x3FF8, v9;
	v9 =	vld [tilespmem:$0x1FE30]  }
0x1a8: {  	v20 =	vand.u32 $0xFFFFC000, v3;
	v3 =	vld [tilespmem:$0x1180];
	v10 =	vor.u32 v1, v0;
	v0 =	vand.u32 $0x3FF8, v17  }
0x1a9: {  	v0 =	vor.u32 v20, v0;
	v20 =	vshrl.u32 v4, $0xB;
	[tilespmem:$0xC30] =	vst v11;
	v11 =	vld [tilespmem:$0x1FE10]  }
0x1aa: {  	v1 =	vand.u32 $0x7, v20;
	v20 =	vld [tilespmem:$0x1FE50]  }
0x1ab: {  	v8 =	vand.u32 $0x7, v22;
	[tilespmem:$0xC40] =	vst v15;
	v15 =	vand.u32 $0xFFFFC000, v4;
	v4 =	vld [tilespmem:$0x1190]  }
0x1ac: {  	v22 =	vor.u32 v8, v0;
	v8 =	vshll.u32 v6, $0x3;
	[tilespmem:$0xC90] =	vst v9;
	v9 =	vld [tilespmem:$0x1FE70]  }
0x1ad: {  	[tilespmem:$0xC50] =	vst v18;
	v18 =	vor.u32 v15, v12;
	v2 =	vand.u32 $0x3FF8, v8;
	v8 =	vand.u32 $0xFFFFC000, v3  }
0x1ae: {  	v18 =	vor.u32 v1, v18;
	[tilespmem:$0xC70] =	vst v11;
	v11 =	vand.u32 $0xFFFFC000, v6;
	v6 =	vshrl.u32 v6, $0xB  }
0x1af: {  	v2 =	vor.u32 v11, v2;
	v15 =	vand.u32 $0x7, v6;
	v6 =	vshll.u32 v3, $0x3  }
0x1b0: {  	[tilespmem:$0xCB0] =	vst v20;
	v20 =	vor.u32 v15, v2;
	v1 =	vand.u32 $0x3FF8, v6;
	v15 =	vshll.u32 v4, $0x3  }
0x1b1: {  	[tilespmem:$0xCD0] =	vst v9;
	v11 =	vor.u32 v8, v1;
	v8 =	vand.u32 $0x3FF8, v15;
	v9 =	vand.u32 $0xFFFFC000, v4  }
0x1b2: {  	v6 =	vor.u32 v9, v8;
	v8 =	vld [tilespmem:$0x1FEE0];
	_ =	sdelay $0x4  }
0x1b3: {  	[tilespmem:$0xD40] =	vst v8;
	v8 =	vld [tilespmem:$0x1FEF0];
	_ =	sdelay $0x1  }
0x1b4: {  	v7 =	vld [tilespmem:$0x1FE00];
	_ =	sdelay $0x2  }
0x1b5: {  	[tilespmem:$0xD50] =	vst v8;
	v8 =	vld [tilespmem:$0x1FF00]  }
0x1b6: {  	v17 =	vld [tilespmem:$0x1FE20]  }
0x1b7: {  	[tilespmem:$0xC60] =	vst v7;
	v7 =	vld [tilespmem:$0x1FE60]  }
0x1b8: {  	v12 =	vld [tilespmem:$0x1FE40]  }
0x1b9: {  	v0 =	vld [tilespmem:$0x11A0]  }
0x1ba: {  	[tilespmem:$0xD60] =	vst v8;
	v8 =	vld [tilespmem:$0x1FF20]  }
0x1bb: {  	[tilespmem:$0xC80] =	vst v17;
	v17 =	vld [tilespmem:$0x1FE80]  }
0x1bc: {  	v3 =	vshrl.u32 v3, $0xB;
	v2 =	vld [tilespmem:$0x11C0]  }
0x1bd: {  	[tilespmem:$0xCA0] =	vst v12;
	v12 =	vand.u32 $0x7, v3;
	v1 =	vld [tilespmem:$0x11B0]  }
0x1be: {  	[tilespmem:$0xCC0] =	vst v7;
	v7 =	vor.u32 v12, v11;
	v11 =	vld [tilespmem:$0x1FE90]  }
0x1bf: {  	[tilespmem:$0xD80] =	vst v8;
	v8 =	vld [tilespmem:$0x1FF30]  }
0x1c0: {  	v15 =	vld [tilespmem:$0x1FEA0];
	v12 =	vshll.u32 v0, $0x3  }
0x1c1: {  	v5 =	vshrl.u32 v4, $0xB;
	[tilespmem:$0xCE0] =	vst v17;
	v17 =	vand.u32 $0xFFFFC000, v0;
	v4 =	vand.u32 $0x3FF8, v12;
	v12 =	vld [tilespmem:$0x1FEB0]  }
0x1c2: {  	v3 =	vor.u32 v17, v4;
	v17 =	vld [tilespmem:$0x1FEC0]  }
0x1c3: {  	[tilespmem:$0xCF0] =	vst v11;
	v11 =	vld [tilespmem:$0x1FED0]  }
0x1c4: {  	[tilespmem:$0xD90] =	vst v8;
	v8 =	vld [tilespmem:$0x1FF40]  }
0x1c5: {  	[tilespmem:$0xD00] =	vst v15  }
0x1c6: {  	v0 =	vshrl.u32 v0, $0xB;
	v15 =	vand.u32 $0x7, v5;
	[tilespmem:$0xD10] =	vst v12  }
0x1c7: {  	v5 =	vand.u32 $0x7, v0;
	v9 =	vshll.u32 v1, $0x3;
	v12 =	vand.u32 $0xFFFFC000, v1;
	[tilespmem:$0xD20] =	vst v17  }
0x1c8: {  	v0 =	vld [tilespmem:$0x11D0];
	v1 =	vshrl.u32 v1, $0xB;
	v17 =	vor.u32 v5, v3;
	v3 =	vand.u32 $0x3FF8, v9;
	[tilespmem:$0xD30] =	vst v11  }
0x1c9: {  	v9 =	vand.u32 $0x7, v1;
	v3 =	vor.u32 v12, v3;
	v11 =	vshll.u32 v2, $0x3;
	[tilespmem:$0xDA0] =	vst v8;
	v8 =	vld [tilespmem:$0x1FF50]  }
0x1ca: {  	v1 =	vld [tilespmem:$0x11E0];
	v12 =	vor.u32 v9, v3;
	v9 =	vand.u32 $0x3FF8, v11;
	v11 =	vand.u32 $0xFFFFC000, v2  }
0x1cb: {  	v4 =	vor.u32 v11, v9;
	v11 =	vld [tilespmem:$0x1FF10]  }
0x1cc: {  	v5 =	vshrl.u32 v2, $0xB  }
0x1cd: {  	v15 =	vor.u32 v15, v6;
	v5 =	vand.u32 $0x7, v5;
	v2 =	vld [tilespmem:$0x11F0];
	v9 =	vshll.u32 v0, $0x3  }
0x1ce: {  	v3 =	vand.u32 $0xFFFFC000, v0;
	v0 =	vshrl.u32 v0, $0xB;
	v6 =	vand.u32 $0x3FF8, v9;
	[tilespmem:$0xDB0] =	vst v8;
	v8 =	vld [tilespmem:$0x1FF60]  }
0x1cf: {  	v0 =	vand.u32 $0x7, v0;
	v9 =	vor.u32 v5, v4;
	v5 =	vld [tilespmem:$0x1FF70];
	v3 =	vor.u32 v3, v6  }
0x1d0: {  	[tilespmem:$0xD70] =	vst v11;
	v11 =	vor.u32 v0, v3;
	v0 =	vshll.u32 v1, $0x3  }
0x1d1: {  	v3 =	vand.u32 $0xFFFFC000, v1;
	v1 =	vshrl.u32 v1, $0xB;
	v0 =	vand.u32 $0x3FF8, v0  }
0x1d2: {  	v1 =	vand.u32 $0x7, v1;
	v4 =	vor.u32 v3, v0;
	v3 =	vshll.u32 v2, $0x3  }
0x1d3: {  	v6 =	vld [tilespmem:$0x1200];
	v3 =	vand.u32 $0x3FF8, v3;
	[tilespmem:$0xDC0] =	vst v8;
	v8 =	vor.u32 v1, v4;
	v4 =	vand.u32 $0xFFFFC000, v2  }
0x1d4: {  	[tilespmem:$0xDD0] =	vst v5;
	v5 =	vor.u32 v4, v3;
	v3 =	vshrl.u32 v2, $0xB;
	v2 =	vld [tilespmem:$0x1FF80];
	_ =	sdelay $0x1  }
0x1d5: {  	[tilespmem:$0xDF0] =	vst v47;
	v0 =	vld [tilespmem:$0x1210];
	v3 =	vand.u32 $0x7, v3  }
0x1d6: {  	[tilespmem:$0xE00] =	vst v49;
	v49 =	vor.u32 v3, v5;
	v3 =	vld [tilespmem:$0x1FF90]  }
0x1d7: {  	[tilespmem:$0xE70] =	vst v51;
	v1 =	vld [tilespmem:$0x1220];
	v4 =	vshll.u32 v6, $0x3  }
0x1d8: {  	v4 =	vand.u32 $0x3FF8, v4;
	[tilespmem:$0xDE0] =	vst v2;
	v2 =	vand.u32 $0xFFFFC000, v6;
	v6 =	vshrl.u32 v6, $0xB  }
0x1d9: {  	[tilespmem:$0xE30] =	vst v48;
	v2 =	vor.u32 v2, v4;
	v47 =	vand.u32 $0x7, v6;
	v6 =	vld [tilespmem:$0x1230]  }
0x1da: {  	[tilespmem:$0xE60] =	vst v50;
	v5 =	vld [tilespmem:$0x1FFC0];
	v47 =	vor.u32 v47, v2;
	v2 =	vshll.u32 v0, $0x3  }
0x1db: {  	v4 =	vld [tilespmem:$0x1FFA0];
	[tilespmem:$0xE10] =	vst v3;
	v3 =	vand.u32 $0xFFFFC000, v0;
	v0 =	vshrl.u32 v0, $0xB;
	v2 =	vand.u32 $0x3FF8, v2  }
0x1dc: {  	[tilespmem:$0xED0] =	vst v54;
	v0 =	vand.u32 $0x7, v0;
	v2 =	vor.u32 v3, v2;
	v3 =	vshll.u32 v1, $0x3  }
0x1dd: {  	[tilespmem:$0xF90] =	vst v56;
	v48 =	vor.u32 v0, v2;
	v0 =	vand.u32 $0x3FF8, v3;
	v2 =	vand.u32 $0xFFFFC000, v1;
	v3 =	vld [tilespmem:$0x1FFB0]  }
0x1de: {  	v56 =	vld [tilespmem:$0x12F0];
	[tilespmem:$0xFD0] =	vst v46;
	v0 =	vor.u32 v2, v0;
	v2 =	vshll.u32 v6, $0x3  }
0x1df: {  	v46 =	vld [tilespmem:$0x1310];
	[tilespmem:$0xE50] =	vst v5;
	v5 =	vand.u32 $0xFFFFC000, v6;
	v6 =	vshrl.u32 v6, $0xB;
	v2 =	vand.u32 $0x3FF8, v2  }
0x1e0: {  	[tilespmem:$0xE20] =	vst v4;
	v4 =	vld [tilespmem:$0x1240];
	v2 =	vor.u32 v5, v2;
	v5 =	vand.u32 $0x7, v6  }
0x1e1: {  	[tilespmem:$0xE90] =	vst v52;
	v50 =	vor.u32 v5, v2;
	v5 =	vld [tilespmem:$0x1FFD0]  }
0x1e2: {  	[tilespmem:$0xE40] =	vst v3;
	v3 =	vld [tilespmem:$0x1250]  }
0x1e3: {  	v52 =	vld [tilespmem:$0x1FFE0];
	[tilespmem:$0xFF0] =	vst v44;
	v1 =	vshrl.u32 v1, $0xB  }
0x1e4: {  	v44 =	vshll.u32 v56, $0x3;
	[tilespmem:$0x1020] =	vst v41;
	v41 =	vshrl.u32 v46, $0xB;
	v1 =	vand.u32 $0x7, v1;
	v6 =	vld [tilespmem:$0x1260]  }
0x1e5: {  	[tilespmem:$0x1040] =	vst v38;
	v38 =	vand.u32 $0xFFFFC000, v46;
	v51 =	vor.u32 v1, v0;
	v0 =	vshll.u32 v4, $0x3  }
0x1e6: {  	v1 =	vand.u32 $0xFFFFC000, v4;
	v0 =	vand.u32 $0x3FF8, v0;
	[tilespmem:$0xE80] =	vst v5;
	v5 =	vshrl.u32 v4, $0xB;
	v4 =	vld [tilespmem:$0x1270]  }
0x1e7: {  	[tilespmem:$0xEC0] =	vst v53;
	v0 =	vor.u32 v1, v0;
	v1 =	vand.u32 $0x7, v5;
	v2 =	vshll.u32 v3, $0x3;
	v5 =	vld [tilespmem:$0x1FFF0]  }
0x1e8: {  	[tilespmem:$0xEA0] =	vst v52;
	v52 =	vor.u32 v1, v0;
	v0 =	vand.u32 $0xFFFFC000, v3;
	v1 =	vand.u32 $0x3FF8, v2  }
0x1e9: {  	[tilespmem:$0xEE0] =	vst v62;
	v2 =	vshll.u32 v6, $0x3;
	v0 =	vor.u32 v0, v1;
	v1 =	vshrl.u32 v3, $0xB;
	v3 =	vld [tilespmem:$0x1280]  }
0x1ea: {  	[tilespmem:$0xEF0] =	vst v61;
	v53 =	vand.u32 $0xFFFFC000, v6;
	v2 =	vand.u32 $0x3FF8, v2;
	v1 =	vand.u32 $0x7, v1  }
0x1eb: {  	[tilespmem:$0x11F0] =	vst v49;
	v49 =	vld [tilespmem:$0x13F0];
	v6 =	vshrl.u32 v6, $0xB;
	v2 =	vor.u32 v53, v2;
	v54 =	vor.u32 v1, v0  }
0x1ec: {  	v62 =	vshll.u32 v4, $0x3;
	v61 =	vshrl.u32 v4, $0xB;
	[tilespmem:$0xEB0] =	vst v5;
	v5 =	vand.u32 $0x7, v6;
	v6 =	vld [tilespmem:$0x1290]  }
0x1ed: {  	[tilespmem:$0xF00] =	vst v63;
	v0 =	vand.u32 $0x3FF8, v62;
	v53 =	vor.u32 v5, v2;
	v5 =	vand.u32 $0xFFFFC000, v4  }
0x1ee: {  	[tilespmem:$0xF30] =	vst v60;
	v62 =	vand.u32 $0x7, v61;
	v4 =	vld [tilespmem:$0x12A0];
	v0 =	vor.u32 v5, v0;
	v63 =	vshll.u32 v3, $0x3  }
0x1ef: {  	[tilespmem:$0xF10] =	vst v45;
	v61 =	vand.u32 $0xFFFFC000, v3;
	v45 =	vor.u32 v62, v0;
	v62 =	vand.u32 $0x3FF8, v63  }
0x1f0: {  	[tilespmem:$0x11D0] =	vst v11;
	v11 =	vshrl.u32 v49, $0xB;
	v63 =	vshrl.u32 v3, $0xB;
	v0 =	vor.u32 v61, v62  }
0x1f1: {  	[tilespmem:$0xF20] =	vst v59;
	v3 =	vld [tilespmem:$0x12B0];
	v1 =	vand.u32 $0x7, v63;
	v59 =	vshll.u32 v6, $0x3;
	v60 =	vand.u32 $0xFFFFC000, v6  }
0x1f2: {  	[tilespmem:$0xF40] =	vst v42;
	v6 =	vshrl.u32 v6, $0xB;
	v42 =	vor.u32 v1, v0;
	v2 =	vand.u32 $0x3FF8, v59  }
0x1f3: {  	v61 =	vand.u32 $0x7, v6;
	v6 =	vld [tilespmem:$0x12C0];
	v62 =	vshll.u32 v4, $0x3;
	v63 =	vand.u32 $0xFFFFC000, v4  }
0x1f4: {  	[tilespmem:$0xF50] =	vst v40;
	v5 =	vshrl.u32 v4, $0xB;
	v4 =	vld [tilespmem:$0x12D0];
	v2 =	vor.u32 v60, v2;
	v0 =	vand.u32 $0x3FF8, v62  }
0x1f5: {  	[tilespmem:$0xF70] =	vst v57;
	v57 =	vand.u32 $0x7, v5;
	v40 =	vor.u32 v61, v2;
	v0 =	vor.u32 v63, v0  }
0x1f6: {  	[tilespmem:$0xF60] =	vst v58;
	v58 =	vshll.u32 v3, $0x3;
	v59 =	vand.u32 $0xFFFFC000, v3;
	v61 =	vshrl.u32 v3, $0xB  }
0x1f7: {  	[tilespmem:$0xF80] =	vst v37;
	v37 =	vor.u32 v57, v0;
	v60 =	vand.u32 $0x3FF8, v58;
	v1 =	vand.u32 $0x7, v61  }
0x1f8: {  	[tilespmem:$0xFA0] =	vst v55;
	v3 =	vld [tilespmem:$0x12E0];
	v0 =	vor.u32 v59, v60;
	v62 =	vshll.u32 v6, $0x3;
	v63 =	vand.u32 $0xFFFFC000, v6  }
0x1f9: {  	[tilespmem:$0xFC0] =	vst v35;
	v6 =	vshrl.u32 v6, $0xB;
	v35 =	vor.u32 v1, v0;
	v57 =	vshll.u32 v4, $0x3  }
0x1fa: {  	[tilespmem:$0xFB0] =	vst v34;
	v58 =	vand.u32 $0xFFFFC000, v4;
	v59 =	vshrl.u32 v4, $0xB;
	v2 =	vand.u32 $0x3FF8, v62  }
0x1fb: {  	[tilespmem:$0xFE0] =	vst v31;
	v55 =	vand.u32 $0x7, v6;
	v0 =	vand.u32 $0x3FF8, v57;
	v60 =	vand.u32 $0x7, v59  }
0x1fc: {  	[tilespmem:$0x12A0] =	vst v37;
	v37 =	vld [tilespmem:$0x1450];
	v6 =	vshrl.u32 v56, $0xB;
	v2 =	vor.u32 v63, v2;
	v0 =	vor.u32 v58, v0  }
0x1fd: {  	[tilespmem:$0x1000] =	vst v43;
	v62 =	vld [tilespmem:$0x1300];
	v61 =	vshll.u32 v3, $0x3;
	v63 =	vand.u32 $0xFFFFC000, v3;
	v43 =	vshrl.u32 v3, $0xB  }
0x1fe: {  	[tilespmem:$0x1010] =	vst v28;
	v57 =	vld [tilespmem:$0x1320];
	v34 =	vor.u32 v55, v2;
	v31 =	vor.u32 v60, v0;
	v5 =	vand.u32 $0x3FF8, v61  }
0x1ff: {  	[tilespmem:$0x1030] =	vst v27;
	v55 =	vand.u32 $0xFFFFC000, v56;
	v2 =	vand.u32 $0x3FF8, v44;
	v1 =	vand.u32 $0x7, v43  }
0x200: {  	[tilespmem:$0x10B0] =	vst v32;
	v56 =	vand.u32 $0x7, v6;
	v0 =	vor.u32 v63, v5;
	v2 =	vor.u32 v55, v2  }
0x201: {  	v32 =	vld [tilespmem:$0x1370];
	[tilespmem:$0x1230] =	vst v50;
	v50 =	vand.u32 $0xFFFFC000, v37;
	v28 =	vor.u32 v1, v0;
	v27 =	vor.u32 v56, v2  }
0x202: {  	v44 =	vld [tilespmem:$0x1340];
	v1 =	vand.u32 $0x7, v41;
	v58 =	vshll.u32 v62, $0x3;
	v59 =	vand.u32 $0xFFFFC000, v62  }
0x203: {  	v63 =	vld [tilespmem:$0x1330];
	v60 =	vshrl.u32 v62, $0xB;
	v62 =	vshll.u32 v46, $0x3;
	v43 =	vshll.u32 v57, $0x3  }
0x204: {  	v46 =	vand.u32 $0xFFFFC000, v57;
	v6 =	vshrl.u32 v57, $0xB;
	v0 =	vand.u32 $0x3FF8, v58  }
0x205: {  	[tilespmem:$0x1050] =	vst v39;
	v61 =	vand.u32 $0x7, v60;
	v39 =	vand.u32 $0x3FF8, v62;
	v2 =	vand.u32 $0x3FF8, v43  }
0x206: {  	[tilespmem:$0x1060] =	vst v24;
	v56 =	vld [tilespmem:$0x1350];
	v55 =	vand.u32 $0x7, v6;
	v0 =	vor.u32 v59, v0;
	v2 =	vor.u32 v46, v2  }
0x207: {  	[tilespmem:$0x10E0] =	vst v29;
	v29 =	vshrl.u32 v44, $0xB;
	v46 =	vshll.u32 v32, $0x3;
	v24 =	vor.u32 v61, v0  }
0x208: {  	[tilespmem:$0x10A0] =	vst v19;
	v0 =	vor.u32 v38, v39;
	v19 =	vor.u32 v55, v2;
	v57 =	vshll.u32 v63, $0x3  }
0x209: {  	v58 =	vand.u32 $0xFFFFC000, v63;
	v59 =	vshrl.u32 v63, $0xB;
	v61 =	vshll.u32 v44, $0x3  }
0x20a: {  	[tilespmem:$0x1090] =	vst v21;
	v63 =	vand.u32 $0xFFFFC000, v44;
	v21 =	vor.u32 v1, v0;
	v0 =	vand.u32 $0x3FF8, v57  }
0x20b: {  	[tilespmem:$0x10C0] =	vst v30;
	v62 =	vld [tilespmem:$0x1360];
	v60 =	vand.u32 $0x7, v59;
	v5 =	vand.u32 $0x3FF8, v61;
	v30 =	vshll.u32 v56, $0x3  }
0x20c: {  	[tilespmem:$0x1070] =	vst v33;
	v33 =	vand.u32 $0xFFFFC000, v56;
	v6 =	vshrl.u32 v56, $0xB;
	v1 =	vand.u32 $0x7, v29  }
0x20d: {  	v56 =	vand.u32 $0xFFFFC000, v32;
	v57 =	vand.u32 $0x3FF8, v46;
	v0 =	vor.u32 v58, v0  }
0x20e: {  	[tilespmem:$0x1080] =	vst v36;
	v38 =	vld [tilespmem:$0x1380];
	v2 =	vand.u32 $0x3FF8, v30;
	v36 =	vand.u32 $0x7, v6;
	v58 =	vshrl.u32 v32, $0xB  }
0x20f: {  	[tilespmem:$0x10D0] =	vst v16;
	v55 =	vld [tilespmem:$0x1390];
	v16 =	vor.u32 v60, v0;
	v0 =	vor.u32 v63, v5;
	v2 =	vor.u32 v33, v2  }
0x210: {  	[tilespmem:$0x1100] =	vst v13;
	v39 =	vshll.u32 v62, $0x3;
	v41 =	vand.u32 $0xFFFFC000, v62;
	v43 =	vshrl.u32 v62, $0xB  }
0x211: {  	[tilespmem:$0x1110] =	vst v14;
	v29 =	vld [tilespmem:$0x13C0];
	v14 =	vor.u32 v1, v0;
	v13 =	vor.u32 v36, v2;
	v0 =	vand.u32 $0x3FF8, v39  }
0x212: {  	[tilespmem:$0x1140] =	vst v23;
	v44 =	vand.u32 $0x7, v43;
	v1 =	vand.u32 $0x7, v58;
	v0 =	vor.u32 v41, v0  }
0x213: {  	[tilespmem:$0x1150] =	vst v22;
	v59 =	vshll.u32 v38, $0x3;
	v61 =	vand.u32 $0xFFFFC000, v38;
	v6 =	vshrl.u32 v38, $0xB  }
0x214: {  	[tilespmem:$0x1170] =	vst v20;
	v20 =	vshll.u32 v55, $0x3;
	v22 =	vand.u32 $0xFFFFC000, v55;
	v23 =	vshrl.u32 v55, $0xB  }
0x215: {  	[tilespmem:$0x1130] =	vst v10;
	v60 =	vld [tilespmem:$0x13A0];
	v10 =	vor.u32 v44, v0;
	v0 =	vor.u32 v56, v57;
	v2 =	vand.u32 $0x3FF8, v59  }
0x216: {  	[tilespmem:$0x1120] =	vst v25;
	v63 =	vld [tilespmem:$0x13B0];
	v62 =	vand.u32 $0x7, v6;
	v25 =	vand.u32 $0x7, v23;
	v46 =	vshll.u32 v29, $0x3  }
0x217: {  	[tilespmem:$0x1200] =	vst v47;
	v47 =	vand.u32 $0xFFFFC000, v29;
	v4 =	vshrl.u32 v29, $0xB;
	v59 =	vshll.u32 v49, $0x3  }
0x218: {  	[tilespmem:$0x1180] =	vst v7;
	v2 =	vor.u32 v61, v2;
	v7 =	vor.u32 v1, v0;
	v0 =	vand.u32 $0x3FF8, v20  }
0x219: {  	[tilespmem:$0x10F0] =	vst v26;
	v58 =	vld [tilespmem:$0x1410];
	v4 =	vand.u32 $0x7, v4;
	v61 =	vand.u32 $0x7, v11;
	v6 =	vor.u32 v62, v2  }
0x21a: {  	[tilespmem:$0x12D0] =	vst v31;
	v31 =	vld [tilespmem:$0x14B0];
	v0 =	vor.u32 v22, v0;
	v26 =	vshll.u32 v60, $0x3;
	v30 =	vand.u32 $0xFFFFC000, v60  }
0x21b: {  	[tilespmem:$0x1160] =	vst v18;
	v38 =	vld [tilespmem:$0x13D0];
	v33 =	vshrl.u32 v60, $0xB;
	v36 =	vshll.u32 v63, $0x3;
	v39 =	vand.u32 $0xFFFFC000, v63  }
0x21c: {  	[tilespmem:$0x1190] =	vst v15;
	v41 =	vshrl.u32 v63, $0xB;
	v60 =	vand.u32 $0xFFFFC000, v49;
	v49 =	vshll.u32 v37, $0x3  }
0x21d: {  	[tilespmem:$0x11B0] =	vst v12;
	v3 =	vor.u32 v25, v0;
	v32 =	vand.u32 $0x3FF8, v26;
	v2 =	vand.u32 $0x3FF8, v36  }
0x21e: {  	[tilespmem:$0x1330] =	vst v16;
	v1 =	vand.u32 $0x7, v33;
	v43 =	vand.u32 $0x7, v41;
	v26 =	vshll.u32 v58, $0x3  }
0x21f: {  	v44 =	vld [tilespmem:$0x13E0];
	v15 =	vshrl.u32 v58, $0xB;
	v16 =	vand.u32 $0x3FF8, v49;
	[tilespmem:$0x1380] =	vst v6;
	v6 =	vshrl.u32 v31, $0xB  }
0x220: {  	[tilespmem:$0x1210] =	vst v48;
	v0 =	vor.u32 v30, v32;
	v2 =	vor.u32 v39, v2;
	v48 =	vshll.u32 v38, $0x3  }
0x221: {  	[tilespmem:$0x1220] =	vst v51;
	v56 =	vld [tilespmem:$0x1400];
	v51 =	vand.u32 $0xFFFFC000, v38;
	v5 =	vshrl.u32 v38, $0xB;
	v30 =	vand.u32 $0xFFFFC000, v58  }
0x222: {  	[tilespmem:$0x1240] =	vst v52;
	v29 =	vld [tilespmem:$0x1430];
	v12 =	vand.u32 $0x3FF8, v26;
	v15 =	vand.u32 $0x7, v15;
	v52 =	vor.u32 v50, v16  }
0x223: {  	[tilespmem:$0x11A0] =	vst v17;
	v6 =	vand.u32 $0x7, v6;
	v0 =	vor.u32 v1, v0;
	v1 =	vor.u32 v43, v2  }
0x224: {  	[tilespmem:$0x11E0] =	vst v8;
	v2 =	vand.u32 $0x3FF8, v46;
	v8 =	vand.u32 $0x3FF8, v48;
	v55 =	vshll.u32 v44, $0x3  }
0x225: {  	[tilespmem:$0x11C0] =	vst v9;
	v63 =	vld [tilespmem:$0x1420];
	v57 =	vand.u32 $0xFFFFC000, v44;
	v9 =	vshrl.u32 v44, $0xB;
	v5 =	vand.u32 $0x7, v5  }
0x226: {  	[tilespmem:$0x1250] =	vst v54;
	v62 =	vshll.u32 v56, $0x3;
	v23 =	vand.u32 $0xFFFFC000, v56;
	v25 =	vshrl.u32 v56, $0xB  }
0x227: {  	[tilespmem:$0x1300] =	vst v24;
	v24 =	vld [tilespmem:$0x14A0];
	v12 =	vor.u32 v30, v12;
	v36 =	vshll.u32 v29, $0x3;
	v38 =	vand.u32 $0xFFFFC000, v29  }
0x228: {  	[tilespmem:$0x1260] =	vst v53;
	v39 =	vshrl.u32 v29, $0xB;
	v2 =	vor.u32 v47, v2;
	v9 =	vand.u32 $0x7, v9  }
0x229: {  	[tilespmem:$0x1270] =	vst v45;
	v41 =	vld [tilespmem:$0x1460];
	v11 =	vand.u32 $0x3FF8, v62;
	v43 =	vand.u32 $0x7, v39;
	v2 =	vor.u32 v4, v2  }
0x22a: {  	[tilespmem:$0x1280] =	vst v42;
	v4 =	vor.u32 v51, v8;
	v8 =	vand.u32 $0x3FF8, v55;
	v33 =	vshll.u32 v63, $0x3  }
0x22b: {  	[tilespmem:$0x12C0] =	vst v34;
	v32 =	vld [tilespmem:$0x1440];
	v34 =	vand.u32 $0xFFFFC000, v63;
	v17 =	vshrl.u32 v63, $0xB;
	v51 =	vshrl.u32 v37, $0xB  }
0x22c: {  	[tilespmem:$0x1290] =	vst v40;
	v37 =	vshrl.u32 v24, $0xB;
	v8 =	vor.u32 v57, v8;
	v4 =	vor.u32 v5, v4  }
0x22d: {  	[tilespmem:$0x12B0] =	vst v35;
	v35 =	vand.u32 $0x7, v17;
	v17 =	vand.u32 $0x3FF8, v36;
	v53 =	vand.u32 $0x7, v51  }
0x22e: {  	[tilespmem:$0x12E0] =	vst v28;
	v54 =	vshll.u32 v41, $0x3;
	v57 =	vand.u32 $0xFFFFC000, v41;
	v36 =	vand.u32 $0xFFFFC000, v24  }
0x22f: {  	[tilespmem:$0x12F0] =	vst v27;
	v5 =	vor.u32 v9, v8;
	v8 =	vand.u32 $0x3FF8, v59;
	v9 =	vor.u32 v23, v11  }
0x230: {  	[tilespmem:$0x1320] =	vst v19;
	v46 =	vld [tilespmem:$0x1470];
	v11 =	vand.u32 $0x7, v25;
	v40 =	vshll.u32 v32, $0x3;
	v42 =	vand.u32 $0xFFFFC000, v32  }
0x231: {  	[tilespmem:$0x1310] =	vst v21;
	v20 =	vshrl.u32 v32, $0xB;
	v56 =	vor.u32 v53, v52;
	v58 =	vand.u32 $0x3FF8, v54  }
0x232: {  	[tilespmem:$0x1340] =	vst v14;
	v8 =	vor.u32 v60, v8;
	v9 =	vor.u32 v11, v9;
	v11 =	vor.u32 v15, v12  }
0x233: {  	[tilespmem:$0x1350] =	vst v13;
	v62 =	vld [tilespmem:$0x1490];
	v12 =	vand.u32 $0x3FF8, v33;
	v15 =	vor.u32 v38, v17;
	v18 =	vand.u32 $0x3FF8, v40  }
0x234: {  	[tilespmem:$0x1360] =	vst v10;
	v45 =	vand.u32 $0x7, v20;
	v59 =	vor.u32 v57, v58;
	v60 =	vshrl.u32 v41, $0xB  }
0x235: {  	[tilespmem:$0x1370] =	vst v7;
	v39 =	vld [tilespmem:$0x14D0];
	v63 =	vand.u32 $0xFFFFC000, v46;
	v21 =	vshrl.u32 v46, $0xB;
	v38 =	vand.u32 $0x7, v37  }
0x236: {  	[tilespmem:$0x1390] =	vst v3;
	v50 =	vld [tilespmem:$0x14F0];
	v41 =	vshll.u32 v31, $0x3;
	v8 =	vor.u32 v61, v8;
	v12 =	vor.u32 v34, v12  }
0x237: {  	[tilespmem:$0x13A0] =	vst v0;
	v44 =	vor.u32 v42, v18;
	v47 =	vor.u32 v43, v15;
	v61 =	vshll.u32 v46, $0x3  }
0x238: {  	[tilespmem:$0x13B0] =	vst v1;
	v55 =	vld [tilespmem:$0x1480];
	v22 =	vand.u32 $0x7, v60;
	v23 =	vand.u32 $0x7, v21;
	v30 =	vshll.u32 v62, $0x3  }
0x239: {  	[tilespmem:$0x13C0] =	vst v2;
	v32 =	vand.u32 $0xFFFFC000, v62;
	v33 =	vshrl.u32 v62, $0xB;
	v34 =	vshll.u32 v24, $0x3  }
0x23a: {  	[tilespmem:$0x13D0] =	vst v4;
	v42 =	vand.u32 $0xFFFFC000, v31;
	v49 =	vshll.u32 v39, $0x3;
	v51 =	vand.u32 $0xFFFFC000, v39  }
0x23b: {  	[tilespmem:$0x13E0] =	vst v5;
	v52 =	vshrl.u32 v39, $0xB;
	v60 =	vand.u32 $0xFFFFC000, v50;
	v12 =	vor.u32 v35, v12  }
0x23c: {  	[tilespmem:$0x1450] =	vst v56;
	v48 =	vor.u32 v45, v44;
	v13 =	vand.u32 $0x3FF8, v61;
	v0 =	vor.u32 v22, v59  }
0x23d: {  	[tilespmem:$0x1400] =	vst v9;
	v26 =	vshll.u32 v55, $0x3;
	v27 =	vand.u32 $0xFFFFC000, v55;
	v28 =	vshrl.u32 v55, $0xB  }
0x23e: {  	[tilespmem:$0x1410] =	vst v11;
	v4 =	vand.u32 $0x3FF8, v30;
	v5 =	vand.u32 $0x3FF8, v34;
	v7 =	vand.u32 $0x3FF8, v49  }
0x23f: {  	[tilespmem:$0x13F0] =	vst v8;
	v54 =	vand.u32 $0x7, v52;
	v59 =	vshll.u32 v50, $0x3;
	v61 =	vshrl.u32 v50, $0xB  }
0x240: {  	v35 =	vld [tilespmem:$0x14C0];
	[tilespmem:$0x1430] =	vst v47;
	v3 =	vor.u32 v63, v13;
	v29 =	vand.u32 $0x7, v28;
	v5 =	vor.u32 v36, v5  }
0x241: {  	v44 =	vld [tilespmem:$0x14E0];
	[tilespmem:$0x1420] =	vst v12;
	v1 =	vor.u32 v51, v7;
	v25 =	vor.u32 v23, v3;
	v3 =	vand.u32 $0x3FF8, v26  }
0x242: {  	[tilespmem:$0x1440] =	vst v48;
	v40 =	vor.u32 v38, v5;
	v5 =	vand.u32 $0x3FF8, v41;
	v1 =	vor.u32 v54, v1  }
0x243: {  	[tilespmem:$0x1460] =	vst v0;
	v2 =	vor.u32 v27, v3;
	v3 =	vor.u32 v32, v4;
	v4 =	vand.u32 $0x7, v33  }
0x244: {  	v5 =	vor.u32 v42, v5;
	[tilespmem:$0x1470] =	vst v25;
	v2 =	vor.u32 v29, v2;
	v3 =	vor.u32 v4, v3  }
0x245: {  	[tilespmem:$0x14A0] =	vst v40;
	v5 =	vor.u32 v6, v5;
	v4 =	vand.u32 $0x3FF8, v59;
	v43 =	vshll.u32 v35, $0x3  }
0x246: {  	[tilespmem:$0x14D0] =	vst v1;
	v45 =	vand.u32 $0xFFFFC000, v35;
	v48 =	vshrl.u32 v35, $0xB;
	v55 =	vshll.u32 v44, $0x3  }
0x247: {  	[tilespmem:$0x1480] =	vst v2;
	v56 =	vand.u32 $0xFFFFC000, v44;
	v57 =	vshrl.u32 v44, $0xB;
	v46 =	vand.u32 $0x3FF8, v43  }
0x248: {  	[tilespmem:$0x1490] =	vst v3;
	v53 =	vand.u32 $0x7, v48;
	v2 =	vand.u32 $0x3FF8, v55;
	v47 =	vor.u32 v45, v46  }
0x249: {  	[tilespmem:$0x14B0] =	vst v5;
	v58 =	vand.u32 $0x7, v57;
	v2 =	vor.u32 v56, v2;
	v0 =	vor.u32 v53, v47  }
0x24a: {  	v63 =	vand.u32 $0x7, v61;
	v62 =	vor.u32 v58, v2;
	[tilespmem:$0x14C0] =	vst v0;
	v0 =	vor.u32 v60, v4  }
0x24b: {  	[tilespmem:$0x14E0] =	vst v62;
	v0 =	vor.u32 v63, v0  }
0x24c: {  	[tilespmem:$0x14F0] =	vst v0  }
0x24d: {  	[tilespmem:s20], [sflag:$0x4] =	stream.indirect.gather [hbm4b:s4+s16], $0x10, s18, s16, $0xb8;
	[tilespmem:$0xC500] =	vst v63  }
0x24e: {  	_ =	swait.ge [sflag:s21], $0x800  }
0x24f: {  	[sflag:s21] =	ssyncset.done $0x0  }
0x250: {  	[sflag:s21] =	ssyncadd.s32 $0xFFFFF800  }
0x251: {  	[hbm4b:s8+s2] =	stream.linear.scatter [tilespmem:s14], [sflag:$0x5], $0x800, $0x38;
	[tilespmem:$0xC500] =	vst v63  }
0x252: {  	_ =	swait.ge [sflag:s22], $0x800  }
0x253: {  	[sflag:s22] =	ssyncset.done $0x0  }
0x254: {  	[sflag:s22] =	ssyncadd.s32 $0xFFFFF800  }
0x255: {  	[hbm4b:s9+s2] =	stream.linear.scatter [tilespmem:s15], [sflag:$0x5], $0x800, $0x38;
	[tilespmem:$0xC500] =	vst v63  }
0x256: {  	_ =	swait.ge [sflag:s23], $0xA000  }
0x257: {  	[sflag:s23] =	ssyncset.done $0x0  }
0x258: {  	[sflag:s23] =	ssyncadd.s32 $0xFFFF6000  }
0x259: {  	[hbm4b:s10+s2] =	stream.linear.scatter [tilespmem:s20], [sflag:$0x5], $0xA000, $0x38;
	[tilespmem:$0xC500] =	vst v63  }
0x25a: {  	_ =	swait.ge [sflag:s24], $0x800  }
0x25b: {  	[sflag:s24] =	ssyncset.done $0x0  }
0x25c: {  	s25 =	sadd.s32 $0x1, s25;
	[sflag:s24] =	ssyncadd.s32 $0xFFFFF800  }
0x25d: {  	p0 =	sne.s32 s25, s11;
	_ =	swait.ge [sflag:s24], $0x800  }
.Ltmp1:
0x25e: {  	[sflag:s24] =	ssyncset.done $0x0;
	(pc) =	sbr.rel @p0 .LBB2_1-.Ltmp1, $4  }
0x25f: {  	[sflag:s24] =	ssyncadd.s32 $0xFFFFF800  }
0x260: {  	_ =	swait.ge [sflag:s24], $0xA000  }
0x261: {  	[sflag:s24] =	ssyncset.done $0x0  }
0x262: {  	[sflag:s24] =	ssyncadd.s32 $0xFFFF6000  }
0x263: {  	_ =	sfence.sel $0x180000  }
0x264: {  	[bflag:$0x0] =	sbarrier.arrive $0xFFFF  }
0x265: {  	p0 =	sne.s32 s1, $0x0;
	_ =	strace $0x90000047  }
0x266: {  	s0 =	sadd.s32 @!p0 $0x100000, s0;
	[bflag:$0x2] =	sbarrier.arrive $0xFFFF  }
0x267: {  	[sflag:s0] =	ssyncadd.tile.s32 @!p0 $0x1;
	_ =	shalt  }
.Lfunc_end2:
_tile_overlayer_lowered:
.L_overlay_start_2:
0x268: {  	(tag) =	ssettag $0x2  }
0x269: {  	s0 =	rddreg [dreg:$0x0];
	s2 =	stileid.u32  }
0x26a: {  	s1 =	rddreg [dreg:$0x1];
	p0 =	sne.s32 s2, $0x0  }
0x26b: {  	s3 =	rddreg [dreg:$0x2];
	[bflag:$0x3] =	sbarrier.arrive $0xFFFF;
	s2 =	simm.s32 @!p0 $0x1C06  }
0x26c: {  	[timem:s3], [sflag:s2] =	dma.local @!p0 [hbm:s0], s1  }
0x26d: {  	s0 =	simm.s32 @!p0 $0x6  }
0x26e: {  	_ =	swait.ge @!p0 [sflag:s0], s1  }
0x26f: {  	s1 =	ssub.s32 @!p0 $0x0, s1;
	[sflag:s0] =	ssyncset.done @!p0 $0x0  }
0x270: {  	[sflag:s0] =	ssyncadd.s32 @!p0 s1  }
0x271: {  	[bflag:$0x3] =	sbarrier.arrive $0xFFFF  }
0x272: {  	_ =	shalt  }

</sc_bundles>
